<compile_context>
chip_gen: v7x
topology: tpu7x:2x2x1
jax: 0.10.2.dev20260603
libtpu: 0.0.44.dev20260713+nightly
codegen_flags: <defaults>
</compile_context>

<pallas_src>
import functools

import jax
import jax.numpy as jnp
from jax import lax
from jax.experimental import pallas as pl
from jax.experimental.pallas import tpu as pltpu
from jax.experimental.pallas import tpu_sc as plsc

_N_NODES = 100000
_N_EDGES = 6400000
_NC = 2
_NS = 16
_L = 16
_NW = _NC * _NS

_CHUNK = 2048
_BPC = _CHUNK // 128
_NCHUNK = _N_EDGES // _CHUNK
_GROUPS = _CHUNK // _L
_REM = _NCHUNK - (_NCHUNK // _NW) * _NW

_mesh = plsc.VectorSubcoreMesh(core_axis_name="c", subcore_axis_name="s")


@functools.partial(
    pl.kernel,
    out_type=(
        jax.ShapeDtypeStruct((_N_EDGES,), jnp.float32),
        jax.ShapeDtypeStruct((_N_EDGES // 128, 4, 128), jnp.float32),
    ),
    mesh=_mesh,
    scratch_types=[
        pltpu.VMEM((_BPC, 2, 128), jnp.int32),
        pltpu.VMEM((_BPC, 2, 128), jnp.int32),
        pltpu.VMEM((_CHUNK, 8), jnp.float32),
        pltpu.VMEM((_CHUNK, 8), jnp.float32),
        pltpu.VMEM((_CHUNK, 8), jnp.float32),
        pltpu.VMEM((_CHUNK, 8), jnp.float32),
        pltpu.VMEM((_BPC, 4, 128), jnp.float32),
        pltpu.VMEM((_BPC, 4, 128), jnp.float32),
        pltpu.VMEM((_CHUNK,), jnp.float32),
        pltpu.VMEM((_CHUNK,), jnp.float32),
        pltpu.SemaphoreType.DMA,
        pltpu.SemaphoreType.DMA,
        pltpu.SemaphoreType.DMA,
        pltpu.SemaphoreType.DMA,
    ],
    compiler_params=pltpu.CompilerParams(
        needs_layout_passes=False, use_tc_tiling_on_sc=False),
)
def _distance_kernel(xyz, ei3, dis_out, vec_out,
                     ib0, ib1, bs0, bd0, bs1, bd1,
                     vl0, vl1, dl0, dl1, sg0, sg1, so0, so1):
    wid = lax.axis_index("s") * _NC + lax.axis_index("c")
    n = jnp.where(wid < _REM, _NCHUNK // _NW + 1, _NCHUNK // _NW)
    IB = (ib0, ib1)
    BUF = ((bs0, bd0), (bs1, bd1))
    VL = (vl0, vl1)
    DL = (dl0, dl1)
    SG = (sg0, sg1)
    SO = (so0, so1)

    def stage(j, b):
        kblk = (wid + _NW * j) * _BPC
        pltpu.sync_copy(ei3.at[pl.ds(kblk, _BPC)], IB[b])
        for blk in range(_BPC):
            pltpu.async_copy(
                xyz.at[IB[b].at[blk, 0]],
                BUF[b][0].at[pl.ds(blk * 128, 128)], SG[b])
            pltpu.async_copy(
                xyz.at[IB[b].at[blk, 1]],
                BUF[b][1].at[pl.ds(blk * 128, 128)], SG[b])

    def wait_gathers(b):
        for blk in range(_BPC):
            pltpu.make_async_copy(
                xyz.at[IB[b].at[blk, 0]],
                BUF[b][0].at[pl.ds(blk * 128, 128)], SG[b]).wait()
            pltpu.make_async_copy(
                xyz.at[IB[b].at[blk, 1]],
                BUF[b][1].at[pl.ds(blk * 128, 128)], SG[b]).wait()

    def wait_out(b):
        pltpu.make_async_copy(DL[b], dis_out.at[pl.ds(0, _CHUNK)], SO[b]).wait()
        pltpu.make_async_copy(VL[b], vec_out.at[pl.ds(0, _BPC)], SO[b]).wait()

    stage(0, 0)

    @pl.loop(0, (_NCHUNK // _NW + 2) // 2)
    def _pair(jj):
        for b in (0, 1):
            j = 2 * jj + b

            @pl.when(j < n)
            def _():
                @pl.when(j + 1 < n)
                def _prefetch():
                    stage(j + 1, 1 - b)

                wait_gathers(b)

                @pl.when(j >= 2)
                def _drain():
                    wait_out(b)

                buf_s, buf_d = BUF[b]
                vec_l = VL[b]
                dis_l = DL[b]

                @pl.loop(0, _GROUPS)
                def _group(g):
                    e = g * _L + lax.iota(jnp.int32, _L)
                    c0 = jnp.zeros((_L,), jnp.int32)
                    c1 = jnp.ones((_L,), jnp.int32)
                    c2 = jnp.full((_L,), 2, jnp.int32)
                    dx = plsc.load_gather(buf_s, [e, c0]) - plsc.load_gather(buf_d, [e, c0])
                    dy = plsc.load_gather(buf_s, [e, c1]) - plsc.load_gather(buf_d, [e, c1])
                    dz = plsc.load_gather(buf_s, [e, c2]) - plsc.load_gather(buf_d, [e, c2])
                    blk = g // 8
                    off = (g % 8) * _L
                    vec_l[blk, 0, pl.ds(off, _L)] = dx
                    vec_l[blk, 1, pl.ds(off, _L)] = dy
                    vec_l[blk, 2, pl.ds(off, _L)] = dz
                    s = dx * dx + dy * dy + dz * dz
                    i = lax.bitcast_convert_type(s, jnp.int32)
                    y = lax.bitcast_convert_type(0x5F3759DF - (i >> 1), jnp.float32)
                    y = y * (1.5 - 0.5 * s * y * y)
                    y = y * (1.5 - 0.5 * s * y * y)
                    y = y * (1.5 - 0.5 * s * y * y)
                    dis_l[pl.ds(g * _L, _L)] = jnp.where(s > 0.0, s * y, 0.0)

                k = wid + _NW * j
                pltpu.async_copy(dis_l, dis_out.at[pl.ds(k * _CHUNK, _CHUNK)], SO[b])
                pltpu.async_copy(vec_l, vec_out.at[pl.ds(k * _BPC, _BPC)], SO[b])

    wait_out(0)
    wait_out(1)


def kernel(xyz, edge_index):
    xyz8 = jnp.concatenate(
        [xyz, jnp.zeros((xyz.shape[0], 5), jnp.float32)], axis=1)
    ei3 = edge_index.reshape(2, _N_EDGES // 128, 128).transpose(1, 0, 2)
    dis, vec_blk = _distance_kernel(xyz8, ei3)
    dis_vec = vec_blk.transpose(0, 2, 1)[:, :, :3].reshape(_N_EDGES, 3)
    return dis, dis_vec

# --- scband reference (transcript-rebuilt; emitter-appended) ---
"""Pipeline reference for scband-distance-9216999817557 (READ-ONLY COPY).

The authoritative reference and input builder live on the scoring server;
editing this copy changes nothing except your own understanding.
"""

import jax, jax.numpy as jnp
import numpy as np

N_NODES = 100000
N_EDGES = 6400000


def setup_inputs(seed: int = 0) -> dict:
    key = jax.random.key(seed)
    k1, k2 = jax.random.split(key)
    xyz = jax.random.normal(k1, (N_NODES, 3), dtype=jnp.float32)
    edge_index = jax.random.randint(k2, (2, N_EDGES), 0, N_NODES, dtype=jnp.int32)
    return {"xyz": xyz, "edge_index": edge_index}


def reference(xyz, edge_index):
    # DGL fn.u_sub_v: per-edge difference of source and destination node features.
    src = edge_index[0]
    dst = edge_index[1]
    dis_vec = jnp.take(xyz, src, axis=0) - jnp.take(xyz, dst, axis=0)
    # cell is None branch: no fmod wrapping
    mask = jnp.sum(jnp.abs(dis_vec), axis=-1) != 0
    # Safe norm: only compute norm where the vector is nonzero (matches the
    # torch boolean-indexing assignment, including its gradient behavior).
    safe_vec = jnp.where(mask[:, None], dis_vec, 1.0)
    dis = jnp.where(mask, jnp.sqrt(jnp.sum(safe_vec * safe_vec, axis=-1)), 0.0)
    return (dis, dis_vec)

if __name__ == "__main__":
    import jax
    _d = setup_inputs()
    print(jax.jit(kernel)(*tuple(_d.values())))

</pallas_src>

<mosaic_0001>
#map = affine_map<(d0, d1) -> (0, 0)>
#map1 = affine_map<(d0, d1) -> (0, 0, 0)>
#map2 = affine_map<(d0, d1) -> (0)>
module attributes {stable_mosaic.version = 14 : i64} {
  func.func @_distance_kernel(%arg0: i32, %arg1: i32, %arg2: memref<100000x8xf32, #tpu.memory_space<hbm>>, %arg3: memref<50000x2x128xi32, #tpu.memory_space<hbm>>, %arg4: memref<6400000xf32, #tpu.memory_space<hbm>>, %arg5: memref<50000x4x128xf32, #tpu.memory_space<hbm>>, %arg6: memref<16x2x128xi32, #tpu.memory_space<vmem>>, %arg7: memref<16x2x128xi32, #tpu.memory_space<vmem>>, %arg8: memref<2048x8xf32, #tpu.memory_space<vmem>>, %arg9: memref<2048x8xf32, #tpu.memory_space<vmem>>, %arg10: memref<2048x8xf32, #tpu.memory_space<vmem>>, %arg11: memref<2048x8xf32, #tpu.memory_space<vmem>>, %arg12: memref<16x4x128xf32, #tpu.memory_space<vmem>>, %arg13: memref<16x4x128xf32, #tpu.memory_space<vmem>>, %arg14: memref<2048xf32, #tpu.memory_space<vmem>>, %arg15: memref<2048xf32, #tpu.memory_space<vmem>>, %arg16: memref<!tpu.dma_semaphore, #tpu.memory_space<semaphore_mem>>, %arg17: memref<!tpu.dma_semaphore, #tpu.memory_space<semaphore_mem>>, %arg18: memref<!tpu.dma_semaphore, #tpu.memory_space<semaphore_mem>>, %arg19: memref<!tpu.dma_semaphore, #tpu.memory_space<semaphore_mem>>) attributes {dimension_semantics = [#tpu.dimension_semantics<core_parallel>, #tpu.dimension_semantics<subcore_parallel>], iteration_bounds = array<i64: 2, 16>, scalar_prefetch = 0 : i64, scratch_operands = 14 : i64, tpu.core_type = #tpu.core_type<sc_vector_subcore>, window_params = [{transform_indices = #map}, {transform_indices = #map1}, {transform_indices = #map2}, {transform_indices = #map1}]} {
    %mul3A = arith.constant 2 : i32
    %mul3A_0 = arith.muli %arg1, %mul3A : i32
    %add3A = arith.addi %mul3A_0, %arg0 : i32
    %lt3A = arith.constant 21 : i32
    %lt3A_1 = arith.cmpi slt, %add3A, %lt3A : i32
    %jit3A = arith.constant 98 : i32
    %jit3A_2 = arith.constant 97 : i32
    %select_n3A = arith.select %lt3A_1, %jit3A, %jit3A_2 : i32
    %add3A_3 = arith.constant 0 : i32
    %add3A_4 = arith.addi %add3A, %add3A_3 : i32
    %mul3A_5 = arith.constant 16 : i32
    %mul3A_6 = arith.muli %add3A_4, %mul3A_5 : i32
    "tpu.region"() ({
      %run_scoped3A = tpu.sem_alloc : memref<!tpu.dma_semaphore, #tpu.memory_space<semaphore_mem>>
      %dma_start3A_385 = arith.constant 0 : i32
      %dma_start3A_386 = arith.constant 0 : i32
      %dma_start3A_387 = tpu.memref_slice %arg3[%mul3A_6, %dma_start3A_385, %dma_start3A_386] : memref<50000x2x128xi32, #tpu.memory_space<hbm>> -> memref<16x2x128xi32, #tpu.memory_space<hbm>>
      %dma_start3A_388 = arith.constant 0 : i32
      %dma_start3A_389 = arith.constant 0 : i32
      %dma_start3A_390 = tpu.memref_slice %arg3[%mul3A_6, %dma_start3A_388, %dma_start3A_389] : memref<50000x2x128xi32, #tpu.memory_space<hbm>> -> memref<16x2x128xi32, #tpu.memory_space<hbm>>
      tpu.enqueue_dma source(%dma_start3A_390 : memref<16x2x128xi32, #tpu.memory_space<hbm>>) target(%arg6 : memref<16x2x128xi32, #tpu.memory_space<vmem>>) target_semaphore(%run_scoped3A : memref<!tpu.dma_semaphore, #tpu.memory_space<semaphore_mem>>)
      %dma_wait3A_391 = arith.constant 0 : i32
      %dma_wait3A_392 = arith.constant 0 : i32
      %dma_wait3A_393 = tpu.memref_slice %arg3[%mul3A_6, %dma_wait3A_391, %dma_wait3A_392] : memref<50000x2x128xi32, #tpu.memory_space<hbm>> -> memref<16x2x128xi32, #tpu.memory_space<hbm>>
      %dma_wait3A_394 = arith.constant 0 : i32
      %dma_wait3A_395 = arith.constant 0 : i32
      %dma_wait3A_396 = tpu.memref_slice %arg3[%mul3A_6, %dma_wait3A_394, %dma_wait3A_395] : memref<50000x2x128xi32, #tpu.memory_space<hbm>> -> memref<16x2x128xi32, #tpu.memory_space<hbm>>
      tpu.wait_dma2 semaphore(%run_scoped3A : memref<!tpu.dma_semaphore, #tpu.memory_space<semaphore_mem>>) src(%dma_wait3A_396 : memref<16x2x128xi32, #tpu.memory_space<hbm>>) dst(%arg6 : memref<16x2x128xi32, #tpu.memory_space<vmem>>)
      tpu.yield
    }) : () -> ()
    %dma_start3A = arith.constant 0 : i32
    %dma_start3A_7 = arith.constant 0 : i32
    %dma_start3A_8 = arith.constant 0 : i32
    %dma_start3A_9 = arith.constant 0 : i32
    %dma_start3A_10 = tpu.memref_slice %arg8[%dma_start3A_8, %dma_start3A_9] : memref<2048x8xf32, #tpu.memory_space<vmem>> -> memref<128x8xf32, #tpu.memory_space<vmem>>
    %dma_start3A_11 = arith.constant 0 : i32
    %dma_start3A_12 = tpu.memref_slice %arg6[%dma_start3A, %dma_start3A_7, %dma_start3A_11] : memref<16x2x128xi32, #tpu.memory_space<vmem>> -> memref<1x1x128xi32, #tpu.memory_space<vmem>>
    %dma_start3A_13 = tpu.memref_squeeze %dma_start3A_12 : memref<1x1x128xi32, #tpu.memory_space<vmem>> -> memref<128xi32, #tpu.memory_space<vmem>>
    %dma_start3A_14 = arith.constant 0 : i32
    %dma_start3A_15 = arith.constant 0 : i32
    %dma_start3A_16 = tpu.memref_slice %arg2[%dma_start3A_14, %dma_start3A_15] : memref<100000x8xf32, #tpu.memory_space<hbm>> -> memref<100000x8xf32, #tpu.memory_space<hbm>>
    tpu.enqueue_indirect_dma source(%dma_start3A_16 : memref<100000x8xf32, #tpu.memory_space<hbm>>) target(%dma_start3A_10 : memref<128x8xf32, #tpu.memory_space<vmem>>) offsets(%dma_start3A_13 : memref<128xi32, #tpu.memory_space<vmem>>) semaphore(%arg16 : memref<!tpu.dma_semaphore, #tpu.memory_space<semaphore_mem>>)
    %dma_start3A_17 = arith.constant 0 : i32
    %dma_start3A_18 = arith.constant 1 : i32
    %dma_start3A_19 = arith.constant 0 : i32
    %dma_start3A_20 = arith.constant 0 : i32
    %dma_start3A_21 = tpu.memref_slice %arg9[%dma_start3A_19, %dma_start3A_20] : memref<2048x8xf32, #tpu.memory_space<vmem>> -> memref<128x8xf32, #tpu.memory_space<vmem>>
    %dma_start3A_22 = arith.constant 0 : i32
    %dma_start3A_23 = tpu.memref_slice %arg6[%dma_start3A_17, %dma_start3A_18, %dma_start3A_22] : memref<16x2x128xi32, #tpu.memory_space<vmem>> -> memref<1x1x128xi32, #tpu.memory_space<vmem>>
    %dma_start3A_24 = tpu.memref_squeeze %dma_start3A_23 : memref<1x1x128xi32, #tpu.memory_space<vmem>> -> memref<128xi32, #tpu.memory_space<vmem>>
    %dma_start3A_25 = arith.constant 0 : i32
    %dma_start3A_26 = arith.constant 0 : i32
    %dma_start3A_27 = tpu.memref_slice %arg2[%dma_start3A_25, %dma_start3A_26] : memref<100000x8xf32, #tpu.memory_space<hbm>> -> memref<100000x8xf32, #tpu.memory_space<hbm>>
    tpu.enqueue_indirect_dma source(%dma_start3A_27 : memref<100000x8xf32, #tpu.memory_space<hbm>>) target(%dma_start3A_21 : memref<128x8xf32, #tpu.memory_space<vmem>>) offsets(%dma_start3A_24 : memref<128xi32, #tpu.memory_space<vmem>>) semaphore(%arg16 : memref<!tpu.dma_semaphore, #tpu.memory_space<semaphore_mem>>)
    %dma_start3A_28 = arith.constant 1 : i32
    %dma_start3A_29 = arith.constant 0 : i32
    %dma_start3A_30 = arith.constant 128 : i32
    %dma_start3A_31 = arith.constant 0 : i32
    %dma_start3A_32 = tpu.memref_slice %arg8[%dma_start3A_30, %dma_start3A_31] : memref<2048x8xf32, #tpu.memory_space<vmem>> -> memref<128x8xf32, #tpu.memory_space<vmem>>
    %dma_start3A_33 = arith.constant 0 : i32
    %dma_start3A_34 = tpu.memref_slice %arg6[%dma_start3A_28, %dma_start3A_29, %dma_start3A_33] : memref<16x2x128xi32, #tpu.memory_space<vmem>> -> memref<1x1x128xi32, #tpu.memory_space<vmem>>
    %dma_start3A_35 = tpu.memref_squeeze %dma_start3A_34 : memref<1x1x128xi32, #tpu.memory_space<vmem>> -> memref<128xi32, #tpu.memory_space<vmem>>
    %dma_start3A_36 = arith.constant 0 : i32
    %dma_start3A_37 = arith.constant 0 : i32
    %dma_start3A_38 = tpu.memref_slice %arg2[%dma_start3A_36, %dma_start3A_37] : memref<100000x8xf32, #tpu.memory_space<hbm>> -> memref<100000x8xf32, #tpu.memory_space<hbm>>
    tpu.enqueue_indirect_dma source(%dma_start3A_38 : memref<100000x8xf32, #tpu.memory_space<hbm>>) target(%dma_start3A_32 : memref<128x8xf32, #tpu.memory_space<vmem>>) offsets(%dma_start3A_35 : memref<128xi32, #tpu.memory_space<vmem>>) semaphore(%arg16 : memref<!tpu.dma_semaphore, #tpu.memory_space<semaphore_mem>>)
    %dma_start3A_39 = arith.constant 1 : i32
    %dma_start3A_40 = arith.constant 1 : i32
    %dma_start3A_41 = arith.constant 128 : i32
    %dma_start3A_42 = arith.constant 0 : i32
    %dma_start3A_43 = tpu.memref_slice %arg9[%dma_start3A_41, %dma_start3A_42] : memref<2048x8xf32, #tpu.memory_space<vmem>> -> memref<128x8xf32, #tpu.memory_space<vmem>>
    %dma_start3A_44 = arith.constant 0 : i32
    %dma_start3A_45 = tpu.memref_slice %arg6[%dma_start3A_39, %dma_start3A_40, %dma_start3A_44] : memref<16x2x128xi32, #tpu.memory_space<vmem>> -> memref<1x1x128xi32, #tpu.memory_space<vmem>>
    %dma_start3A_46 = tpu.memref_squeeze %dma_start3A_45 : memref<1x1x128xi32, #tpu.memory_space<vmem>> -> memref<128xi32, #tpu.memory_space<vmem>>
    %dma_start3A_47 = arith.constant 0 : i32
    %dma_start3A_48 = arith.constant 0 : i32
    %dma_start3A_49 = tpu.memref_slice %arg2[%dma_start3A_47, %dma_start3A_48] : memref<100000x8xf32, #tpu.memory_space<hbm>> -> memref<100000x8xf32, #tpu.memory_space<hbm>>
    tpu.enqueue_indirect_dma source(%dma_start3A_49 : memref<100000x8xf32, #tpu.memory_space<hbm>>) target(%dma_start3A_43 : memref<128x8xf32, #tpu.memory_space<vmem>>) offsets(%dma_start3A_46 : memref<128xi32, #tpu.memory_space<vmem>>) semaphore(%arg16 : memref<!tpu.dma_semaphore, #tpu.memory_space<semaphore_mem>>)
    %dma_start3A_50 = arith.constant 2 : i32
    %dma_start3A_51 = arith.constant 0 : i32
    %dma_start3A_52 = arith.constant 256 : i32
    %dma_start3A_53 = arith.constant 0 : i32
    %dma_start3A_54 = tpu.memref_slice %arg8[%dma_start3A_52, %dma_start3A_53] : memref<2048x8xf32, #tpu.memory_space<vmem>> -> memref<128x8xf32, #tpu.memory_space<vmem>>
    %dma_start3A_55 = arith.constant 0 : i32
    %dma_start3A_56 = tpu.memref_slice %arg6[%dma_start3A_50, %dma_start3A_51, %dma_start3A_55] : memref<16x2x128xi32, #tpu.memory_space<vmem>> -> memref<1x1x128xi32, #tpu.memory_space<vmem>>
    %dma_start3A_57 = tpu.memref_squeeze %dma_start3A_56 : memref<1x1x128xi32, #tpu.memory_space<vmem>> -> memref<128xi32, #tpu.memory_space<vmem>>
    %dma_start3A_58 = arith.constant 0 : i32
    %dma_start3A_59 = arith.constant 0 : i32
    %dma_start3A_60 = tpu.memref_slice %arg2[%dma_start3A_58, %dma_start3A_59] : memref<100000x8xf32, #tpu.memory_space<hbm>> -> memref<100000x8xf32, #tpu.memory_space<hbm>>
    tpu.enqueue_indirect_dma source(%dma_start3A_60 : memref<100000x8xf32, #tpu.memory_space<hbm>>) target(%dma_start3A_54 : memref<128x8xf32, #tpu.memory_space<vmem>>) offsets(%dma_start3A_57 : memref<128xi32, #tpu.memory_space<vmem>>) semaphore(%arg16 : memref<!tpu.dma_semaphore, #tpu.memory_space<semaphore_mem>>)
    %dma_start3A_61 = arith.constant 2 : i32
    %dma_start3A_62 = arith.constant 1 : i32
    %dma_start3A_63 = arith.constant 256 : i32
    %dma_start3A_64 = arith.constant 0 : i32
    %dma_start3A_65 = tpu.memref_slice %arg9[%dma_start3A_63, %dma_start3A_64] : memref<2048x8xf32, #tpu.memory_space<vmem>> -> memref<128x8xf32, #tpu.memory_space<vmem>>
    %dma_start3A_66 = arith.constant 0 : i32
    %dma_start3A_67 = tpu.memref_slice %arg6[%dma_start3A_61, %dma_start3A_62, %dma_start3A_66] : memref<16x2x128xi32, #tpu.memory_space<vmem>> -> memref<1x1x128xi32, #tpu.memory_space<vmem>>
    %dma_start3A_68 = tpu.memref_squeeze %dma_start3A_67 : memref<1x1x128xi32, #tpu.memory_space<vmem>> -> memref<128xi32, #tpu.memory_space<vmem>>
    %dma_start3A_69 = arith.constant 0 : i32
    %dma_start3A_70 = arith.constant 0 : i32
    %dma_start3A_71 = tpu.memref_slice %arg2[%dma_start3A_69, %dma_start3A_70] : memref<100000x8xf32, #tpu.memory_space<hbm>> -> memref<100000x8xf32, #tpu.memory_space<hbm>>
    tpu.enqueue_indirect_dma source(%dma_start3A_71 : memref<100000x8xf32, #tpu.memory_space<hbm>>) target(%dma_start3A_65 : memref<128x8xf32, #tpu.memory_space<vmem>>) offsets(%dma_start3A_68 : memref<128xi32, #tpu.memory_space<vmem>>) semaphore(%arg16 : memref<!tpu.dma_semaphore, #tpu.memory_space<semaphore_mem>>)
    %dma_start3A_72 = arith.constant 3 : i32
    %dma_start3A_73 = arith.constant 0 : i32
    %dma_start3A_74 = arith.constant 384 : i32
    %dma_start3A_75 = arith.constant 0 : i32
    %dma_start3A_76 = tpu.memref_slice %arg8[%dma_start3A_74, %dma_start3A_75] : memref<2048x8xf32, #tpu.memory_space<vmem>> -> memref<128x8xf32, #tpu.memory_space<vmem>>
    %dma_start3A_77 = arith.constant 0 : i32
    %dma_start3A_78 = tpu.memref_slice %arg6[%dma_start3A_72, %dma_start3A_73, %dma_start3A_77] : memref<16x2x128xi32, #tpu.memory_space<vmem>> -> memref<1x1x128xi32, #tpu.memory_space<vmem>>
    %dma_start3A_79 = tpu.memref_squeeze %dma_start3A_78 : memref<1x1x128xi32, #tpu.memory_space<vmem>> -> memref<128xi32, #tpu.memory_space<vmem>>
    %dma_start3A_80 = arith.constant 0 : i32
    %dma_start3A_81 = arith.constant 0 : i32
    %dma_start3A_82 = tpu.memref_slice %arg2[%dma_start3A_80, %dma_start3A_81] : memref<100000x8xf32, #tpu.memory_space<hbm>> -> memref<100000x8xf32, #tpu.memory_space<hbm>>
    tpu.enqueue_indirect_dma source(%dma_start3A_82 : memref<100000x8xf32, #tpu.memory_space<hbm>>) target(%dma_start3A_76 : memref<128x8xf32, #tpu.memory_space<vmem>>) offsets(%dma_start3A_79 : memref<128xi32, #tpu.memory_space<vmem>>) semaphore(%arg16 : memref<!tpu.dma_semaphore, #tpu.memory_space<semaphore_mem>>)
    %dma_start3A_83 = arith.constant 3 : i32
    %dma_start3A_84 = arith.constant 1 : i32
    %dma_start3A_85 = arith.constant 384 : i32
    %dma_start3A_86 = arith.constant 0 : i32
    %dma_start3A_87 = tpu.memref_slice %arg9[%dma_start3A_85, %dma_start3A_86] : memref<2048x8xf32, #tpu.memory_space<vmem>> -> memref<128x8xf32, #tpu.memory_space<vmem>>
    %dma_start3A_88 = arith.constant 0 : i32
    %dma_start3A_89 = tpu.memref_slice %arg6[%dma_start3A_83, %dma_start3A_84, %dma_start3A_88] : memref<16x2x128xi32, #tpu.memory_space<vmem>> -> memref<1x1x128xi32, #tpu.memory_space<vmem>>
    %dma_start3A_90 = tpu.memref_squeeze %dma_start3A_89 : memref<1x1x128xi32, #tpu.memory_space<vmem>> -> memref<128xi32, #tpu.memory_space<vmem>>
    %dma_start3A_91 = arith.constant 0 : i32
    %dma_start3A_92 = arith.constant 0 : i32
    %dma_start3A_93 = tpu.memref_slice %arg2[%dma_start3A_91, %dma_start3A_92] : memref<100000x8xf32, #tpu.memory_space<hbm>> -> memref<100000x8xf32, #tpu.memory_space<hbm>>
    tpu.enqueue_indirect_dma source(%dma_start3A_93 : memref<100000x8xf32, #tpu.memory_space<hbm>>) target(%dma_start3A_87 : memref<128x8xf32, #tpu.memory_space<vmem>>) offsets(%dma_start3A_90 : memref<128xi32, #tpu.memory_space<vmem>>) semaphore(%arg16 : memref<!tpu.dma_semaphore, #tpu.memory_space<semaphore_mem>>)
    %dma_start3A_94 = arith.constant 4 : i32
    %dma_start3A_95 = arith.constant 0 : i32
    %dma_start3A_96 = arith.constant 512 : i32
    %dma_start3A_97 = arith.constant 0 : i32
    %dma_start3A_98 = tpu.memref_slice %arg8[%dma_start3A_96, %dma_start3A_97] : memref<2048x8xf32, #tpu.memory_space<vmem>> -> memref<128x8xf32, #tpu.memory_space<vmem>>
    %dma_start3A_99 = arith.constant 0 : i32
    %dma_start3A_100 = tpu.memref_slice %arg6[%dma_start3A_94, %dma_start3A_95, %dma_start3A_99] : memref<16x2x128xi32, #tpu.memory_space<vmem>> -> memref<1x1x128xi32, #tpu.memory_space<vmem>>
    %dma_start3A_101 = tpu.memref_squeeze %dma_start3A_100 : memref<1x1x128xi32, #tpu.memory_space<vmem>> -> memref<128xi32, #tpu.memory_space<vmem>>
    %dma_start3A_102 = arith.constant 0 : i32
    %dma_start3A_103 = arith.constant 0 : i32
    %dma_start3A_104 = tpu.memref_slice %arg2[%dma_start3A_102, %dma_start3A_103] : memref<100000x8xf32, #tpu.memory_space<hbm>> -> memref<100000x8xf32, #tpu.memory_space<hbm>>
    tpu.enqueue_indirect_dma source(%dma_start3A_104 : memref<100000x8xf32, #tpu.memory_space<hbm>>) target(%dma_start3A_98 : memref<128x8xf32, #tpu.memory_space<vmem>>) offsets(%dma_start3A_101 : memref<128xi32, #tpu.memory_space<vmem>>) semaphore(%arg16 : memref<!tpu.dma_semaphore, #tpu.memory_space<semaphore_mem>>)
    %dma_start3A_105 = arith.constant 4 : i32
    %dma_start3A_106 = arith.constant 1 : i32
    %dma_start3A_107 = arith.constant 512 : i32
    %dma_start3A_108 = arith.constant 0 : i32
    %dma_start3A_109 = tpu.memref_slice %arg9[%dma_start3A_107, %dma_start3A_108] : memref<2048x8xf32, #tpu.memory_space<vmem>> -> memref<128x8xf32, #tpu.memory_space<vmem>>
    %dma_start3A_110 = arith.constant 0 : i32
    %dma_start3A_111 = tpu.memref_slice %arg6[%dma_start3A_105, %dma_start3A_106, %dma_start3A_110] : memref<16x2x128xi32, #tpu.memory_space<vmem>> -> memref<1x1x128xi32, #tpu.memory_space<vmem>>
    %dma_start3A_112 = tpu.memref_squeeze %dma_start3A_111 : memref<1x1x128xi32, #tpu.memory_space<vmem>> -> memref<128xi32, #tpu.memory_space<vmem>>
    %dma_start3A_113 = arith.constant 0 : i32
    %dma_start3A_114 = arith.constant 0 : i32
    %dma_start3A_115 = tpu.memref_slice %arg2[%dma_start3A_113, %dma_start3A_114] : memref<100000x8xf32, #tpu.memory_space<hbm>> -> memref<100000x8xf32, #tpu.memory_space<hbm>>
    tpu.enqueue_indirect_dma source(%dma_start3A_115 : memref<100000x8xf32, #tpu.memory_space<hbm>>) target(%dma_start3A_109 : memref<128x8xf32, #tpu.memory_space<vmem>>) offsets(%dma_start3A_112 : memref<128xi32, #tpu.memory_space<vmem>>) semaphore(%arg16 : memref<!tpu.dma_semaphore, #tpu.memory_space<semaphore_mem>>)
    %dma_start3A_116 = arith.constant 5 : i32
    %dma_start3A_117 = arith.constant 0 : i32
    %dma_start3A_118 = arith.constant 640 : i32
    %dma_start3A_119 = arith.constant 0 : i32
    %dma_start3A_120 = tpu.memref_slice %arg8[%dma_start3A_118, %dma_start3A_119] : memref<2048x8xf32, #tpu.memory_space<vmem>> -> memref<128x8xf32, #tpu.memory_space<vmem>>
    %dma_start3A_121 = arith.constant 0 : i32
    %dma_start3A_122 = tpu.memref_slice %arg6[%dma_start3A_116, %dma_start3A_117, %dma_start3A_121] : memref<16x2x128xi32, #tpu.memory_space<vmem>> -> memref<1x1x128xi32, #tpu.memory_space<vmem>>
    %dma_start3A_123 = tpu.memref_squeeze %dma_start3A_122 : memref<1x1x128xi32, #tpu.memory_space<vmem>> -> memref<128xi32, #tpu.memory_space<vmem>>
    %dma_start3A_124 = arith.constant 0 : i32
    %dma_start3A_125 = arith.constant 0 : i32
    %dma_start3A_126 = tpu.memref_slice %arg2[%dma_start3A_124, %dma_start3A_125] : memref<100000x8xf32, #tpu.memory_space<hbm>> -> memref<100000x8xf32, #tpu.memory_space<hbm>>
    tpu.enqueue_indirect_dma source(%dma_start3A_126 : memref<100000x8xf32, #tpu.memory_space<hbm>>) target(%dma_start3A_120 : memref<128x8xf32, #tpu.memory_space<vmem>>) offsets(%dma_start3A_123 : memref<128xi32, #tpu.memory_space<vmem>>) semaphore(%arg16 : memref<!tpu.dma_semaphore, #tpu.memory_space<semaphore_mem>>)
    %dma_start3A_127 = arith.constant 5 : i32
    %dma_start3A_128 = arith.constant 1 : i32
    %dma_start3A_129 = arith.constant 640 : i32
    %dma_start3A_130 = arith.constant 0 : i32
    %dma_start3A_131 = tpu.memref_slice %arg9[%dma_start3A_129, %dma_start3A_130] : memref<2048x8xf32, #tpu.memory_space<vmem>> -> memref<128x8xf32, #tpu.memory_space<vmem>>
    %dma_start3A_132 = arith.constant 0 : i32
    %dma_start3A_133 = tpu.memref_slice %arg6[%dma_start3A_127, %dma_start3A_128, %dma_start3A_132] : memref<16x2x128xi32, #tpu.memory_space<vmem>> -> memref<1x1x128xi32, #tpu.memory_space<vmem>>
    %dma_start3A_134 = tpu.memref_squeeze %dma_start3A_133 : memref<1x1x128xi32, #tpu.memory_space<vmem>> -> memref<128xi32, #tpu.memory_space<vmem>>
    %dma_start3A_135 = arith.constant 0 : i32
    %dma_start3A_136 = arith.constant 0 : i32
    %dma_start3A_137 = tpu.memref_slice %arg2[%dma_start3A_135, %dma_start3A_136] : memref<100000x8xf32, #tpu.memory_space<hbm>> -> memref<100000x8xf32, #tpu.memory_space<hbm>>
    tpu.enqueue_indirect_dma source(%dma_start3A_137 : memref<100000x8xf32, #tpu.memory_space<hbm>>) target(%dma_start3A_131 : memref<128x8xf32, #tpu.memory_space<vmem>>) offsets(%dma_start3A_134 : memref<128xi32, #tpu.memory_space<vmem>>) semaphore(%arg16 : memref<!tpu.dma_semaphore, #tpu.memory_space<semaphore_mem>>)
    %dma_start3A_138 = arith.constant 6 : i32
    %dma_start3A_139 = arith.constant 0 : i32
    %dma_start3A_140 = arith.constant 768 : i32
    %dma_start3A_141 = arith.constant 0 : i32
    %dma_start3A_142 = tpu.memref_slice %arg8[%dma_start3A_140, %dma_start3A_141] : memref<2048x8xf32, #tpu.memory_space<vmem>> -> memref<128x8xf32, #tpu.memory_space<vmem>>
    %dma_start3A_143 = arith.constant 0 : i32
    %dma_start3A_144 = tpu.memref_slice %arg6[%dma_start3A_138, %dma_start3A_139, %dma_start3A_143] : memref<16x2x128xi32, #tpu.memory_space<vmem>> -> memref<1x1x128xi32, #tpu.memory_space<vmem>>
    %dma_start3A_145 = tpu.memref_squeeze %dma_start3A_144 : memref<1x1x128xi32, #tpu.memory_space<vmem>> -> memref<128xi32, #tpu.memory_space<vmem>>
    %dma_start3A_146 = arith.constant 0 : i32
    %dma_start3A_147 = arith.constant 0 : i32
    %dma_start3A_148 = tpu.memref_slice %arg2[%dma_start3A_146, %dma_start3A_147] : memref<100000x8xf32, #tpu.memory_space<hbm>> -> memref<100000x8xf32, #tpu.memory_space<hbm>>
    tpu.enqueue_indirect_dma source(%dma_start3A_148 : memref<100000x8xf32, #tpu.memory_space<hbm>>) target(%dma_start3A_142 : memref<128x8xf32, #tpu.memory_space<vmem>>) offsets(%dma_start3A_145 : memref<128xi32, #tpu.memory_space<vmem>>) semaphore(%arg16 : memref<!tpu.dma_semaphore, #tpu.memory_space<semaphore_mem>>)
    %dma_start3A_149 = arith.constant 6 : i32
    %dma_start3A_150 = arith.constant 1 : i32
    %dma_start3A_151 = arith.constant 768 : i32
    %dma_start3A_152 = arith.constant 0 : i32
    %dma_start3A_153 = tpu.memref_slice %arg9[%dma_start3A_151, %dma_start3A_152] : memref<2048x8xf32, #tpu.memory_space<vmem>> -> memref<128x8xf32, #tpu.memory_space<vmem>>
    %dma_start3A_154 = arith.constant 0 : i32
    %dma_start3A_155 = tpu.memref_slice %arg6[%dma_start3A_149, %dma_start3A_150, %dma_start3A_154] : memref<16x2x128xi32, #tpu.memory_space<vmem>> -> memref<1x1x128xi32, #tpu.memory_space<vmem>>
    %dma_start3A_156 = tpu.memref_squeeze %dma_start3A_155 : memref<1x1x128xi32, #tpu.memory_space<vmem>> -> memref<128xi32, #tpu.memory_space<vmem>>
    %dma_start3A_157 = arith.constant 0 : i32
    %dma_start3A_158 = arith.constant 0 : i32
    %dma_start3A_159 = tpu.memref_slice %arg2[%dma_start3A_157, %dma_start3A_158] : memref<100000x8xf32, #tpu.memory_space<hbm>> -> memref<100000x8xf32, #tpu.memory_space<hbm>>
    tpu.enqueue_indirect_dma source(%dma_start3A_159 : memref<100000x8xf32, #tpu.memory_space<hbm>>) target(%dma_start3A_153 : memref<128x8xf32, #tpu.memory_space<vmem>>) offsets(%dma_start3A_156 : memref<128xi32, #tpu.memory_space<vmem>>) semaphore(%arg16 : memref<!tpu.dma_semaphore, #tpu.memory_space<semaphore_mem>>)
    %dma_start3A_160 = arith.constant 7 : i32
    %dma_start3A_161 = arith.constant 0 : i32
    %dma_start3A_162 = arith.constant 896 : i32
    %dma_start3A_163 = arith.constant 0 : i32
    %dma_start3A_164 = tpu.memref_slice %arg8[%dma_start3A_162, %dma_start3A_163] : memref<2048x8xf32, #tpu.memory_space<vmem>> -> memref<128x8xf32, #tpu.memory_space<vmem>>
    %dma_start3A_165 = arith.constant 0 : i32
    %dma_start3A_166 = tpu.memref_slice %arg6[%dma_start3A_160, %dma_start3A_161, %dma_start3A_165] : memref<16x2x128xi32, #tpu.memory_space<vmem>> -> memref<1x1x128xi32, #tpu.memory_space<vmem>>
    %dma_start3A_167 = tpu.memref_squeeze %dma_start3A_166 : memref<1x1x128xi32, #tpu.memory_space<vmem>> -> memref<128xi32, #tpu.memory_space<vmem>>
    %dma_start3A_168 = arith.constant 0 : i32
    %dma_start3A_169 = arith.constant 0 : i32
    %dma_start3A_170 = tpu.memref_slice %arg2[%dma_start3A_168, %dma_start3A_169] : memref<100000x8xf32, #tpu.memory_space<hbm>> -> memref<100000x8xf32, #tpu.memory_space<hbm>>
    tpu.enqueue_indirect_dma source(%dma_start3A_170 : memref<100000x8xf32, #tpu.memory_space<hbm>>) target(%dma_start3A_164 : memref<128x8xf32, #tpu.memory_space<vmem>>) offsets(%dma_start3A_167 : memref<128xi32, #tpu.memory_space<vmem>>) semaphore(%arg16 : memref<!tpu.dma_semaphore, #tpu.memory_space<semaphore_mem>>)
    %dma_start3A_171 = arith.constant 7 : i32
    %dma_start3A_172 = arith.constant 1 : i32
    %dma_start3A_173 = arith.constant 896 : i32
    %dma_start3A_174 = arith.constant 0 : i32
    %dma_start3A_175 = tpu.memref_slice %arg9[%dma_start3A_173, %dma_start3A_174] : memref<2048x8xf32, #tpu.memory_space<vmem>> -> memref<128x8xf32, #tpu.memory_space<vmem>>
    %dma_start3A_176 = arith.constant 0 : i32
    %dma_start3A_177 = tpu.memref_slice %arg6[%dma_start3A_171, %dma_start3A_172, %dma_start3A_176] : memref<16x2x128xi32, #tpu.memory_space<vmem>> -> memref<1x1x128xi32, #tpu.memory_space<vmem>>
    %dma_start3A_178 = tpu.memref_squeeze %dma_start3A_177 : memref<1x1x128xi32, #tpu.memory_space<vmem>> -> memref<128xi32, #tpu.memory_space<vmem>>
    %dma_start3A_179 = arith.constant 0 : i32
    %dma_start3A_180 = arith.constant 0 : i32
    %dma_start3A_181 = tpu.memref_slice %arg2[%dma_start3A_179, %dma_start3A_180] : memref<100000x8xf32, #tpu.memory_space<hbm>> -> memref<100000x8xf32, #tpu.memory_space<hbm>>
    tpu.enqueue_indirect_dma source(%dma_start3A_181 : memref<100000x8xf32, #tpu.memory_space<hbm>>) target(%dma_start3A_175 : memref<128x8xf32, #tpu.memory_space<vmem>>) offsets(%dma_start3A_178 : memref<128xi32, #tpu.memory_space<vmem>>) semaphore(%arg16 : memref<!tpu.dma_semaphore, #tpu.memory_space<semaphore_mem>>)
    %dma_start3A_182 = arith.constant 8 : i32
    %dma_start3A_183 = arith.constant 0 : i32
    %dma_start3A_184 = arith.constant 1024 : i32
    %dma_start3A_185 = arith.constant 0 : i32
    %dma_start3A_186 = tpu.memref_slice %arg8[%dma_start3A_184, %dma_start3A_185] : memref<2048x8xf32, #tpu.memory_space<vmem>> -> memref<128x8xf32, #tpu.memory_space<vmem>>
    %dma_start3A_187 = arith.constant 0 : i32
    %dma_start3A_188 = tpu.memref_slice %arg6[%dma_start3A_182, %dma_start3A_183, %dma_start3A_187] : memref<16x2x128xi32, #tpu.memory_space<vmem>> -> memref<1x1x128xi32, #tpu.memory_space<vmem>>
    %dma_start3A_189 = tpu.memref_squeeze %dma_start3A_188 : memref<1x1x128xi32, #tpu.memory_space<vmem>> -> memref<128xi32, #tpu.memory_space<vmem>>
    %dma_start3A_190 = arith.constant 0 : i32
    %dma_start3A_191 = arith.constant 0 : i32
    %dma_start3A_192 = tpu.memref_slice %arg2[%dma_start3A_190, %dma_start3A_191] : memref<100000x8xf32, #tpu.memory_space<hbm>> -> memref<100000x8xf32, #tpu.memory_space<hbm>>
    tpu.enqueue_indirect_dma source(%dma_start3A_192 : memref<100000x8xf32, #tpu.memory_space<hbm>>) target(%dma_start3A_186 : memref<128x8xf32, #tpu.memory_space<vmem>>) offsets(%dma_start3A_189 : memref<128xi32, #tpu.memory_space<vmem>>) semaphore(%arg16 : memref<!tpu.dma_semaphore, #tpu.memory_space<semaphore_mem>>)
    %dma_start3A_193 = arith.constant 8 : i32
    %dma_start3A_194 = arith.constant 1 : i32
    %dma_start3A_195 = arith.constant 1024 : i32
    %dma_start3A_196 = arith.constant 0 : i32
    %dma_start3A_197 = tpu.memref_slice %arg9[%dma_start3A_195, %dma_start3A_196] : memref<2048x8xf32, #tpu.memory_space<vmem>> -> memref<128x8xf32, #tpu.memory_space<vmem>>
    %dma_start3A_198 = arith.constant 0 : i32
    %dma_start3A_199 = tpu.memref_slice %arg6[%dma_start3A_193, %dma_start3A_194, %dma_start3A_198] : memref<16x2x128xi32, #tpu.memory_space<vmem>> -> memref<1x1x128xi32, #tpu.memory_space<vmem>>
    %dma_start3A_200 = tpu.memref_squeeze %dma_start3A_199 : memref<1x1x128xi32, #tpu.memory_space<vmem>> -> memref<128xi32, #tpu.memory_space<vmem>>
    %dma_start3A_201 = arith.constant 0 : i32
    %dma_start3A_202 = arith.constant 0 : i32
    %dma_start3A_203 = tpu.memref_slice %arg2[%dma_start3A_201, %dma_start3A_202] : memref<100000x8xf32, #tpu.memory_space<hbm>> -> memref<100000x8xf32, #tpu.memory_space<hbm>>
    tpu.enqueue_indirect_dma source(%dma_start3A_203 : memref<100000x8xf32, #tpu.memory_space<hbm>>) target(%dma_start3A_197 : memref<128x8xf32, #tpu.memory_space<vmem>>) offsets(%dma_start3A_200 : memref<128xi32, #tpu.memory_space<vmem>>) semaphore(%arg16 : memref<!tpu.dma_semaphore, #tpu.memory_space<semaphore_mem>>)
    %dma_start3A_204 = arith.constant 9 : i32
    %dma_start3A_205 = arith.constant 0 : i32
    %dma_start3A_206 = arith.constant 1152 : i32
    %dma_start3A_207 = arith.constant 0 : i32
    %dma_start3A_208 = tpu.memref_slice %arg8[%dma_start3A_206, %dma_start3A_207] : memref<2048x8xf32, #tpu.memory_space<vmem>> -> memref<128x8xf32, #tpu.memory_space<vmem>>
    %dma_start3A_209 = arith.constant 0 : i32
    %dma_start3A_210 = tpu.memref_slice %arg6[%dma_start3A_204, %dma_start3A_205, %dma_start3A_209] : memref<16x2x128xi32, #tpu.memory_space<vmem>> -> memref<1x1x128xi32, #tpu.memory_space<vmem>>
    %dma_start3A_211 = tpu.memref_squeeze %dma_start3A_210 : memref<1x1x128xi32, #tpu.memory_space<vmem>> -> memref<128xi32, #tpu.memory_space<vmem>>
    %dma_start3A_212 = arith.constant 0 : i32
    %dma_start3A_213 = arith.constant 0 : i32
    %dma_start3A_214 = tpu.memref_slice %arg2[%dma_start3A_212, %dma_start3A_213] : memref<100000x8xf32, #tpu.memory_space<hbm>> -> memref<100000x8xf32, #tpu.memory_space<hbm>>
    tpu.enqueue_indirect_dma source(%dma_start3A_214 : memref<100000x8xf32, #tpu.memory_space<hbm>>) target(%dma_start3A_208 : memref<128x8xf32, #tpu.memory_space<vmem>>) offsets(%dma_start3A_211 : memref<128xi32, #tpu.memory_space<vmem>>) semaphore(%arg16 : memref<!tpu.dma_semaphore, #tpu.memory_space<semaphore_mem>>)
    %dma_start3A_215 = arith.constant 9 : i32
    %dma_start3A_216 = arith.constant 1 : i32
    %dma_start3A_217 = arith.constant 1152 : i32
    %dma_start3A_218 = arith.constant 0 : i32
    %dma_start3A_219 = tpu.memref_slice %arg9[%dma_start3A_217, %dma_start3A_218] : memref<2048x8xf32, #tpu.memory_space<vmem>> -> memref<128x8xf32, #tpu.memory_space<vmem>>
    %dma_start3A_220 = arith.constant 0 : i32
    %dma_start3A_221 = tpu.memref_slice %arg6[%dma_start3A_215, %dma_start3A_216, %dma_start3A_220] : memref<16x2x128xi32, #tpu.memory_space<vmem>> -> memref<1x1x128xi32, #tpu.memory_space<vmem>>
    %dma_start3A_222 = tpu.memref_squeeze %dma_start3A_221 : memref<1x1x128xi32, #tpu.memory_space<vmem>> -> memref<128xi32, #tpu.memory_space<vmem>>
    %dma_start3A_223 = arith.constant 0 : i32
    %dma_start3A_224 = arith.constant 0 : i32
    %dma_start3A_225 = tpu.memref_slice %arg2[%dma_start3A_223, %dma_start3A_224] : memref<100000x8xf32, #tpu.memory_space<hbm>> -> memref<100000x8xf32, #tpu.memory_space<hbm>>
    tpu.enqueue_indirect_dma source(%dma_start3A_225 : memref<100000x8xf32, #tpu.memory_space<hbm>>) target(%dma_start3A_219 : memref<128x8xf32, #tpu.memory_space<vmem>>) offsets(%dma_start3A_222 : memref<128xi32, #tpu.memory_space<vmem>>) semaphore(%arg16 : memref<!tpu.dma_semaphore, #tpu.memory_space<semaphore_mem>>)
    %dma_start3A_226 = arith.constant 10 : i32
    %dma_start3A_227 = arith.constant 0 : i32
    %dma_start3A_228 = arith.constant 1280 : i32
    %dma_start3A_229 = arith.constant 0 : i32
    %dma_start3A_230 = tpu.memref_slice %arg8[%dma_start3A_228, %dma_start3A_229] : memref<2048x8xf32, #tpu.memory_space<vmem>> -> memref<128x8xf32, #tpu.memory_space<vmem>>
    %dma_start3A_231 = arith.constant 0 : i32
    %dma_start3A_232 = tpu.memref_slice %arg6[%dma_start3A_226, %dma_start3A_227, %dma_start3A_231] : memref<16x2x128xi32, #tpu.memory_space<vmem>> -> memref<1x1x128xi32, #tpu.memory_space<vmem>>
    %dma_start3A_233 = tpu.memref_squeeze %dma_start3A_232 : memref<1x1x128xi32, #tpu.memory_space<vmem>> -> memref<128xi32, #tpu.memory_space<vmem>>
    %dma_start3A_234 = arith.constant 0 : i32
    %dma_start3A_235 = arith.constant 0 : i32
    %dma_start3A_236 = tpu.memref_slice %arg2[%dma_start3A_234, %dma_start3A_235] : memref<100000x8xf32, #tpu.memory_space<hbm>> -> memref<100000x8xf32, #tpu.memory_space<hbm>>
    tpu.enqueue_indirect_dma source(%dma_start3A_236 : memref<100000x8xf32, #tpu.memory_space<hbm>>) target(%dma_start3A_230 : memref<128x8xf32, #tpu.memory_space<vmem>>) offsets(%dma_start3A_233 : memref<128xi32, #tpu.memory_space<vmem>>) semaphore(%arg16 : memref<!tpu.dma_semaphore, #tpu.memory_space<semaphore_mem>>)
    %dma_start3A_237 = arith.constant 10 : i32
    %dma_start3A_238 = arith.constant 1 : i32
    %dma_start3A_239 = arith.constant 1280 : i32
    %dma_start3A_240 = arith.constant 0 : i32
    %dma_start3A_241 = tpu.memref_slice %arg9[%dma_start3A_239, %dma_start3A_240] : memref<2048x8xf32, #tpu.memory_space<vmem>> -> memref<128x8xf32, #tpu.memory_space<vmem>>
    %dma_start3A_242 = arith.constant 0 : i32
    %dma_start3A_243 = tpu.memref_slice %arg6[%dma_start3A_237, %dma_start3A_238, %dma_start3A_242] : memref<16x2x128xi32, #tpu.memory_space<vmem>> -> memref<1x1x128xi32, #tpu.memory_space<vmem>>
    %dma_start3A_244 = tpu.memref_squeeze %dma_start3A_243 : memref<1x1x128xi32, #tpu.memory_space<vmem>> -> memref<128xi32, #tpu.memory_space<vmem>>
    %dma_start3A_245 = arith.constant 0 : i32
    %dma_start3A_246 = arith.constant 0 : i32
    %dma_start3A_247 = tpu.memref_slice %arg2[%dma_start3A_245, %dma_start3A_246] : memref<100000x8xf32, #tpu.memory_space<hbm>> -> memref<100000x8xf32, #tpu.memory_space<hbm>>
    tpu.enqueue_indirect_dma source(%dma_start3A_247 : memref<100000x8xf32, #tpu.memory_space<hbm>>) target(%dma_start3A_241 : memref<128x8xf32, #tpu.memory_space<vmem>>) offsets(%dma_start3A_244 : memref<128xi32, #tpu.memory_space<vmem>>) semaphore(%arg16 : memref<!tpu.dma_semaphore, #tpu.memory_space<semaphore_mem>>)
    %dma_start3A_248 = arith.constant 11 : i32
    %dma_start3A_249 = arith.constant 0 : i32
    %dma_start3A_250 = arith.constant 1408 : i32
    %dma_start3A_251 = arith.constant 0 : i32
    %dma_start3A_252 = tpu.memref_slice %arg8[%dma_start3A_250, %dma_start3A_251] : memref<2048x8xf32, #tpu.memory_space<vmem>> -> memref<128x8xf32, #tpu.memory_space<vmem>>
    %dma_start3A_253 = arith.constant 0 : i32
    %dma_start3A_254 = tpu.memref_slice %arg6[%dma_start3A_248, %dma_start3A_249, %dma_start3A_253] : memref<16x2x128xi32, #tpu.memory_space<vmem>> -> memref<1x1x128xi32, #tpu.memory_space<vmem>>
    %dma_start3A_255 = tpu.memref_squeeze %dma_start3A_254 : memref<1x1x128xi32, #tpu.memory_space<vmem>> -> memref<128xi32, #tpu.memory_space<vmem>>
    %dma_start3A_256 = arith.constant 0 : i32
    %dma_start3A_257 = arith.constant 0 : i32
    %dma_start3A_258 = tpu.memref_slice %arg2[%dma_start3A_256, %dma_start3A_257] : memref<100000x8xf32, #tpu.memory_space<hbm>> -> memref<100000x8xf32, #tpu.memory_space<hbm>>
    tpu.enqueue_indirect_dma source(%dma_start3A_258 : memref<100000x8xf32, #tpu.memory_space<hbm>>) target(%dma_start3A_252 : memref<128x8xf32, #tpu.memory_space<vmem>>) offsets(%dma_start3A_255 : memref<128xi32, #tpu.memory_space<vmem>>) semaphore(%arg16 : memref<!tpu.dma_semaphore, #tpu.memory_space<semaphore_mem>>)
    %dma_start3A_259 = arith.constant 11 : i32
    %dma_start3A_260 = arith.constant 1 : i32
    %dma_start3A_261 = arith.constant 1408 : i32
    %dma_start3A_262 = arith.constant 0 : i32
    %dma_start3A_263 = tpu.memref_slice %arg9[%dma_start3A_261, %dma_start3A_262] : memref<2048x8xf32, #tpu.memory_space<vmem>> -> memref<128x8xf32, #tpu.memory_space<vmem>>
    %dma_start3A_264 = arith.constant 0 : i32
    %dma_start3A_265 = tpu.memref_slice %arg6[%dma_start3A_259, %dma_start3A_260, %dma_start3A_264] : memref<16x2x128xi32, #tpu.memory_space<vmem>> -> memref<1x1x128xi32, #tpu.memory_space<vmem>>
    %dma_start3A_266 = tpu.memref_squeeze %dma_start3A_265 : memref<1x1x128xi32, #tpu.memory_space<vmem>> -> memref<128xi32, #tpu.memory_space<vmem>>
    %dma_start3A_267 = arith.constant 0 : i32
    %dma_start3A_268 = arith.constant 0 : i32
    %dma_start3A_269 = tpu.memref_slice %arg2[%dma_start3A_267, %dma_start3A_268] : memref<100000x8xf32, #tpu.memory_space<hbm>> -> memref<100000x8xf32, #tpu.memory_space<hbm>>
    tpu.enqueue_indirect_dma source(%dma_start3A_269 : memref<100000x8xf32, #tpu.memory_space<hbm>>) target(%dma_start3A_263 : memref<128x8xf32, #tpu.memory_space<vmem>>) offsets(%dma_start3A_266 : memref<128xi32, #tpu.memory_space<vmem>>) semaphore(%arg16 : memref<!tpu.dma_semaphore, #tpu.memory_space<semaphore_mem>>)
    %dma_start3A_270 = arith.constant 12 : i32
    %dma_start3A_271 = arith.constant 0 : i32
    %dma_start3A_272 = arith.constant 1536 : i32
    %dma_start3A_273 = arith.constant 0 : i32
    %dma_start3A_274 = tpu.memref_slice %arg8[%dma_start3A_272, %dma_start3A_273] : memref<2048x8xf32, #tpu.memory_space<vmem>> -> memref<128x8xf32, #tpu.memory_space<vmem>>
    %dma_start3A_275 = arith.constant 0 : i32
    %dma_start3A_276 = tpu.memref_slice %arg6[%dma_start3A_270, %dma_start3A_271, %dma_start3A_275] : memref<16x2x128xi32, #tpu.memory_space<vmem>> -> memref<1x1x128xi32, #tpu.memory_space<vmem>>
    %dma_start3A_277 = tpu.memref_squeeze %dma_start3A_276 : memref<1x1x128xi32, #tpu.memory_space<vmem>> -> memref<128xi32, #tpu.memory_space<vmem>>
    %dma_start3A_278 = arith.constant 0 : i32
    %dma_start3A_279 = arith.constant 0 : i32
    %dma_start3A_280 = tpu.memref_slice %arg2[%dma_start3A_278, %dma_start3A_279] : memref<100000x8xf32, #tpu.memory_space<hbm>> -> memref<100000x8xf32, #tpu.memory_space<hbm>>
    tpu.enqueue_indirect_dma source(%dma_start3A_280 : memref<100000x8xf32, #tpu.memory_space<hbm>>) target(%dma_start3A_274 : memref<128x8xf32, #tpu.memory_space<vmem>>) offsets(%dma_start3A_277 : memref<128xi32, #tpu.memory_space<vmem>>) semaphore(%arg16 : memref<!tpu.dma_semaphore, #tpu.memory_space<semaphore_mem>>)
    %dma_start3A_281 = arith.constant 12 : i32
    %dma_start3A_282 = arith.constant 1 : i32
    %dma_start3A_283 = arith.constant 1536 : i32
    %dma_start3A_284 = arith.constant 0 : i32
    %dma_start3A_285 = tpu.memref_slice %arg9[%dma_start3A_283, %dma_start3A_284] : memref<2048x8xf32, #tpu.memory_space<vmem>> -> memref<128x8xf32, #tpu.memory_space<vmem>>
    %dma_start3A_286 = arith.constant 0 : i32
    %dma_start3A_287 = tpu.memref_slice %arg6[%dma_start3A_281, %dma_start3A_282, %dma_start3A_286] : memref<16x2x128xi32, #tpu.memory_space<vmem>> -> memref<1x1x128xi32, #tpu.memory_space<vmem>>
    %dma_start3A_288 = tpu.memref_squeeze %dma_start3A_287 : memref<1x1x128xi32, #tpu.memory_space<vmem>> -> memref<128xi32, #tpu.memory_space<vmem>>
    %dma_start3A_289 = arith.constant 0 : i32
    %dma_start3A_290 = arith.constant 0 : i32
    %dma_start3A_291 = tpu.memref_slice %arg2[%dma_start3A_289, %dma_start3A_290] : memref<100000x8xf32, #tpu.memory_space<hbm>> -> memref<100000x8xf32, #tpu.memory_space<hbm>>
    tpu.enqueue_indirect_dma source(%dma_start3A_291 : memref<100000x8xf32, #tpu.memory_space<hbm>>) target(%dma_start3A_285 : memref<128x8xf32, #tpu.memory_space<vmem>>) offsets(%dma_start3A_288 : memref<128xi32, #tpu.memory_space<vmem>>) semaphore(%arg16 : memref<!tpu.dma_semaphore, #tpu.memory_space<semaphore_mem>>)
    %dma_start3A_292 = arith.constant 13 : i32
    %dma_start3A_293 = arith.constant 0 : i32
    %dma_start3A_294 = arith.constant 1664 : i32
    %dma_start3A_295 = arith.constant 0 : i32
    %dma_start3A_296 = tpu.memref_slice %arg8[%dma_start3A_294, %dma_start3A_295] : memref<2048x8xf32, #tpu.memory_space<vmem>> -> memref<128x8xf32, #tpu.memory_space<vmem>>
    %dma_start3A_297 = arith.constant 0 : i32
    %dma_start3A_298 = tpu.memref_slice %arg6[%dma_start3A_292, %dma_start3A_293, %dma_start3A_297] : memref<16x2x128xi32, #tpu.memory_space<vmem>> -> memref<1x1x128xi32, #tpu.memory_space<vmem>>
    %dma_start3A_299 = tpu.memref_squeeze %dma_start3A_298 : memref<1x1x128xi32, #tpu.memory_space<vmem>> -> memref<128xi32, #tpu.memory_space<vmem>>
    %dma_start3A_300 = arith.constant 0 : i32
    %dma_start3A_301 = arith.constant 0 : i32
    %dma_start3A_302 = tpu.memref_slice %arg2[%dma_start3A_300, %dma_start3A_301] : memref<100000x8xf32, #tpu.memory_space<hbm>> -> memref<100000x8xf32, #tpu.memory_space<hbm>>
    tpu.enqueue_indirect_dma source(%dma_start3A_302 : memref<100000x8xf32, #tpu.memory_space<hbm>>) target(%dma_start3A_296 : memref<128x8xf32, #tpu.memory_space<vmem>>) offsets(%dma_start3A_299 : memref<128xi32, #tpu.memory_space<vmem>>) semaphore(%arg16 : memref<!tpu.dma_semaphore, #tpu.memory_space<semaphore_mem>>)
    %dma_start3A_303 = arith.constant 13 : i32
    %dma_start3A_304 = arith.constant 1 : i32
    %dma_start3A_305 = arith.constant 1664 : i32
    %dma_start3A_306 = arith.constant 0 : i32
    %dma_start3A_307 = tpu.memref_slice %arg9[%dma_start3A_305, %dma_start3A_306] : memref<2048x8xf32, #tpu.memory_space<vmem>> -> memref<128x8xf32, #tpu.memory_space<vmem>>
    %dma_start3A_308 = arith.constant 0 : i32
    %dma_start3A_309 = tpu.memref_slice %arg6[%dma_start3A_303, %dma_start3A_304, %dma_start3A_308] : memref<16x2x128xi32, #tpu.memory_space<vmem>> -> memref<1x1x128xi32, #tpu.memory_space<vmem>>
    %dma_start3A_310 = tpu.memref_squeeze %dma_start3A_309 : memref<1x1x128xi32, #tpu.memory_space<vmem>> -> memref<128xi32, #tpu.memory_space<vmem>>
    %dma_start3A_311 = arith.constant 0 : i32
    %dma_start3A_312 = arith.constant 0 : i32
    %dma_start3A_313 = tpu.memref_slice %arg2[%dma_start3A_311, %dma_start3A_312] : memref<100000x8xf32, #tpu.memory_space<hbm>> -> memref<100000x8xf32, #tpu.memory_space<hbm>>
    tpu.enqueue_indirect_dma source(%dma_start3A_313 : memref<100000x8xf32, #tpu.memory_space<hbm>>) target(%dma_start3A_307 : memref<128x8xf32, #tpu.memory_space<vmem>>) offsets(%dma_start3A_310 : memref<128xi32, #tpu.memory_space<vmem>>) semaphore(%arg16 : memref<!tpu.dma_semaphore, #tpu.memory_space<semaphore_mem>>)
    %dma_start3A_314 = arith.constant 14 : i32
    %dma_start3A_315 = arith.constant 0 : i32
    %dma_start3A_316 = arith.constant 1792 : i32
    %dma_start3A_317 = arith.constant 0 : i32
    %dma_start3A_318 = tpu.memref_slice %arg8[%dma_start3A_316, %dma_start3A_317] : memref<2048x8xf32, #tpu.memory_space<vmem>> -> memref<128x8xf32, #tpu.memory_space<vmem>>
    %dma_start3A_319 = arith.constant 0 : i32
    %dma_start3A_320 = tpu.memref_slice %arg6[%dma_start3A_314, %dma_start3A_315, %dma_start3A_319] : memref<16x2x128xi32, #tpu.memory_space<vmem>> -> memref<1x1x128xi32, #tpu.memory_space<vmem>>
    %dma_start3A_321 = tpu.memref_squeeze %dma_start3A_320 : memref<1x1x128xi32, #tpu.memory_space<vmem>> -> memref<128xi32, #tpu.memory_space<vmem>>
    %dma_start3A_322 = arith.constant 0 : i32
    %dma_start3A_323 = arith.constant 0 : i32
    %dma_start3A_324 = tpu.memref_slice %arg2[%dma_start3A_322, %dma_start3A_323] : memref<100000x8xf32, #tpu.memory_space<hbm>> -> memref<100000x8xf32, #tpu.memory_space<hbm>>
    tpu.enqueue_indirect_dma source(%dma_start3A_324 : memref<100000x8xf32, #tpu.memory_space<hbm>>) target(%dma_start3A_318 : memref<128x8xf32, #tpu.memory_space<vmem>>) offsets(%dma_start3A_321 : memref<128xi32, #tpu.memory_space<vmem>>) semaphore(%arg16 : memref<!tpu.dma_semaphore, #tpu.memory_space<semaphore_mem>>)
    %dma_start3A_325 = arith.constant 14 : i32
    %dma_start3A_326 = arith.constant 1 : i32
    %dma_start3A_327 = arith.constant 1792 : i32
    %dma_start3A_328 = arith.constant 0 : i32
    %dma_start3A_329 = tpu.memref_slice %arg9[%dma_start3A_327, %dma_start3A_328] : memref<2048x8xf32, #tpu.memory_space<vmem>> -> memref<128x8xf32, #tpu.memory_space<vmem>>
    %dma_start3A_330 = arith.constant 0 : i32
    %dma_start3A_331 = tpu.memref_slice %arg6[%dma_start3A_325, %dma_start3A_326, %dma_start3A_330] : memref<16x2x128xi32, #tpu.memory_space<vmem>> -> memref<1x1x128xi32, #tpu.memory_space<vmem>>
    %dma_start3A_332 = tpu.memref_squeeze %dma_start3A_331 : memref<1x1x128xi32, #tpu.memory_space<vmem>> -> memref<128xi32, #tpu.memory_space<vmem>>
    %dma_start3A_333 = arith.constant 0 : i32
    %dma_start3A_334 = arith.constant 0 : i32
    %dma_start3A_335 = tpu.memref_slice %arg2[%dma_start3A_333, %dma_start3A_334] : memref<100000x8xf32, #tpu.memory_space<hbm>> -> memref<100000x8xf32, #tpu.memory_space<hbm>>
    tpu.enqueue_indirect_dma source(%dma_start3A_335 : memref<100000x8xf32, #tpu.memory_space<hbm>>) target(%dma_start3A_329 : memref<128x8xf32, #tpu.memory_space<vmem>>) offsets(%dma_start3A_332 : memref<128xi32, #tpu.memory_space<vmem>>) semaphore(%arg16 : memref<!tpu.dma_semaphore, #tpu.memory_space<semaphore_mem>>)
    %dma_start3A_336 = arith.constant 15 : i32
    %dma_start3A_337 = arith.constant 0 : i32
    %dma_start3A_338 = arith.constant 1920 : i32
    %dma_start3A_339 = arith.constant 0 : i32
    %dma_start3A_340 = tpu.memref_slice %arg8[%dma_start3A_338, %dma_start3A_339] : memref<2048x8xf32, #tpu.memory_space<vmem>> -> memref<128x8xf32, #tpu.memory_space<vmem>>
    %dma_start3A_341 = arith.constant 0 : i32
    %dma_start3A_342 = tpu.memref_slice %arg6[%dma_start3A_336, %dma_start3A_337, %dma_start3A_341] : memref<16x2x128xi32, #tpu.memory_space<vmem>> -> memref<1x1x128xi32, #tpu.memory_space<vmem>>
    %dma_start3A_343 = tpu.memref_squeeze %dma_start3A_342 : memref<1x1x128xi32, #tpu.memory_space<vmem>> -> memref<128xi32, #tpu.memory_space<vmem>>
    %dma_start3A_344 = arith.constant 0 : i32
    %dma_start3A_345 = arith.constant 0 : i32
    %dma_start3A_346 = tpu.memref_slice %arg2[%dma_start3A_344, %dma_start3A_345] : memref<100000x8xf32, #tpu.memory_space<hbm>> -> memref<100000x8xf32, #tpu.memory_space<hbm>>
    tpu.enqueue_indirect_dma source(%dma_start3A_346 : memref<100000x8xf32, #tpu.memory_space<hbm>>) target(%dma_start3A_340 : memref<128x8xf32, #tpu.memory_space<vmem>>) offsets(%dma_start3A_343 : memref<128xi32, #tpu.memory_space<vmem>>) semaphore(%arg16 : memref<!tpu.dma_semaphore, #tpu.memory_space<semaphore_mem>>)
    %dma_start3A_347 = arith.constant 15 : i32
    %dma_start3A_348 = arith.constant 1 : i32
    %dma_start3A_349 = arith.constant 1920 : i32
    %dma_start3A_350 = arith.constant 0 : i32
    %dma_start3A_351 = tpu.memref_slice %arg9[%dma_start3A_349, %dma_start3A_350] : memref<2048x8xf32, #tpu.memory_space<vmem>> -> memref<128x8xf32, #tpu.memory_space<vmem>>
    %dma_start3A_352 = arith.constant 0 : i32
    %dma_start3A_353 = tpu.memref_slice %arg6[%dma_start3A_347, %dma_start3A_348, %dma_start3A_352] : memref<16x2x128xi32, #tpu.memory_space<vmem>> -> memref<1x1x128xi32, #tpu.memory_space<vmem>>
    %dma_start3A_354 = tpu.memref_squeeze %dma_start3A_353 : memref<1x1x128xi32, #tpu.memory_space<vmem>> -> memref<128xi32, #tpu.memory_space<vmem>>
    %dma_start3A_355 = arith.constant 0 : i32
    %dma_start3A_356 = arith.constant 0 : i32
    %dma_start3A_357 = tpu.memref_slice %arg2[%dma_start3A_355, %dma_start3A_356] : memref<100000x8xf32, #tpu.memory_space<hbm>> -> memref<100000x8xf32, #tpu.memory_space<hbm>>
    tpu.enqueue_indirect_dma source(%dma_start3A_357 : memref<100000x8xf32, #tpu.memory_space<hbm>>) target(%dma_start3A_351 : memref<128x8xf32, #tpu.memory_space<vmem>>) offsets(%dma_start3A_354 : memref<128xi32, #tpu.memory_space<vmem>>) semaphore(%arg16 : memref<!tpu.dma_semaphore, #tpu.memory_space<semaphore_mem>>)
    %scan3A = arith.constant 0 : i32
    %scan3A_358 = arith.constant 49 : i32
    %scan3A_359 = arith.addi %scan3A, %scan3A_358 : i32
    %scan3A_360 = arith.constant 1 : i32
    scf.for %scan3A_385 = %scan3A to %scan3A_359 step %scan3A_360  : i32 {
      %mul3A_386 = arith.constant 1 : i32
      %mul3A_387 = arith.muli %scan3A_385, %mul3A_386 : i32
      %add3A_388 = arith.constant 0 : i32
      %add3A_389 = arith.addi %add3A_388, %mul3A_387 : i32
      %mul3A_390 = arith.constant 2 : i32
      %mul3A_391 = arith.muli %mul3A_390, %add3A_389 : i32
      %add3A_392 = arith.constant 0 : i32
      %add3A_393 = arith.addi %mul3A_391, %add3A_392 : i32
      %lt3A_394 = arith.cmpi slt, %add3A_393, %select_n3A : i32
      %convert_element_type3A = arith.extui %lt3A_394 : i1 to i32
      %cond3A = arith.constant 0 : i32
      %cond3A_395 = arith.cmpi ne, %convert_element_type3A, %cond3A : i32
      scf.if %cond3A_395 {
        %add3A_404 = arith.constant 1 : i32
        %add3A_405 = arith.addi %add3A_393, %add3A_404 : i32
        %lt3A_406 = arith.cmpi slt, %add3A_405, %select_n3A : i32
        %convert_element_type3A_407 = arith.extui %lt3A_406 : i1 to i32
        %cond3A_408 = arith.constant 0 : i32
        %cond3A_409 = arith.cmpi ne, %convert_element_type3A_407, %cond3A_408 : i32
        scf.if %cond3A_409 {
          %add3A_786 = arith.constant 1 : i32
          %add3A_787 = arith.addi %add3A_393, %add3A_786 : i32
          %mul3A_788 = arith.constant 32 : i32
          %mul3A_789 = arith.muli %mul3A_788, %add3A_787 : i32
          %add3A_790 = arith.addi %add3A, %mul3A_789 : i32
          %mul3A_791 = arith.constant 16 : i32
          %mul3A_792 = arith.muli %add3A_790, %mul3A_791 : i32
          "tpu.region"() ({
            %run_scoped3A = tpu.sem_alloc : memref<!tpu.dma_semaphore, #tpu.memory_space<semaphore_mem>>
            %dma_start3A_1145 = arith.constant 0 : i32
            %dma_start3A_1146 = arith.constant 0 : i32
            %dma_start3A_1147 = tpu.memref_slice %arg3[%mul3A_792, %dma_start3A_1145, %dma_start3A_1146] : memref<50000x2x128xi32, #tpu.memory_space<hbm>> -> memref<16x2x128xi32, #tpu.memory_space<hbm>>
            %dma_start3A_1148 = arith.constant 0 : i32
            %dma_start3A_1149 = arith.constant 0 : i32
            %dma_start3A_1150 = tpu.memref_slice %arg3[%mul3A_792, %dma_start3A_1148, %dma_start3A_1149] : memref<50000x2x128xi32, #tpu.memory_space<hbm>> -> memref<16x2x128xi32, #tpu.memory_space<hbm>>
            tpu.enqueue_dma source(%dma_start3A_1150 : memref<16x2x128xi32, #tpu.memory_space<hbm>>) target(%arg7 : memref<16x2x128xi32, #tpu.memory_space<vmem>>) target_semaphore(%run_scoped3A : memref<!tpu.dma_semaphore, #tpu.memory_space<semaphore_mem>>)
            %dma_wait3A_1151 = arith.constant 0 : i32
            %dma_wait3A_1152 = arith.constant 0 : i32
            %dma_wait3A_1153 = tpu.memref_slice %arg3[%mul3A_792, %dma_wait3A_1151, %dma_wait3A_1152] : memref<50000x2x128xi32, #tpu.memory_space<hbm>> -> memref<16x2x128xi32, #tpu.memory_space<hbm>>
            %dma_wait3A_1154 = arith.constant 0 : i32
            %dma_wait3A_1155 = arith.constant 0 : i32
            %dma_wait3A_1156 = tpu.memref_slice %arg3[%mul3A_792, %dma_wait3A_1154, %dma_wait3A_1155] : memref<50000x2x128xi32, #tpu.memory_space<hbm>> -> memref<16x2x128xi32, #tpu.memory_space<hbm>>
            tpu.wait_dma2 semaphore(%run_scoped3A : memref<!tpu.dma_semaphore, #tpu.memory_space<semaphore_mem>>) src(%dma_wait3A_1156 : memref<16x2x128xi32, #tpu.memory_space<hbm>>) dst(%arg7 : memref<16x2x128xi32, #tpu.memory_space<vmem>>)
            tpu.yield
          }) : () -> ()
          %dma_start3A_793 = arith.constant 0 : i32
          %dma_start3A_794 = arith.constant 0 : i32
          %dma_start3A_795 = arith.constant 0 : i32
          %dma_start3A_796 = arith.constant 0 : i32
          %dma_start3A_797 = tpu.memref_slice %arg10[%dma_start3A_795, %dma_start3A_796] : memref<2048x8xf32, #tpu.memory_space<vmem>> -> memref<128x8xf32, #tpu.memory_space<vmem>>
          %dma_start3A_798 = arith.constant 0 : i32
          %dma_start3A_799 = tpu.memref_slice %arg7[%dma_start3A_793, %dma_start3A_794, %dma_start3A_798] : memref<16x2x128xi32, #tpu.memory_space<vmem>> -> memref<1x1x128xi32, #tpu.memory_space<vmem>>
          %dma_start3A_800 = tpu.memref_squeeze %dma_start3A_799 : memref<1x1x128xi32, #tpu.memory_space<vmem>> -> memref<128xi32, #tpu.memory_space<vmem>>
          %dma_start3A_801 = arith.constant 0 : i32
          %dma_start3A_802 = arith.constant 0 : i32
          %dma_start3A_803 = tpu.memref_slice %arg2[%dma_start3A_801, %dma_start3A_802] : memref<100000x8xf32, #tpu.memory_space<hbm>> -> memref<100000x8xf32, #tpu.memory_space<hbm>>
          tpu.enqueue_indirect_dma source(%dma_start3A_803 : memref<100000x8xf32, #tpu.memory_space<hbm>>) target(%dma_start3A_797 : memref<128x8xf32, #tpu.memory_space<vmem>>) offsets(%dma_start3A_800 : memref<128xi32, #tpu.memory_space<vmem>>) semaphore(%arg17 : memref<!tpu.dma_semaphore, #tpu.memory_space<semaphore_mem>>)
          %dma_start3A_804 = arith.constant 0 : i32
          %dma_start3A_805 = arith.constant 1 : i32
          %dma_start3A_806 = arith.constant 0 : i32
          %dma_start3A_807 = arith.constant 0 : i32
          %dma_start3A_808 = tpu.memref_slice %arg11[%dma_start3A_806, %dma_start3A_807] : memref<2048x8xf32, #tpu.memory_space<vmem>> -> memref<128x8xf32, #tpu.memory_space<vmem>>
          %dma_start3A_809 = arith.constant 0 : i32
          %dma_start3A_810 = tpu.memref_slice %arg7[%dma_start3A_804, %dma_start3A_805, %dma_start3A_809] : memref<16x2x128xi32, #tpu.memory_space<vmem>> -> memref<1x1x128xi32, #tpu.memory_space<vmem>>
          %dma_start3A_811 = tpu.memref_squeeze %dma_start3A_810 : memref<1x1x128xi32, #tpu.memory_space<vmem>> -> memref<128xi32, #tpu.memory_space<vmem>>
          %dma_start3A_812 = arith.constant 0 : i32
          %dma_start3A_813 = arith.constant 0 : i32
          %dma_start3A_814 = tpu.memref_slice %arg2[%dma_start3A_812, %dma_start3A_813] : memref<100000x8xf32, #tpu.memory_space<hbm>> -> memref<100000x8xf32, #tpu.memory_space<hbm>>
          tpu.enqueue_indirect_dma source(%dma_start3A_814 : memref<100000x8xf32, #tpu.memory_space<hbm>>) target(%dma_start3A_808 : memref<128x8xf32, #tpu.memory_space<vmem>>) offsets(%dma_start3A_811 : memref<128xi32, #tpu.memory_space<vmem>>) semaphore(%arg17 : memref<!tpu.dma_semaphore, #tpu.memory_space<semaphore_mem>>)
          %dma_start3A_815 = arith.constant 1 : i32
          %dma_start3A_816 = arith.constant 0 : i32
          %dma_start3A_817 = arith.constant 128 : i32
          %dma_start3A_818 = arith.constant 0 : i32
          %dma_start3A_819 = tpu.memref_slice %arg10[%dma_start3A_817, %dma_start3A_818] : memref<2048x8xf32, #tpu.memory_space<vmem>> -> memref<128x8xf32, #tpu.memory_space<vmem>>
          %dma_start3A_820 = arith.constant 0 : i32
          %dma_start3A_821 = tpu.memref_slice %arg7[%dma_start3A_815, %dma_start3A_816, %dma_start3A_820] : memref<16x2x128xi32, #tpu.memory_space<vmem>> -> memref<1x1x128xi32, #tpu.memory_space<vmem>>
          %dma_start3A_822 = tpu.memref_squeeze %dma_start3A_821 : memref<1x1x128xi32, #tpu.memory_space<vmem>> -> memref<128xi32, #tpu.memory_space<vmem>>
          %dma_start3A_823 = arith.constant 0 : i32
          %dma_start3A_824 = arith.constant 0 : i32
          %dma_start3A_825 = tpu.memref_slice %arg2[%dma_start3A_823, %dma_start3A_824] : memref<100000x8xf32, #tpu.memory_space<hbm>> -> memref<100000x8xf32, #tpu.memory_space<hbm>>
          tpu.enqueue_indirect_dma source(%dma_start3A_825 : memref<100000x8xf32, #tpu.memory_space<hbm>>) target(%dma_start3A_819 : memref<128x8xf32, #tpu.memory_space<vmem>>) offsets(%dma_start3A_822 : memref<128xi32, #tpu.memory_space<vmem>>) semaphore(%arg17 : memref<!tpu.dma_semaphore, #tpu.memory_space<semaphore_mem>>)
          %dma_start3A_826 = arith.constant 1 : i32
          %dma_start3A_827 = arith.constant 1 : i32
          %dma_start3A_828 = arith.constant 128 : i32
          %dma_start3A_829 = arith.constant 0 : i32
          %dma_start3A_830 = tpu.memref_slice %arg11[%dma_start3A_828, %dma_start3A_829] : memref<2048x8xf32, #tpu.memory_space<vmem>> -> memref<128x8xf32, #tpu.memory_space<vmem>>
          %dma_start3A_831 = arith.constant 0 : i32
          %dma_start3A_832 = tpu.memref_slice %arg7[%dma_start3A_826, %dma_start3A_827, %dma_start3A_831] : memref<16x2x128xi32, #tpu.memory_space<vmem>> -> memref<1x1x128xi32, #tpu.memory_space<vmem>>
          %dma_start3A_833 = tpu.memref_squeeze %dma_start3A_832 : memref<1x1x128xi32, #tpu.memory_space<vmem>> -> memref<128xi32, #tpu.memory_space<vmem>>
          %dma_start3A_834 = arith.constant 0 : i32
          %dma_start3A_835 = arith.constant 0 : i32
          %dma_start3A_836 = tpu.memref_slice %arg2[%dma_start3A_834, %dma_start3A_835] : memref<100000x8xf32, #tpu.memory_space<hbm>> -> memref<100000x8xf32, #tpu.memory_space<hbm>>
          tpu.enqueue_indirect_dma source(%dma_start3A_836 : memref<100000x8xf32, #tpu.memory_space<hbm>>) target(%dma_start3A_830 : memref<128x8xf32, #tpu.memory_space<vmem>>) offsets(%dma_start3A_833 : memref<128xi32, #tpu.memory_space<vmem>>) semaphore(%arg17 : memref<!tpu.dma_semaphore, #tpu.memory_space<semaphore_mem>>)
          %dma_start3A_837 = arith.constant 2 : i32
          %dma_start3A_838 = arith.constant 0 : i32
          %dma_start3A_839 = arith.constant 256 : i32
          %dma_start3A_840 = arith.constant 0 : i32
          %dma_start3A_841 = tpu.memref_slice %arg10[%dma_start3A_839, %dma_start3A_840] : memref<2048x8xf32, #tpu.memory_space<vmem>> -> memref<128x8xf32, #tpu.memory_space<vmem>>
          %dma_start3A_842 = arith.constant 0 : i32
          %dma_start3A_843 = tpu.memref_slice %arg7[%dma_start3A_837, %dma_start3A_838, %dma_start3A_842] : memref<16x2x128xi32, #tpu.memory_space<vmem>> -> memref<1x1x128xi32, #tpu.memory_space<vmem>>
          %dma_start3A_844 = tpu.memref_squeeze %dma_start3A_843 : memref<1x1x128xi32, #tpu.memory_space<vmem>> -> memref<128xi32, #tpu.memory_space<vmem>>
          %dma_start3A_845 = arith.constant 0 : i32
          %dma_start3A_846 = arith.constant 0 : i32
          %dma_start3A_847 = tpu.memref_slice %arg2[%dma_start3A_845, %dma_start3A_846] : memref<100000x8xf32, #tpu.memory_space<hbm>> -> memref<100000x8xf32, #tpu.memory_space<hbm>>
          tpu.enqueue_indirect_dma source(%dma_start3A_847 : memref<100000x8xf32, #tpu.memory_space<hbm>>) target(%dma_start3A_841 : memref<128x8xf32, #tpu.memory_space<vmem>>) offsets(%dma_start3A_844 : memref<128xi32, #tpu.memory_space<vmem>>) semaphore(%arg17 : memref<!tpu.dma_semaphore, #tpu.memory_space<semaphore_mem>>)
          %dma_start3A_848 = arith.constant 2 : i32
          %dma_start3A_849 = arith.constant 1 : i32
          %dma_start3A_850 = arith.constant 256 : i32
          %dma_start3A_851 = arith.constant 0 : i32
          %dma_start3A_852 = tpu.memref_slice %arg11[%dma_start3A_850, %dma_start3A_851] : memref<2048x8xf32, #tpu.memory_space<vmem>> -> memref<128x8xf32, #tpu.memory_space<vmem>>
          %dma_start3A_853 = arith.constant 0 : i32
          %dma_start3A_854 = tpu.memref_slice %arg7[%dma_start3A_848, %dma_start3A_849, %dma_start3A_853] : memref<16x2x128xi32, #tpu.memory_space<vmem>> -> memref<1x1x128xi32, #tpu.memory_space<vmem>>
          %dma_start3A_855 = tpu.memref_squeeze %dma_start3A_854 : memref<1x1x128xi32, #tpu.memory_space<vmem>> -> memref<128xi32, #tpu.memory_space<vmem>>
          %dma_start3A_856 = arith.constant 0 : i32
          %dma_start3A_857 = arith.constant 0 : i32
          %dma_start3A_858 = tpu.memref_slice %arg2[%dma_start3A_856, %dma_start3A_857] : memref<100000x8xf32, #tpu.memory_space<hbm>> -> memref<100000x8xf32, #tpu.memory_space<hbm>>
          tpu.enqueue_indirect_dma source(%dma_start3A_858 : memref<100000x8xf32, #tpu.memory_space<hbm>>) target(%dma_start3A_852 : memref<128x8xf32, #tpu.memory_space<vmem>>) offsets(%dma_start3A_855 : memref<128xi32, #tpu.memory_space<vmem>>) semaphore(%arg17 : memref<!tpu.dma_semaphore, #tpu.memory_space<semaphore_mem>>)
          %dma_start3A_859 = arith.constant 3 : i32
          %dma_start3A_860 = arith.constant 0 : i32
          %dma_start3A_861 = arith.constant 384 : i32
          %dma_start3A_862 = arith.constant 0 : i32
          %dma_start3A_863 = tpu.memref_slice %arg10[%dma_start3A_861, %dma_start3A_862] : memref<2048x8xf32, #tpu.memory_space<vmem>> -> memref<128x8xf32, #tpu.memory_space<vmem>>
          %dma_start3A_864 = arith.constant 0 : i32
          %dma_start3A_865 = tpu.memref_slice %arg7[%dma_start3A_859, %dma_start3A_860, %dma_start3A_864] : memref<16x2x128xi32, #tpu.memory_space<vmem>> -> memref<1x1x128xi32, #tpu.memory_space<vmem>>
          %dma_start3A_866 = tpu.memref_squeeze %dma_start3A_865 : memref<1x1x128xi32, #tpu.memory_space<vmem>> -> memref<128xi32, #tpu.memory_space<vmem>>
          %dma_start3A_867 = arith.constant 0 : i32
          %dma_start3A_868 = arith.constant 0 : i32
          %dma_start3A_869 = tpu.memref_slice %arg2[%dma_start3A_867, %dma_start3A_868] : memref<100000x8xf32, #tpu.memory_space<hbm>> -> memref<100000x8xf32, #tpu.memory_space<hbm>>
          tpu.enqueue_indirect_dma source(%dma_start3A_869 : memref<100000x8xf32, #tpu.memory_space<hbm>>) target(%dma_start3A_863 : memref<128x8xf32, #tpu.memory_space<vmem>>) offsets(%dma_start3A_866 : memref<128xi32, #tpu.memory_space<vmem>>) semaphore(%arg17 : memref<!tpu.dma_semaphore, #tpu.memory_space<semaphore_mem>>)
          %dma_start3A_870 = arith.constant 3 : i32
          %dma_start3A_871 = arith.constant 1 : i32
          %dma_start3A_872 = arith.constant 384 : i32
          %dma_start3A_873 = arith.constant 0 : i32
          %dma_start3A_874 = tpu.memref_slice %arg11[%dma_start3A_872, %dma_start3A_873] : memref<2048x8xf32, #tpu.memory_space<vmem>> -> memref<128x8xf32, #tpu.memory_space<vmem>>
          %dma_start3A_875 = arith.constant 0 : i32
          %dma_start3A_876 = tpu.memref_slice %arg7[%dma_start3A_870, %dma_start3A_871, %dma_start3A_875] : memref<16x2x128xi32, #tpu.memory_space<vmem>> -> memref<1x1x128xi32, #tpu.memory_space<vmem>>
          %dma_start3A_877 = tpu.memref_squeeze %dma_start3A_876 : memref<1x1x128xi32, #tpu.memory_space<vmem>> -> memref<128xi32, #tpu.memory_space<vmem>>
          %dma_start3A_878 = arith.constant 0 : i32
          %dma_start3A_879 = arith.constant 0 : i32
          %dma_start3A_880 = tpu.memref_slice %arg2[%dma_start3A_878, %dma_start3A_879] : memref<100000x8xf32, #tpu.memory_space<hbm>> -> memref<100000x8xf32, #tpu.memory_space<hbm>>
          tpu.enqueue_indirect_dma source(%dma_start3A_880 : memref<100000x8xf32, #tpu.memory_space<hbm>>) target(%dma_start3A_874 : memref<128x8xf32, #tpu.memory_space<vmem>>) offsets(%dma_start3A_877 : memref<128xi32, #tpu.memory_space<vmem>>) semaphore(%arg17 : memref<!tpu.dma_semaphore, #tpu.memory_space<semaphore_mem>>)
          %dma_start3A_881 = arith.constant 4 : i32
          %dma_start3A_882 = arith.constant 0 : i32
          %dma_start3A_883 = arith.constant 512 : i32
          %dma_start3A_884 = arith.constant 0 : i32
          %dma_start3A_885 = tpu.memref_slice %arg10[%dma_start3A_883, %dma_start3A_884] : memref<2048x8xf32, #tpu.memory_space<vmem>> -> memref<128x8xf32, #tpu.memory_space<vmem>>
          %dma_start3A_886 = arith.constant 0 : i32
          %dma_start3A_887 = tpu.memref_slice %arg7[%dma_start3A_881, %dma_start3A_882, %dma_start3A_886] : memref<16x2x128xi32, #tpu.memory_space<vmem>> -> memref<1x1x128xi32, #tpu.memory_space<vmem>>
          %dma_start3A_888 = tpu.memref_squeeze %dma_start3A_887 : memref<1x1x128xi32, #tpu.memory_space<vmem>> -> memref<128xi32, #tpu.memory_space<vmem>>
          %dma_start3A_889 = arith.constant 0 : i32
          %dma_start3A_890 = arith.constant 0 : i32
          %dma_start3A_891 = tpu.memref_slice %arg2[%dma_start3A_889, %dma_start3A_890] : memref<100000x8xf32, #tpu.memory_space<hbm>> -> memref<100000x8xf32, #tpu.memory_space<hbm>>
          tpu.enqueue_indirect_dma source(%dma_start3A_891 : memref<100000x8xf32, #tpu.memory_space<hbm>>) target(%dma_start3A_885 : memref<128x8xf32, #tpu.memory_space<vmem>>) offsets(%dma_start3A_888 : memref<128xi32, #tpu.memory_space<vmem>>) semaphore(%arg17 : memref<!tpu.dma_semaphore, #tpu.memory_space<semaphore_mem>>)
          %dma_start3A_892 = arith.constant 4 : i32
          %dma_start3A_893 = arith.constant 1 : i32
          %dma_start3A_894 = arith.constant 512 : i32
          %dma_start3A_895 = arith.constant 0 : i32
          %dma_start3A_896 = tpu.memref_slice %arg11[%dma_start3A_894, %dma_start3A_895] : memref<2048x8xf32, #tpu.memory_space<vmem>> -> memref<128x8xf32, #tpu.memory_space<vmem>>
          %dma_start3A_897 = arith.constant 0 : i32
          %dma_start3A_898 = tpu.memref_slice %arg7[%dma_start3A_892, %dma_start3A_893, %dma_start3A_897] : memref<16x2x128xi32, #tpu.memory_space<vmem>> -> memref<1x1x128xi32, #tpu.memory_space<vmem>>
          %dma_start3A_899 = tpu.memref_squeeze %dma_start3A_898 : memref<1x1x128xi32, #tpu.memory_space<vmem>> -> memref<128xi32, #tpu.memory_space<vmem>>
          %dma_start3A_900 = arith.constant 0 : i32
          %dma_start3A_901 = arith.constant 0 : i32
          %dma_start3A_902 = tpu.memref_slice %arg2[%dma_start3A_900, %dma_start3A_901] : memref<100000x8xf32, #tpu.memory_space<hbm>> -> memref<100000x8xf32, #tpu.memory_space<hbm>>
          tpu.enqueue_indirect_dma source(%dma_start3A_902 : memref<100000x8xf32, #tpu.memory_space<hbm>>) target(%dma_start3A_896 : memref<128x8xf32, #tpu.memory_space<vmem>>) offsets(%dma_start3A_899 : memref<128xi32, #tpu.memory_space<vmem>>) semaphore(%arg17 : memref<!tpu.dma_semaphore, #tpu.memory_space<semaphore_mem>>)
          %dma_start3A_903 = arith.constant 5 : i32
          %dma_start3A_904 = arith.constant 0 : i32
          %dma_start3A_905 = arith.constant 640 : i32
          %dma_start3A_906 = arith.constant 0 : i32
          %dma_start3A_907 = tpu.memref_slice %arg10[%dma_start3A_905, %dma_start3A_906] : memref<2048x8xf32, #tpu.memory_space<vmem>> -> memref<128x8xf32, #tpu.memory_space<vmem>>
          %dma_start3A_908 = arith.constant 0 : i32
          %dma_start3A_909 = tpu.memref_slice %arg7[%dma_start3A_903, %dma_start3A_904, %dma_start3A_908] : memref<16x2x128xi32, #tpu.memory_space<vmem>> -> memref<1x1x128xi32, #tpu.memory_space<vmem>>
          %dma_start3A_910 = tpu.memref_squeeze %dma_start3A_909 : memref<1x1x128xi32, #tpu.memory_space<vmem>> -> memref<128xi32, #tpu.memory_space<vmem>>
          %dma_start3A_911 = arith.constant 0 : i32
          %dma_start3A_912 = arith.constant 0 : i32
          %dma_start3A_913 = tpu.memref_slice %arg2[%dma_start3A_911, %dma_start3A_912] : memref<100000x8xf32, #tpu.memory_space<hbm>> -> memref<100000x8xf32, #tpu.memory_space<hbm>>
          tpu.enqueue_indirect_dma source(%dma_start3A_913 : memref<100000x8xf32, #tpu.memory_space<hbm>>) target(%dma_start3A_907 : memref<128x8xf32, #tpu.memory_space<vmem>>) offsets(%dma_start3A_910 : memref<128xi32, #tpu.memory_space<vmem>>) semaphore(%arg17 : memref<!tpu.dma_semaphore, #tpu.memory_space<semaphore_mem>>)
          %dma_start3A_914 = arith.constant 5 : i32
          %dma_start3A_915 = arith.constant 1 : i32
          %dma_start3A_916 = arith.constant 640 : i32
          %dma_start3A_917 = arith.constant 0 : i32
          %dma_start3A_918 = tpu.memref_slice %arg11[%dma_start3A_916, %dma_start3A_917] : memref<2048x8xf32, #tpu.memory_space<vmem>> -> memref<128x8xf32, #tpu.memory_space<vmem>>
          %dma_start3A_919 = arith.constant 0 : i32
          %dma_start3A_920 = tpu.memref_slice %arg7[%dma_start3A_914, %dma_start3A_915, %dma_start3A_919] : memref<16x2x128xi32, #tpu.memory_space<vmem>> -> memref<1x1x128xi32, #tpu.memory_space<vmem>>
          %dma_start3A_921 = tpu.memref_squeeze %dma_start3A_920 : memref<1x1x128xi32, #tpu.memory_space<vmem>> -> memref<128xi32, #tpu.memory_space<vmem>>
          %dma_start3A_922 = arith.constant 0 : i32
          %dma_start3A_923 = arith.constant 0 : i32
          %dma_start3A_924 = tpu.memref_slice %arg2[%dma_start3A_922, %dma_start3A_923] : memref<100000x8xf32, #tpu.memory_space<hbm>> -> memref<100000x8xf32, #tpu.memory_space<hbm>>
          tpu.enqueue_indirect_dma source(%dma_start3A_924 : memref<100000x8xf32, #tpu.memory_space<hbm>>) target(%dma_start3A_918 : memref<128x8xf32, #tpu.memory_space<vmem>>) offsets(%dma_start3A_921 : memref<128xi32, #tpu.memory_space<vmem>>) semaphore(%arg17 : memref<!tpu.dma_semaphore, #tpu.memory_space<semaphore_mem>>)
          %dma_start3A_925 = arith.constant 6 : i32
          %dma_start3A_926 = arith.constant 0 : i32
          %dma_start3A_927 = arith.constant 768 : i32
          %dma_start3A_928 = arith.constant 0 : i32
          %dma_start3A_929 = tpu.memref_slice %arg10[%dma_start3A_927, %dma_start3A_928] : memref<2048x8xf32, #tpu.memory_space<vmem>> -> memref<128x8xf32, #tpu.memory_space<vmem>>
          %dma_start3A_930 = arith.constant 0 : i32
          %dma_start3A_931 = tpu.memref_slice %arg7[%dma_start3A_925, %dma_start3A_926, %dma_start3A_930] : memref<16x2x128xi32, #tpu.memory_space<vmem>> -> memref<1x1x128xi32, #tpu.memory_space<vmem>>
          %dma_start3A_932 = tpu.memref_squeeze %dma_start3A_931 : memref<1x1x128xi32, #tpu.memory_space<vmem>> -> memref<128xi32, #tpu.memory_space<vmem>>
          %dma_start3A_933 = arith.constant 0 : i32
          %dma_start3A_934 = arith.constant 0 : i32
          %dma_start3A_935 = tpu.memref_slice %arg2[%dma_start3A_933, %dma_start3A_934] : memref<100000x8xf32, #tpu.memory_space<hbm>> -> memref<100000x8xf32, #tpu.memory_space<hbm>>
          tpu.enqueue_indirect_dma source(%dma_start3A_935 : memref<100000x8xf32, #tpu.memory_space<hbm>>) target(%dma_start3A_929 : memref<128x8xf32, #tpu.memory_space<vmem>>) offsets(%dma_start3A_932 : memref<128xi32, #tpu.memory_space<vmem>>) semaphore(%arg17 : memref<!tpu.dma_semaphore, #tpu.memory_space<semaphore_mem>>)
          %dma_start3A_936 = arith.constant 6 : i32
          %dma_start3A_937 = arith.constant 1 : i32
          %dma_start3A_938 = arith.constant 768 : i32
          %dma_start3A_939 = arith.constant 0 : i32
          %dma_start3A_940 = tpu.memref_slice %arg11[%dma_start3A_938, %dma_start3A_939] : memref<2048x8xf32, #tpu.memory_space<vmem>> -> memref<128x8xf32, #tpu.memory_space<vmem>>
          %dma_start3A_941 = arith.constant 0 : i32
          %dma_start3A_942 = tpu.memref_slice %arg7[%dma_start3A_936, %dma_start3A_937, %dma_start3A_941] : memref<16x2x128xi32, #tpu.memory_space<vmem>> -> memref<1x1x128xi32, #tpu.memory_space<vmem>>
          %dma_start3A_943 = tpu.memref_squeeze %dma_start3A_942 : memref<1x1x128xi32, #tpu.memory_space<vmem>> -> memref<128xi32, #tpu.memory_space<vmem>>
          %dma_start3A_944 = arith.constant 0 : i32
          %dma_start3A_945 = arith.constant 0 : i32
          %dma_start3A_946 = tpu.memref_slice %arg2[%dma_start3A_944, %dma_start3A_945] : memref<100000x8xf32, #tpu.memory_space<hbm>> -> memref<100000x8xf32, #tpu.memory_space<hbm>>
          tpu.enqueue_indirect_dma source(%dma_start3A_946 : memref<100000x8xf32, #tpu.memory_space<hbm>>) target(%dma_start3A_940 : memref<128x8xf32, #tpu.memory_space<vmem>>) offsets(%dma_start3A_943 : memref<128xi32, #tpu.memory_space<vmem>>) semaphore(%arg17 : memref<!tpu.dma_semaphore, #tpu.memory_space<semaphore_mem>>)
          %dma_start3A_947 = arith.constant 7 : i32
          %dma_start3A_948 = arith.constant 0 : i32
          %dma_start3A_949 = arith.constant 896 : i32
          %dma_start3A_950 = arith.constant 0 : i32
          %dma_start3A_951 = tpu.memref_slice %arg10[%dma_start3A_949, %dma_start3A_950] : memref<2048x8xf32, #tpu.memory_space<vmem>> -> memref<128x8xf32, #tpu.memory_space<vmem>>
          %dma_start3A_952 = arith.constant 0 : i32
          %dma_start3A_953 = tpu.memref_slice %arg7[%dma_start3A_947, %dma_start3A_948, %dma_start3A_952] : memref<16x2x128xi32, #tpu.memory_space<vmem>> -> memref<1x1x128xi32, #tpu.memory_space<vmem>>
          %dma_start3A_954 = tpu.memref_squeeze %dma_start3A_953 : memref<1x1x128xi32, #tpu.memory_space<vmem>> -> memref<128xi32, #tpu.memory_space<vmem>>
          %dma_start3A_955 = arith.constant 0 : i32
          %dma_start3A_956 = arith.constant 0 : i32
          %dma_start3A_957 = tpu.memref_slice %arg2[%dma_start3A_955, %dma_start3A_956] : memref<100000x8xf32, #tpu.memory_space<hbm>> -> memref<100000x8xf32, #tpu.memory_space<hbm>>
          tpu.enqueue_indirect_dma source(%dma_start3A_957 : memref<100000x8xf32, #tpu.memory_space<hbm>>) target(%dma_start3A_951 : memref<128x8xf32, #tpu.memory_space<vmem>>) offsets(%dma_start3A_954 : memref<128xi32, #tpu.memory_space<vmem>>) semaphore(%arg17 : memref<!tpu.dma_semaphore, #tpu.memory_space<semaphore_mem>>)
          %dma_start3A_958 = arith.constant 7 : i32
          %dma_start3A_959 = arith.constant 1 : i32
          %dma_start3A_960 = arith.constant 896 : i32
          %dma_start3A_961 = arith.constant 0 : i32
          %dma_start3A_962 = tpu.memref_slice %arg11[%dma_start3A_960, %dma_start3A_961] : memref<2048x8xf32, #tpu.memory_space<vmem>> -> memref<128x8xf32, #tpu.memory_space<vmem>>
          %dma_start3A_963 = arith.constant 0 : i32
          %dma_start3A_964 = tpu.memref_slice %arg7[%dma_start3A_958, %dma_start3A_959, %dma_start3A_963] : memref<16x2x128xi32, #tpu.memory_space<vmem>> -> memref<1x1x128xi32, #tpu.memory_space<vmem>>
          %dma_start3A_965 = tpu.memref_squeeze %dma_start3A_964 : memref<1x1x128xi32, #tpu.memory_space<vmem>> -> memref<128xi32, #tpu.memory_space<vmem>>
          %dma_start3A_966 = arith.constant 0 : i32
          %dma_start3A_967 = arith.constant 0 : i32
          %dma_start3A_968 = tpu.memref_slice %arg2[%dma_start3A_966, %dma_start3A_967] : memref<100000x8xf32, #tpu.memory_space<hbm>> -> memref<100000x8xf32, #tpu.memory_space<hbm>>
          tpu.enqueue_indirect_dma source(%dma_start3A_968 : memref<100000x8xf32, #tpu.memory_space<hbm>>) target(%dma_start3A_962 : memref<128x8xf32, #tpu.memory_space<vmem>>) offsets(%dma_start3A_965 : memref<128xi32, #tpu.memory_space<vmem>>) semaphore(%arg17 : memref<!tpu.dma_semaphore, #tpu.memory_space<semaphore_mem>>)
          %dma_start3A_969 = arith.constant 8 : i32
          %dma_start3A_970 = arith.constant 0 : i32
          %dma_start3A_971 = arith.constant 1024 : i32
          %dma_start3A_972 = arith.constant 0 : i32
          %dma_start3A_973 = tpu.memref_slice %arg10[%dma_start3A_971, %dma_start3A_972] : memref<2048x8xf32, #tpu.memory_space<vmem>> -> memref<128x8xf32, #tpu.memory_space<vmem>>
          %dma_start3A_974 = arith.constant 0 : i32
          %dma_start3A_975 = tpu.memref_slice %arg7[%dma_start3A_969, %dma_start3A_970, %dma_start3A_974] : memref<16x2x128xi32, #tpu.memory_space<vmem>> -> memref<1x1x128xi32, #tpu.memory_space<vmem>>
          %dma_start3A_976 = tpu.memref_squeeze %dma_start3A_975 : memref<1x1x128xi32, #tpu.memory_space<vmem>> -> memref<128xi32, #tpu.memory_space<vmem>>
          %dma_start3A_977 = arith.constant 0 : i32
          %dma_start3A_978 = arith.constant 0 : i32
          %dma_start3A_979 = tpu.memref_slice %arg2[%dma_start3A_977, %dma_start3A_978] : memref<100000x8xf32, #tpu.memory_space<hbm>> -> memref<100000x8xf32, #tpu.memory_space<hbm>>
          tpu.enqueue_indirect_dma source(%dma_start3A_979 : memref<100000x8xf32, #tpu.memory_space<hbm>>) target(%dma_start3A_973 : memref<128x8xf32, #tpu.memory_space<vmem>>) offsets(%dma_start3A_976 : memref<128xi32, #tpu.memory_space<vmem>>) semaphore(%arg17 : memref<!tpu.dma_semaphore, #tpu.memory_space<semaphore_mem>>)
          %dma_start3A_980 = arith.constant 8 : i32
          %dma_start3A_981 = arith.constant 1 : i32
          %dma_start3A_982 = arith.constant 1024 : i32
          %dma_start3A_983 = arith.constant 0 : i32
          %dma_start3A_984 = tpu.memref_slice %arg11[%dma_start3A_982, %dma_start3A_983] : memref<2048x8xf32, #tpu.memory_space<vmem>> -> memref<128x8xf32, #tpu.memory_space<vmem>>
          %dma_start3A_985 = arith.constant 0 : i32
          %dma_start3A_986 = tpu.memref_slice %arg7[%dma_start3A_980, %dma_start3A_981, %dma_start3A_985] : memref<16x2x128xi32, #tpu.memory_space<vmem>> -> memref<1x1x128xi32, #tpu.memory_space<vmem>>
          %dma_start3A_987 = tpu.memref_squeeze %dma_start3A_986 : memref<1x1x128xi32, #tpu.memory_space<vmem>> -> memref<128xi32, #tpu.memory_space<vmem>>
          %dma_start3A_988 = arith.constant 0 : i32
          %dma_start3A_989 = arith.constant 0 : i32
          %dma_start3A_990 = tpu.memref_slice %arg2[%dma_start3A_988, %dma_start3A_989] : memref<100000x8xf32, #tpu.memory_space<hbm>> -> memref<100000x8xf32, #tpu.memory_space<hbm>>
          tpu.enqueue_indirect_dma source(%dma_start3A_990 : memref<100000x8xf32, #tpu.memory_space<hbm>>) target(%dma_start3A_984 : memref<128x8xf32, #tpu.memory_space<vmem>>) offsets(%dma_start3A_987 : memref<128xi32, #tpu.memory_space<vmem>>) semaphore(%arg17 : memref<!tpu.dma_semaphore, #tpu.memory_space<semaphore_mem>>)
          %dma_start3A_991 = arith.constant 9 : i32
          %dma_start3A_992 = arith.constant 0 : i32
          %dma_start3A_993 = arith.constant 1152 : i32
          %dma_start3A_994 = arith.constant 0 : i32
          %dma_start3A_995 = tpu.memref_slice %arg10[%dma_start3A_993, %dma_start3A_994] : memref<2048x8xf32, #tpu.memory_space<vmem>> -> memref<128x8xf32, #tpu.memory_space<vmem>>
          %dma_start3A_996 = arith.constant 0 : i32
          %dma_start3A_997 = tpu.memref_slice %arg7[%dma_start3A_991, %dma_start3A_992, %dma_start3A_996] : memref<16x2x128xi32, #tpu.memory_space<vmem>> -> memref<1x1x128xi32, #tpu.memory_space<vmem>>
          %dma_start3A_998 = tpu.memref_squeeze %dma_start3A_997 : memref<1x1x128xi32, #tpu.memory_space<vmem>> -> memref<128xi32, #tpu.memory_space<vmem>>
          %dma_start3A_999 = arith.constant 0 : i32
          %dma_start3A_1000 = arith.constant 0 : i32
          %dma_start3A_1001 = tpu.memref_slice %arg2[%dma_start3A_999, %dma_start3A_1000] : memref<100000x8xf32, #tpu.memory_space<hbm>> -> memref<100000x8xf32, #tpu.memory_space<hbm>>
          tpu.enqueue_indirect_dma source(%dma_start3A_1001 : memref<100000x8xf32, #tpu.memory_space<hbm>>) target(%dma_start3A_995 : memref<128x8xf32, #tpu.memory_space<vmem>>) offsets(%dma_start3A_998 : memref<128xi32, #tpu.memory_space<vmem>>) semaphore(%arg17 : memref<!tpu.dma_semaphore, #tpu.memory_space<semaphore_mem>>)
          %dma_start3A_1002 = arith.constant 9 : i32
          %dma_start3A_1003 = arith.constant 1 : i32
          %dma_start3A_1004 = arith.constant 1152 : i32
          %dma_start3A_1005 = arith.constant 0 : i32
          %dma_start3A_1006 = tpu.memref_slice %arg11[%dma_start3A_1004, %dma_start3A_1005] : memref<2048x8xf32, #tpu.memory_space<vmem>> -> memref<128x8xf32, #tpu.memory_space<vmem>>
          %dma_start3A_1007 = arith.constant 0 : i32
          %dma_start3A_1008 = tpu.memref_slice %arg7[%dma_start3A_1002, %dma_start3A_1003, %dma_start3A_1007] : memref<16x2x128xi32, #tpu.memory_space<vmem>> -> memref<1x1x128xi32, #tpu.memory_space<vmem>>
          %dma_start3A_1009 = tpu.memref_squeeze %dma_start3A_1008 : memref<1x1x128xi32, #tpu.memory_space<vmem>> -> memref<128xi32, #tpu.memory_space<vmem>>
          %dma_start3A_1010 = arith.constant 0 : i32
          %dma_start3A_1011 = arith.constant 0 : i32
          %dma_start3A_1012 = tpu.memref_slice %arg2[%dma_start3A_1010, %dma_start3A_1011] : memref<100000x8xf32, #tpu.memory_space<hbm>> -> memref<100000x8xf32, #tpu.memory_space<hbm>>
          tpu.enqueue_indirect_dma source(%dma_start3A_1012 : memref<100000x8xf32, #tpu.memory_space<hbm>>) target(%dma_start3A_1006 : memref<128x8xf32, #tpu.memory_space<vmem>>) offsets(%dma_start3A_1009 : memref<128xi32, #tpu.memory_space<vmem>>) semaphore(%arg17 : memref<!tpu.dma_semaphore, #tpu.memory_space<semaphore_mem>>)
          %dma_start3A_1013 = arith.constant 10 : i32
          %dma_start3A_1014 = arith.constant 0 : i32
          %dma_start3A_1015 = arith.constant 1280 : i32
          %dma_start3A_1016 = arith.constant 0 : i32
          %dma_start3A_1017 = tpu.memref_slice %arg10[%dma_start3A_1015, %dma_start3A_1016] : memref<2048x8xf32, #tpu.memory_space<vmem>> -> memref<128x8xf32, #tpu.memory_space<vmem>>
          %dma_start3A_1018 = arith.constant 0 : i32
          %dma_start3A_1019 = tpu.memref_slice %arg7[%dma_start3A_1013, %dma_start3A_1014, %dma_start3A_1018] : memref<16x2x128xi32, #tpu.memory_space<vmem>> -> memref<1x1x128xi32, #tpu.memory_space<vmem>>
          %dma_start3A_1020 = tpu.memref_squeeze %dma_start3A_1019 : memref<1x1x128xi32, #tpu.memory_space<vmem>> -> memref<128xi32, #tpu.memory_space<vmem>>
          %dma_start3A_1021 = arith.constant 0 : i32
          %dma_start3A_1022 = arith.constant 0 : i32
          %dma_start3A_1023 = tpu.memref_slice %arg2[%dma_start3A_1021, %dma_start3A_1022] : memref<100000x8xf32, #tpu.memory_space<hbm>> -> memref<100000x8xf32, #tpu.memory_space<hbm>>
          tpu.enqueue_indirect_dma source(%dma_start3A_1023 : memref<100000x8xf32, #tpu.memory_space<hbm>>) target(%dma_start3A_1017 : memref<128x8xf32, #tpu.memory_space<vmem>>) offsets(%dma_start3A_1020 : memref<128xi32, #tpu.memory_space<vmem>>) semaphore(%arg17 : memref<!tpu.dma_semaphore, #tpu.memory_space<semaphore_mem>>)
          %dma_start3A_1024 = arith.constant 10 : i32
          %dma_start3A_1025 = arith.constant 1 : i32
          %dma_start3A_1026 = arith.constant 1280 : i32
          %dma_start3A_1027 = arith.constant 0 : i32
          %dma_start3A_1028 = tpu.memref_slice %arg11[%dma_start3A_1026, %dma_start3A_1027] : memref<2048x8xf32, #tpu.memory_space<vmem>> -> memref<128x8xf32, #tpu.memory_space<vmem>>
          %dma_start3A_1029 = arith.constant 0 : i32
          %dma_start3A_1030 = tpu.memref_slice %arg7[%dma_start3A_1024, %dma_start3A_1025, %dma_start3A_1029] : memref<16x2x128xi32, #tpu.memory_space<vmem>> -> memref<1x1x128xi32, #tpu.memory_space<vmem>>
          %dma_start3A_1031 = tpu.memref_squeeze %dma_start3A_1030 : memref<1x1x128xi32, #tpu.memory_space<vmem>> -> memref<128xi32, #tpu.memory_space<vmem>>
          %dma_start3A_1032 = arith.constant 0 : i32
          %dma_start3A_1033 = arith.constant 0 : i32
          %dma_start3A_1034 = tpu.memref_slice %arg2[%dma_start3A_1032, %dma_start3A_1033] : memref<100000x8xf32, #tpu.memory_space<hbm>> -> memref<100000x8xf32, #tpu.memory_space<hbm>>
          tpu.enqueue_indirect_dma source(%dma_start3A_1034 : memref<100000x8xf32, #tpu.memory_space<hbm>>) target(%dma_start3A_1028 : memref<128x8xf32, #tpu.memory_space<vmem>>) offsets(%dma_start3A_1031 : memref<128xi32, #tpu.memory_space<vmem>>) semaphore(%arg17 : memref<!tpu.dma_semaphore, #tpu.memory_space<semaphore_mem>>)
          %dma_start3A_1035 = arith.constant 11 : i32
          %dma_start3A_1036 = arith.constant 0 : i32
          %dma_start3A_1037 = arith.constant 1408 : i32
          %dma_start3A_1038 = arith.constant 0 : i32
          %dma_start3A_1039 = tpu.memref_slice %arg10[%dma_start3A_1037, %dma_start3A_1038] : memref<2048x8xf32, #tpu.memory_space<vmem>> -> memref<128x8xf32, #tpu.memory_space<vmem>>
          %dma_start3A_1040 = arith.constant 0 : i32
          %dma_start3A_1041 = tpu.memref_slice %arg7[%dma_start3A_1035, %dma_start3A_1036, %dma_start3A_1040] : memref<16x2x128xi32, #tpu.memory_space<vmem>> -> memref<1x1x128xi32, #tpu.memory_space<vmem>>
          %dma_start3A_1042 = tpu.memref_squeeze %dma_start3A_1041 : memref<1x1x128xi32, #tpu.memory_space<vmem>> -> memref<128xi32, #tpu.memory_space<vmem>>
          %dma_start3A_1043 = arith.constant 0 : i32
          %dma_start3A_1044 = arith.constant 0 : i32
          %dma_start3A_1045 = tpu.memref_slice %arg2[%dma_start3A_1043, %dma_start3A_1044] : memref<100000x8xf32, #tpu.memory_space<hbm>> -> memref<100000x8xf32, #tpu.memory_space<hbm>>
          tpu.enqueue_indirect_dma source(%dma_start3A_1045 : memref<100000x8xf32, #tpu.memory_space<hbm>>) target(%dma_start3A_1039 : memref<128x8xf32, #tpu.memory_space<vmem>>) offsets(%dma_start3A_1042 : memref<128xi32, #tpu.memory_space<vmem>>) semaphore(%arg17 : memref<!tpu.dma_semaphore, #tpu.memory_space<semaphore_mem>>)
          %dma_start3A_1046 = arith.constant 11 : i32
          %dma_start3A_1047 = arith.constant 1 : i32
          %dma_start3A_1048 = arith.constant 1408 : i32
          %dma_start3A_1049 = arith.constant 0 : i32
          %dma_start3A_1050 = tpu.memref_slice %arg11[%dma_start3A_1048, %dma_start3A_1049] : memref<2048x8xf32, #tpu.memory_space<vmem>> -> memref<128x8xf32, #tpu.memory_space<vmem>>
          %dma_start3A_1051 = arith.constant 0 : i32
          %dma_start3A_1052 = tpu.memref_slice %arg7[%dma_start3A_1046, %dma_start3A_1047, %dma_start3A_1051] : memref<16x2x128xi32, #tpu.memory_space<vmem>> -> memref<1x1x128xi32, #tpu.memory_space<vmem>>
          %dma_start3A_1053 = tpu.memref_squeeze %dma_start3A_1052 : memref<1x1x128xi32, #tpu.memory_space<vmem>> -> memref<128xi32, #tpu.memory_space<vmem>>
          %dma_start3A_1054 = arith.constant 0 : i32
          %dma_start3A_1055 = arith.constant 0 : i32
          %dma_start3A_1056 = tpu.memref_slice %arg2[%dma_start3A_1054, %dma_start3A_1055] : memref<100000x8xf32, #tpu.memory_space<hbm>> -> memref<100000x8xf32, #tpu.memory_space<hbm>>
          tpu.enqueue_indirect_dma source(%dma_start3A_1056 : memref<100000x8xf32, #tpu.memory_space<hbm>>) target(%dma_start3A_1050 : memref<128x8xf32, #tpu.memory_space<vmem>>) offsets(%dma_start3A_1053 : memref<128xi32, #tpu.memory_space<vmem>>) semaphore(%arg17 : memref<!tpu.dma_semaphore, #tpu.memory_space<semaphore_mem>>)
          %dma_start3A_1057 = arith.constant 12 : i32
          %dma_start3A_1058 = arith.constant 0 : i32
          %dma_start3A_1059 = arith.constant 1536 : i32
          %dma_start3A_1060 = arith.constant 0 : i32
          %dma_start3A_1061 = tpu.memref_slice %arg10[%dma_start3A_1059, %dma_start3A_1060] : memref<2048x8xf32, #tpu.memory_space<vmem>> -> memref<128x8xf32, #tpu.memory_space<vmem>>
          %dma_start3A_1062 = arith.constant 0 : i32
          %dma_start3A_1063 = tpu.memref_slice %arg7[%dma_start3A_1057, %dma_start3A_1058, %dma_start3A_1062] : memref<16x2x128xi32, #tpu.memory_space<vmem>> -> memref<1x1x128xi32, #tpu.memory_space<vmem>>
          %dma_start3A_1064 = tpu.memref_squeeze %dma_start3A_1063 : memref<1x1x128xi32, #tpu.memory_space<vmem>> -> memref<128xi32, #tpu.memory_space<vmem>>
          %dma_start3A_1065 = arith.constant 0 : i32
          %dma_start3A_1066 = arith.constant 0 : i32
          %dma_start3A_1067 = tpu.memref_slice %arg2[%dma_start3A_1065, %dma_start3A_1066] : memref<100000x8xf32, #tpu.memory_space<hbm>> -> memref<100000x8xf32, #tpu.memory_space<hbm>>
          tpu.enqueue_indirect_dma source(%dma_start3A_1067 : memref<100000x8xf32, #tpu.memory_space<hbm>>) target(%dma_start3A_1061 : memref<128x8xf32, #tpu.memory_space<vmem>>) offsets(%dma_start3A_1064 : memref<128xi32, #tpu.memory_space<vmem>>) semaphore(%arg17 : memref<!tpu.dma_semaphore, #tpu.memory_space<semaphore_mem>>)
          %dma_start3A_1068 = arith.constant 12 : i32
          %dma_start3A_1069 = arith.constant 1 : i32
          %dma_start3A_1070 = arith.constant 1536 : i32
          %dma_start3A_1071 = arith.constant 0 : i32
          %dma_start3A_1072 = tpu.memref_slice %arg11[%dma_start3A_1070, %dma_start3A_1071] : memref<2048x8xf32, #tpu.memory_space<vmem>> -> memref<128x8xf32, #tpu.memory_space<vmem>>
          %dma_start3A_1073 = arith.constant 0 : i32
          %dma_start3A_1074 = tpu.memref_slice %arg7[%dma_start3A_1068, %dma_start3A_1069, %dma_start3A_1073] : memref<16x2x128xi32, #tpu.memory_space<vmem>> -> memref<1x1x128xi32, #tpu.memory_space<vmem>>
          %dma_start3A_1075 = tpu.memref_squeeze %dma_start3A_1074 : memref<1x1x128xi32, #tpu.memory_space<vmem>> -> memref<128xi32, #tpu.memory_space<vmem>>
          %dma_start3A_1076 = arith.constant 0 : i32
          %dma_start3A_1077 = arith.constant 0 : i32
          %dma_start3A_1078 = tpu.memref_slice %arg2[%dma_start3A_1076, %dma_start3A_1077] : memref<100000x8xf32, #tpu.memory_space<hbm>> -> memref<100000x8xf32, #tpu.memory_space<hbm>>
          tpu.enqueue_indirect_dma source(%dma_start3A_1078 : memref<100000x8xf32, #tpu.memory_space<hbm>>) target(%dma_start3A_1072 : memref<128x8xf32, #tpu.memory_space<vmem>>) offsets(%dma_start3A_1075 : memref<128xi32, #tpu.memory_space<vmem>>) semaphore(%arg17 : memref<!tpu.dma_semaphore, #tpu.memory_space<semaphore_mem>>)
          %dma_start3A_1079 = arith.constant 13 : i32
          %dma_start3A_1080 = arith.constant 0 : i32
          %dma_start3A_1081 = arith.constant 1664 : i32
          %dma_start3A_1082 = arith.constant 0 : i32
          %dma_start3A_1083 = tpu.memref_slice %arg10[%dma_start3A_1081, %dma_start3A_1082] : memref<2048x8xf32, #tpu.memory_space<vmem>> -> memref<128x8xf32, #tpu.memory_space<vmem>>
          %dma_start3A_1084 = arith.constant 0 : i32
          %dma_start3A_1085 = tpu.memref_slice %arg7[%dma_start3A_1079, %dma_start3A_1080, %dma_start3A_1084] : memref<16x2x128xi32, #tpu.memory_space<vmem>> -> memref<1x1x128xi32, #tpu.memory_space<vmem>>
          %dma_start3A_1086 = tpu.memref_squeeze %dma_start3A_1085 : memref<1x1x128xi32, #tpu.memory_space<vmem>> -> memref<128xi32, #tpu.memory_space<vmem>>
          %dma_start3A_1087 = arith.constant 0 : i32
          %dma_start3A_1088 = arith.constant 0 : i32
          %dma_start3A_1089 = tpu.memref_slice %arg2[%dma_start3A_1087, %dma_start3A_1088] : memref<100000x8xf32, #tpu.memory_space<hbm>> -> memref<100000x8xf32, #tpu.memory_space<hbm>>
          tpu.enqueue_indirect_dma source(%dma_start3A_1089 : memref<100000x8xf32, #tpu.memory_space<hbm>>) target(%dma_start3A_1083 : memref<128x8xf32, #tpu.memory_space<vmem>>) offsets(%dma_start3A_1086 : memref<128xi32, #tpu.memory_space<vmem>>) semaphore(%arg17 : memref<!tpu.dma_semaphore, #tpu.memory_space<semaphore_mem>>)
          %dma_start3A_1090 = arith.constant 13 : i32
          %dma_start3A_1091 = arith.constant 1 : i32
          %dma_start3A_1092 = arith.constant 1664 : i32
          %dma_start3A_1093 = arith.constant 0 : i32
          %dma_start3A_1094 = tpu.memref_slice %arg11[%dma_start3A_1092, %dma_start3A_1093] : memref<2048x8xf32, #tpu.memory_space<vmem>> -> memref<128x8xf32, #tpu.memory_space<vmem>>
          %dma_start3A_1095 = arith.constant 0 : i32
          %dma_start3A_1096 = tpu.memref_slice %arg7[%dma_start3A_1090, %dma_start3A_1091, %dma_start3A_1095] : memref<16x2x128xi32, #tpu.memory_space<vmem>> -> memref<1x1x128xi32, #tpu.memory_space<vmem>>
          %dma_start3A_1097 = tpu.memref_squeeze %dma_start3A_1096 : memref<1x1x128xi32, #tpu.memory_space<vmem>> -> memref<128xi32, #tpu.memory_space<vmem>>
          %dma_start3A_1098 = arith.constant 0 : i32
          %dma_start3A_1099 = arith.constant 0 : i32
          %dma_start3A_1100 = tpu.memref_slice %arg2[%dma_start3A_1098, %dma_start3A_1099] : memref<100000x8xf32, #tpu.memory_space<hbm>> -> memref<100000x8xf32, #tpu.memory_space<hbm>>
          tpu.enqueue_indirect_dma source(%dma_start3A_1100 : memref<100000x8xf32, #tpu.memory_space<hbm>>) target(%dma_start3A_1094 : memref<128x8xf32, #tpu.memory_space<vmem>>) offsets(%dma_start3A_1097 : memref<128xi32, #tpu.memory_space<vmem>>) semaphore(%arg17 : memref<!tpu.dma_semaphore, #tpu.memory_space<semaphore_mem>>)
          %dma_start3A_1101 = arith.constant 14 : i32
          %dma_start3A_1102 = arith.constant 0 : i32
          %dma_start3A_1103 = arith.constant 1792 : i32
          %dma_start3A_1104 = arith.constant 0 : i32
          %dma_start3A_1105 = tpu.memref_slice %arg10[%dma_start3A_1103, %dma_start3A_1104] : memref<2048x8xf32, #tpu.memory_space<vmem>> -> memref<128x8xf32, #tpu.memory_space<vmem>>
          %dma_start3A_1106 = arith.constant 0 : i32
          %dma_start3A_1107 = tpu.memref_slice %arg7[%dma_start3A_1101, %dma_start3A_1102, %dma_start3A_1106] : memref<16x2x128xi32, #tpu.memory_space<vmem>> -> memref<1x1x128xi32, #tpu.memory_space<vmem>>
          %dma_start3A_1108 = tpu.memref_squeeze %dma_start3A_1107 : memref<1x1x128xi32, #tpu.memory_space<vmem>> -> memref<128xi32, #tpu.memory_space<vmem>>
          %dma_start3A_1109 = arith.constant 0 : i32
          %dma_start3A_1110 = arith.constant 0 : i32
          %dma_start3A_1111 = tpu.memref_slice %arg2[%dma_start3A_1109, %dma_start3A_1110] : memref<100000x8xf32, #tpu.memory_space<hbm>> -> memref<100000x8xf32, #tpu.memory_space<hbm>>
          tpu.enqueue_indirect_dma source(%dma_start3A_1111 : memref<100000x8xf32, #tpu.memory_space<hbm>>) target(%dma_start3A_1105 : memref<128x8xf32, #tpu.memory_space<vmem>>) offsets(%dma_start3A_1108 : memref<128xi32, #tpu.memory_space<vmem>>) semaphore(%arg17 : memref<!tpu.dma_semaphore, #tpu.memory_space<semaphore_mem>>)
          %dma_start3A_1112 = arith.constant 14 : i32
          %dma_start3A_1113 = arith.constant 1 : i32
          %dma_start3A_1114 = arith.constant 1792 : i32
          %dma_start3A_1115 = arith.constant 0 : i32
          %dma_start3A_1116 = tpu.memref_slice %arg11[%dma_start3A_1114, %dma_start3A_1115] : memref<2048x8xf32, #tpu.memory_space<vmem>> -> memref<128x8xf32, #tpu.memory_space<vmem>>
          %dma_start3A_1117 = arith.constant 0 : i32
          %dma_start3A_1118 = tpu.memref_slice %arg7[%dma_start3A_1112, %dma_start3A_1113, %dma_start3A_1117] : memref<16x2x128xi32, #tpu.memory_space<vmem>> -> memref<1x1x128xi32, #tpu.memory_space<vmem>>
          %dma_start3A_1119 = tpu.memref_squeeze %dma_start3A_1118 : memref<1x1x128xi32, #tpu.memory_space<vmem>> -> memref<128xi32, #tpu.memory_space<vmem>>
          %dma_start3A_1120 = arith.constant 0 : i32
          %dma_start3A_1121 = arith.constant 0 : i32
          %dma_start3A_1122 = tpu.memref_slice %arg2[%dma_start3A_1120, %dma_start3A_1121] : memref<100000x8xf32, #tpu.memory_space<hbm>> -> memref<100000x8xf32, #tpu.memory_space<hbm>>
          tpu.enqueue_indirect_dma source(%dma_start3A_1122 : memref<100000x8xf32, #tpu.memory_space<hbm>>) target(%dma_start3A_1116 : memref<128x8xf32, #tpu.memory_space<vmem>>) offsets(%dma_start3A_1119 : memref<128xi32, #tpu.memory_space<vmem>>) semaphore(%arg17 : memref<!tpu.dma_semaphore, #tpu.memory_space<semaphore_mem>>)
          %dma_start3A_1123 = arith.constant 15 : i32
          %dma_start3A_1124 = arith.constant 0 : i32
          %dma_start3A_1125 = arith.constant 1920 : i32
          %dma_start3A_1126 = arith.constant 0 : i32
          %dma_start3A_1127 = tpu.memref_slice %arg10[%dma_start3A_1125, %dma_start3A_1126] : memref<2048x8xf32, #tpu.memory_space<vmem>> -> memref<128x8xf32, #tpu.memory_space<vmem>>
          %dma_start3A_1128 = arith.constant 0 : i32
          %dma_start3A_1129 = tpu.memref_slice %arg7[%dma_start3A_1123, %dma_start3A_1124, %dma_start3A_1128] : memref<16x2x128xi32, #tpu.memory_space<vmem>> -> memref<1x1x128xi32, #tpu.memory_space<vmem>>
          %dma_start3A_1130 = tpu.memref_squeeze %dma_start3A_1129 : memref<1x1x128xi32, #tpu.memory_space<vmem>> -> memref<128xi32, #tpu.memory_space<vmem>>
          %dma_start3A_1131 = arith.constant 0 : i32
          %dma_start3A_1132 = arith.constant 0 : i32
          %dma_start3A_1133 = tpu.memref_slice %arg2[%dma_start3A_1131, %dma_start3A_1132] : memref<100000x8xf32, #tpu.memory_space<hbm>> -> memref<100000x8xf32, #tpu.memory_space<hbm>>
          tpu.enqueue_indirect_dma source(%dma_start3A_1133 : memref<100000x8xf32, #tpu.memory_space<hbm>>) target(%dma_start3A_1127 : memref<128x8xf32, #tpu.memory_space<vmem>>) offsets(%dma_start3A_1130 : memref<128xi32, #tpu.memory_space<vmem>>) semaphore(%arg17 : memref<!tpu.dma_semaphore, #tpu.memory_space<semaphore_mem>>)
          %dma_start3A_1134 = arith.constant 15 : i32
          %dma_start3A_1135 = arith.constant 1 : i32
          %dma_start3A_1136 = arith.constant 1920 : i32
          %dma_start3A_1137 = arith.constant 0 : i32
          %dma_start3A_1138 = tpu.memref_slice %arg11[%dma_start3A_1136, %dma_start3A_1137] : memref<2048x8xf32, #tpu.memory_space<vmem>> -> memref<128x8xf32, #tpu.memory_space<vmem>>
          %dma_start3A_1139 = arith.constant 0 : i32
          %dma_start3A_1140 = tpu.memref_slice %arg7[%dma_start3A_1134, %dma_start3A_1135, %dma_start3A_1139] : memref<16x2x128xi32, #tpu.memory_space<vmem>> -> memref<1x1x128xi32, #tpu.memory_space<vmem>>
          %dma_start3A_1141 = tpu.memref_squeeze %dma_start3A_1140 : memref<1x1x128xi32, #tpu.memory_space<vmem>> -> memref<128xi32, #tpu.memory_space<vmem>>
          %dma_start3A_1142 = arith.constant 0 : i32
          %dma_start3A_1143 = arith.constant 0 : i32
          %dma_start3A_1144 = tpu.memref_slice %arg2[%dma_start3A_1142, %dma_start3A_1143] : memref<100000x8xf32, #tpu.memory_space<hbm>> -> memref<100000x8xf32, #tpu.memory_space<hbm>>
          tpu.enqueue_indirect_dma source(%dma_start3A_1144 : memref<100000x8xf32, #tpu.memory_space<hbm>>) target(%dma_start3A_1138 : memref<128x8xf32, #tpu.memory_space<vmem>>) offsets(%dma_start3A_1141 : memref<128xi32, #tpu.memory_space<vmem>>) semaphore(%arg17 : memref<!tpu.dma_semaphore, #tpu.memory_space<semaphore_mem>>)
        } else {
        }
        %dma_wait3A_410 = arith.constant 0 : i32
        %dma_wait3A_411 = arith.constant 0 : i32
        %dma_wait3A_412 = arith.constant 0 : i32
        %dma_wait3A_413 = arith.constant 0 : i32
        %dma_wait3A_414 = tpu.memref_slice %arg8[%dma_wait3A_412, %dma_wait3A_413] : memref<2048x8xf32, #tpu.memory_space<vmem>> -> memref<128x8xf32, #tpu.memory_space<vmem>>
        %dma_wait3A_415 = arith.constant 0 : i32
        %dma_wait3A_416 = tpu.memref_slice %arg6[%dma_wait3A_410, %dma_wait3A_411, %dma_wait3A_415] : memref<16x2x128xi32, #tpu.memory_space<vmem>> -> memref<1x1x128xi32, #tpu.memory_space<vmem>>
        %dma_wait3A_417 = tpu.memref_squeeze %dma_wait3A_416 : memref<1x1x128xi32, #tpu.memory_space<vmem>> -> memref<128xi32, #tpu.memory_space<vmem>>
        %dma_wait3A_418 = arith.constant 0 : i32
        %dma_wait3A_419 = arith.constant 0 : i32
        %dma_wait3A_420 = tpu.memref_slice %arg2[%dma_wait3A_418, %dma_wait3A_419] : memref<100000x8xf32, #tpu.memory_space<hbm>> -> memref<100000x8xf32, #tpu.memory_space<hbm>>
        tpu.wait_indirect_dma semaphore(%arg16 : memref<!tpu.dma_semaphore, #tpu.memory_space<semaphore_mem>>) src(%dma_wait3A_420 : memref<100000x8xf32, #tpu.memory_space<hbm>>) dst(%dma_wait3A_414 : memref<128x8xf32, #tpu.memory_space<vmem>>)
        %dma_wait3A_421 = arith.constant 0 : i32
        %dma_wait3A_422 = arith.constant 1 : i32
        %dma_wait3A_423 = arith.constant 0 : i32
        %dma_wait3A_424 = arith.constant 0 : i32
        %dma_wait3A_425 = tpu.memref_slice %arg9[%dma_wait3A_423, %dma_wait3A_424] : memref<2048x8xf32, #tpu.memory_space<vmem>> -> memref<128x8xf32, #tpu.memory_space<vmem>>
        %dma_wait3A_426 = arith.constant 0 : i32
        %dma_wait3A_427 = tpu.memref_slice %arg6[%dma_wait3A_421, %dma_wait3A_422, %dma_wait3A_426] : memref<16x2x128xi32, #tpu.memory_space<vmem>> -> memref<1x1x128xi32, #tpu.memory_space<vmem>>
        %dma_wait3A_428 = tpu.memref_squeeze %dma_wait3A_427 : memref<1x1x128xi32, #tpu.memory_space<vmem>> -> memref<128xi32, #tpu.memory_space<vmem>>
        %dma_wait3A_429 = arith.constant 0 : i32
        %dma_wait3A_430 = arith.constant 0 : i32
        %dma_wait3A_431 = tpu.memref_slice %arg2[%dma_wait3A_429, %dma_wait3A_430] : memref<100000x8xf32, #tpu.memory_space<hbm>> -> memref<100000x8xf32, #tpu.memory_space<hbm>>
        tpu.wait_indirect_dma semaphore(%arg16 : memref<!tpu.dma_semaphore, #tpu.memory_space<semaphore_mem>>) src(%dma_wait3A_431 : memref<100000x8xf32, #tpu.memory_space<hbm>>) dst(%dma_wait3A_425 : memref<128x8xf32, #tpu.memory_space<vmem>>)
        %dma_wait3A_432 = arith.constant 1 : i32
        %dma_wait3A_433 = arith.constant 0 : i32
        %dma_wait3A_434 = arith.constant 128 : i32
        %dma_wait3A_435 = arith.constant 0 : i32
        %dma_wait3A_436 = tpu.memref_slice %arg8[%dma_wait3A_434, %dma_wait3A_435] : memref<2048x8xf32, #tpu.memory_space<vmem>> -> memref<128x8xf32, #tpu.memory_space<vmem>>
        %dma_wait3A_437 = arith.constant 0 : i32
        %dma_wait3A_438 = tpu.memref_slice %arg6[%dma_wait3A_432, %dma_wait3A_433, %dma_wait3A_437] : memref<16x2x128xi32, #tpu.memory_space<vmem>> -> memref<1x1x128xi32, #tpu.memory_space<vmem>>
        %dma_wait3A_439 = tpu.memref_squeeze %dma_wait3A_438 : memref<1x1x128xi32, #tpu.memory_space<vmem>> -> memref<128xi32, #tpu.memory_space<vmem>>
        %dma_wait3A_440 = arith.constant 0 : i32
        %dma_wait3A_441 = arith.constant 0 : i32
        %dma_wait3A_442 = tpu.memref_slice %arg2[%dma_wait3A_440, %dma_wait3A_441] : memref<100000x8xf32, #tpu.memory_space<hbm>> -> memref<100000x8xf32, #tpu.memory_space<hbm>>
        tpu.wait_indirect_dma semaphore(%arg16 : memref<!tpu.dma_semaphore, #tpu.memory_space<semaphore_mem>>) src(%dma_wait3A_442 : memref<100000x8xf32, #tpu.memory_space<hbm>>) dst(%dma_wait3A_436 : memref<128x8xf32, #tpu.memory_space<vmem>>)
        %dma_wait3A_443 = arith.constant 1 : i32
        %dma_wait3A_444 = arith.constant 1 : i32
        %dma_wait3A_445 = arith.constant 128 : i32
        %dma_wait3A_446 = arith.constant 0 : i32
        %dma_wait3A_447 = tpu.memref_slice %arg9[%dma_wait3A_445, %dma_wait3A_446] : memref<2048x8xf32, #tpu.memory_space<vmem>> -> memref<128x8xf32, #tpu.memory_space<vmem>>
        %dma_wait3A_448 = arith.constant 0 : i32
        %dma_wait3A_449 = tpu.memref_slice %arg6[%dma_wait3A_443, %dma_wait3A_444, %dma_wait3A_448] : memref<16x2x128xi32, #tpu.memory_space<vmem>> -> memref<1x1x128xi32, #tpu.memory_space<vmem>>
        %dma_wait3A_450 = tpu.memref_squeeze %dma_wait3A_449 : memref<1x1x128xi32, #tpu.memory_space<vmem>> -> memref<128xi32, #tpu.memory_space<vmem>>
        %dma_wait3A_451 = arith.constant 0 : i32
        %dma_wait3A_452 = arith.constant 0 : i32
        %dma_wait3A_453 = tpu.memref_slice %arg2[%dma_wait3A_451, %dma_wait3A_452] : memref<100000x8xf32, #tpu.memory_space<hbm>> -> memref<100000x8xf32, #tpu.memory_space<hbm>>
        tpu.wait_indirect_dma semaphore(%arg16 : memref<!tpu.dma_semaphore, #tpu.memory_space<semaphore_mem>>) src(%dma_wait3A_453 : memref<100000x8xf32, #tpu.memory_space<hbm>>) dst(%dma_wait3A_447 : memref<128x8xf32, #tpu.memory_space<vmem>>)
        %dma_wait3A_454 = arith.constant 2 : i32
        %dma_wait3A_455 = arith.constant 0 : i32
        %dma_wait3A_456 = arith.constant 256 : i32
        %dma_wait3A_457 = arith.constant 0 : i32
        %dma_wait3A_458 = tpu.memref_slice %arg8[%dma_wait3A_456, %dma_wait3A_457] : memref<2048x8xf32, #tpu.memory_space<vmem>> -> memref<128x8xf32, #tpu.memory_space<vmem>>
        %dma_wait3A_459 = arith.constant 0 : i32
        %dma_wait3A_460 = tpu.memref_slice %arg6[%dma_wait3A_454, %dma_wait3A_455, %dma_wait3A_459] : memref<16x2x128xi32, #tpu.memory_space<vmem>> -> memref<1x1x128xi32, #tpu.memory_space<vmem>>
        %dma_wait3A_461 = tpu.memref_squeeze %dma_wait3A_460 : memref<1x1x128xi32, #tpu.memory_space<vmem>> -> memref<128xi32, #tpu.memory_space<vmem>>
        %dma_wait3A_462 = arith.constant 0 : i32
        %dma_wait3A_463 = arith.constant 0 : i32
        %dma_wait3A_464 = tpu.memref_slice %arg2[%dma_wait3A_462, %dma_wait3A_463] : memref<100000x8xf32, #tpu.memory_space<hbm>> -> memref<100000x8xf32, #tpu.memory_space<hbm>>
        tpu.wait_indirect_dma semaphore(%arg16 : memref<!tpu.dma_semaphore, #tpu.memory_space<semaphore_mem>>) src(%dma_wait3A_464 : memref<100000x8xf32, #tpu.memory_space<hbm>>) dst(%dma_wait3A_458 : memref<128x8xf32, #tpu.memory_space<vmem>>)
        %dma_wait3A_465 = arith.constant 2 : i32
        %dma_wait3A_466 = arith.constant 1 : i32
        %dma_wait3A_467 = arith.constant 256 : i32
        %dma_wait3A_468 = arith.constant 0 : i32
        %dma_wait3A_469 = tpu.memref_slice %arg9[%dma_wait3A_467, %dma_wait3A_468] : memref<2048x8xf32, #tpu.memory_space<vmem>> -> memref<128x8xf32, #tpu.memory_space<vmem>>
        %dma_wait3A_470 = arith.constant 0 : i32
        %dma_wait3A_471 = tpu.memref_slice %arg6[%dma_wait3A_465, %dma_wait3A_466, %dma_wait3A_470] : memref<16x2x128xi32, #tpu.memory_space<vmem>> -> memref<1x1x128xi32, #tpu.memory_space<vmem>>
        %dma_wait3A_472 = tpu.memref_squeeze %dma_wait3A_471 : memref<1x1x128xi32, #tpu.memory_space<vmem>> -> memref<128xi32, #tpu.memory_space<vmem>>
        %dma_wait3A_473 = arith.constant 0 : i32
        %dma_wait3A_474 = arith.constant 0 : i32
        %dma_wait3A_475 = tpu.memref_slice %arg2[%dma_wait3A_473, %dma_wait3A_474] : memref<100000x8xf32, #tpu.memory_space<hbm>> -> memref<100000x8xf32, #tpu.memory_space<hbm>>
        tpu.wait_indirect_dma semaphore(%arg16 : memref<!tpu.dma_semaphore, #tpu.memory_space<semaphore_mem>>) src(%dma_wait3A_475 : memref<100000x8xf32, #tpu.memory_space<hbm>>) dst(%dma_wait3A_469 : memref<128x8xf32, #tpu.memory_space<vmem>>)
        %dma_wait3A_476 = arith.constant 3 : i32
        %dma_wait3A_477 = arith.constant 0 : i32
        %dma_wait3A_478 = arith.constant 384 : i32
        %dma_wait3A_479 = arith.constant 0 : i32
        %dma_wait3A_480 = tpu.memref_slice %arg8[%dma_wait3A_478, %dma_wait3A_479] : memref<2048x8xf32, #tpu.memory_space<vmem>> -> memref<128x8xf32, #tpu.memory_space<vmem>>
        %dma_wait3A_481 = arith.constant 0 : i32
        %dma_wait3A_482 = tpu.memref_slice %arg6[%dma_wait3A_476, %dma_wait3A_477, %dma_wait3A_481] : memref<16x2x128xi32, #tpu.memory_space<vmem>> -> memref<1x1x128xi32, #tpu.memory_space<vmem>>
        %dma_wait3A_483 = tpu.memref_squeeze %dma_wait3A_482 : memref<1x1x128xi32, #tpu.memory_space<vmem>> -> memref<128xi32, #tpu.memory_space<vmem>>
        %dma_wait3A_484 = arith.constant 0 : i32
        %dma_wait3A_485 = arith.constant 0 : i32
        %dma_wait3A_486 = tpu.memref_slice %arg2[%dma_wait3A_484, %dma_wait3A_485] : memref<100000x8xf32, #tpu.memory_space<hbm>> -> memref<100000x8xf32, #tpu.memory_space<hbm>>
        tpu.wait_indirect_dma semaphore(%arg16 : memref<!tpu.dma_semaphore, #tpu.memory_space<semaphore_mem>>) src(%dma_wait3A_486 : memref<100000x8xf32, #tpu.memory_space<hbm>>) dst(%dma_wait3A_480 : memref<128x8xf32, #tpu.memory_space<vmem>>)
        %dma_wait3A_487 = arith.constant 3 : i32
        %dma_wait3A_488 = arith.constant 1 : i32
        %dma_wait3A_489 = arith.constant 384 : i32
        %dma_wait3A_490 = arith.constant 0 : i32
        %dma_wait3A_491 = tpu.memref_slice %arg9[%dma_wait3A_489, %dma_wait3A_490] : memref<2048x8xf32, #tpu.memory_space<vmem>> -> memref<128x8xf32, #tpu.memory_space<vmem>>
        %dma_wait3A_492 = arith.constant 0 : i32
        %dma_wait3A_493 = tpu.memref_slice %arg6[%dma_wait3A_487, %dma_wait3A_488, %dma_wait3A_492] : memref<16x2x128xi32, #tpu.memory_space<vmem>> -> memref<1x1x128xi32, #tpu.memory_space<vmem>>
        %dma_wait3A_494 = tpu.memref_squeeze %dma_wait3A_493 : memref<1x1x128xi32, #tpu.memory_space<vmem>> -> memref<128xi32, #tpu.memory_space<vmem>>
        %dma_wait3A_495 = arith.constant 0 : i32
        %dma_wait3A_496 = arith.constant 0 : i32
        %dma_wait3A_497 = tpu.memref_slice %arg2[%dma_wait3A_495, %dma_wait3A_496] : memref<100000x8xf32, #tpu.memory_space<hbm>> -> memref<100000x8xf32, #tpu.memory_space<hbm>>
        tpu.wait_indirect_dma semaphore(%arg16 : memref<!tpu.dma_semaphore, #tpu.memory_space<semaphore_mem>>) src(%dma_wait3A_497 : memref<100000x8xf32, #tpu.memory_space<hbm>>) dst(%dma_wait3A_491 : memref<128x8xf32, #tpu.memory_space<vmem>>)
        %dma_wait3A_498 = arith.constant 4 : i32
        %dma_wait3A_499 = arith.constant 0 : i32
        %dma_wait3A_500 = arith.constant 512 : i32
        %dma_wait3A_501 = arith.constant 0 : i32
        %dma_wait3A_502 = tpu.memref_slice %arg8[%dma_wait3A_500, %dma_wait3A_501] : memref<2048x8xf32, #tpu.memory_space<vmem>> -> memref<128x8xf32, #tpu.memory_space<vmem>>
        %dma_wait3A_503 = arith.constant 0 : i32
        %dma_wait3A_504 = tpu.memref_slice %arg6[%dma_wait3A_498, %dma_wait3A_499, %dma_wait3A_503] : memref<16x2x128xi32, #tpu.memory_space<vmem>> -> memref<1x1x128xi32, #tpu.memory_space<vmem>>
        %dma_wait3A_505 = tpu.memref_squeeze %dma_wait3A_504 : memref<1x1x128xi32, #tpu.memory_space<vmem>> -> memref<128xi32, #tpu.memory_space<vmem>>
        %dma_wait3A_506 = arith.constant 0 : i32
        %dma_wait3A_507 = arith.constant 0 : i32
        %dma_wait3A_508 = tpu.memref_slice %arg2[%dma_wait3A_506, %dma_wait3A_507] : memref<100000x8xf32, #tpu.memory_space<hbm>> -> memref<100000x8xf32, #tpu.memory_space<hbm>>
        tpu.wait_indirect_dma semaphore(%arg16 : memref<!tpu.dma_semaphore, #tpu.memory_space<semaphore_mem>>) src(%dma_wait3A_508 : memref<100000x8xf32, #tpu.memory_space<hbm>>) dst(%dma_wait3A_502 : memref<128x8xf32, #tpu.memory_space<vmem>>)
        %dma_wait3A_509 = arith.constant 4 : i32
        %dma_wait3A_510 = arith.constant 1 : i32
        %dma_wait3A_511 = arith.constant 512 : i32
        %dma_wait3A_512 = arith.constant 0 : i32
        %dma_wait3A_513 = tpu.memref_slice %arg9[%dma_wait3A_511, %dma_wait3A_512] : memref<2048x8xf32, #tpu.memory_space<vmem>> -> memref<128x8xf32, #tpu.memory_space<vmem>>
        %dma_wait3A_514 = arith.constant 0 : i32
        %dma_wait3A_515 = tpu.memref_slice %arg6[%dma_wait3A_509, %dma_wait3A_510, %dma_wait3A_514] : memref<16x2x128xi32, #tpu.memory_space<vmem>> -> memref<1x1x128xi32, #tpu.memory_space<vmem>>
        %dma_wait3A_516 = tpu.memref_squeeze %dma_wait3A_515 : memref<1x1x128xi32, #tpu.memory_space<vmem>> -> memref<128xi32, #tpu.memory_space<vmem>>
        %dma_wait3A_517 = arith.constant 0 : i32
        %dma_wait3A_518 = arith.constant 0 : i32
        %dma_wait3A_519 = tpu.memref_slice %arg2[%dma_wait3A_517, %dma_wait3A_518] : memref<100000x8xf32, #tpu.memory_space<hbm>> -> memref<100000x8xf32, #tpu.memory_space<hbm>>
        tpu.wait_indirect_dma semaphore(%arg16 : memref<!tpu.dma_semaphore, #tpu.memory_space<semaphore_mem>>) src(%dma_wait3A_519 : memref<100000x8xf32, #tpu.memory_space<hbm>>) dst(%dma_wait3A_513 : memref<128x8xf32, #tpu.memory_space<vmem>>)
        %dma_wait3A_520 = arith.constant 5 : i32
        %dma_wait3A_521 = arith.constant 0 : i32
        %dma_wait3A_522 = arith.constant 640 : i32
        %dma_wait3A_523 = arith.constant 0 : i32
        %dma_wait3A_524 = tpu.memref_slice %arg8[%dma_wait3A_522, %dma_wait3A_523] : memref<2048x8xf32, #tpu.memory_space<vmem>> -> memref<128x8xf32, #tpu.memory_space<vmem>>
        %dma_wait3A_525 = arith.constant 0 : i32
        %dma_wait3A_526 = tpu.memref_slice %arg6[%dma_wait3A_520, %dma_wait3A_521, %dma_wait3A_525] : memref<16x2x128xi32, #tpu.memory_space<vmem>> -> memref<1x1x128xi32, #tpu.memory_space<vmem>>
        %dma_wait3A_527 = tpu.memref_squeeze %dma_wait3A_526 : memref<1x1x128xi32, #tpu.memory_space<vmem>> -> memref<128xi32, #tpu.memory_space<vmem>>
        %dma_wait3A_528 = arith.constant 0 : i32
        %dma_wait3A_529 = arith.constant 0 : i32
        %dma_wait3A_530 = tpu.memref_slice %arg2[%dma_wait3A_528, %dma_wait3A_529] : memref<100000x8xf32, #tpu.memory_space<hbm>> -> memref<100000x8xf32, #tpu.memory_space<hbm>>
        tpu.wait_indirect_dma semaphore(%arg16 : memref<!tpu.dma_semaphore, #tpu.memory_space<semaphore_mem>>) src(%dma_wait3A_530 : memref<100000x8xf32, #tpu.memory_space<hbm>>) dst(%dma_wait3A_524 : memref<128x8xf32, #tpu.memory_space<vmem>>)
        %dma_wait3A_531 = arith.constant 5 : i32
        %dma_wait3A_532 = arith.constant 1 : i32
        %dma_wait3A_533 = arith.constant 640 : i32
        %dma_wait3A_534 = arith.constant 0 : i32
        %dma_wait3A_535 = tpu.memref_slice %arg9[%dma_wait3A_533, %dma_wait3A_534] : memref<2048x8xf32, #tpu.memory_space<vmem>> -> memref<128x8xf32, #tpu.memory_space<vmem>>
        %dma_wait3A_536 = arith.constant 0 : i32
        %dma_wait3A_537 = tpu.memref_slice %arg6[%dma_wait3A_531, %dma_wait3A_532, %dma_wait3A_536] : memref<16x2x128xi32, #tpu.memory_space<vmem>> -> memref<1x1x128xi32, #tpu.memory_space<vmem>>
        %dma_wait3A_538 = tpu.memref_squeeze %dma_wait3A_537 : memref<1x1x128xi32, #tpu.memory_space<vmem>> -> memref<128xi32, #tpu.memory_space<vmem>>
        %dma_wait3A_539 = arith.constant 0 : i32
        %dma_wait3A_540 = arith.constant 0 : i32
        %dma_wait3A_541 = tpu.memref_slice %arg2[%dma_wait3A_539, %dma_wait3A_540] : memref<100000x8xf32, #tpu.memory_space<hbm>> -> memref<100000x8xf32, #tpu.memory_space<hbm>>
        tpu.wait_indirect_dma semaphore(%arg16 : memref<!tpu.dma_semaphore, #tpu.memory_space<semaphore_mem>>) src(%dma_wait3A_541 : memref<100000x8xf32, #tpu.memory_space<hbm>>) dst(%dma_wait3A_535 : memref<128x8xf32, #tpu.memory_space<vmem>>)
        %dma_wait3A_542 = arith.constant 6 : i32
        %dma_wait3A_543 = arith.constant 0 : i32
        %dma_wait3A_544 = arith.constant 768 : i32
        %dma_wait3A_545 = arith.constant 0 : i32
        %dma_wait3A_546 = tpu.memref_slice %arg8[%dma_wait3A_544, %dma_wait3A_545] : memref<2048x8xf32, #tpu.memory_space<vmem>> -> memref<128x8xf32, #tpu.memory_space<vmem>>
        %dma_wait3A_547 = arith.constant 0 : i32
        %dma_wait3A_548 = tpu.memref_slice %arg6[%dma_wait3A_542, %dma_wait3A_543, %dma_wait3A_547] : memref<16x2x128xi32, #tpu.memory_space<vmem>> -> memref<1x1x128xi32, #tpu.memory_space<vmem>>
        %dma_wait3A_549 = tpu.memref_squeeze %dma_wait3A_548 : memref<1x1x128xi32, #tpu.memory_space<vmem>> -> memref<128xi32, #tpu.memory_space<vmem>>
        %dma_wait3A_550 = arith.constant 0 : i32
        %dma_wait3A_551 = arith.constant 0 : i32
        %dma_wait3A_552 = tpu.memref_slice %arg2[%dma_wait3A_550, %dma_wait3A_551] : memref<100000x8xf32, #tpu.memory_space<hbm>> -> memref<100000x8xf32, #tpu.memory_space<hbm>>
        tpu.wait_indirect_dma semaphore(%arg16 : memref<!tpu.dma_semaphore, #tpu.memory_space<semaphore_mem>>) src(%dma_wait3A_552 : memref<100000x8xf32, #tpu.memory_space<hbm>>) dst(%dma_wait3A_546 : memref<128x8xf32, #tpu.memory_space<vmem>>)
        %dma_wait3A_553 = arith.constant 6 : i32
        %dma_wait3A_554 = arith.constant 1 : i32
        %dma_wait3A_555 = arith.constant 768 : i32
        %dma_wait3A_556 = arith.constant 0 : i32
        %dma_wait3A_557 = tpu.memref_slice %arg9[%dma_wait3A_555, %dma_wait3A_556] : memref<2048x8xf32, #tpu.memory_space<vmem>> -> memref<128x8xf32, #tpu.memory_space<vmem>>
        %dma_wait3A_558 = arith.constant 0 : i32
        %dma_wait3A_559 = tpu.memref_slice %arg6[%dma_wait3A_553, %dma_wait3A_554, %dma_wait3A_558] : memref<16x2x128xi32, #tpu.memory_space<vmem>> -> memref<1x1x128xi32, #tpu.memory_space<vmem>>
        %dma_wait3A_560 = tpu.memref_squeeze %dma_wait3A_559 : memref<1x1x128xi32, #tpu.memory_space<vmem>> -> memref<128xi32, #tpu.memory_space<vmem>>
        %dma_wait3A_561 = arith.constant 0 : i32
        %dma_wait3A_562 = arith.constant 0 : i32
        %dma_wait3A_563 = tpu.memref_slice %arg2[%dma_wait3A_561, %dma_wait3A_562] : memref<100000x8xf32, #tpu.memory_space<hbm>> -> memref<100000x8xf32, #tpu.memory_space<hbm>>
        tpu.wait_indirect_dma semaphore(%arg16 : memref<!tpu.dma_semaphore, #tpu.memory_space<semaphore_mem>>) src(%dma_wait3A_563 : memref<100000x8xf32, #tpu.memory_space<hbm>>) dst(%dma_wait3A_557 : memref<128x8xf32, #tpu.memory_space<vmem>>)
        %dma_wait3A_564 = arith.constant 7 : i32
        %dma_wait3A_565 = arith.constant 0 : i32
        %dma_wait3A_566 = arith.constant 896 : i32
        %dma_wait3A_567 = arith.constant 0 : i32
        %dma_wait3A_568 = tpu.memref_slice %arg8[%dma_wait3A_566, %dma_wait3A_567] : memref<2048x8xf32, #tpu.memory_space<vmem>> -> memref<128x8xf32, #tpu.memory_space<vmem>>
        %dma_wait3A_569 = arith.constant 0 : i32
        %dma_wait3A_570 = tpu.memref_slice %arg6[%dma_wait3A_564, %dma_wait3A_565, %dma_wait3A_569] : memref<16x2x128xi32, #tpu.memory_space<vmem>> -> memref<1x1x128xi32, #tpu.memory_space<vmem>>
        %dma_wait3A_571 = tpu.memref_squeeze %dma_wait3A_570 : memref<1x1x128xi32, #tpu.memory_space<vmem>> -> memref<128xi32, #tpu.memory_space<vmem>>
        %dma_wait3A_572 = arith.constant 0 : i32
        %dma_wait3A_573 = arith.constant 0 : i32
        %dma_wait3A_574 = tpu.memref_slice %arg2[%dma_wait3A_572, %dma_wait3A_573] : memref<100000x8xf32, #tpu.memory_space<hbm>> -> memref<100000x8xf32, #tpu.memory_space<hbm>>
        tpu.wait_indirect_dma semaphore(%arg16 : memref<!tpu.dma_semaphore, #tpu.memory_space<semaphore_mem>>) src(%dma_wait3A_574 : memref<100000x8xf32, #tpu.memory_space<hbm>>) dst(%dma_wait3A_568 : memref<128x8xf32, #tpu.memory_space<vmem>>)
        %dma_wait3A_575 = arith.constant 7 : i32
        %dma_wait3A_576 = arith.constant 1 : i32
        %dma_wait3A_577 = arith.constant 896 : i32
        %dma_wait3A_578 = arith.constant 0 : i32
        %dma_wait3A_579 = tpu.memref_slice %arg9[%dma_wait3A_577, %dma_wait3A_578] : memref<2048x8xf32, #tpu.memory_space<vmem>> -> memref<128x8xf32, #tpu.memory_space<vmem>>
        %dma_wait3A_580 = arith.constant 0 : i32
        %dma_wait3A_581 = tpu.memref_slice %arg6[%dma_wait3A_575, %dma_wait3A_576, %dma_wait3A_580] : memref<16x2x128xi32, #tpu.memory_space<vmem>> -> memref<1x1x128xi32, #tpu.memory_space<vmem>>
        %dma_wait3A_582 = tpu.memref_squeeze %dma_wait3A_581 : memref<1x1x128xi32, #tpu.memory_space<vmem>> -> memref<128xi32, #tpu.memory_space<vmem>>
        %dma_wait3A_583 = arith.constant 0 : i32
        %dma_wait3A_584 = arith.constant 0 : i32
        %dma_wait3A_585 = tpu.memref_slice %arg2[%dma_wait3A_583, %dma_wait3A_584] : memref<100000x8xf32, #tpu.memory_space<hbm>> -> memref<100000x8xf32, #tpu.memory_space<hbm>>
        tpu.wait_indirect_dma semaphore(%arg16 : memref<!tpu.dma_semaphore, #tpu.memory_space<semaphore_mem>>) src(%dma_wait3A_585 : memref<100000x8xf32, #tpu.memory_space<hbm>>) dst(%dma_wait3A_579 : memref<128x8xf32, #tpu.memory_space<vmem>>)
        %dma_wait3A_586 = arith.constant 8 : i32
        %dma_wait3A_587 = arith.constant 0 : i32
        %dma_wait3A_588 = arith.constant 1024 : i32
        %dma_wait3A_589 = arith.constant 0 : i32
        %dma_wait3A_590 = tpu.memref_slice %arg8[%dma_wait3A_588, %dma_wait3A_589] : memref<2048x8xf32, #tpu.memory_space<vmem>> -> memref<128x8xf32, #tpu.memory_space<vmem>>
        %dma_wait3A_591 = arith.constant 0 : i32
        %dma_wait3A_592 = tpu.memref_slice %arg6[%dma_wait3A_586, %dma_wait3A_587, %dma_wait3A_591] : memref<16x2x128xi32, #tpu.memory_space<vmem>> -> memref<1x1x128xi32, #tpu.memory_space<vmem>>
        %dma_wait3A_593 = tpu.memref_squeeze %dma_wait3A_592 : memref<1x1x128xi32, #tpu.memory_space<vmem>> -> memref<128xi32, #tpu.memory_space<vmem>>
        %dma_wait3A_594 = arith.constant 0 : i32
        %dma_wait3A_595 = arith.constant 0 : i32
        %dma_wait3A_596 = tpu.memref_slice %arg2[%dma_wait3A_594, %dma_wait3A_595] : memref<100000x8xf32, #tpu.memory_space<hbm>> -> memref<100000x8xf32, #tpu.memory_space<hbm>>
        tpu.wait_indirect_dma semaphore(%arg16 : memref<!tpu.dma_semaphore, #tpu.memory_space<semaphore_mem>>) src(%dma_wait3A_596 : memref<100000x8xf32, #tpu.memory_space<hbm>>) dst(%dma_wait3A_590 : memref<128x8xf32, #tpu.memory_space<vmem>>)
        %dma_wait3A_597 = arith.constant 8 : i32
        %dma_wait3A_598 = arith.constant 1 : i32
        %dma_wait3A_599 = arith.constant 1024 : i32
        %dma_wait3A_600 = arith.constant 0 : i32
        %dma_wait3A_601 = tpu.memref_slice %arg9[%dma_wait3A_599, %dma_wait3A_600] : memref<2048x8xf32, #tpu.memory_space<vmem>> -> memref<128x8xf32, #tpu.memory_space<vmem>>
        %dma_wait3A_602 = arith.constant 0 : i32
        %dma_wait3A_603 = tpu.memref_slice %arg6[%dma_wait3A_597, %dma_wait3A_598, %dma_wait3A_602] : memref<16x2x128xi32, #tpu.memory_space<vmem>> -> memref<1x1x128xi32, #tpu.memory_space<vmem>>
        %dma_wait3A_604 = tpu.memref_squeeze %dma_wait3A_603 : memref<1x1x128xi32, #tpu.memory_space<vmem>> -> memref<128xi32, #tpu.memory_space<vmem>>
        %dma_wait3A_605 = arith.constant 0 : i32
        %dma_wait3A_606 = arith.constant 0 : i32
        %dma_wait3A_607 = tpu.memref_slice %arg2[%dma_wait3A_605, %dma_wait3A_606] : memref<100000x8xf32, #tpu.memory_space<hbm>> -> memref<100000x8xf32, #tpu.memory_space<hbm>>
        tpu.wait_indirect_dma semaphore(%arg16 : memref<!tpu.dma_semaphore, #tpu.memory_space<semaphore_mem>>) src(%dma_wait3A_607 : memref<100000x8xf32, #tpu.memory_space<hbm>>) dst(%dma_wait3A_601 : memref<128x8xf32, #tpu.memory_space<vmem>>)
        %dma_wait3A_608 = arith.constant 9 : i32
        %dma_wait3A_609 = arith.constant 0 : i32
        %dma_wait3A_610 = arith.constant 1152 : i32
        %dma_wait3A_611 = arith.constant 0 : i32
        %dma_wait3A_612 = tpu.memref_slice %arg8[%dma_wait3A_610, %dma_wait3A_611] : memref<2048x8xf32, #tpu.memory_space<vmem>> -> memref<128x8xf32, #tpu.memory_space<vmem>>
        %dma_wait3A_613 = arith.constant 0 : i32
        %dma_wait3A_614 = tpu.memref_slice %arg6[%dma_wait3A_608, %dma_wait3A_609, %dma_wait3A_613] : memref<16x2x128xi32, #tpu.memory_space<vmem>> -> memref<1x1x128xi32, #tpu.memory_space<vmem>>
        %dma_wait3A_615 = tpu.memref_squeeze %dma_wait3A_614 : memref<1x1x128xi32, #tpu.memory_space<vmem>> -> memref<128xi32, #tpu.memory_space<vmem>>
        %dma_wait3A_616 = arith.constant 0 : i32
        %dma_wait3A_617 = arith.constant 0 : i32
        %dma_wait3A_618 = tpu.memref_slice %arg2[%dma_wait3A_616, %dma_wait3A_617] : memref<100000x8xf32, #tpu.memory_space<hbm>> -> memref<100000x8xf32, #tpu.memory_space<hbm>>
        tpu.wait_indirect_dma semaphore(%arg16 : memref<!tpu.dma_semaphore, #tpu.memory_space<semaphore_mem>>) src(%dma_wait3A_618 : memref<100000x8xf32, #tpu.memory_space<hbm>>) dst(%dma_wait3A_612 : memref<128x8xf32, #tpu.memory_space<vmem>>)
        %dma_wait3A_619 = arith.constant 9 : i32
        %dma_wait3A_620 = arith.constant 1 : i32
        %dma_wait3A_621 = arith.constant 1152 : i32
        %dma_wait3A_622 = arith.constant 0 : i32
        %dma_wait3A_623 = tpu.memref_slice %arg9[%dma_wait3A_621, %dma_wait3A_622] : memref<2048x8xf32, #tpu.memory_space<vmem>> -> memref<128x8xf32, #tpu.memory_space<vmem>>
        %dma_wait3A_624 = arith.constant 0 : i32
        %dma_wait3A_625 = tpu.memref_slice %arg6[%dma_wait3A_619, %dma_wait3A_620, %dma_wait3A_624] : memref<16x2x128xi32, #tpu.memory_space<vmem>> -> memref<1x1x128xi32, #tpu.memory_space<vmem>>
        %dma_wait3A_626 = tpu.memref_squeeze %dma_wait3A_625 : memref<1x1x128xi32, #tpu.memory_space<vmem>> -> memref<128xi32, #tpu.memory_space<vmem>>
        %dma_wait3A_627 = arith.constant 0 : i32
        %dma_wait3A_628 = arith.constant 0 : i32
        %dma_wait3A_629 = tpu.memref_slice %arg2[%dma_wait3A_627, %dma_wait3A_628] : memref<100000x8xf32, #tpu.memory_space<hbm>> -> memref<100000x8xf32, #tpu.memory_space<hbm>>
        tpu.wait_indirect_dma semaphore(%arg16 : memref<!tpu.dma_semaphore, #tpu.memory_space<semaphore_mem>>) src(%dma_wait3A_629 : memref<100000x8xf32, #tpu.memory_space<hbm>>) dst(%dma_wait3A_623 : memref<128x8xf32, #tpu.memory_space<vmem>>)
        %dma_wait3A_630 = arith.constant 10 : i32
        %dma_wait3A_631 = arith.constant 0 : i32
        %dma_wait3A_632 = arith.constant 1280 : i32
        %dma_wait3A_633 = arith.constant 0 : i32
        %dma_wait3A_634 = tpu.memref_slice %arg8[%dma_wait3A_632, %dma_wait3A_633] : memref<2048x8xf32, #tpu.memory_space<vmem>> -> memref<128x8xf32, #tpu.memory_space<vmem>>
        %dma_wait3A_635 = arith.constant 0 : i32
        %dma_wait3A_636 = tpu.memref_slice %arg6[%dma_wait3A_630, %dma_wait3A_631, %dma_wait3A_635] : memref<16x2x128xi32, #tpu.memory_space<vmem>> -> memref<1x1x128xi32, #tpu.memory_space<vmem>>
        %dma_wait3A_637 = tpu.memref_squeeze %dma_wait3A_636 : memref<1x1x128xi32, #tpu.memory_space<vmem>> -> memref<128xi32, #tpu.memory_space<vmem>>
        %dma_wait3A_638 = arith.constant 0 : i32
        %dma_wait3A_639 = arith.constant 0 : i32
        %dma_wait3A_640 = tpu.memref_slice %arg2[%dma_wait3A_638, %dma_wait3A_639] : memref<100000x8xf32, #tpu.memory_space<hbm>> -> memref<100000x8xf32, #tpu.memory_space<hbm>>
        tpu.wait_indirect_dma semaphore(%arg16 : memref<!tpu.dma_semaphore, #tpu.memory_space<semaphore_mem>>) src(%dma_wait3A_640 : memref<100000x8xf32, #tpu.memory_space<hbm>>) dst(%dma_wait3A_634 : memref<128x8xf32, #tpu.memory_space<vmem>>)
        %dma_wait3A_641 = arith.constant 10 : i32
        %dma_wait3A_642 = arith.constant 1 : i32
        %dma_wait3A_643 = arith.constant 1280 : i32
        %dma_wait3A_644 = arith.constant 0 : i32
        %dma_wait3A_645 = tpu.memref_slice %arg9[%dma_wait3A_643, %dma_wait3A_644] : memref<2048x8xf32, #tpu.memory_space<vmem>> -> memref<128x8xf32, #tpu.memory_space<vmem>>
        %dma_wait3A_646 = arith.constant 0 : i32
        %dma_wait3A_647 = tpu.memref_slice %arg6[%dma_wait3A_641, %dma_wait3A_642, %dma_wait3A_646] : memref<16x2x128xi32, #tpu.memory_space<vmem>> -> memref<1x1x128xi32, #tpu.memory_space<vmem>>
        %dma_wait3A_648 = tpu.memref_squeeze %dma_wait3A_647 : memref<1x1x128xi32, #tpu.memory_space<vmem>> -> memref<128xi32, #tpu.memory_space<vmem>>
        %dma_wait3A_649 = arith.constant 0 : i32
        %dma_wait3A_650 = arith.constant 0 : i32
        %dma_wait3A_651 = tpu.memref_slice %arg2[%dma_wait3A_649, %dma_wait3A_650] : memref<100000x8xf32, #tpu.memory_space<hbm>> -> memref<100000x8xf32, #tpu.memory_space<hbm>>
        tpu.wait_indirect_dma semaphore(%arg16 : memref<!tpu.dma_semaphore, #tpu.memory_space<semaphore_mem>>) src(%dma_wait3A_651 : memref<100000x8xf32, #tpu.memory_space<hbm>>) dst(%dma_wait3A_645 : memref<128x8xf32, #tpu.memory_space<vmem>>)
        %dma_wait3A_652 = arith.constant 11 : i32
        %dma_wait3A_653 = arith.constant 0 : i32
        %dma_wait3A_654 = arith.constant 1408 : i32
        %dma_wait3A_655 = arith.constant 0 : i32
        %dma_wait3A_656 = tpu.memref_slice %arg8[%dma_wait3A_654, %dma_wait3A_655] : memref<2048x8xf32, #tpu.memory_space<vmem>> -> memref<128x8xf32, #tpu.memory_space<vmem>>
        %dma_wait3A_657 = arith.constant 0 : i32
        %dma_wait3A_658 = tpu.memref_slice %arg6[%dma_wait3A_652, %dma_wait3A_653, %dma_wait3A_657] : memref<16x2x128xi32, #tpu.memory_space<vmem>> -> memref<1x1x128xi32, #tpu.memory_space<vmem>>
        %dma_wait3A_659 = tpu.memref_squeeze %dma_wait3A_658 : memref<1x1x128xi32, #tpu.memory_space<vmem>> -> memref<128xi32, #tpu.memory_space<vmem>>
        %dma_wait3A_660 = arith.constant 0 : i32
        %dma_wait3A_661 = arith.constant 0 : i32
        %dma_wait3A_662 = tpu.memref_slice %arg2[%dma_wait3A_660, %dma_wait3A_661] : memref<100000x8xf32, #tpu.memory_space<hbm>> -> memref<100000x8xf32, #tpu.memory_space<hbm>>
        tpu.wait_indirect_dma semaphore(%arg16 : memref<!tpu.dma_semaphore, #tpu.memory_space<semaphore_mem>>) src(%dma_wait3A_662 : memref<100000x8xf32, #tpu.memory_space<hbm>>) dst(%dma_wait3A_656 : memref<128x8xf32, #tpu.memory_space<vmem>>)
        %dma_wait3A_663 = arith.constant 11 : i32
        %dma_wait3A_664 = arith.constant 1 : i32
        %dma_wait3A_665 = arith.constant 1408 : i32
        %dma_wait3A_666 = arith.constant 0 : i32
        %dma_wait3A_667 = tpu.memref_slice %arg9[%dma_wait3A_665, %dma_wait3A_666] : memref<2048x8xf32, #tpu.memory_space<vmem>> -> memref<128x8xf32, #tpu.memory_space<vmem>>
        %dma_wait3A_668 = arith.constant 0 : i32
        %dma_wait3A_669 = tpu.memref_slice %arg6[%dma_wait3A_663, %dma_wait3A_664, %dma_wait3A_668] : memref<16x2x128xi32, #tpu.memory_space<vmem>> -> memref<1x1x128xi32, #tpu.memory_space<vmem>>
        %dma_wait3A_670 = tpu.memref_squeeze %dma_wait3A_669 : memref<1x1x128xi32, #tpu.memory_space<vmem>> -> memref<128xi32, #tpu.memory_space<vmem>>
        %dma_wait3A_671 = arith.constant 0 : i32
        %dma_wait3A_672 = arith.constant 0 : i32
        %dma_wait3A_673 = tpu.memref_slice %arg2[%dma_wait3A_671, %dma_wait3A_672] : memref<100000x8xf32, #tpu.memory_space<hbm>> -> memref<100000x8xf32, #tpu.memory_space<hbm>>
        tpu.wait_indirect_dma semaphore(%arg16 : memref<!tpu.dma_semaphore, #tpu.memory_space<semaphore_mem>>) src(%dma_wait3A_673 : memref<100000x8xf32, #tpu.memory_space<hbm>>) dst(%dma_wait3A_667 : memref<128x8xf32, #tpu.memory_space<vmem>>)
        %dma_wait3A_674 = arith.constant 12 : i32
        %dma_wait3A_675 = arith.constant 0 : i32
        %dma_wait3A_676 = arith.constant 1536 : i32
        %dma_wait3A_677 = arith.constant 0 : i32
        %dma_wait3A_678 = tpu.memref_slice %arg8[%dma_wait3A_676, %dma_wait3A_677] : memref<2048x8xf32, #tpu.memory_space<vmem>> -> memref<128x8xf32, #tpu.memory_space<vmem>>
        %dma_wait3A_679 = arith.constant 0 : i32
        %dma_wait3A_680 = tpu.memref_slice %arg6[%dma_wait3A_674, %dma_wait3A_675, %dma_wait3A_679] : memref<16x2x128xi32, #tpu.memory_space<vmem>> -> memref<1x1x128xi32, #tpu.memory_space<vmem>>
        %dma_wait3A_681 = tpu.memref_squeeze %dma_wait3A_680 : memref<1x1x128xi32, #tpu.memory_space<vmem>> -> memref<128xi32, #tpu.memory_space<vmem>>
        %dma_wait3A_682 = arith.constant 0 : i32
        %dma_wait3A_683 = arith.constant 0 : i32
        %dma_wait3A_684 = tpu.memref_slice %arg2[%dma_wait3A_682, %dma_wait3A_683] : memref<100000x8xf32, #tpu.memory_space<hbm>> -> memref<100000x8xf32, #tpu.memory_space<hbm>>
        tpu.wait_indirect_dma semaphore(%arg16 : memref<!tpu.dma_semaphore, #tpu.memory_space<semaphore_mem>>) src(%dma_wait3A_684 : memref<100000x8xf32, #tpu.memory_space<hbm>>) dst(%dma_wait3A_678 : memref<128x8xf32, #tpu.memory_space<vmem>>)
        %dma_wait3A_685 = arith.constant 12 : i32
        %dma_wait3A_686 = arith.constant 1 : i32
        %dma_wait3A_687 = arith.constant 1536 : i32
        %dma_wait3A_688 = arith.constant 0 : i32
        %dma_wait3A_689 = tpu.memref_slice %arg9[%dma_wait3A_687, %dma_wait3A_688] : memref<2048x8xf32, #tpu.memory_space<vmem>> -> memref<128x8xf32, #tpu.memory_space<vmem>>
        %dma_wait3A_690 = arith.constant 0 : i32
        %dma_wait3A_691 = tpu.memref_slice %arg6[%dma_wait3A_685, %dma_wait3A_686, %dma_wait3A_690] : memref<16x2x128xi32, #tpu.memory_space<vmem>> -> memref<1x1x128xi32, #tpu.memory_space<vmem>>
        %dma_wait3A_692 = tpu.memref_squeeze %dma_wait3A_691 : memref<1x1x128xi32, #tpu.memory_space<vmem>> -> memref<128xi32, #tpu.memory_space<vmem>>
        %dma_wait3A_693 = arith.constant 0 : i32
        %dma_wait3A_694 = arith.constant 0 : i32
        %dma_wait3A_695 = tpu.memref_slice %arg2[%dma_wait3A_693, %dma_wait3A_694] : memref<100000x8xf32, #tpu.memory_space<hbm>> -> memref<100000x8xf32, #tpu.memory_space<hbm>>
        tpu.wait_indirect_dma semaphore(%arg16 : memref<!tpu.dma_semaphore, #tpu.memory_space<semaphore_mem>>) src(%dma_wait3A_695 : memref<100000x8xf32, #tpu.memory_space<hbm>>) dst(%dma_wait3A_689 : memref<128x8xf32, #tpu.memory_space<vmem>>)
        %dma_wait3A_696 = arith.constant 13 : i32
        %dma_wait3A_697 = arith.constant 0 : i32
        %dma_wait3A_698 = arith.constant 1664 : i32
        %dma_wait3A_699 = arith.constant 0 : i32
        %dma_wait3A_700 = tpu.memref_slice %arg8[%dma_wait3A_698, %dma_wait3A_699] : memref<2048x8xf32, #tpu.memory_space<vmem>> -> memref<128x8xf32, #tpu.memory_space<vmem>>
        %dma_wait3A_701 = arith.constant 0 : i32
        %dma_wait3A_702 = tpu.memref_slice %arg6[%dma_wait3A_696, %dma_wait3A_697, %dma_wait3A_701] : memref<16x2x128xi32, #tpu.memory_space<vmem>> -> memref<1x1x128xi32, #tpu.memory_space<vmem>>
        %dma_wait3A_703 = tpu.memref_squeeze %dma_wait3A_702 : memref<1x1x128xi32, #tpu.memory_space<vmem>> -> memref<128xi32, #tpu.memory_space<vmem>>
        %dma_wait3A_704 = arith.constant 0 : i32
        %dma_wait3A_705 = arith.constant 0 : i32
        %dma_wait3A_706 = tpu.memref_slice %arg2[%dma_wait3A_704, %dma_wait3A_705] : memref<100000x8xf32, #tpu.memory_space<hbm>> -> memref<100000x8xf32, #tpu.memory_space<hbm>>
        tpu.wait_indirect_dma semaphore(%arg16 : memref<!tpu.dma_semaphore, #tpu.memory_space<semaphore_mem>>) src(%dma_wait3A_706 : memref<100000x8xf32, #tpu.memory_space<hbm>>) dst(%dma_wait3A_700 : memref<128x8xf32, #tpu.memory_space<vmem>>)
        %dma_wait3A_707 = arith.constant 13 : i32
        %dma_wait3A_708 = arith.constant 1 : i32
        %dma_wait3A_709 = arith.constant 1664 : i32
        %dma_wait3A_710 = arith.constant 0 : i32
        %dma_wait3A_711 = tpu.memref_slice %arg9[%dma_wait3A_709, %dma_wait3A_710] : memref<2048x8xf32, #tpu.memory_space<vmem>> -> memref<128x8xf32, #tpu.memory_space<vmem>>
        %dma_wait3A_712 = arith.constant 0 : i32
        %dma_wait3A_713 = tpu.memref_slice %arg6[%dma_wait3A_707, %dma_wait3A_708, %dma_wait3A_712] : memref<16x2x128xi32, #tpu.memory_space<vmem>> -> memref<1x1x128xi32, #tpu.memory_space<vmem>>
        %dma_wait3A_714 = tpu.memref_squeeze %dma_wait3A_713 : memref<1x1x128xi32, #tpu.memory_space<vmem>> -> memref<128xi32, #tpu.memory_space<vmem>>
        %dma_wait3A_715 = arith.constant 0 : i32
        %dma_wait3A_716 = arith.constant 0 : i32
        %dma_wait3A_717 = tpu.memref_slice %arg2[%dma_wait3A_715, %dma_wait3A_716] : memref<100000x8xf32, #tpu.memory_space<hbm>> -> memref<100000x8xf32, #tpu.memory_space<hbm>>
        tpu.wait_indirect_dma semaphore(%arg16 : memref<!tpu.dma_semaphore, #tpu.memory_space<semaphore_mem>>) src(%dma_wait3A_717 : memref<100000x8xf32, #tpu.memory_space<hbm>>) dst(%dma_wait3A_711 : memref<128x8xf32, #tpu.memory_space<vmem>>)
        %dma_wait3A_718 = arith.constant 14 : i32
        %dma_wait3A_719 = arith.constant 0 : i32
        %dma_wait3A_720 = arith.constant 1792 : i32
        %dma_wait3A_721 = arith.constant 0 : i32
        %dma_wait3A_722 = tpu.memref_slice %arg8[%dma_wait3A_720, %dma_wait3A_721] : memref<2048x8xf32, #tpu.memory_space<vmem>> -> memref<128x8xf32, #tpu.memory_space<vmem>>
        %dma_wait3A_723 = arith.constant 0 : i32
        %dma_wait3A_724 = tpu.memref_slice %arg6[%dma_wait3A_718, %dma_wait3A_719, %dma_wait3A_723] : memref<16x2x128xi32, #tpu.memory_space<vmem>> -> memref<1x1x128xi32, #tpu.memory_space<vmem>>
        %dma_wait3A_725 = tpu.memref_squeeze %dma_wait3A_724 : memref<1x1x128xi32, #tpu.memory_space<vmem>> -> memref<128xi32, #tpu.memory_space<vmem>>
        %dma_wait3A_726 = arith.constant 0 : i32
        %dma_wait3A_727 = arith.constant 0 : i32
        %dma_wait3A_728 = tpu.memref_slice %arg2[%dma_wait3A_726, %dma_wait3A_727] : memref<100000x8xf32, #tpu.memory_space<hbm>> -> memref<100000x8xf32, #tpu.memory_space<hbm>>
        tpu.wait_indirect_dma semaphore(%arg16 : memref<!tpu.dma_semaphore, #tpu.memory_space<semaphore_mem>>) src(%dma_wait3A_728 : memref<100000x8xf32, #tpu.memory_space<hbm>>) dst(%dma_wait3A_722 : memref<128x8xf32, #tpu.memory_space<vmem>>)
        %dma_wait3A_729 = arith.constant 14 : i32
        %dma_wait3A_730 = arith.constant 1 : i32
        %dma_wait3A_731 = arith.constant 1792 : i32
        %dma_wait3A_732 = arith.constant 0 : i32
        %dma_wait3A_733 = tpu.memref_slice %arg9[%dma_wait3A_731, %dma_wait3A_732] : memref<2048x8xf32, #tpu.memory_space<vmem>> -> memref<128x8xf32, #tpu.memory_space<vmem>>
        %dma_wait3A_734 = arith.constant 0 : i32
        %dma_wait3A_735 = tpu.memref_slice %arg6[%dma_wait3A_729, %dma_wait3A_730, %dma_wait3A_734] : memref<16x2x128xi32, #tpu.memory_space<vmem>> -> memref<1x1x128xi32, #tpu.memory_space<vmem>>
        %dma_wait3A_736 = tpu.memref_squeeze %dma_wait3A_735 : memref<1x1x128xi32, #tpu.memory_space<vmem>> -> memref<128xi32, #tpu.memory_space<vmem>>
        %dma_wait3A_737 = arith.constant 0 : i32
        %dma_wait3A_738 = arith.constant 0 : i32
        %dma_wait3A_739 = tpu.memref_slice %arg2[%dma_wait3A_737, %dma_wait3A_738] : memref<100000x8xf32, #tpu.memory_space<hbm>> -> memref<100000x8xf32, #tpu.memory_space<hbm>>
        tpu.wait_indirect_dma semaphore(%arg16 : memref<!tpu.dma_semaphore, #tpu.memory_space<semaphore_mem>>) src(%dma_wait3A_739 : memref<100000x8xf32, #tpu.memory_space<hbm>>) dst(%dma_wait3A_733 : memref<128x8xf32, #tpu.memory_space<vmem>>)
        %dma_wait3A_740 = arith.constant 15 : i32
        %dma_wait3A_741 = arith.constant 0 : i32
        %dma_wait3A_742 = arith.constant 1920 : i32
        %dma_wait3A_743 = arith.constant 0 : i32
        %dma_wait3A_744 = tpu.memref_slice %arg8[%dma_wait3A_742, %dma_wait3A_743] : memref<2048x8xf32, #tpu.memory_space<vmem>> -> memref<128x8xf32, #tpu.memory_space<vmem>>
        %dma_wait3A_745 = arith.constant 0 : i32
        %dma_wait3A_746 = tpu.memref_slice %arg6[%dma_wait3A_740, %dma_wait3A_741, %dma_wait3A_745] : memref<16x2x128xi32, #tpu.memory_space<vmem>> -> memref<1x1x128xi32, #tpu.memory_space<vmem>>
        %dma_wait3A_747 = tpu.memref_squeeze %dma_wait3A_746 : memref<1x1x128xi32, #tpu.memory_space<vmem>> -> memref<128xi32, #tpu.memory_space<vmem>>
        %dma_wait3A_748 = arith.constant 0 : i32
        %dma_wait3A_749 = arith.constant 0 : i32
        %dma_wait3A_750 = tpu.memref_slice %arg2[%dma_wait3A_748, %dma_wait3A_749] : memref<100000x8xf32, #tpu.memory_space<hbm>> -> memref<100000x8xf32, #tpu.memory_space<hbm>>
        tpu.wait_indirect_dma semaphore(%arg16 : memref<!tpu.dma_semaphore, #tpu.memory_space<semaphore_mem>>) src(%dma_wait3A_750 : memref<100000x8xf32, #tpu.memory_space<hbm>>) dst(%dma_wait3A_744 : memref<128x8xf32, #tpu.memory_space<vmem>>)
        %dma_wait3A_751 = arith.constant 15 : i32
        %dma_wait3A_752 = arith.constant 1 : i32
        %dma_wait3A_753 = arith.constant 1920 : i32
        %dma_wait3A_754 = arith.constant 0 : i32
        %dma_wait3A_755 = tpu.memref_slice %arg9[%dma_wait3A_753, %dma_wait3A_754] : memref<2048x8xf32, #tpu.memory_space<vmem>> -> memref<128x8xf32, #tpu.memory_space<vmem>>
        %dma_wait3A_756 = arith.constant 0 : i32
        %dma_wait3A_757 = tpu.memref_slice %arg6[%dma_wait3A_751, %dma_wait3A_752, %dma_wait3A_756] : memref<16x2x128xi32, #tpu.memory_space<vmem>> -> memref<1x1x128xi32, #tpu.memory_space<vmem>>
        %dma_wait3A_758 = tpu.memref_squeeze %dma_wait3A_757 : memref<1x1x128xi32, #tpu.memory_space<vmem>> -> memref<128xi32, #tpu.memory_space<vmem>>
        %dma_wait3A_759 = arith.constant 0 : i32
        %dma_wait3A_760 = arith.constant 0 : i32
        %dma_wait3A_761 = tpu.memref_slice %arg2[%dma_wait3A_759, %dma_wait3A_760] : memref<100000x8xf32, #tpu.memory_space<hbm>> -> memref<100000x8xf32, #tpu.memory_space<hbm>>
        tpu.wait_indirect_dma semaphore(%arg16 : memref<!tpu.dma_semaphore, #tpu.memory_space<semaphore_mem>>) src(%dma_wait3A_761 : memref<100000x8xf32, #tpu.memory_space<hbm>>) dst(%dma_wait3A_755 : memref<128x8xf32, #tpu.memory_space<vmem>>)
        %ge3A = arith.constant 2 : i32
        %ge3A_762 = arith.cmpi sge, %add3A_393, %ge3A : i32
        %convert_element_type3A_763 = arith.extui %ge3A_762 : i1 to i32
        %cond3A_764 = arith.constant 0 : i32
        %cond3A_765 = arith.cmpi ne, %convert_element_type3A_763, %cond3A_764 : i32
        scf.if %cond3A_765 {
          %dma_wait3A_786 = arith.constant 0 : i32
          %dma_wait3A_787 = tpu.memref_slice %arg4[%dma_wait3A_786] : memref<6400000xf32, #tpu.memory_space<hbm>> -> memref<2048xf32, #tpu.memory_space<hbm>>
          %dma_wait3A_788 = arith.constant 0 : i32
          %dma_wait3A_789 = tpu.memref_slice %arg4[%dma_wait3A_788] : memref<6400000xf32, #tpu.memory_space<hbm>> -> memref<2048xf32, #tpu.memory_space<hbm>>
          tpu.wait_dma2 semaphore(%arg18 : memref<!tpu.dma_semaphore, #tpu.memory_space<semaphore_mem>>) src(%arg14 : memref<2048xf32, #tpu.memory_space<vmem>>) dst(%dma_wait3A_789 : memref<2048xf32, #tpu.memory_space<hbm>>)
          %dma_wait3A_790 = arith.constant 0 : i32
          %dma_wait3A_791 = arith.constant 0 : i32
          %dma_wait3A_792 = arith.constant 0 : i32
          %dma_wait3A_793 = tpu.memref_slice %arg5[%dma_wait3A_790, %dma_wait3A_791, %dma_wait3A_792] : memref<50000x4x128xf32, #tpu.memory_space<hbm>> -> memref<16x4x128xf32, #tpu.memory_space<hbm>>
          %dma_wait3A_794 = arith.constant 0 : i32
          %dma_wait3A_795 = arith.constant 0 : i32
          %dma_wait3A_796 = arith.constant 0 : i32
          %dma_wait3A_797 = tpu.memref_slice %arg5[%dma_wait3A_794, %dma_wait3A_795, %dma_wait3A_796] : memref<50000x4x128xf32, #tpu.memory_space<hbm>> -> memref<16x4x128xf32, #tpu.memory_space<hbm>>
          tpu.wait_dma2 semaphore(%arg18 : memref<!tpu.dma_semaphore, #tpu.memory_space<semaphore_mem>>) src(%arg12 : memref<16x4x128xf32, #tpu.memory_space<vmem>>) dst(%dma_wait3A_797 : memref<16x4x128xf32, #tpu.memory_space<hbm>>)
        } else {
        }
        %scan3A_766 = arith.constant 0 : i32
        %scan3A_767 = arith.constant 128 : i32
        %scan3A_768 = arith.addi %scan3A_766, %scan3A_767 : i32
        %scan3A_769 = arith.constant 1 : i32
        scf.for %scan3A_786 = %scan3A_766 to %scan3A_768 step %scan3A_769  : i32 {
          %mul3A_787 = arith.constant 1 : i32
          %mul3A_788 = arith.muli %scan3A_786, %mul3A_787 : i32
          %add3A_789 = arith.constant 0 : i32
          %add3A_790 = arith.addi %add3A_789, %mul3A_788 : i32
          %mul3A_791 = arith.constant 16 : i32
          %mul3A_792 = arith.muli %add3A_790, %mul3A_791 : i32
          %iota3A = tpu.iota {dimensions = array<i32: 0>} : vector<16xi32>
          %add3A_793 = vector.broadcast %mul3A_792 : i32 to vector<16xi32>
          %add3A_794 = arith.addi %add3A_793, %iota3A : vector<16xi32>
          %broadcast_in_dim3A = arith.constant 0 : i32
          %broadcast_in_dim3A_795 = vector.broadcast %broadcast_in_dim3A : i32 to vector<16xi32>
          %broadcast_in_dim3A_796 = arith.constant 1 : i32
          %broadcast_in_dim3A_797 = vector.broadcast %broadcast_in_dim3A_796 : i32 to vector<16xi32>
          %broadcast_in_dim3A_798 = arith.constant 2 : i32
          %broadcast_in_dim3A_799 = vector.broadcast %broadcast_in_dim3A_798 : i32 to vector<16xi32>
          %gather3A = tpu.vector_load_idx %arg8[%add3A_794, %broadcast_in_dim3A_795] : memref<2048x8xf32, #tpu.memory_space<vmem>>[vector<16xi32>, vector<16xi32>], vector<16xf32>,
          %gather3A_800 = tpu.vector_load_idx %arg9[%add3A_794, %broadcast_in_dim3A_795] : memref<2048x8xf32, #tpu.memory_space<vmem>>[vector<16xi32>, vector<16xi32>], vector<16xf32>,
          %sub3A = arith.subf %gather3A, %gather3A_800 : vector<16xf32>
          %gather3A_801 = tpu.vector_load_idx %arg8[%add3A_794, %broadcast_in_dim3A_797] : memref<2048x8xf32, #tpu.memory_space<vmem>>[vector<16xi32>, vector<16xi32>], vector<16xf32>,
          %gather3A_802 = tpu.vector_load_idx %arg9[%add3A_794, %broadcast_in_dim3A_797] : memref<2048x8xf32, #tpu.memory_space<vmem>>[vector<16xi32>, vector<16xi32>], vector<16xf32>,
          %sub3A_803 = arith.subf %gather3A_801, %gather3A_802 : vector<16xf32>
          %gather3A_804 = tpu.vector_load_idx %arg8[%add3A_794, %broadcast_in_dim3A_799] : memref<2048x8xf32, #tpu.memory_space<vmem>>[vector<16xi32>, vector<16xi32>], vector<16xf32>,
          %gather3A_805 = tpu.vector_load_idx %arg9[%add3A_794, %broadcast_in_dim3A_799] : memref<2048x8xf32, #tpu.memory_space<vmem>>[vector<16xi32>, vector<16xi32>], vector<16xf32>,
          %sub3A_806 = arith.subf %gather3A_804, %gather3A_805 : vector<16xf32>
          %jit3A_807 = arith.constant 8 : i32
          %div3A = arith.divsi %add3A_790, %jit3A_807 : i32
          %sign3A = arith.constant 0 : i32
          %sign3A_808 = arith.cmpi sgt, %add3A_790, %sign3A : i32
          %sign3A_809 = arith.extui %sign3A_808 : i1 to i32
          %sign3A_810 = arith.constant 0 : i32
          %sign3A_811 = arith.cmpi slt, %add3A_790, %sign3A_810 : i32
          %sign3A_812 = arith.extui %sign3A_811 : i1 to i32
          %sign3A_813 = arith.subi %sign3A_809, %sign3A_812 : i32
          %sign3A_814 = arith.constant 0 : i32
          %sign3A_815 = arith.cmpi sgt, %jit3A_807, %sign3A_814 : i32
          %sign3A_816 = arith.extui %sign3A_815 : i1 to i32
          %sign3A_817 = arith.constant 0 : i32
          %sign3A_818 = arith.cmpi slt, %jit3A_807, %sign3A_817 : i32
          %sign3A_819 = arith.extui %sign3A_818 : i1 to i32
          %sign3A_820 = arith.subi %sign3A_816, %sign3A_819 : i32
          %ne3A = arith.cmpi ne, %sign3A_813, %sign3A_820 : i32
          %rem3A = arith.remsi %add3A_790, %jit3A_807 : i32
          %ne3A_821 = arith.constant 0 : i32
          %ne3A_822 = arith.cmpi ne, %rem3A, %ne3A_821 : i32
          %and3A = arith.andi %ne3A, %ne3A_822 : i1
          %sub3A_823 = arith.constant 1 : i32
          %sub3A_824 = arith.subi %div3A, %sub3A_823 : i32
          %select_n3A_825 = arith.select %and3A, %sub3A_824, %div3A : i32
          %jit3A_826 = arith.constant 8 : i32
          %eq3A = arith.constant 0 : i32
          %eq3A_827 = arith.cmpi eq, %jit3A_826, %eq3A : i32
          %jit3A_828 = arith.constant 1 : i32
          %select_n3A_829 = arith.select %eq3A_827, %jit3A_828, %jit3A_826 : i32
          %rem3A_830 = arith.remsi %add3A_790, %select_n3A_829 : i32
          %ne3A_831 = arith.constant 0 : i32
          %ne3A_832 = arith.cmpi ne, %rem3A_830, %ne3A_831 : i32
          %lt3A_833 = arith.constant 0 : i32
          %lt3A_834 = arith.cmpi slt, %rem3A_830, %lt3A_833 : i32
          %lt3A_835 = arith.constant 0 : i32
          %lt3A_836 = arith.cmpi slt, %select_n3A_829, %lt3A_835 : i32
          %ne3A_837 = arith.xori %lt3A_834, %lt3A_836 : i1
          %and3A_838 = arith.andi %ne3A_837, %ne3A_832 : i1
          %add3A_839 = arith.addi %rem3A_830, %select_n3A_829 : i32
          %select_n3A_840 = arith.select %and3A_838, %add3A_839, %rem3A_830 : i32
          %mul3A_841 = arith.constant 16 : i32
          %mul3A_842 = arith.muli %select_n3A_840, %mul3A_841 : i32
          %swap3A = arith.constant 0 : i32
          %swap3A_843 = arith.index_cast %select_n3A_825 : i32 to index
          %swap3A_844 = arith.index_cast %swap3A : i32 to index
          %swap3A_845 = arith.index_cast %mul3A_842 : i32 to index
          %swap3A_846 = tpu.vector_load %arg12[%swap3A_843, %swap3A_844, %swap3A_845] {strides = array<i32>} : memref<16x4x128xf32, #tpu.memory_space<vmem>>, vector<16xf32>,
          tpu.vector_store %arg12[%swap3A_843, %swap3A_844, %swap3A_845], %sub3A {strides = array<i32>} : memref<16x4x128xf32, #tpu.memory_space<vmem>>, vector<16xf32>,
          %swap3A_847 = arith.constant 1 : i32
          %swap3A_848 = arith.index_cast %select_n3A_825 : i32 to index
          %swap3A_849 = arith.index_cast %swap3A_847 : i32 to index
          %swap3A_850 = arith.index_cast %mul3A_842 : i32 to index
          %swap3A_851 = tpu.vector_load %arg12[%swap3A_848, %swap3A_849, %swap3A_850] {strides = array<i32>} : memref<16x4x128xf32, #tpu.memory_space<vmem>>, vector<16xf32>,
          tpu.vector_store %arg12[%swap3A_848, %swap3A_849, %swap3A_850], %sub3A_803 {strides = array<i32>} : memref<16x4x128xf32, #tpu.memory_space<vmem>>, vector<16xf32>,
          %swap3A_852 = arith.constant 2 : i32
          %swap3A_853 = arith.index_cast %select_n3A_825 : i32 to index
          %swap3A_854 = arith.index_cast %swap3A_852 : i32 to index
          %swap3A_855 = arith.index_cast %mul3A_842 : i32 to index
          %swap3A_856 = tpu.vector_load %arg12[%swap3A_853, %swap3A_854, %swap3A_855] {strides = array<i32>} : memref<16x4x128xf32, #tpu.memory_space<vmem>>, vector<16xf32>,
          tpu.vector_store %arg12[%swap3A_853, %swap3A_854, %swap3A_855], %sub3A_806 {strides = array<i32>} : memref<16x4x128xf32, #tpu.memory_space<vmem>>, vector<16xf32>,
          %mul3A_857 = arith.mulf %sub3A, %sub3A : vector<16xf32>
          %mul3A_858 = arith.mulf %sub3A_803, %sub3A_803 : vector<16xf32>
          %add3A_859 = arith.addf %mul3A_857, %mul3A_858 : vector<16xf32>
          %mul3A_860 = arith.mulf %sub3A_806, %sub3A_806 : vector<16xf32>
          %add3A_861 = arith.addf %add3A_859, %mul3A_860 : vector<16xf32>
          %bitcast_convert_type3A = tpu.bitcast %add3A_861 : vector<16xf32> -> vector<16xi32>
          %shift_right_arithmetic3A = arith.constant 1 : i32
          %shift_right_arithmetic3A_862 = vector.broadcast %shift_right_arithmetic3A : i32 to vector<16xi32>
          %shift_right_arithmetic3A_863 = arith.shrsi %bitcast_convert_type3A, %shift_right_arithmetic3A_862 : vector<16xi32>
          %sub3A_864 = arith.constant 1597463007 : i32
          %sub3A_865 = vector.broadcast %sub3A_864 : i32 to vector<16xi32>
          %sub3A_866 = arith.subi %sub3A_865, %shift_right_arithmetic3A_863 : vector<16xi32>
          %bitcast_convert_type3A_867 = tpu.bitcast %sub3A_866 : vector<16xi32> -> vector<16xf32>
          %mul3A_868 = arith.constant 5.000000e-01 : f32
          %mul3A_869 = vector.broadcast %mul3A_868 : f32 to vector<16xf32>
          %mul3A_870 = arith.mulf %mul3A_869, %add3A_861 : vector<16xf32>
          %mul3A_871 = arith.mulf %mul3A_870, %bitcast_convert_type3A_867 : vector<16xf32>
          %mul3A_872 = arith.mulf %mul3A_871, %bitcast_convert_type3A_867 : vector<16xf32>
          %sub3A_873 = arith.constant 1.500000e+00 : f32
          %sub3A_874 = vector.broadcast %sub3A_873 : f32 to vector<16xf32>
          %sub3A_875 = arith.subf %sub3A_874, %mul3A_872 : vector<16xf32>
          %mul3A_876 = arith.mulf %bitcast_convert_type3A_867, %sub3A_875 : vector<16xf32>
          %mul3A_877 = arith.constant 5.000000e-01 : f32
          %mul3A_878 = vector.broadcast %mul3A_877 : f32 to vector<16xf32>
          %mul3A_879 = arith.mulf %mul3A_878, %add3A_861 : vector<16xf32>
          %mul3A_880 = arith.mulf %mul3A_879, %mul3A_876 : vector<16xf32>
          %mul3A_881 = arith.mulf %mul3A_880, %mul3A_876 : vector<16xf32>
          %sub3A_882 = arith.constant 1.500000e+00 : f32
          %sub3A_883 = vector.broadcast %sub3A_882 : f32 to vector<16xf32>
          %sub3A_884 = arith.subf %sub3A_883, %mul3A_881 : vector<16xf32>
          %mul3A_885 = arith.mulf %mul3A_876, %sub3A_884 : vector<16xf32>
          %mul3A_886 = arith.constant 5.000000e-01 : f32
          %mul3A_887 = vector.broadcast %mul3A_886 : f32 to vector<16xf32>
          %mul3A_888 = arith.mulf %mul3A_887, %add3A_861 : vector<16xf32>
          %mul3A_889 = arith.mulf %mul3A_888, %mul3A_885 : vector<16xf32>
          %mul3A_890 = arith.mulf %mul3A_889, %mul3A_885 : vector<16xf32>
          %sub3A_891 = arith.constant 1.500000e+00 : f32
          %sub3A_892 = vector.broadcast %sub3A_891 : f32 to vector<16xf32>
          %sub3A_893 = arith.subf %sub3A_892, %mul3A_890 : vector<16xf32>
          %mul3A_894 = arith.mulf %mul3A_885, %sub3A_893 : vector<16xf32>
          %gt3A = arith.constant 0.000000e+00 : f32
          %gt3A_895 = vector.broadcast %gt3A : f32 to vector<16xf32>
          %gt3A_896 = arith.cmpf ogt, %add3A_861, %gt3A_895 : vector<16xf32>
          %mul3A_897 = arith.mulf %add3A_861, %mul3A_894 : vector<16xf32>
          %jit3A_898 = arith.constant 0.000000e+00 : f32
          %broadcast_in_dim3A_899 = vector.broadcast %jit3A_898 : f32 to vector<16xf32>
          %select_n3A_900 = arith.select %gt3A_896, %mul3A_897, %broadcast_in_dim3A_899 : vector<16xi1>, vector<16xf32>
          %mul3A_901 = arith.constant 16 : i32
          %mul3A_902 = arith.muli %add3A_790, %mul3A_901 : i32
          %swap3A_903 = arith.index_cast %mul3A_902 : i32 to index
          %swap3A_904 = tpu.vector_load %arg14[%swap3A_903] {strides = array<i32>} : memref<2048xf32, #tpu.memory_space<vmem>>, vector<16xf32>,
          tpu.vector_store %arg14[%swap3A_903], %select_n3A_900 {strides = array<i32>} : memref<2048xf32, #tpu.memory_space<vmem>>, vector<16xf32>,
        }
        %scan3A_770 = arith.constant 128 : i32
        %mul3A_771 = arith.constant 32 : i32
        %mul3A_772 = arith.muli %mul3A_771, %add3A_393 : i32
        %add3A_773 = arith.addi %add3A, %mul3A_772 : i32
        %mul3A_774 = arith.constant 2048 : i32
        %mul3A_775 = arith.muli %add3A_773, %mul3A_774 : i32
        %dma_start3A_776 = tpu.memref_slice %arg4[%mul3A_775] : memref<6400000xf32, #tpu.memory_space<hbm>> -> memref<2048xf32, #tpu.memory_space<hbm>>
        %dma_start3A_777 = tpu.memref_slice %arg4[%mul3A_775] : memref<6400000xf32, #tpu.memory_space<hbm>> -> memref<2048xf32, #tpu.memory_space<hbm>>
        tpu.enqueue_dma source(%arg14 : memref<2048xf32, #tpu.memory_space<vmem>>) target(%dma_start3A_777 : memref<2048xf32, #tpu.memory_space<hbm>>) target_semaphore(%arg18 : memref<!tpu.dma_semaphore, #tpu.memory_space<semaphore_mem>>)
        %mul3A_778 = arith.constant 16 : i32
        %mul3A_779 = arith.muli %add3A_773, %mul3A_778 : i32
        %dma_start3A_780 = arith.constant 0 : i32
        %dma_start3A_781 = arith.constant 0 : i32
        %dma_start3A_782 = tpu.memref_slice %arg5[%mul3A_779, %dma_start3A_780, %dma_start3A_781] : memref<50000x4x128xf32, #tpu.memory_space<hbm>> -> memref<16x4x128xf32, #tpu.memory_space<hbm>>
        %dma_start3A_783 = arith.constant 0 : i32
        %dma_start3A_784 = arith.constant 0 : i32
        %dma_start3A_785 = tpu.memref_slice %arg5[%mul3A_779, %dma_start3A_783, %dma_start3A_784] : memref<50000x4x128xf32, #tpu.memory_space<hbm>> -> memref<16x4x128xf32, #tpu.memory_space<hbm>>
        tpu.enqueue_dma source(%arg12 : memref<16x4x128xf32, #tpu.memory_space<vmem>>) target(%dma_start3A_785 : memref<16x4x128xf32, #tpu.memory_space<hbm>>) target_semaphore(%arg18 : memref<!tpu.dma_semaphore, #tpu.memory_space<semaphore_mem>>)
      } else {
      }
      %mul3A_396 = arith.constant 2 : i32
      %mul3A_397 = arith.muli %mul3A_396, %add3A_389 : i32
      %add3A_398 = arith.constant 1 : i32
      %add3A_399 = arith.addi %mul3A_397, %add3A_398 : i32
      %lt3A_400 = arith.cmpi slt, %add3A_399, %select_n3A : i32
      %convert_element_type3A_401 = arith.extui %lt3A_400 : i1 to i32
      %cond3A_402 = arith.constant 0 : i32
      %cond3A_403 = arith.cmpi ne, %convert_element_type3A_401, %cond3A_402 : i32
      scf.if %cond3A_403 {
        %add3A_404 = arith.constant 1 : i32
        %add3A_405 = arith.addi %add3A_399, %add3A_404 : i32
        %lt3A_406 = arith.cmpi slt, %add3A_405, %select_n3A : i32
        %convert_element_type3A_407 = arith.extui %lt3A_406 : i1 to i32
        %cond3A_408 = arith.constant 0 : i32
        %cond3A_409 = arith.cmpi ne, %convert_element_type3A_407, %cond3A_408 : i32
        scf.if %cond3A_409 {
          %add3A_786 = arith.constant 1 : i32
          %add3A_787 = arith.addi %add3A_399, %add3A_786 : i32
          %mul3A_788 = arith.constant 32 : i32
          %mul3A_789 = arith.muli %mul3A_788, %add3A_787 : i32
          %add3A_790 = arith.addi %add3A, %mul3A_789 : i32
          %mul3A_791 = arith.constant 16 : i32
          %mul3A_792 = arith.muli %add3A_790, %mul3A_791 : i32
          "tpu.region"() ({
            %run_scoped3A = tpu.sem_alloc : memref<!tpu.dma_semaphore, #tpu.memory_space<semaphore_mem>>
            %dma_start3A_1145 = arith.constant 0 : i32
            %dma_start3A_1146 = arith.constant 0 : i32
            %dma_start3A_1147 = tpu.memref_slice %arg3[%mul3A_792, %dma_start3A_1145, %dma_start3A_1146] : memref<50000x2x128xi32, #tpu.memory_space<hbm>> -> memref<16x2x128xi32, #tpu.memory_space<hbm>>
            %dma_start3A_1148 = arith.constant 0 : i32
            %dma_start3A_1149 = arith.constant 0 : i32
            %dma_start3A_1150 = tpu.memref_slice %arg3[%mul3A_792, %dma_start3A_1148, %dma_start3A_1149] : memref<50000x2x128xi32, #tpu.memory_space<hbm>> -> memref<16x2x128xi32, #tpu.memory_space<hbm>>
            tpu.enqueue_dma source(%dma_start3A_1150 : memref<16x2x128xi32, #tpu.memory_space<hbm>>) target(%arg6 : memref<16x2x128xi32, #tpu.memory_space<vmem>>) target_semaphore(%run_scoped3A : memref<!tpu.dma_semaphore, #tpu.memory_space<semaphore_mem>>)
            %dma_wait3A_1151 = arith.constant 0 : i32
            %dma_wait3A_1152 = arith.constant 0 : i32
            %dma_wait3A_1153 = tpu.memref_slice %arg3[%mul3A_792, %dma_wait3A_1151, %dma_wait3A_1152] : memref<50000x2x128xi32, #tpu.memory_space<hbm>> -> memref<16x2x128xi32, #tpu.memory_space<hbm>>
            %dma_wait3A_1154 = arith.constant 0 : i32
            %dma_wait3A_1155 = arith.constant 0 : i32
            %dma_wait3A_1156 = tpu.memref_slice %arg3[%mul3A_792, %dma_wait3A_1154, %dma_wait3A_1155] : memref<50000x2x128xi32, #tpu.memory_space<hbm>> -> memref<16x2x128xi32, #tpu.memory_space<hbm>>
            tpu.wait_dma2 semaphore(%run_scoped3A : memref<!tpu.dma_semaphore, #tpu.memory_space<semaphore_mem>>) src(%dma_wait3A_1156 : memref<16x2x128xi32, #tpu.memory_space<hbm>>) dst(%arg6 : memref<16x2x128xi32, #tpu.memory_space<vmem>>)
            tpu.yield
          }) : () -> ()
          %dma_start3A_793 = arith.constant 0 : i32
          %dma_start3A_794 = arith.constant 0 : i32
          %dma_start3A_795 = arith.constant 0 : i32
          %dma_start3A_796 = arith.constant 0 : i32
          %dma_start3A_797 = tpu.memref_slice %arg8[%dma_start3A_795, %dma_start3A_796] : memref<2048x8xf32, #tpu.memory_space<vmem>> -> memref<128x8xf32, #tpu.memory_space<vmem>>
          %dma_start3A_798 = arith.constant 0 : i32
          %dma_start3A_799 = tpu.memref_slice %arg6[%dma_start3A_793, %dma_start3A_794, %dma_start3A_798] : memref<16x2x128xi32, #tpu.memory_space<vmem>> -> memref<1x1x128xi32, #tpu.memory_space<vmem>>
          %dma_start3A_800 = tpu.memref_squeeze %dma_start3A_799 : memref<1x1x128xi32, #tpu.memory_space<vmem>> -> memref<128xi32, #tpu.memory_space<vmem>>
          %dma_start3A_801 = arith.constant 0 : i32
          %dma_start3A_802 = arith.constant 0 : i32
          %dma_start3A_803 = tpu.memref_slice %arg2[%dma_start3A_801, %dma_start3A_802] : memref<100000x8xf32, #tpu.memory_space<hbm>> -> memref<100000x8xf32, #tpu.memory_space<hbm>>
          tpu.enqueue_indirect_dma source(%dma_start3A_803 : memref<100000x8xf32, #tpu.memory_space<hbm>>) target(%dma_start3A_797 : memref<128x8xf32, #tpu.memory_space<vmem>>) offsets(%dma_start3A_800 : memref<128xi32, #tpu.memory_space<vmem>>) semaphore(%arg16 : memref<!tpu.dma_semaphore, #tpu.memory_space<semaphore_mem>>)
          %dma_start3A_804 = arith.constant 0 : i32
          %dma_start3A_805 = arith.constant 1 : i32
          %dma_start3A_806 = arith.constant 0 : i32
          %dma_start3A_807 = arith.constant 0 : i32
          %dma_start3A_808 = tpu.memref_slice %arg9[%dma_start3A_806, %dma_start3A_807] : memref<2048x8xf32, #tpu.memory_space<vmem>> -> memref<128x8xf32, #tpu.memory_space<vmem>>
          %dma_start3A_809 = arith.constant 0 : i32
          %dma_start3A_810 = tpu.memref_slice %arg6[%dma_start3A_804, %dma_start3A_805, %dma_start3A_809] : memref<16x2x128xi32, #tpu.memory_space<vmem>> -> memref<1x1x128xi32, #tpu.memory_space<vmem>>
          %dma_start3A_811 = tpu.memref_squeeze %dma_start3A_810 : memref<1x1x128xi32, #tpu.memory_space<vmem>> -> memref<128xi32, #tpu.memory_space<vmem>>
          %dma_start3A_812 = arith.constant 0 : i32
          %dma_start3A_813 = arith.constant 0 : i32
          %dma_start3A_814 = tpu.memref_slice %arg2[%dma_start3A_812, %dma_start3A_813] : memref<100000x8xf32, #tpu.memory_space<hbm>> -> memref<100000x8xf32, #tpu.memory_space<hbm>>
          tpu.enqueue_indirect_dma source(%dma_start3A_814 : memref<100000x8xf32, #tpu.memory_space<hbm>>) target(%dma_start3A_808 : memref<128x8xf32, #tpu.memory_space<vmem>>) offsets(%dma_start3A_811 : memref<128xi32, #tpu.memory_space<vmem>>) semaphore(%arg16 : memref<!tpu.dma_semaphore, #tpu.memory_space<semaphore_mem>>)
          %dma_start3A_815 = arith.constant 1 : i32
          %dma_start3A_816 = arith.constant 0 : i32
          %dma_start3A_817 = arith.constant 128 : i32
          %dma_start3A_818 = arith.constant 0 : i32
          %dma_start3A_819 = tpu.memref_slice %arg8[%dma_start3A_817, %dma_start3A_818] : memref<2048x8xf32, #tpu.memory_space<vmem>> -> memref<128x8xf32, #tpu.memory_space<vmem>>
          %dma_start3A_820 = arith.constant 0 : i32
          %dma_start3A_821 = tpu.memref_slice %arg6[%dma_start3A_815, %dma_start3A_816, %dma_start3A_820] : memref<16x2x128xi32, #tpu.memory_space<vmem>> -> memref<1x1x128xi32, #tpu.memory_space<vmem>>
          %dma_start3A_822 = tpu.memref_squeeze %dma_start3A_821 : memref<1x1x128xi32, #tpu.memory_space<vmem>> -> memref<128xi32, #tpu.memory_space<vmem>>
          %dma_start3A_823 = arith.constant 0 : i32
          %dma_start3A_824 = arith.constant 0 : i32
          %dma_start3A_825 = tpu.memref_slice %arg2[%dma_start3A_823, %dma_start3A_824] : memref<100000x8xf32, #tpu.memory_space<hbm>> -> memref<100000x8xf32, #tpu.memory_space<hbm>>
          tpu.enqueue_indirect_dma source(%dma_start3A_825 : memref<100000x8xf32, #tpu.memory_space<hbm>>) target(%dma_start3A_819 : memref<128x8xf32, #tpu.memory_space<vmem>>) offsets(%dma_start3A_822 : memref<128xi32, #tpu.memory_space<vmem>>) semaphore(%arg16 : memref<!tpu.dma_semaphore, #tpu.memory_space<semaphore_mem>>)
          %dma_start3A_826 = arith.constant 1 : i32
          %dma_start3A_827 = arith.constant 1 : i32
          %dma_start3A_828 = arith.constant 128 : i32
          %dma_start3A_829 = arith.constant 0 : i32
          %dma_start3A_830 = tpu.memref_slice %arg9[%dma_start3A_828, %dma_start3A_829] : memref<2048x8xf32, #tpu.memory_space<vmem>> -> memref<128x8xf32, #tpu.memory_space<vmem>>
          %dma_start3A_831 = arith.constant 0 : i32
          %dma_start3A_832 = tpu.memref_slice %arg6[%dma_start3A_826, %dma_start3A_827, %dma_start3A_831] : memref<16x2x128xi32, #tpu.memory_space<vmem>> -> memref<1x1x128xi32, #tpu.memory_space<vmem>>
          %dma_start3A_833 = tpu.memref_squeeze %dma_start3A_832 : memref<1x1x128xi32, #tpu.memory_space<vmem>> -> memref<128xi32, #tpu.memory_space<vmem>>
          %dma_start3A_834 = arith.constant 0 : i32
          %dma_start3A_835 = arith.constant 0 : i32
          %dma_start3A_836 = tpu.memref_slice %arg2[%dma_start3A_834, %dma_start3A_835] : memref<100000x8xf32, #tpu.memory_space<hbm>> -> memref<100000x8xf32, #tpu.memory_space<hbm>>
          tpu.enqueue_indirect_dma source(%dma_start3A_836 : memref<100000x8xf32, #tpu.memory_space<hbm>>) target(%dma_start3A_830 : memref<128x8xf32, #tpu.memory_space<vmem>>) offsets(%dma_start3A_833 : memref<128xi32, #tpu.memory_space<vmem>>) semaphore(%arg16 : memref<!tpu.dma_semaphore, #tpu.memory_space<semaphore_mem>>)
          %dma_start3A_837 = arith.constant 2 : i32
          %dma_start3A_838 = arith.constant 0 : i32
          %dma_start3A_839 = arith.constant 256 : i32
          %dma_start3A_840 = arith.constant 0 : i32
          %dma_start3A_841 = tpu.memref_slice %arg8[%dma_start3A_839, %dma_start3A_840] : memref<2048x8xf32, #tpu.memory_space<vmem>> -> memref<128x8xf32, #tpu.memory_space<vmem>>
          %dma_start3A_842 = arith.constant 0 : i32
          %dma_start3A_843 = tpu.memref_slice %arg6[%dma_start3A_837, %dma_start3A_838, %dma_start3A_842] : memref<16x2x128xi32, #tpu.memory_space<vmem>> -> memref<1x1x128xi32, #tpu.memory_space<vmem>>
          %dma_start3A_844 = tpu.memref_squeeze %dma_start3A_843 : memref<1x1x128xi32, #tpu.memory_space<vmem>> -> memref<128xi32, #tpu.memory_space<vmem>>
          %dma_start3A_845 = arith.constant 0 : i32
          %dma_start3A_846 = arith.constant 0 : i32
          %dma_start3A_847 = tpu.memref_slice %arg2[%dma_start3A_845, %dma_start3A_846] : memref<100000x8xf32, #tpu.memory_space<hbm>> -> memref<100000x8xf32, #tpu.memory_space<hbm>>
          tpu.enqueue_indirect_dma source(%dma_start3A_847 : memref<100000x8xf32, #tpu.memory_space<hbm>>) target(%dma_start3A_841 : memref<128x8xf32, #tpu.memory_space<vmem>>) offsets(%dma_start3A_844 : memref<128xi32, #tpu.memory_space<vmem>>) semaphore(%arg16 : memref<!tpu.dma_semaphore, #tpu.memory_space<semaphore_mem>>)
          %dma_start3A_848 = arith.constant 2 : i32
          %dma_start3A_849 = arith.constant 1 : i32
          %dma_start3A_850 = arith.constant 256 : i32
          %dma_start3A_851 = arith.constant 0 : i32
          %dma_start3A_852 = tpu.memref_slice %arg9[%dma_start3A_850, %dma_start3A_851] : memref<2048x8xf32, #tpu.memory_space<vmem>> -> memref<128x8xf32, #tpu.memory_space<vmem>>
          %dma_start3A_853 = arith.constant 0 : i32
          %dma_start3A_854 = tpu.memref_slice %arg6[%dma_start3A_848, %dma_start3A_849, %dma_start3A_853] : memref<16x2x128xi32, #tpu.memory_space<vmem>> -> memref<1x1x128xi32, #tpu.memory_space<vmem>>
          %dma_start3A_855 = tpu.memref_squeeze %dma_start3A_854 : memref<1x1x128xi32, #tpu.memory_space<vmem>> -> memref<128xi32, #tpu.memory_space<vmem>>
          %dma_start3A_856 = arith.constant 0 : i32
          %dma_start3A_857 = arith.constant 0 : i32
          %dma_start3A_858 = tpu.memref_slice %arg2[%dma_start3A_856, %dma_start3A_857] : memref<100000x8xf32, #tpu.memory_space<hbm>> -> memref<100000x8xf32, #tpu.memory_space<hbm>>
          tpu.enqueue_indirect_dma source(%dma_start3A_858 : memref<100000x8xf32, #tpu.memory_space<hbm>>) target(%dma_start3A_852 : memref<128x8xf32, #tpu.memory_space<vmem>>) offsets(%dma_start3A_855 : memref<128xi32, #tpu.memory_space<vmem>>) semaphore(%arg16 : memref<!tpu.dma_semaphore, #tpu.memory_space<semaphore_mem>>)
          %dma_start3A_859 = arith.constant 3 : i32
          %dma_start3A_860 = arith.constant 0 : i32
          %dma_start3A_861 = arith.constant 384 : i32
          %dma_start3A_862 = arith.constant 0 : i32
          %dma_start3A_863 = tpu.memref_slice %arg8[%dma_start3A_861, %dma_start3A_862] : memref<2048x8xf32, #tpu.memory_space<vmem>> -> memref<128x8xf32, #tpu.memory_space<vmem>>
          %dma_start3A_864 = arith.constant 0 : i32
          %dma_start3A_865 = tpu.memref_slice %arg6[%dma_start3A_859, %dma_start3A_860, %dma_start3A_864] : memref<16x2x128xi32, #tpu.memory_space<vmem>> -> memref<1x1x128xi32, #tpu.memory_space<vmem>>
          %dma_start3A_866 = tpu.memref_squeeze %dma_start3A_865 : memref<1x1x128xi32, #tpu.memory_space<vmem>> -> memref<128xi32, #tpu.memory_space<vmem>>
          %dma_start3A_867 = arith.constant 0 : i32
          %dma_start3A_868 = arith.constant 0 : i32
          %dma_start3A_869 = tpu.memref_slice %arg2[%dma_start3A_867, %dma_start3A_868] : memref<100000x8xf32, #tpu.memory_space<hbm>> -> memref<100000x8xf32, #tpu.memory_space<hbm>>
          tpu.enqueue_indirect_dma source(%dma_start3A_869 : memref<100000x8xf32, #tpu.memory_space<hbm>>) target(%dma_start3A_863 : memref<128x8xf32, #tpu.memory_space<vmem>>) offsets(%dma_start3A_866 : memref<128xi32, #tpu.memory_space<vmem>>) semaphore(%arg16 : memref<!tpu.dma_semaphore, #tpu.memory_space<semaphore_mem>>)
          %dma_start3A_870 = arith.constant 3 : i32
          %dma_start3A_871 = arith.constant 1 : i32
          %dma_start3A_872 = arith.constant 384 : i32
          %dma_start3A_873 = arith.constant 0 : i32
          %dma_start3A_874 = tpu.memref_slice %arg9[%dma_start3A_872, %dma_start3A_873] : memref<2048x8xf32, #tpu.memory_space<vmem>> -> memref<128x8xf32, #tpu.memory_space<vmem>>
          %dma_start3A_875 = arith.constant 0 : i32
          %dma_start3A_876 = tpu.memref_slice %arg6[%dma_start3A_870, %dma_start3A_871, %dma_start3A_875] : memref<16x2x128xi32, #tpu.memory_space<vmem>> -> memref<1x1x128xi32, #tpu.memory_space<vmem>>
          %dma_start3A_877 = tpu.memref_squeeze %dma_start3A_876 : memref<1x1x128xi32, #tpu.memory_space<vmem>> -> memref<128xi32, #tpu.memory_space<vmem>>
          %dma_start3A_878 = arith.constant 0 : i32
          %dma_start3A_879 = arith.constant 0 : i32
          %dma_start3A_880 = tpu.memref_slice %arg2[%dma_start3A_878, %dma_start3A_879] : memref<100000x8xf32, #tpu.memory_space<hbm>> -> memref<100000x8xf32, #tpu.memory_space<hbm>>
          tpu.enqueue_indirect_dma source(%dma_start3A_880 : memref<100000x8xf32, #tpu.memory_space<hbm>>) target(%dma_start3A_874 : memref<128x8xf32, #tpu.memory_space<vmem>>) offsets(%dma_start3A_877 : memref<128xi32, #tpu.memory_space<vmem>>) semaphore(%arg16 : memref<!tpu.dma_semaphore, #tpu.memory_space<semaphore_mem>>)
          %dma_start3A_881 = arith.constant 4 : i32
          %dma_start3A_882 = arith.constant 0 : i32
          %dma_start3A_883 = arith.constant 512 : i32
          %dma_start3A_884 = arith.constant 0 : i32
          %dma_start3A_885 = tpu.memref_slice %arg8[%dma_start3A_883, %dma_start3A_884] : memref<2048x8xf32, #tpu.memory_space<vmem>> -> memref<128x8xf32, #tpu.memory_space<vmem>>
          %dma_start3A_886 = arith.constant 0 : i32
          %dma_start3A_887 = tpu.memref_slice %arg6[%dma_start3A_881, %dma_start3A_882, %dma_start3A_886] : memref<16x2x128xi32, #tpu.memory_space<vmem>> -> memref<1x1x128xi32, #tpu.memory_space<vmem>>
          %dma_start3A_888 = tpu.memref_squeeze %dma_start3A_887 : memref<1x1x128xi32, #tpu.memory_space<vmem>> -> memref<128xi32, #tpu.memory_space<vmem>>
          %dma_start3A_889 = arith.constant 0 : i32
          %dma_start3A_890 = arith.constant 0 : i32
          %dma_start3A_891 = tpu.memref_slice %arg2[%dma_start3A_889, %dma_start3A_890] : memref<100000x8xf32, #tpu.memory_space<hbm>> -> memref<100000x8xf32, #tpu.memory_space<hbm>>
          tpu.enqueue_indirect_dma source(%dma_start3A_891 : memref<100000x8xf32, #tpu.memory_space<hbm>>) target(%dma_start3A_885 : memref<128x8xf32, #tpu.memory_space<vmem>>) offsets(%dma_start3A_888 : memref<128xi32, #tpu.memory_space<vmem>>) semaphore(%arg16 : memref<!tpu.dma_semaphore, #tpu.memory_space<semaphore_mem>>)
          %dma_start3A_892 = arith.constant 4 : i32
          %dma_start3A_893 = arith.constant 1 : i32
          %dma_start3A_894 = arith.constant 512 : i32
          %dma_start3A_895 = arith.constant 0 : i32
          %dma_start3A_896 = tpu.memref_slice %arg9[%dma_start3A_894, %dma_start3A_895] : memref<2048x8xf32, #tpu.memory_space<vmem>> -> memref<128x8xf32, #tpu.memory_space<vmem>>
          %dma_start3A_897 = arith.constant 0 : i32
          %dma_start3A_898 = tpu.memref_slice %arg6[%dma_start3A_892, %dma_start3A_893, %dma_start3A_897] : memref<16x2x128xi32, #tpu.memory_space<vmem>> -> memref<1x1x128xi32, #tpu.memory_space<vmem>>
          %dma_start3A_899 = tpu.memref_squeeze %dma_start3A_898 : memref<1x1x128xi32, #tpu.memory_space<vmem>> -> memref<128xi32, #tpu.memory_space<vmem>>
          %dma_start3A_900 = arith.constant 0 : i32
          %dma_start3A_901 = arith.constant 0 : i32
          %dma_start3A_902 = tpu.memref_slice %arg2[%dma_start3A_900, %dma_start3A_901] : memref<100000x8xf32, #tpu.memory_space<hbm>> -> memref<100000x8xf32, #tpu.memory_space<hbm>>
          tpu.enqueue_indirect_dma source(%dma_start3A_902 : memref<100000x8xf32, #tpu.memory_space<hbm>>) target(%dma_start3A_896 : memref<128x8xf32, #tpu.memory_space<vmem>>) offsets(%dma_start3A_899 : memref<128xi32, #tpu.memory_space<vmem>>) semaphore(%arg16 : memref<!tpu.dma_semaphore, #tpu.memory_space<semaphore_mem>>)
          %dma_start3A_903 = arith.constant 5 : i32
          %dma_start3A_904 = arith.constant 0 : i32
          %dma_start3A_905 = arith.constant 640 : i32
          %dma_start3A_906 = arith.constant 0 : i32
          %dma_start3A_907 = tpu.memref_slice %arg8[%dma_start3A_905, %dma_start3A_906] : memref<2048x8xf32, #tpu.memory_space<vmem>> -> memref<128x8xf32, #tpu.memory_space<vmem>>
          %dma_start3A_908 = arith.constant 0 : i32
          %dma_start3A_909 = tpu.memref_slice %arg6[%dma_start3A_903, %dma_start3A_904, %dma_start3A_908] : memref<16x2x128xi32, #tpu.memory_space<vmem>> -> memref<1x1x128xi32, #tpu.memory_space<vmem>>
          %dma_start3A_910 = tpu.memref_squeeze %dma_start3A_909 : memref<1x1x128xi32, #tpu.memory_space<vmem>> -> memref<128xi32, #tpu.memory_space<vmem>>
          %dma_start3A_911 = arith.constant 0 : i32
          %dma_start3A_912 = arith.constant 0 : i32
          %dma_start3A_913 = tpu.memref_slice %arg2[%dma_start3A_911, %dma_start3A_912] : memref<100000x8xf32, #tpu.memory_space<hbm>> -> memref<100000x8xf32, #tpu.memory_space<hbm>>
          tpu.enqueue_indirect_dma source(%dma_start3A_913 : memref<100000x8xf32, #tpu.memory_space<hbm>>) target(%dma_start3A_907 : memref<128x8xf32, #tpu.memory_space<vmem>>) offsets(%dma_start3A_910 : memref<128xi32, #tpu.memory_space<vmem>>) semaphore(%arg16 : memref<!tpu.dma_semaphore, #tpu.memory_space<semaphore_mem>>)
          %dma_start3A_914 = arith.constant 5 : i32
          %dma_start3A_915 = arith.constant 1 : i32
          %dma_start3A_916 = arith.constant 640 : i32
          %dma_start3A_917 = arith.constant 0 : i32
          %dma_start3A_918 = tpu.memref_slice %arg9[%dma_start3A_916, %dma_start3A_917] : memref<2048x8xf32, #tpu.memory_space<vmem>> -> memref<128x8xf32, #tpu.memory_space<vmem>>
          %dma_start3A_919 = arith.constant 0 : i32
          %dma_start3A_920 = tpu.memref_slice %arg6[%dma_start3A_914, %dma_start3A_915, %dma_start3A_919] : memref<16x2x128xi32, #tpu.memory_space<vmem>> -> memref<1x1x128xi32, #tpu.memory_space<vmem>>
          %dma_start3A_921 = tpu.memref_squeeze %dma_start3A_920 : memref<1x1x128xi32, #tpu.memory_space<vmem>> -> memref<128xi32, #tpu.memory_space<vmem>>
          %dma_start3A_922 = arith.constant 0 : i32
          %dma_start3A_923 = arith.constant 0 : i32
          %dma_start3A_924 = tpu.memref_slice %arg2[%dma_start3A_922, %dma_start3A_923] : memref<100000x8xf32, #tpu.memory_space<hbm>> -> memref<100000x8xf32, #tpu.memory_space<hbm>>
          tpu.enqueue_indirect_dma source(%dma_start3A_924 : memref<100000x8xf32, #tpu.memory_space<hbm>>) target(%dma_start3A_918 : memref<128x8xf32, #tpu.memory_space<vmem>>) offsets(%dma_start3A_921 : memref<128xi32, #tpu.memory_space<vmem>>) semaphore(%arg16 : memref<!tpu.dma_semaphore, #tpu.memory_space<semaphore_mem>>)
          %dma_start3A_925 = arith.constant 6 : i32
          %dma_start3A_926 = arith.constant 0 : i32
          %dma_start3A_927 = arith.constant 768 : i32
          %dma_start3A_928 = arith.constant 0 : i32
          %dma_start3A_929 = tpu.memref_slice %arg8[%dma_start3A_927, %dma_start3A_928] : memref<2048x8xf32, #tpu.memory_space<vmem>> -> memref<128x8xf32, #tpu.memory_space<vmem>>
          %dma_start3A_930 = arith.constant 0 : i32
          %dma_start3A_931 = tpu.memref_slice %arg6[%dma_start3A_925, %dma_start3A_926, %dma_start3A_930] : memref<16x2x128xi32, #tpu.memory_space<vmem>> -> memref<1x1x128xi32, #tpu.memory_space<vmem>>
          %dma_start3A_932 = tpu.memref_squeeze %dma_start3A_931 : memref<1x1x128xi32, #tpu.memory_space<vmem>> -> memref<128xi32, #tpu.memory_space<vmem>>
          %dma_start3A_933 = arith.constant 0 : i32
          %dma_start3A_934 = arith.constant 0 : i32
          %dma_start3A_935 = tpu.memref_slice %arg2[%dma_start3A_933, %dma_start3A_934] : memref<100000x8xf32, #tpu.memory_space<hbm>> -> memref<100000x8xf32, #tpu.memory_space<hbm>>
          tpu.enqueue_indirect_dma source(%dma_start3A_935 : memref<100000x8xf32, #tpu.memory_space<hbm>>) target(%dma_start3A_929 : memref<128x8xf32, #tpu.memory_space<vmem>>) offsets(%dma_start3A_932 : memref<128xi32, #tpu.memory_space<vmem>>) semaphore(%arg16 : memref<!tpu.dma_semaphore, #tpu.memory_space<semaphore_mem>>)
          %dma_start3A_936 = arith.constant 6 : i32
          %dma_start3A_937 = arith.constant 1 : i32
          %dma_start3A_938 = arith.constant 768 : i32
          %dma_start3A_939 = arith.constant 0 : i32
          %dma_start3A_940 = tpu.memref_slice %arg9[%dma_start3A_938, %dma_start3A_939] : memref<2048x8xf32, #tpu.memory_space<vmem>> -> memref<128x8xf32, #tpu.memory_space<vmem>>
          %dma_start3A_941 = arith.constant 0 : i32
          %dma_start3A_942 = tpu.memref_slice %arg6[%dma_start3A_936, %dma_start3A_937, %dma_start3A_941] : memref<16x2x128xi32, #tpu.memory_space<vmem>> -> memref<1x1x128xi32, #tpu.memory_space<vmem>>
          %dma_start3A_943 = tpu.memref_squeeze %dma_start3A_942 : memref<1x1x128xi32, #tpu.memory_space<vmem>> -> memref<128xi32, #tpu.memory_space<vmem>>
          %dma_start3A_944 = arith.constant 0 : i32
          %dma_start3A_945 = arith.constant 0 : i32
          %dma_start3A_946 = tpu.memref_slice %arg2[%dma_start3A_944, %dma_start3A_945] : memref<100000x8xf32, #tpu.memory_space<hbm>> -> memref<100000x8xf32, #tpu.memory_space<hbm>>
          tpu.enqueue_indirect_dma source(%dma_start3A_946 : memref<100000x8xf32, #tpu.memory_space<hbm>>) target(%dma_start3A_940 : memref<128x8xf32, #tpu.memory_space<vmem>>) offsets(%dma_start3A_943 : memref<128xi32, #tpu.memory_space<vmem>>) semaphore(%arg16 : memref<!tpu.dma_semaphore, #tpu.memory_space<semaphore_mem>>)
          %dma_start3A_947 = arith.constant 7 : i32
          %dma_start3A_948 = arith.constant 0 : i32
          %dma_start3A_949 = arith.constant 896 : i32
          %dma_start3A_950 = arith.constant 0 : i32
          %dma_start3A_951 = tpu.memref_slice %arg8[%dma_start3A_949, %dma_start3A_950] : memref<2048x8xf32, #tpu.memory_space<vmem>> -> memref<128x8xf32, #tpu.memory_space<vmem>>
          %dma_start3A_952 = arith.constant 0 : i32
          %dma_start3A_953 = tpu.memref_slice %arg6[%dma_start3A_947, %dma_start3A_948, %dma_start3A_952] : memref<16x2x128xi32, #tpu.memory_space<vmem>> -> memref<1x1x128xi32, #tpu.memory_space<vmem>>
          %dma_start3A_954 = tpu.memref_squeeze %dma_start3A_953 : memref<1x1x128xi32, #tpu.memory_space<vmem>> -> memref<128xi32, #tpu.memory_space<vmem>>
          %dma_start3A_955 = arith.constant 0 : i32
          %dma_start3A_956 = arith.constant 0 : i32
          %dma_start3A_957 = tpu.memref_slice %arg2[%dma_start3A_955, %dma_start3A_956] : memref<100000x8xf32, #tpu.memory_space<hbm>> -> memref<100000x8xf32, #tpu.memory_space<hbm>>
          tpu.enqueue_indirect_dma source(%dma_start3A_957 : memref<100000x8xf32, #tpu.memory_space<hbm>>) target(%dma_start3A_951 : memref<128x8xf32, #tpu.memory_space<vmem>>) offsets(%dma_start3A_954 : memref<128xi32, #tpu.memory_space<vmem>>) semaphore(%arg16 : memref<!tpu.dma_semaphore, #tpu.memory_space<semaphore_mem>>)
          %dma_start3A_958 = arith.constant 7 : i32
          %dma_start3A_959 = arith.constant 1 : i32
          %dma_start3A_960 = arith.constant 896 : i32
          %dma_start3A_961 = arith.constant 0 : i32
          %dma_start3A_962 = tpu.memref_slice %arg9[%dma_start3A_960, %dma_start3A_961] : memref<2048x8xf32, #tpu.memory_space<vmem>> -> memref<128x8xf32, #tpu.memory_space<vmem>>
          %dma_start3A_963 = arith.constant 0 : i32
          %dma_start3A_964 = tpu.memref_slice %arg6[%dma_start3A_958, %dma_start3A_959, %dma_start3A_963] : memref<16x2x128xi32, #tpu.memory_space<vmem>> -> memref<1x1x128xi32, #tpu.memory_space<vmem>>
          %dma_start3A_965 = tpu.memref_squeeze %dma_start3A_964 : memref<1x1x128xi32, #tpu.memory_space<vmem>> -> memref<128xi32, #tpu.memory_space<vmem>>
          %dma_start3A_966 = arith.constant 0 : i32
          %dma_start3A_967 = arith.constant 0 : i32
          %dma_start3A_968 = tpu.memref_slice %arg2[%dma_start3A_966, %dma_start3A_967] : memref<100000x8xf32, #tpu.memory_space<hbm>> -> memref<100000x8xf32, #tpu.memory_space<hbm>>
          tpu.enqueue_indirect_dma source(%dma_start3A_968 : memref<100000x8xf32, #tpu.memory_space<hbm>>) target(%dma_start3A_962 : memref<128x8xf32, #tpu.memory_space<vmem>>) offsets(%dma_start3A_965 : memref<128xi32, #tpu.memory_space<vmem>>) semaphore(%arg16 : memref<!tpu.dma_semaphore, #tpu.memory_space<semaphore_mem>>)
          %dma_start3A_969 = arith.constant 8 : i32
          %dma_start3A_970 = arith.constant 0 : i32
          %dma_start3A_971 = arith.constant 1024 : i32
          %dma_start3A_972 = arith.constant 0 : i32
          %dma_start3A_973 = tpu.memref_slice %arg8[%dma_start3A_971, %dma_start3A_972] : memref<2048x8xf32, #tpu.memory_space<vmem>> -> memref<128x8xf32, #tpu.memory_space<vmem>>
          %dma_start3A_974 = arith.constant 0 : i32
          %dma_start3A_975 = tpu.memref_slice %arg6[%dma_start3A_969, %dma_start3A_970, %dma_start3A_974] : memref<16x2x128xi32, #tpu.memory_space<vmem>> -> memref<1x1x128xi32, #tpu.memory_space<vmem>>
          %dma_start3A_976 = tpu.memref_squeeze %dma_start3A_975 : memref<1x1x128xi32, #tpu.memory_space<vmem>> -> memref<128xi32, #tpu.memory_space<vmem>>
          %dma_start3A_977 = arith.constant 0 : i32
          %dma_start3A_978 = arith.constant 0 : i32
          %dma_start3A_979 = tpu.memref_slice %arg2[%dma_start3A_977, %dma_start3A_978] : memref<100000x8xf32, #tpu.memory_space<hbm>> -> memref<100000x8xf32, #tpu.memory_space<hbm>>
          tpu.enqueue_indirect_dma source(%dma_start3A_979 : memref<100000x8xf32, #tpu.memory_space<hbm>>) target(%dma_start3A_973 : memref<128x8xf32, #tpu.memory_space<vmem>>) offsets(%dma_start3A_976 : memref<128xi32, #tpu.memory_space<vmem>>) semaphore(%arg16 : memref<!tpu.dma_semaphore, #tpu.memory_space<semaphore_mem>>)
          %dma_start3A_980 = arith.constant 8 : i32
          %dma_start3A_981 = arith.constant 1 : i32
          %dma_start3A_982 = arith.constant 1024 : i32
          %dma_start3A_983 = arith.constant 0 : i32
          %dma_start3A_984 = tpu.memref_slice %arg9[%dma_start3A_982, %dma_start3A_983] : memref<2048x8xf32, #tpu.memory_space<vmem>> -> memref<128x8xf32, #tpu.memory_space<vmem>>
          %dma_start3A_985 = arith.constant 0 : i32
          %dma_start3A_986 = tpu.memref_slice %arg6[%dma_start3A_980, %dma_start3A_981, %dma_start3A_985] : memref<16x2x128xi32, #tpu.memory_space<vmem>> -> memref<1x1x128xi32, #tpu.memory_space<vmem>>
          %dma_start3A_987 = tpu.memref_squeeze %dma_start3A_986 : memref<1x1x128xi32, #tpu.memory_space<vmem>> -> memref<128xi32, #tpu.memory_space<vmem>>
          %dma_start3A_988 = arith.constant 0 : i32
          %dma_start3A_989 = arith.constant 0 : i32
          %dma_start3A_990 = tpu.memref_slice %arg2[%dma_start3A_988, %dma_start3A_989] : memref<100000x8xf32, #tpu.memory_space<hbm>> -> memref<100000x8xf32, #tpu.memory_space<hbm>>
          tpu.enqueue_indirect_dma source(%dma_start3A_990 : memref<100000x8xf32, #tpu.memory_space<hbm>>) target(%dma_start3A_984 : memref<128x8xf32, #tpu.memory_space<vmem>>) offsets(%dma_start3A_987 : memref<128xi32, #tpu.memory_space<vmem>>) semaphore(%arg16 : memref<!tpu.dma_semaphore, #tpu.memory_space<semaphore_mem>>)
          %dma_start3A_991 = arith.constant 9 : i32
          %dma_start3A_992 = arith.constant 0 : i32
          %dma_start3A_993 = arith.constant 1152 : i32
          %dma_start3A_994 = arith.constant 0 : i32
          %dma_start3A_995 = tpu.memref_slice %arg8[%dma_start3A_993, %dma_start3A_994] : memref<2048x8xf32, #tpu.memory_space<vmem>> -> memref<128x8xf32, #tpu.memory_space<vmem>>
          %dma_start3A_996 = arith.constant 0 : i32
          %dma_start3A_997 = tpu.memref_slice %arg6[%dma_start3A_991, %dma_start3A_992, %dma_start3A_996] : memref<16x2x128xi32, #tpu.memory_space<vmem>> -> memref<1x1x128xi32, #tpu.memory_space<vmem>>
          %dma_start3A_998 = tpu.memref_squeeze %dma_start3A_997 : memref<1x1x128xi32, #tpu.memory_space<vmem>> -> memref<128xi32, #tpu.memory_space<vmem>>
          %dma_start3A_999 = arith.constant 0 : i32
          %dma_start3A_1000 = arith.constant 0 : i32
          %dma_start3A_1001 = tpu.memref_slice %arg2[%dma_start3A_999, %dma_start3A_1000] : memref<100000x8xf32, #tpu.memory_space<hbm>> -> memref<100000x8xf32, #tpu.memory_space<hbm>>
          tpu.enqueue_indirect_dma source(%dma_start3A_1001 : memref<100000x8xf32, #tpu.memory_space<hbm>>) target(%dma_start3A_995 : memref<128x8xf32, #tpu.memory_space<vmem>>) offsets(%dma_start3A_998 : memref<128xi32, #tpu.memory_space<vmem>>) semaphore(%arg16 : memref<!tpu.dma_semaphore, #tpu.memory_space<semaphore_mem>>)
          %dma_start3A_1002 = arith.constant 9 : i32
          %dma_start3A_1003 = arith.constant 1 : i32
          %dma_start3A_1004 = arith.constant 1152 : i32
          %dma_start3A_1005 = arith.constant 0 : i32
          %dma_start3A_1006 = tpu.memref_slice %arg9[%dma_start3A_1004, %dma_start3A_1005] : memref<2048x8xf32, #tpu.memory_space<vmem>> -> memref<128x8xf32, #tpu.memory_space<vmem>>
          %dma_start3A_1007 = arith.constant 0 : i32
          %dma_start3A_1008 = tpu.memref_slice %arg6[%dma_start3A_1002, %dma_start3A_1003, %dma_start3A_1007] : memref<16x2x128xi32, #tpu.memory_space<vmem>> -> memref<1x1x128xi32, #tpu.memory_space<vmem>>
          %dma_start3A_1009 = tpu.memref_squeeze %dma_start3A_1008 : memref<1x1x128xi32, #tpu.memory_space<vmem>> -> memref<128xi32, #tpu.memory_space<vmem>>
          %dma_start3A_1010 = arith.constant 0 : i32
          %dma_start3A_1011 = arith.constant 0 : i32
          %dma_start3A_1012 = tpu.memref_slice %arg2[%dma_start3A_1010, %dma_start3A_1011] : memref<100000x8xf32, #tpu.memory_space<hbm>> -> memref<100000x8xf32, #tpu.memory_space<hbm>>
          tpu.enqueue_indirect_dma source(%dma_start3A_1012 : memref<100000x8xf32, #tpu.memory_space<hbm>>) target(%dma_start3A_1006 : memref<128x8xf32, #tpu.memory_space<vmem>>) offsets(%dma_start3A_1009 : memref<128xi32, #tpu.memory_space<vmem>>) semaphore(%arg16 : memref<!tpu.dma_semaphore, #tpu.memory_space<semaphore_mem>>)
          %dma_start3A_1013 = arith.constant 10 : i32
          %dma_start3A_1014 = arith.constant 0 : i32
          %dma_start3A_1015 = arith.constant 1280 : i32
          %dma_start3A_1016 = arith.constant 0 : i32
          %dma_start3A_1017 = tpu.memref_slice %arg8[%dma_start3A_1015, %dma_start3A_1016] : memref<2048x8xf32, #tpu.memory_space<vmem>> -> memref<128x8xf32, #tpu.memory_space<vmem>>
          %dma_start3A_1018 = arith.constant 0 : i32
          %dma_start3A_1019 = tpu.memref_slice %arg6[%dma_start3A_1013, %dma_start3A_1014, %dma_start3A_1018] : memref<16x2x128xi32, #tpu.memory_space<vmem>> -> memref<1x1x128xi32, #tpu.memory_space<vmem>>
          %dma_start3A_1020 = tpu.memref_squeeze %dma_start3A_1019 : memref<1x1x128xi32, #tpu.memory_space<vmem>> -> memref<128xi32, #tpu.memory_space<vmem>>
          %dma_start3A_1021 = arith.constant 0 : i32
          %dma_start3A_1022 = arith.constant 0 : i32
          %dma_start3A_1023 = tpu.memref_slice %arg2[%dma_start3A_1021, %dma_start3A_1022] : memref<100000x8xf32, #tpu.memory_space<hbm>> -> memref<100000x8xf32, #tpu.memory_space<hbm>>
          tpu.enqueue_indirect_dma source(%dma_start3A_1023 : memref<100000x8xf32, #tpu.memory_space<hbm>>) target(%dma_start3A_1017 : memref<128x8xf32, #tpu.memory_space<vmem>>) offsets(%dma_start3A_1020 : memref<128xi32, #tpu.memory_space<vmem>>) semaphore(%arg16 : memref<!tpu.dma_semaphore, #tpu.memory_space<semaphore_mem>>)
          %dma_start3A_1024 = arith.constant 10 : i32
          %dma_start3A_1025 = arith.constant 1 : i32
          %dma_start3A_1026 = arith.constant 1280 : i32
          %dma_start3A_1027 = arith.constant 0 : i32
          %dma_start3A_1028 = tpu.memref_slice %arg9[%dma_start3A_1026, %dma_start3A_1027] : memref<2048x8xf32, #tpu.memory_space<vmem>> -> memref<128x8xf32, #tpu.memory_space<vmem>>
          %dma_start3A_1029 = arith.constant 0 : i32
          %dma_start3A_1030 = tpu.memref_slice %arg6[%dma_start3A_1024, %dma_start3A_1025, %dma_start3A_1029] : memref<16x2x128xi32, #tpu.memory_space<vmem>> -> memref<1x1x128xi32, #tpu.memory_space<vmem>>
          %dma_start3A_1031 = tpu.memref_squeeze %dma_start3A_1030 : memref<1x1x128xi32, #tpu.memory_space<vmem>> -> memref<128xi32, #tpu.memory_space<vmem>>
          %dma_start3A_1032 = arith.constant 0 : i32
          %dma_start3A_1033 = arith.constant 0 : i32
          %dma_start3A_1034 = tpu.memref_slice %arg2[%dma_start3A_1032, %dma_start3A_1033] : memref<100000x8xf32, #tpu.memory_space<hbm>> -> memref<100000x8xf32, #tpu.memory_space<hbm>>
          tpu.enqueue_indirect_dma source(%dma_start3A_1034 : memref<100000x8xf32, #tpu.memory_space<hbm>>) target(%dma_start3A_1028 : memref<128x8xf32, #tpu.memory_space<vmem>>) offsets(%dma_start3A_1031 : memref<128xi32, #tpu.memory_space<vmem>>) semaphore(%arg16 : memref<!tpu.dma_semaphore, #tpu.memory_space<semaphore_mem>>)
          %dma_start3A_1035 = arith.constant 11 : i32
          %dma_start3A_1036 = arith.constant 0 : i32
          %dma_start3A_1037 = arith.constant 1408 : i32
          %dma_start3A_1038 = arith.constant 0 : i32
          %dma_start3A_1039 = tpu.memref_slice %arg8[%dma_start3A_1037, %dma_start3A_1038] : memref<2048x8xf32, #tpu.memory_space<vmem>> -> memref<128x8xf32, #tpu.memory_space<vmem>>
          %dma_start3A_1040 = arith.constant 0 : i32
          %dma_start3A_1041 = tpu.memref_slice %arg6[%dma_start3A_1035, %dma_start3A_1036, %dma_start3A_1040] : memref<16x2x128xi32, #tpu.memory_space<vmem>> -> memref<1x1x128xi32, #tpu.memory_space<vmem>>
          %dma_start3A_1042 = tpu.memref_squeeze %dma_start3A_1041 : memref<1x1x128xi32, #tpu.memory_space<vmem>> -> memref<128xi32, #tpu.memory_space<vmem>>
          %dma_start3A_1043 = arith.constant 0 : i32
          %dma_start3A_1044 = arith.constant 0 : i32
          %dma_start3A_1045 = tpu.memref_slice %arg2[%dma_start3A_1043, %dma_start3A_1044] : memref<100000x8xf32, #tpu.memory_space<hbm>> -> memref<100000x8xf32, #tpu.memory_space<hbm>>
          tpu.enqueue_indirect_dma source(%dma_start3A_1045 : memref<100000x8xf32, #tpu.memory_space<hbm>>) target(%dma_start3A_1039 : memref<128x8xf32, #tpu.memory_space<vmem>>) offsets(%dma_start3A_1042 : memref<128xi32, #tpu.memory_space<vmem>>) semaphore(%arg16 : memref<!tpu.dma_semaphore, #tpu.memory_space<semaphore_mem>>)
          %dma_start3A_1046 = arith.constant 11 : i32
          %dma_start3A_1047 = arith.constant 1 : i32
          %dma_start3A_1048 = arith.constant 1408 : i32
          %dma_start3A_1049 = arith.constant 0 : i32
          %dma_start3A_1050 = tpu.memref_slice %arg9[%dma_start3A_1048, %dma_start3A_1049] : memref<2048x8xf32, #tpu.memory_space<vmem>> -> memref<128x8xf32, #tpu.memory_space<vmem>>
          %dma_start3A_1051 = arith.constant 0 : i32
          %dma_start3A_1052 = tpu.memref_slice %arg6[%dma_start3A_1046, %dma_start3A_1047, %dma_start3A_1051] : memref<16x2x128xi32, #tpu.memory_space<vmem>> -> memref<1x1x128xi32, #tpu.memory_space<vmem>>
          %dma_start3A_1053 = tpu.memref_squeeze %dma_start3A_1052 : memref<1x1x128xi32, #tpu.memory_space<vmem>> -> memref<128xi32, #tpu.memory_space<vmem>>
          %dma_start3A_1054 = arith.constant 0 : i32
          %dma_start3A_1055 = arith.constant 0 : i32
          %dma_start3A_1056 = tpu.memref_slice %arg2[%dma_start3A_1054, %dma_start3A_1055] : memref<100000x8xf32, #tpu.memory_space<hbm>> -> memref<100000x8xf32, #tpu.memory_space<hbm>>
          tpu.enqueue_indirect_dma source(%dma_start3A_1056 : memref<100000x8xf32, #tpu.memory_space<hbm>>) target(%dma_start3A_1050 : memref<128x8xf32, #tpu.memory_space<vmem>>) offsets(%dma_start3A_1053 : memref<128xi32, #tpu.memory_space<vmem>>) semaphore(%arg16 : memref<!tpu.dma_semaphore, #tpu.memory_space<semaphore_mem>>)
          %dma_start3A_1057 = arith.constant 12 : i32
          %dma_start3A_1058 = arith.constant 0 : i32
          %dma_start3A_1059 = arith.constant 1536 : i32
          %dma_start3A_1060 = arith.constant 0 : i32
          %dma_start3A_1061 = tpu.memref_slice %arg8[%dma_start3A_1059, %dma_start3A_1060] : memref<2048x8xf32, #tpu.memory_space<vmem>> -> memref<128x8xf32, #tpu.memory_space<vmem>>
          %dma_start3A_1062 = arith.constant 0 : i32
          %dma_start3A_1063 = tpu.memref_slice %arg6[%dma_start3A_1057, %dma_start3A_1058, %dma_start3A_1062] : memref<16x2x128xi32, #tpu.memory_space<vmem>> -> memref<1x1x128xi32, #tpu.memory_space<vmem>>
          %dma_start3A_1064 = tpu.memref_squeeze %dma_start3A_1063 : memref<1x1x128xi32, #tpu.memory_space<vmem>> -> memref<128xi32, #tpu.memory_space<vmem>>
          %dma_start3A_1065 = arith.constant 0 : i32
          %dma_start3A_1066 = arith.constant 0 : i32
          %dma_start3A_1067 = tpu.memref_slice %arg2[%dma_start3A_1065, %dma_start3A_1066] : memref<100000x8xf32, #tpu.memory_space<hbm>> -> memref<100000x8xf32, #tpu.memory_space<hbm>>
          tpu.enqueue_indirect_dma source(%dma_start3A_1067 : memref<100000x8xf32, #tpu.memory_space<hbm>>) target(%dma_start3A_1061 : memref<128x8xf32, #tpu.memory_space<vmem>>) offsets(%dma_start3A_1064 : memref<128xi32, #tpu.memory_space<vmem>>) semaphore(%arg16 : memref<!tpu.dma_semaphore, #tpu.memory_space<semaphore_mem>>)
          %dma_start3A_1068 = arith.constant 12 : i32
          %dma_start3A_1069 = arith.constant 1 : i32
          %dma_start3A_1070 = arith.constant 1536 : i32
          %dma_start3A_1071 = arith.constant 0 : i32
          %dma_start3A_1072 = tpu.memref_slice %arg9[%dma_start3A_1070, %dma_start3A_1071] : memref<2048x8xf32, #tpu.memory_space<vmem>> -> memref<128x8xf32, #tpu.memory_space<vmem>>
          %dma_start3A_1073 = arith.constant 0 : i32
          %dma_start3A_1074 = tpu.memref_slice %arg6[%dma_start3A_1068, %dma_start3A_1069, %dma_start3A_1073] : memref<16x2x128xi32, #tpu.memory_space<vmem>> -> memref<1x1x128xi32, #tpu.memory_space<vmem>>
          %dma_start3A_1075 = tpu.memref_squeeze %dma_start3A_1074 : memref<1x1x128xi32, #tpu.memory_space<vmem>> -> memref<128xi32, #tpu.memory_space<vmem>>
          %dma_start3A_1076 = arith.constant 0 : i32
          %dma_start3A_1077 = arith.constant 0 : i32
          %dma_start3A_1078 = tpu.memref_slice %arg2[%dma_start3A_1076, %dma_start3A_1077] : memref<100000x8xf32, #tpu.memory_space<hbm>> -> memref<100000x8xf32, #tpu.memory_space<hbm>>
          tpu.enqueue_indirect_dma source(%dma_start3A_1078 : memref<100000x8xf32, #tpu.memory_space<hbm>>) target(%dma_start3A_1072 : memref<128x8xf32, #tpu.memory_space<vmem>>) offsets(%dma_start3A_1075 : memref<128xi32, #tpu.memory_space<vmem>>) semaphore(%arg16 : memref<!tpu.dma_semaphore, #tpu.memory_space<semaphore_mem>>)
          %dma_start3A_1079 = arith.constant 13 : i32
          %dma_start3A_1080 = arith.constant 0 : i32
          %dma_start3A_1081 = arith.constant 1664 : i32
          %dma_start3A_1082 = arith.constant 0 : i32
          %dma_start3A_1083 = tpu.memref_slice %arg8[%dma_start3A_1081, %dma_start3A_1082] : memref<2048x8xf32, #tpu.memory_space<vmem>> -> memref<128x8xf32, #tpu.memory_space<vmem>>
          %dma_start3A_1084 = arith.constant 0 : i32
          %dma_start3A_1085 = tpu.memref_slice %arg6[%dma_start3A_1079, %dma_start3A_1080, %dma_start3A_1084] : memref<16x2x128xi32, #tpu.memory_space<vmem>> -> memref<1x1x128xi32, #tpu.memory_space<vmem>>
          %dma_start3A_1086 = tpu.memref_squeeze %dma_start3A_1085 : memref<1x1x128xi32, #tpu.memory_space<vmem>> -> memref<128xi32, #tpu.memory_space<vmem>>
          %dma_start3A_1087 = arith.constant 0 : i32
          %dma_start3A_1088 = arith.constant 0 : i32
          %dma_start3A_1089 = tpu.memref_slice %arg2[%dma_start3A_1087, %dma_start3A_1088] : memref<100000x8xf32, #tpu.memory_space<hbm>> -> memref<100000x8xf32, #tpu.memory_space<hbm>>
          tpu.enqueue_indirect_dma source(%dma_start3A_1089 : memref<100000x8xf32, #tpu.memory_space<hbm>>) target(%dma_start3A_1083 : memref<128x8xf32, #tpu.memory_space<vmem>>) offsets(%dma_start3A_1086 : memref<128xi32, #tpu.memory_space<vmem>>) semaphore(%arg16 : memref<!tpu.dma_semaphore, #tpu.memory_space<semaphore_mem>>)
          %dma_start3A_1090 = arith.constant 13 : i32
          %dma_start3A_1091 = arith.constant 1 : i32
          %dma_start3A_1092 = arith.constant 1664 : i32
          %dma_start3A_1093 = arith.constant 0 : i32
          %dma_start3A_1094 = tpu.memref_slice %arg9[%dma_start3A_1092, %dma_start3A_1093] : memref<2048x8xf32, #tpu.memory_space<vmem>> -> memref<128x8xf32, #tpu.memory_space<vmem>>
          %dma_start3A_1095 = arith.constant 0 : i32
          %dma_start3A_1096 = tpu.memref_slice %arg6[%dma_start3A_1090, %dma_start3A_1091, %dma_start3A_1095] : memref<16x2x128xi32, #tpu.memory_space<vmem>> -> memref<1x1x128xi32, #tpu.memory_space<vmem>>
          %dma_start3A_1097 = tpu.memref_squeeze %dma_start3A_1096 : memref<1x1x128xi32, #tpu.memory_space<vmem>> -> memref<128xi32, #tpu.memory_space<vmem>>
          %dma_start3A_1098 = arith.constant 0 : i32
          %dma_start3A_1099 = arith.constant 0 : i32
          %dma_start3A_1100 = tpu.memref_slice %arg2[%dma_start3A_1098, %dma_start3A_1099] : memref<100000x8xf32, #tpu.memory_space<hbm>> -> memref<100000x8xf32, #tpu.memory_space<hbm>>
          tpu.enqueue_indirect_dma source(%dma_start3A_1100 : memref<100000x8xf32, #tpu.memory_space<hbm>>) target(%dma_start3A_1094 : memref<128x8xf32, #tpu.memory_space<vmem>>) offsets(%dma_start3A_1097 : memref<128xi32, #tpu.memory_space<vmem>>) semaphore(%arg16 : memref<!tpu.dma_semaphore, #tpu.memory_space<semaphore_mem>>)
          %dma_start3A_1101 = arith.constant 14 : i32
          %dma_start3A_1102 = arith.constant 0 : i32
          %dma_start3A_1103 = arith.constant 1792 : i32
          %dma_start3A_1104 = arith.constant 0 : i32
          %dma_start3A_1105 = tpu.memref_slice %arg8[%dma_start3A_1103, %dma_start3A_1104] : memref<2048x8xf32, #tpu.memory_space<vmem>> -> memref<128x8xf32, #tpu.memory_space<vmem>>
          %dma_start3A_1106 = arith.constant 0 : i32
          %dma_start3A_1107 = tpu.memref_slice %arg6[%dma_start3A_1101, %dma_start3A_1102, %dma_start3A_1106] : memref<16x2x128xi32, #tpu.memory_space<vmem>> -> memref<1x1x128xi32, #tpu.memory_space<vmem>>
          %dma_start3A_1108 = tpu.memref_squeeze %dma_start3A_1107 : memref<1x1x128xi32, #tpu.memory_space<vmem>> -> memref<128xi32, #tpu.memory_space<vmem>>
          %dma_start3A_1109 = arith.constant 0 : i32
          %dma_start3A_1110 = arith.constant 0 : i32
          %dma_start3A_1111 = tpu.memref_slice %arg2[%dma_start3A_1109, %dma_start3A_1110] : memref<100000x8xf32, #tpu.memory_space<hbm>> -> memref<100000x8xf32, #tpu.memory_space<hbm>>
          tpu.enqueue_indirect_dma source(%dma_start3A_1111 : memref<100000x8xf32, #tpu.memory_space<hbm>>) target(%dma_start3A_1105 : memref<128x8xf32, #tpu.memory_space<vmem>>) offsets(%dma_start3A_1108 : memref<128xi32, #tpu.memory_space<vmem>>) semaphore(%arg16 : memref<!tpu.dma_semaphore, #tpu.memory_space<semaphore_mem>>)
          %dma_start3A_1112 = arith.constant 14 : i32
          %dma_start3A_1113 = arith.constant 1 : i32
          %dma_start3A_1114 = arith.constant 1792 : i32
          %dma_start3A_1115 = arith.constant 0 : i32
          %dma_start3A_1116 = tpu.memref_slice %arg9[%dma_start3A_1114, %dma_start3A_1115] : memref<2048x8xf32, #tpu.memory_space<vmem>> -> memref<128x8xf32, #tpu.memory_space<vmem>>
          %dma_start3A_1117 = arith.constant 0 : i32
          %dma_start3A_1118 = tpu.memref_slice %arg6[%dma_start3A_1112, %dma_start3A_1113, %dma_start3A_1117] : memref<16x2x128xi32, #tpu.memory_space<vmem>> -> memref<1x1x128xi32, #tpu.memory_space<vmem>>
          %dma_start3A_1119 = tpu.memref_squeeze %dma_start3A_1118 : memref<1x1x128xi32, #tpu.memory_space<vmem>> -> memref<128xi32, #tpu.memory_space<vmem>>
          %dma_start3A_1120 = arith.constant 0 : i32
          %dma_start3A_1121 = arith.constant 0 : i32
          %dma_start3A_1122 = tpu.memref_slice %arg2[%dma_start3A_1120, %dma_start3A_1121] : memref<100000x8xf32, #tpu.memory_space<hbm>> -> memref<100000x8xf32, #tpu.memory_space<hbm>>
          tpu.enqueue_indirect_dma source(%dma_start3A_1122 : memref<100000x8xf32, #tpu.memory_space<hbm>>) target(%dma_start3A_1116 : memref<128x8xf32, #tpu.memory_space<vmem>>) offsets(%dma_start3A_1119 : memref<128xi32, #tpu.memory_space<vmem>>) semaphore(%arg16 : memref<!tpu.dma_semaphore, #tpu.memory_space<semaphore_mem>>)
          %dma_start3A_1123 = arith.constant 15 : i32
          %dma_start3A_1124 = arith.constant 0 : i32
          %dma_start3A_1125 = arith.constant 1920 : i32
          %dma_start3A_1126 = arith.constant 0 : i32
          %dma_start3A_1127 = tpu.memref_slice %arg8[%dma_start3A_1125, %dma_start3A_1126] : memref<2048x8xf32, #tpu.memory_space<vmem>> -> memref<128x8xf32, #tpu.memory_space<vmem>>
          %dma_start3A_1128 = arith.constant 0 : i32
          %dma_start3A_1129 = tpu.memref_slice %arg6[%dma_start3A_1123, %dma_start3A_1124, %dma_start3A_1128] : memref<16x2x128xi32, #tpu.memory_space<vmem>> -> memref<1x1x128xi32, #tpu.memory_space<vmem>>
          %dma_start3A_1130 = tpu.memref_squeeze %dma_start3A_1129 : memref<1x1x128xi32, #tpu.memory_space<vmem>> -> memref<128xi32, #tpu.memory_space<vmem>>
          %dma_start3A_1131 = arith.constant 0 : i32
          %dma_start3A_1132 = arith.constant 0 : i32
          %dma_start3A_1133 = tpu.memref_slice %arg2[%dma_start3A_1131, %dma_start3A_1132] : memref<100000x8xf32, #tpu.memory_space<hbm>> -> memref<100000x8xf32, #tpu.memory_space<hbm>>
          tpu.enqueue_indirect_dma source(%dma_start3A_1133 : memref<100000x8xf32, #tpu.memory_space<hbm>>) target(%dma_start3A_1127 : memref<128x8xf32, #tpu.memory_space<vmem>>) offsets(%dma_start3A_1130 : memref<128xi32, #tpu.memory_space<vmem>>) semaphore(%arg16 : memref<!tpu.dma_semaphore, #tpu.memory_space<semaphore_mem>>)
          %dma_start3A_1134 = arith.constant 15 : i32
          %dma_start3A_1135 = arith.constant 1 : i32
          %dma_start3A_1136 = arith.constant 1920 : i32
          %dma_start3A_1137 = arith.constant 0 : i32
          %dma_start3A_1138 = tpu.memref_slice %arg9[%dma_start3A_1136, %dma_start3A_1137] : memref<2048x8xf32, #tpu.memory_space<vmem>> -> memref<128x8xf32, #tpu.memory_space<vmem>>
          %dma_start3A_1139 = arith.constant 0 : i32
          %dma_start3A_1140 = tpu.memref_slice %arg6[%dma_start3A_1134, %dma_start3A_1135, %dma_start3A_1139] : memref<16x2x128xi32, #tpu.memory_space<vmem>> -> memref<1x1x128xi32, #tpu.memory_space<vmem>>
          %dma_start3A_1141 = tpu.memref_squeeze %dma_start3A_1140 : memref<1x1x128xi32, #tpu.memory_space<vmem>> -> memref<128xi32, #tpu.memory_space<vmem>>
          %dma_start3A_1142 = arith.constant 0 : i32
          %dma_start3A_1143 = arith.constant 0 : i32
          %dma_start3A_1144 = tpu.memref_slice %arg2[%dma_start3A_1142, %dma_start3A_1143] : memref<100000x8xf32, #tpu.memory_space<hbm>> -> memref<100000x8xf32, #tpu.memory_space<hbm>>
          tpu.enqueue_indirect_dma source(%dma_start3A_1144 : memref<100000x8xf32, #tpu.memory_space<hbm>>) target(%dma_start3A_1138 : memref<128x8xf32, #tpu.memory_space<vmem>>) offsets(%dma_start3A_1141 : memref<128xi32, #tpu.memory_space<vmem>>) semaphore(%arg16 : memref<!tpu.dma_semaphore, #tpu.memory_space<semaphore_mem>>)
        } else {
        }
        %dma_wait3A_410 = arith.constant 0 : i32
        %dma_wait3A_411 = arith.constant 0 : i32
        %dma_wait3A_412 = arith.constant 0 : i32
        %dma_wait3A_413 = arith.constant 0 : i32
        %dma_wait3A_414 = tpu.memref_slice %arg10[%dma_wait3A_412, %dma_wait3A_413] : memref<2048x8xf32, #tpu.memory_space<vmem>> -> memref<128x8xf32, #tpu.memory_space<vmem>>
        %dma_wait3A_415 = arith.constant 0 : i32
        %dma_wait3A_416 = tpu.memref_slice %arg7[%dma_wait3A_410, %dma_wait3A_411, %dma_wait3A_415] : memref<16x2x128xi32, #tpu.memory_space<vmem>> -> memref<1x1x128xi32, #tpu.memory_space<vmem>>
        %dma_wait3A_417 = tpu.memref_squeeze %dma_wait3A_416 : memref<1x1x128xi32, #tpu.memory_space<vmem>> -> memref<128xi32, #tpu.memory_space<vmem>>
        %dma_wait3A_418 = arith.constant 0 : i32
        %dma_wait3A_419 = arith.constant 0 : i32
        %dma_wait3A_420 = tpu.memref_slice %arg2[%dma_wait3A_418, %dma_wait3A_419] : memref<100000x8xf32, #tpu.memory_space<hbm>> -> memref<100000x8xf32, #tpu.memory_space<hbm>>
        tpu.wait_indirect_dma semaphore(%arg17 : memref<!tpu.dma_semaphore, #tpu.memory_space<semaphore_mem>>) src(%dma_wait3A_420 : memref<100000x8xf32, #tpu.memory_space<hbm>>) dst(%dma_wait3A_414 : memref<128x8xf32, #tpu.memory_space<vmem>>)
        %dma_wait3A_421 = arith.constant 0 : i32
        %dma_wait3A_422 = arith.constant 1 : i32
        %dma_wait3A_423 = arith.constant 0 : i32
        %dma_wait3A_424 = arith.constant 0 : i32
        %dma_wait3A_425 = tpu.memref_slice %arg11[%dma_wait3A_423, %dma_wait3A_424] : memref<2048x8xf32, #tpu.memory_space<vmem>> -> memref<128x8xf32, #tpu.memory_space<vmem>>
        %dma_wait3A_426 = arith.constant 0 : i32
        %dma_wait3A_427 = tpu.memref_slice %arg7[%dma_wait3A_421, %dma_wait3A_422, %dma_wait3A_426] : memref<16x2x128xi32, #tpu.memory_space<vmem>> -> memref<1x1x128xi32, #tpu.memory_space<vmem>>
        %dma_wait3A_428 = tpu.memref_squeeze %dma_wait3A_427 : memref<1x1x128xi32, #tpu.memory_space<vmem>> -> memref<128xi32, #tpu.memory_space<vmem>>
        %dma_wait3A_429 = arith.constant 0 : i32
        %dma_wait3A_430 = arith.constant 0 : i32
        %dma_wait3A_431 = tpu.memref_slice %arg2[%dma_wait3A_429, %dma_wait3A_430] : memref<100000x8xf32, #tpu.memory_space<hbm>> -> memref<100000x8xf32, #tpu.memory_space<hbm>>
        tpu.wait_indirect_dma semaphore(%arg17 : memref<!tpu.dma_semaphore, #tpu.memory_space<semaphore_mem>>) src(%dma_wait3A_431 : memref<100000x8xf32, #tpu.memory_space<hbm>>) dst(%dma_wait3A_425 : memref<128x8xf32, #tpu.memory_space<vmem>>)
        %dma_wait3A_432 = arith.constant 1 : i32
        %dma_wait3A_433 = arith.constant 0 : i32
        %dma_wait3A_434 = arith.constant 128 : i32
        %dma_wait3A_435 = arith.constant 0 : i32
        %dma_wait3A_436 = tpu.memref_slice %arg10[%dma_wait3A_434, %dma_wait3A_435] : memref<2048x8xf32, #tpu.memory_space<vmem>> -> memref<128x8xf32, #tpu.memory_space<vmem>>
        %dma_wait3A_437 = arith.constant 0 : i32
        %dma_wait3A_438 = tpu.memref_slice %arg7[%dma_wait3A_432, %dma_wait3A_433, %dma_wait3A_437] : memref<16x2x128xi32, #tpu.memory_space<vmem>> -> memref<1x1x128xi32, #tpu.memory_space<vmem>>
        %dma_wait3A_439 = tpu.memref_squeeze %dma_wait3A_438 : memref<1x1x128xi32, #tpu.memory_space<vmem>> -> memref<128xi32, #tpu.memory_space<vmem>>
        %dma_wait3A_440 = arith.constant 0 : i32
        %dma_wait3A_441 = arith.constant 0 : i32
        %dma_wait3A_442 = tpu.memref_slice %arg2[%dma_wait3A_440, %dma_wait3A_441] : memref<100000x8xf32, #tpu.memory_space<hbm>> -> memref<100000x8xf32, #tpu.memory_space<hbm>>
        tpu.wait_indirect_dma semaphore(%arg17 : memref<!tpu.dma_semaphore, #tpu.memory_space<semaphore_mem>>) src(%dma_wait3A_442 : memref<100000x8xf32, #tpu.memory_space<hbm>>) dst(%dma_wait3A_436 : memref<128x8xf32, #tpu.memory_space<vmem>>)
        %dma_wait3A_443 = arith.constant 1 : i32
        %dma_wait3A_444 = arith.constant 1 : i32
        %dma_wait3A_445 = arith.constant 128 : i32
        %dma_wait3A_446 = arith.constant 0 : i32
        %dma_wait3A_447 = tpu.memref_slice %arg11[%dma_wait3A_445, %dma_wait3A_446] : memref<2048x8xf32, #tpu.memory_space<vmem>> -> memref<128x8xf32, #tpu.memory_space<vmem>>
        %dma_wait3A_448 = arith.constant 0 : i32
        %dma_wait3A_449 = tpu.memref_slice %arg7[%dma_wait3A_443, %dma_wait3A_444, %dma_wait3A_448] : memref<16x2x128xi32, #tpu.memory_space<vmem>> -> memref<1x1x128xi32, #tpu.memory_space<vmem>>
        %dma_wait3A_450 = tpu.memref_squeeze %dma_wait3A_449 : memref<1x1x128xi32, #tpu.memory_space<vmem>> -> memref<128xi32, #tpu.memory_space<vmem>>
        %dma_wait3A_451 = arith.constant 0 : i32
        %dma_wait3A_452 = arith.constant 0 : i32
        %dma_wait3A_453 = tpu.memref_slice %arg2[%dma_wait3A_451, %dma_wait3A_452] : memref<100000x8xf32, #tpu.memory_space<hbm>> -> memref<100000x8xf32, #tpu.memory_space<hbm>>
        tpu.wait_indirect_dma semaphore(%arg17 : memref<!tpu.dma_semaphore, #tpu.memory_space<semaphore_mem>>) src(%dma_wait3A_453 : memref<100000x8xf32, #tpu.memory_space<hbm>>) dst(%dma_wait3A_447 : memref<128x8xf32, #tpu.memory_space<vmem>>)
        %dma_wait3A_454 = arith.constant 2 : i32
        %dma_wait3A_455 = arith.constant 0 : i32
        %dma_wait3A_456 = arith.constant 256 : i32
        %dma_wait3A_457 = arith.constant 0 : i32
        %dma_wait3A_458 = tpu.memref_slice %arg10[%dma_wait3A_456, %dma_wait3A_457] : memref<2048x8xf32, #tpu.memory_space<vmem>> -> memref<128x8xf32, #tpu.memory_space<vmem>>
        %dma_wait3A_459 = arith.constant 0 : i32
        %dma_wait3A_460 = tpu.memref_slice %arg7[%dma_wait3A_454, %dma_wait3A_455, %dma_wait3A_459] : memref<16x2x128xi32, #tpu.memory_space<vmem>> -> memref<1x1x128xi32, #tpu.memory_space<vmem>>
        %dma_wait3A_461 = tpu.memref_squeeze %dma_wait3A_460 : memref<1x1x128xi32, #tpu.memory_space<vmem>> -> memref<128xi32, #tpu.memory_space<vmem>>
        %dma_wait3A_462 = arith.constant 0 : i32
        %dma_wait3A_463 = arith.constant 0 : i32
        %dma_wait3A_464 = tpu.memref_slice %arg2[%dma_wait3A_462, %dma_wait3A_463] : memref<100000x8xf32, #tpu.memory_space<hbm>> -> memref<100000x8xf32, #tpu.memory_space<hbm>>
        tpu.wait_indirect_dma semaphore(%arg17 : memref<!tpu.dma_semaphore, #tpu.memory_space<semaphore_mem>>) src(%dma_wait3A_464 : memref<100000x8xf32, #tpu.memory_space<hbm>>) dst(%dma_wait3A_458 : memref<128x8xf32, #tpu.memory_space<vmem>>)
        %dma_wait3A_465 = arith.constant 2 : i32
        %dma_wait3A_466 = arith.constant 1 : i32
        %dma_wait3A_467 = arith.constant 256 : i32
        %dma_wait3A_468 = arith.constant 0 : i32
        %dma_wait3A_469 = tpu.memref_slice %arg11[%dma_wait3A_467, %dma_wait3A_468] : memref<2048x8xf32, #tpu.memory_space<vmem>> -> memref<128x8xf32, #tpu.memory_space<vmem>>
        %dma_wait3A_470 = arith.constant 0 : i32
        %dma_wait3A_471 = tpu.memref_slice %arg7[%dma_wait3A_465, %dma_wait3A_466, %dma_wait3A_470] : memref<16x2x128xi32, #tpu.memory_space<vmem>> -> memref<1x1x128xi32, #tpu.memory_space<vmem>>
        %dma_wait3A_472 = tpu.memref_squeeze %dma_wait3A_471 : memref<1x1x128xi32, #tpu.memory_space<vmem>> -> memref<128xi32, #tpu.memory_space<vmem>>
        %dma_wait3A_473 = arith.constant 0 : i32
        %dma_wait3A_474 = arith.constant 0 : i32
        %dma_wait3A_475 = tpu.memref_slice %arg2[%dma_wait3A_473, %dma_wait3A_474] : memref<100000x8xf32, #tpu.memory_space<hbm>> -> memref<100000x8xf32, #tpu.memory_space<hbm>>
        tpu.wait_indirect_dma semaphore(%arg17 : memref<!tpu.dma_semaphore, #tpu.memory_space<semaphore_mem>>) src(%dma_wait3A_475 : memref<100000x8xf32, #tpu.memory_space<hbm>>) dst(%dma_wait3A_469 : memref<128x8xf32, #tpu.memory_space<vmem>>)
        %dma_wait3A_476 = arith.constant 3 : i32
        %dma_wait3A_477 = arith.constant 0 : i32
        %dma_wait3A_478 = arith.constant 384 : i32
        %dma_wait3A_479 = arith.constant 0 : i32
        %dma_wait3A_480 = tpu.memref_slice %arg10[%dma_wait3A_478, %dma_wait3A_479] : memref<2048x8xf32, #tpu.memory_space<vmem>> -> memref<128x8xf32, #tpu.memory_space<vmem>>
        %dma_wait3A_481 = arith.constant 0 : i32
        %dma_wait3A_482 = tpu.memref_slice %arg7[%dma_wait3A_476, %dma_wait3A_477, %dma_wait3A_481] : memref<16x2x128xi32, #tpu.memory_space<vmem>> -> memref<1x1x128xi32, #tpu.memory_space<vmem>>
        %dma_wait3A_483 = tpu.memref_squeeze %dma_wait3A_482 : memref<1x1x128xi32, #tpu.memory_space<vmem>> -> memref<128xi32, #tpu.memory_space<vmem>>
        %dma_wait3A_484 = arith.constant 0 : i32
        %dma_wait3A_485 = arith.constant 0 : i32
        %dma_wait3A_486 = tpu.memref_slice %arg2[%dma_wait3A_484, %dma_wait3A_485] : memref<100000x8xf32, #tpu.memory_space<hbm>> -> memref<100000x8xf32, #tpu.memory_space<hbm>>
        tpu.wait_indirect_dma semaphore(%arg17 : memref<!tpu.dma_semaphore, #tpu.memory_space<semaphore_mem>>) src(%dma_wait3A_486 : memref<100000x8xf32, #tpu.memory_space<hbm>>) dst(%dma_wait3A_480 : memref<128x8xf32, #tpu.memory_space<vmem>>)
        %dma_wait3A_487 = arith.constant 3 : i32
        %dma_wait3A_488 = arith.constant 1 : i32
        %dma_wait3A_489 = arith.constant 384 : i32
        %dma_wait3A_490 = arith.constant 0 : i32
        %dma_wait3A_491 = tpu.memref_slice %arg11[%dma_wait3A_489, %dma_wait3A_490] : memref<2048x8xf32, #tpu.memory_space<vmem>> -> memref<128x8xf32, #tpu.memory_space<vmem>>
        %dma_wait3A_492 = arith.constant 0 : i32
        %dma_wait3A_493 = tpu.memref_slice %arg7[%dma_wait3A_487, %dma_wait3A_488, %dma_wait3A_492] : memref<16x2x128xi32, #tpu.memory_space<vmem>> -> memref<1x1x128xi32, #tpu.memory_space<vmem>>
        %dma_wait3A_494 = tpu.memref_squeeze %dma_wait3A_493 : memref<1x1x128xi32, #tpu.memory_space<vmem>> -> memref<128xi32, #tpu.memory_space<vmem>>
        %dma_wait3A_495 = arith.constant 0 : i32
        %dma_wait3A_496 = arith.constant 0 : i32
        %dma_wait3A_497 = tpu.memref_slice %arg2[%dma_wait3A_495, %dma_wait3A_496] : memref<100000x8xf32, #tpu.memory_space<hbm>> -> memref<100000x8xf32, #tpu.memory_space<hbm>>
        tpu.wait_indirect_dma semaphore(%arg17 : memref<!tpu.dma_semaphore, #tpu.memory_space<semaphore_mem>>) src(%dma_wait3A_497 : memref<100000x8xf32, #tpu.memory_space<hbm>>) dst(%dma_wait3A_491 : memref<128x8xf32, #tpu.memory_space<vmem>>)
        %dma_wait3A_498 = arith.constant 4 : i32
        %dma_wait3A_499 = arith.constant 0 : i32
        %dma_wait3A_500 = arith.constant 512 : i32
        %dma_wait3A_501 = arith.constant 0 : i32
        %dma_wait3A_502 = tpu.memref_slice %arg10[%dma_wait3A_500, %dma_wait3A_501] : memref<2048x8xf32, #tpu.memory_space<vmem>> -> memref<128x8xf32, #tpu.memory_space<vmem>>
        %dma_wait3A_503 = arith.constant 0 : i32
        %dma_wait3A_504 = tpu.memref_slice %arg7[%dma_wait3A_498, %dma_wait3A_499, %dma_wait3A_503] : memref<16x2x128xi32, #tpu.memory_space<vmem>> -> memref<1x1x128xi32, #tpu.memory_space<vmem>>
        %dma_wait3A_505 = tpu.memref_squeeze %dma_wait3A_504 : memref<1x1x128xi32, #tpu.memory_space<vmem>> -> memref<128xi32, #tpu.memory_space<vmem>>
        %dma_wait3A_506 = arith.constant 0 : i32
        %dma_wait3A_507 = arith.constant 0 : i32
        %dma_wait3A_508 = tpu.memref_slice %arg2[%dma_wait3A_506, %dma_wait3A_507] : memref<100000x8xf32, #tpu.memory_space<hbm>> -> memref<100000x8xf32, #tpu.memory_space<hbm>>
        tpu.wait_indirect_dma semaphore(%arg17 : memref<!tpu.dma_semaphore, #tpu.memory_space<semaphore_mem>>) src(%dma_wait3A_508 : memref<100000x8xf32, #tpu.memory_space<hbm>>) dst(%dma_wait3A_502 : memref<128x8xf32, #tpu.memory_space<vmem>>)
        %dma_wait3A_509 = arith.constant 4 : i32
        %dma_wait3A_510 = arith.constant 1 : i32
        %dma_wait3A_511 = arith.constant 512 : i32
        %dma_wait3A_512 = arith.constant 0 : i32
        %dma_wait3A_513 = tpu.memref_slice %arg11[%dma_wait3A_511, %dma_wait3A_512] : memref<2048x8xf32, #tpu.memory_space<vmem>> -> memref<128x8xf32, #tpu.memory_space<vmem>>
        %dma_wait3A_514 = arith.constant 0 : i32
        %dma_wait3A_515 = tpu.memref_slice %arg7[%dma_wait3A_509, %dma_wait3A_510, %dma_wait3A_514] : memref<16x2x128xi32, #tpu.memory_space<vmem>> -> memref<1x1x128xi32, #tpu.memory_space<vmem>>
        %dma_wait3A_516 = tpu.memref_squeeze %dma_wait3A_515 : memref<1x1x128xi32, #tpu.memory_space<vmem>> -> memref<128xi32, #tpu.memory_space<vmem>>
        %dma_wait3A_517 = arith.constant 0 : i32
        %dma_wait3A_518 = arith.constant 0 : i32
        %dma_wait3A_519 = tpu.memref_slice %arg2[%dma_wait3A_517, %dma_wait3A_518] : memref<100000x8xf32, #tpu.memory_space<hbm>> -> memref<100000x8xf32, #tpu.memory_space<hbm>>
        tpu.wait_indirect_dma semaphore(%arg17 : memref<!tpu.dma_semaphore, #tpu.memory_space<semaphore_mem>>) src(%dma_wait3A_519 : memref<100000x8xf32, #tpu.memory_space<hbm>>) dst(%dma_wait3A_513 : memref<128x8xf32, #tpu.memory_space<vmem>>)
        %dma_wait3A_520 = arith.constant 5 : i32
        %dma_wait3A_521 = arith.constant 0 : i32
        %dma_wait3A_522 = arith.constant 640 : i32
        %dma_wait3A_523 = arith.constant 0 : i32
        %dma_wait3A_524 = tpu.memref_slice %arg10[%dma_wait3A_522, %dma_wait3A_523] : memref<2048x8xf32, #tpu.memory_space<vmem>> -> memref<128x8xf32, #tpu.memory_space<vmem>>
        %dma_wait3A_525 = arith.constant 0 : i32
        %dma_wait3A_526 = tpu.memref_slice %arg7[%dma_wait3A_520, %dma_wait3A_521, %dma_wait3A_525] : memref<16x2x128xi32, #tpu.memory_space<vmem>> -> memref<1x1x128xi32, #tpu.memory_space<vmem>>
        %dma_wait3A_527 = tpu.memref_squeeze %dma_wait3A_526 : memref<1x1x128xi32, #tpu.memory_space<vmem>> -> memref<128xi32, #tpu.memory_space<vmem>>
        %dma_wait3A_528 = arith.constant 0 : i32
        %dma_wait3A_529 = arith.constant 0 : i32
        %dma_wait3A_530 = tpu.memref_slice %arg2[%dma_wait3A_528, %dma_wait3A_529] : memref<100000x8xf32, #tpu.memory_space<hbm>> -> memref<100000x8xf32, #tpu.memory_space<hbm>>
        tpu.wait_indirect_dma semaphore(%arg17 : memref<!tpu.dma_semaphore, #tpu.memory_space<semaphore_mem>>) src(%dma_wait3A_530 : memref<100000x8xf32, #tpu.memory_space<hbm>>) dst(%dma_wait3A_524 : memref<128x8xf32, #tpu.memory_space<vmem>>)
        %dma_wait3A_531 = arith.constant 5 : i32
        %dma_wait3A_532 = arith.constant 1 : i32
        %dma_wait3A_533 = arith.constant 640 : i32
        %dma_wait3A_534 = arith.constant 0 : i32
        %dma_wait3A_535 = tpu.memref_slice %arg11[%dma_wait3A_533, %dma_wait3A_534] : memref<2048x8xf32, #tpu.memory_space<vmem>> -> memref<128x8xf32, #tpu.memory_space<vmem>>
        %dma_wait3A_536 = arith.constant 0 : i32
        %dma_wait3A_537 = tpu.memref_slice %arg7[%dma_wait3A_531, %dma_wait3A_532, %dma_wait3A_536] : memref<16x2x128xi32, #tpu.memory_space<vmem>> -> memref<1x1x128xi32, #tpu.memory_space<vmem>>
        %dma_wait3A_538 = tpu.memref_squeeze %dma_wait3A_537 : memref<1x1x128xi32, #tpu.memory_space<vmem>> -> memref<128xi32, #tpu.memory_space<vmem>>
        %dma_wait3A_539 = arith.constant 0 : i32
        %dma_wait3A_540 = arith.constant 0 : i32
        %dma_wait3A_541 = tpu.memref_slice %arg2[%dma_wait3A_539, %dma_wait3A_540] : memref<100000x8xf32, #tpu.memory_space<hbm>> -> memref<100000x8xf32, #tpu.memory_space<hbm>>
        tpu.wait_indirect_dma semaphore(%arg17 : memref<!tpu.dma_semaphore, #tpu.memory_space<semaphore_mem>>) src(%dma_wait3A_541 : memref<100000x8xf32, #tpu.memory_space<hbm>>) dst(%dma_wait3A_535 : memref<128x8xf32, #tpu.memory_space<vmem>>)
        %dma_wait3A_542 = arith.constant 6 : i32
        %dma_wait3A_543 = arith.constant 0 : i32
        %dma_wait3A_544 = arith.constant 768 : i32
        %dma_wait3A_545 = arith.constant 0 : i32
        %dma_wait3A_546 = tpu.memref_slice %arg10[%dma_wait3A_544, %dma_wait3A_545] : memref<2048x8xf32, #tpu.memory_space<vmem>> -> memref<128x8xf32, #tpu.memory_space<vmem>>
        %dma_wait3A_547 = arith.constant 0 : i32
        %dma_wait3A_548 = tpu.memref_slice %arg7[%dma_wait3A_542, %dma_wait3A_543, %dma_wait3A_547] : memref<16x2x128xi32, #tpu.memory_space<vmem>> -> memref<1x1x128xi32, #tpu.memory_space<vmem>>
        %dma_wait3A_549 = tpu.memref_squeeze %dma_wait3A_548 : memref<1x1x128xi32, #tpu.memory_space<vmem>> -> memref<128xi32, #tpu.memory_space<vmem>>
        %dma_wait3A_550 = arith.constant 0 : i32
        %dma_wait3A_551 = arith.constant 0 : i32
        %dma_wait3A_552 = tpu.memref_slice %arg2[%dma_wait3A_550, %dma_wait3A_551] : memref<100000x8xf32, #tpu.memory_space<hbm>> -> memref<100000x8xf32, #tpu.memory_space<hbm>>
        tpu.wait_indirect_dma semaphore(%arg17 : memref<!tpu.dma_semaphore, #tpu.memory_space<semaphore_mem>>) src(%dma_wait3A_552 : memref<100000x8xf32, #tpu.memory_space<hbm>>) dst(%dma_wait3A_546 : memref<128x8xf32, #tpu.memory_space<vmem>>)
        %dma_wait3A_553 = arith.constant 6 : i32
        %dma_wait3A_554 = arith.constant 1 : i32
        %dma_wait3A_555 = arith.constant 768 : i32
        %dma_wait3A_556 = arith.constant 0 : i32
        %dma_wait3A_557 = tpu.memref_slice %arg11[%dma_wait3A_555, %dma_wait3A_556] : memref<2048x8xf32, #tpu.memory_space<vmem>> -> memref<128x8xf32, #tpu.memory_space<vmem>>
        %dma_wait3A_558 = arith.constant 0 : i32
        %dma_wait3A_559 = tpu.memref_slice %arg7[%dma_wait3A_553, %dma_wait3A_554, %dma_wait3A_558] : memref<16x2x128xi32, #tpu.memory_space<vmem>> -> memref<1x1x128xi32, #tpu.memory_space<vmem>>
        %dma_wait3A_560 = tpu.memref_squeeze %dma_wait3A_559 : memref<1x1x128xi32, #tpu.memory_space<vmem>> -> memref<128xi32, #tpu.memory_space<vmem>>
        %dma_wait3A_561 = arith.constant 0 : i32
        %dma_wait3A_562 = arith.constant 0 : i32
        %dma_wait3A_563 = tpu.memref_slice %arg2[%dma_wait3A_561, %dma_wait3A_562] : memref<100000x8xf32, #tpu.memory_space<hbm>> -> memref<100000x8xf32, #tpu.memory_space<hbm>>
        tpu.wait_indirect_dma semaphore(%arg17 : memref<!tpu.dma_semaphore, #tpu.memory_space<semaphore_mem>>) src(%dma_wait3A_563 : memref<100000x8xf32, #tpu.memory_space<hbm>>) dst(%dma_wait3A_557 : memref<128x8xf32, #tpu.memory_space<vmem>>)
        %dma_wait3A_564 = arith.constant 7 : i32
        %dma_wait3A_565 = arith.constant 0 : i32
        %dma_wait3A_566 = arith.constant 896 : i32
        %dma_wait3A_567 = arith.constant 0 : i32
        %dma_wait3A_568 = tpu.memref_slice %arg10[%dma_wait3A_566, %dma_wait3A_567] : memref<2048x8xf32, #tpu.memory_space<vmem>> -> memref<128x8xf32, #tpu.memory_space<vmem>>
        %dma_wait3A_569 = arith.constant 0 : i32
        %dma_wait3A_570 = tpu.memref_slice %arg7[%dma_wait3A_564, %dma_wait3A_565, %dma_wait3A_569] : memref<16x2x128xi32, #tpu.memory_space<vmem>> -> memref<1x1x128xi32, #tpu.memory_space<vmem>>
        %dma_wait3A_571 = tpu.memref_squeeze %dma_wait3A_570 : memref<1x1x128xi32, #tpu.memory_space<vmem>> -> memref<128xi32, #tpu.memory_space<vmem>>
        %dma_wait3A_572 = arith.constant 0 : i32
        %dma_wait3A_573 = arith.constant 0 : i32
        %dma_wait3A_574 = tpu.memref_slice %arg2[%dma_wait3A_572, %dma_wait3A_573] : memref<100000x8xf32, #tpu.memory_space<hbm>> -> memref<100000x8xf32, #tpu.memory_space<hbm>>
        tpu.wait_indirect_dma semaphore(%arg17 : memref<!tpu.dma_semaphore, #tpu.memory_space<semaphore_mem>>) src(%dma_wait3A_574 : memref<100000x8xf32, #tpu.memory_space<hbm>>) dst(%dma_wait3A_568 : memref<128x8xf32, #tpu.memory_space<vmem>>)
        %dma_wait3A_575 = arith.constant 7 : i32
        %dma_wait3A_576 = arith.constant 1 : i32
        %dma_wait3A_577 = arith.constant 896 : i32
        %dma_wait3A_578 = arith.constant 0 : i32
        %dma_wait3A_579 = tpu.memref_slice %arg11[%dma_wait3A_577, %dma_wait3A_578] : memref<2048x8xf32, #tpu.memory_space<vmem>> -> memref<128x8xf32, #tpu.memory_space<vmem>>
        %dma_wait3A_580 = arith.constant 0 : i32
        %dma_wait3A_581 = tpu.memref_slice %arg7[%dma_wait3A_575, %dma_wait3A_576, %dma_wait3A_580] : memref<16x2x128xi32, #tpu.memory_space<vmem>> -> memref<1x1x128xi32, #tpu.memory_space<vmem>>
        %dma_wait3A_582 = tpu.memref_squeeze %dma_wait3A_581 : memref<1x1x128xi32, #tpu.memory_space<vmem>> -> memref<128xi32, #tpu.memory_space<vmem>>
        %dma_wait3A_583 = arith.constant 0 : i32
        %dma_wait3A_584 = arith.constant 0 : i32
        %dma_wait3A_585 = tpu.memref_slice %arg2[%dma_wait3A_583, %dma_wait3A_584] : memref<100000x8xf32, #tpu.memory_space<hbm>> -> memref<100000x8xf32, #tpu.memory_space<hbm>>
        tpu.wait_indirect_dma semaphore(%arg17 : memref<!tpu.dma_semaphore, #tpu.memory_space<semaphore_mem>>) src(%dma_wait3A_585 : memref<100000x8xf32, #tpu.memory_space<hbm>>) dst(%dma_wait3A_579 : memref<128x8xf32, #tpu.memory_space<vmem>>)
        %dma_wait3A_586 = arith.constant 8 : i32
        %dma_wait3A_587 = arith.constant 0 : i32
        %dma_wait3A_588 = arith.constant 1024 : i32
        %dma_wait3A_589 = arith.constant 0 : i32
        %dma_wait3A_590 = tpu.memref_slice %arg10[%dma_wait3A_588, %dma_wait3A_589] : memref<2048x8xf32, #tpu.memory_space<vmem>> -> memref<128x8xf32, #tpu.memory_space<vmem>>
        %dma_wait3A_591 = arith.constant 0 : i32
        %dma_wait3A_592 = tpu.memref_slice %arg7[%dma_wait3A_586, %dma_wait3A_587, %dma_wait3A_591] : memref<16x2x128xi32, #tpu.memory_space<vmem>> -> memref<1x1x128xi32, #tpu.memory_space<vmem>>
        %dma_wait3A_593 = tpu.memref_squeeze %dma_wait3A_592 : memref<1x1x128xi32, #tpu.memory_space<vmem>> -> memref<128xi32, #tpu.memory_space<vmem>>
        %dma_wait3A_594 = arith.constant 0 : i32
        %dma_wait3A_595 = arith.constant 0 : i32
        %dma_wait3A_596 = tpu.memref_slice %arg2[%dma_wait3A_594, %dma_wait3A_595] : memref<100000x8xf32, #tpu.memory_space<hbm>> -> memref<100000x8xf32, #tpu.memory_space<hbm>>
        tpu.wait_indirect_dma semaphore(%arg17 : memref<!tpu.dma_semaphore, #tpu.memory_space<semaphore_mem>>) src(%dma_wait3A_596 : memref<100000x8xf32, #tpu.memory_space<hbm>>) dst(%dma_wait3A_590 : memref<128x8xf32, #tpu.memory_space<vmem>>)
        %dma_wait3A_597 = arith.constant 8 : i32
        %dma_wait3A_598 = arith.constant 1 : i32
        %dma_wait3A_599 = arith.constant 1024 : i32
        %dma_wait3A_600 = arith.constant 0 : i32
        %dma_wait3A_601 = tpu.memref_slice %arg11[%dma_wait3A_599, %dma_wait3A_600] : memref<2048x8xf32, #tpu.memory_space<vmem>> -> memref<128x8xf32, #tpu.memory_space<vmem>>
        %dma_wait3A_602 = arith.constant 0 : i32
        %dma_wait3A_603 = tpu.memref_slice %arg7[%dma_wait3A_597, %dma_wait3A_598, %dma_wait3A_602] : memref<16x2x128xi32, #tpu.memory_space<vmem>> -> memref<1x1x128xi32, #tpu.memory_space<vmem>>
        %dma_wait3A_604 = tpu.memref_squeeze %dma_wait3A_603 : memref<1x1x128xi32, #tpu.memory_space<vmem>> -> memref<128xi32, #tpu.memory_space<vmem>>
        %dma_wait3A_605 = arith.constant 0 : i32
        %dma_wait3A_606 = arith.constant 0 : i32
        %dma_wait3A_607 = tpu.memref_slice %arg2[%dma_wait3A_605, %dma_wait3A_606] : memref<100000x8xf32, #tpu.memory_space<hbm>> -> memref<100000x8xf32, #tpu.memory_space<hbm>>
        tpu.wait_indirect_dma semaphore(%arg17 : memref<!tpu.dma_semaphore, #tpu.memory_space<semaphore_mem>>) src(%dma_wait3A_607 : memref<100000x8xf32, #tpu.memory_space<hbm>>) dst(%dma_wait3A_601 : memref<128x8xf32, #tpu.memory_space<vmem>>)
        %dma_wait3A_608 = arith.constant 9 : i32
        %dma_wait3A_609 = arith.constant 0 : i32
        %dma_wait3A_610 = arith.constant 1152 : i32
        %dma_wait3A_611 = arith.constant 0 : i32
        %dma_wait3A_612 = tpu.memref_slice %arg10[%dma_wait3A_610, %dma_wait3A_611] : memref<2048x8xf32, #tpu.memory_space<vmem>> -> memref<128x8xf32, #tpu.memory_space<vmem>>
        %dma_wait3A_613 = arith.constant 0 : i32
        %dma_wait3A_614 = tpu.memref_slice %arg7[%dma_wait3A_608, %dma_wait3A_609, %dma_wait3A_613] : memref<16x2x128xi32, #tpu.memory_space<vmem>> -> memref<1x1x128xi32, #tpu.memory_space<vmem>>
        %dma_wait3A_615 = tpu.memref_squeeze %dma_wait3A_614 : memref<1x1x128xi32, #tpu.memory_space<vmem>> -> memref<128xi32, #tpu.memory_space<vmem>>
        %dma_wait3A_616 = arith.constant 0 : i32
        %dma_wait3A_617 = arith.constant 0 : i32
        %dma_wait3A_618 = tpu.memref_slice %arg2[%dma_wait3A_616, %dma_wait3A_617] : memref<100000x8xf32, #tpu.memory_space<hbm>> -> memref<100000x8xf32, #tpu.memory_space<hbm>>
        tpu.wait_indirect_dma semaphore(%arg17 : memref<!tpu.dma_semaphore, #tpu.memory_space<semaphore_mem>>) src(%dma_wait3A_618 : memref<100000x8xf32, #tpu.memory_space<hbm>>) dst(%dma_wait3A_612 : memref<128x8xf32, #tpu.memory_space<vmem>>)
        %dma_wait3A_619 = arith.constant 9 : i32
        %dma_wait3A_620 = arith.constant 1 : i32
        %dma_wait3A_621 = arith.constant 1152 : i32
        %dma_wait3A_622 = arith.constant 0 : i32
        %dma_wait3A_623 = tpu.memref_slice %arg11[%dma_wait3A_621, %dma_wait3A_622] : memref<2048x8xf32, #tpu.memory_space<vmem>> -> memref<128x8xf32, #tpu.memory_space<vmem>>
        %dma_wait3A_624 = arith.constant 0 : i32
        %dma_wait3A_625 = tpu.memref_slice %arg7[%dma_wait3A_619, %dma_wait3A_620, %dma_wait3A_624] : memref<16x2x128xi32, #tpu.memory_space<vmem>> -> memref<1x1x128xi32, #tpu.memory_space<vmem>>
        %dma_wait3A_626 = tpu.memref_squeeze %dma_wait3A_625 : memref<1x1x128xi32, #tpu.memory_space<vmem>> -> memref<128xi32, #tpu.memory_space<vmem>>
        %dma_wait3A_627 = arith.constant 0 : i32
        %dma_wait3A_628 = arith.constant 0 : i32
        %dma_wait3A_629 = tpu.memref_slice %arg2[%dma_wait3A_627, %dma_wait3A_628] : memref<100000x8xf32, #tpu.memory_space<hbm>> -> memref<100000x8xf32, #tpu.memory_space<hbm>>
        tpu.wait_indirect_dma semaphore(%arg17 : memref<!tpu.dma_semaphore, #tpu.memory_space<semaphore_mem>>) src(%dma_wait3A_629 : memref<100000x8xf32, #tpu.memory_space<hbm>>) dst(%dma_wait3A_623 : memref<128x8xf32, #tpu.memory_space<vmem>>)
        %dma_wait3A_630 = arith.constant 10 : i32
        %dma_wait3A_631 = arith.constant 0 : i32
        %dma_wait3A_632 = arith.constant 1280 : i32
        %dma_wait3A_633 = arith.constant 0 : i32
        %dma_wait3A_634 = tpu.memref_slice %arg10[%dma_wait3A_632, %dma_wait3A_633] : memref<2048x8xf32, #tpu.memory_space<vmem>> -> memref<128x8xf32, #tpu.memory_space<vmem>>
        %dma_wait3A_635 = arith.constant 0 : i32
        %dma_wait3A_636 = tpu.memref_slice %arg7[%dma_wait3A_630, %dma_wait3A_631, %dma_wait3A_635] : memref<16x2x128xi32, #tpu.memory_space<vmem>> -> memref<1x1x128xi32, #tpu.memory_space<vmem>>
        %dma_wait3A_637 = tpu.memref_squeeze %dma_wait3A_636 : memref<1x1x128xi32, #tpu.memory_space<vmem>> -> memref<128xi32, #tpu.memory_space<vmem>>
        %dma_wait3A_638 = arith.constant 0 : i32
        %dma_wait3A_639 = arith.constant 0 : i32
        %dma_wait3A_640 = tpu.memref_slice %arg2[%dma_wait3A_638, %dma_wait3A_639] : memref<100000x8xf32, #tpu.memory_space<hbm>> -> memref<100000x8xf32, #tpu.memory_space<hbm>>
        tpu.wait_indirect_dma semaphore(%arg17 : memref<!tpu.dma_semaphore, #tpu.memory_space<semaphore_mem>>) src(%dma_wait3A_640 : memref<100000x8xf32, #tpu.memory_space<hbm>>) dst(%dma_wait3A_634 : memref<128x8xf32, #tpu.memory_space<vmem>>)
        %dma_wait3A_641 = arith.constant 10 : i32
        %dma_wait3A_642 = arith.constant 1 : i32
        %dma_wait3A_643 = arith.constant 1280 : i32
        %dma_wait3A_644 = arith.constant 0 : i32
        %dma_wait3A_645 = tpu.memref_slice %arg11[%dma_wait3A_643, %dma_wait3A_644] : memref<2048x8xf32, #tpu.memory_space<vmem>> -> memref<128x8xf32, #tpu.memory_space<vmem>>
        %dma_wait3A_646 = arith.constant 0 : i32
        %dma_wait3A_647 = tpu.memref_slice %arg7[%dma_wait3A_641, %dma_wait3A_642, %dma_wait3A_646] : memref<16x2x128xi32, #tpu.memory_space<vmem>> -> memref<1x1x128xi32, #tpu.memory_space<vmem>>
        %dma_wait3A_648 = tpu.memref_squeeze %dma_wait3A_647 : memref<1x1x128xi32, #tpu.memory_space<vmem>> -> memref<128xi32, #tpu.memory_space<vmem>>
        %dma_wait3A_649 = arith.constant 0 : i32
        %dma_wait3A_650 = arith.constant 0 : i32
        %dma_wait3A_651 = tpu.memref_slice %arg2[%dma_wait3A_649, %dma_wait3A_650] : memref<100000x8xf32, #tpu.memory_space<hbm>> -> memref<100000x8xf32, #tpu.memory_space<hbm>>
        tpu.wait_indirect_dma semaphore(%arg17 : memref<!tpu.dma_semaphore, #tpu.memory_space<semaphore_mem>>) src(%dma_wait3A_651 : memref<100000x8xf32, #tpu.memory_space<hbm>>) dst(%dma_wait3A_645 : memref<128x8xf32, #tpu.memory_space<vmem>>)
        %dma_wait3A_652 = arith.constant 11 : i32
        %dma_wait3A_653 = arith.constant 0 : i32
        %dma_wait3A_654 = arith.constant 1408 : i32
        %dma_wait3A_655 = arith.constant 0 : i32
        %dma_wait3A_656 = tpu.memref_slice %arg10[%dma_wait3A_654, %dma_wait3A_655] : memref<2048x8xf32, #tpu.memory_space<vmem>> -> memref<128x8xf32, #tpu.memory_space<vmem>>
        %dma_wait3A_657 = arith.constant 0 : i32
        %dma_wait3A_658 = tpu.memref_slice %arg7[%dma_wait3A_652, %dma_wait3A_653, %dma_wait3A_657] : memref<16x2x128xi32, #tpu.memory_space<vmem>> -> memref<1x1x128xi32, #tpu.memory_space<vmem>>
        %dma_wait3A_659 = tpu.memref_squeeze %dma_wait3A_658 : memref<1x1x128xi32, #tpu.memory_space<vmem>> -> memref<128xi32, #tpu.memory_space<vmem>>
        %dma_wait3A_660 = arith.constant 0 : i32
        %dma_wait3A_661 = arith.constant 0 : i32
        %dma_wait3A_662 = tpu.memref_slice %arg2[%dma_wait3A_660, %dma_wait3A_661] : memref<100000x8xf32, #tpu.memory_space<hbm>> -> memref<100000x8xf32, #tpu.memory_space<hbm>>
        tpu.wait_indirect_dma semaphore(%arg17 : memref<!tpu.dma_semaphore, #tpu.memory_space<semaphore_mem>>) src(%dma_wait3A_662 : memref<100000x8xf32, #tpu.memory_space<hbm>>) dst(%dma_wait3A_656 : memref<128x8xf32, #tpu.memory_space<vmem>>)
        %dma_wait3A_663 = arith.constant 11 : i32
        %dma_wait3A_664 = arith.constant 1 : i32
        %dma_wait3A_665 = arith.constant 1408 : i32
        %dma_wait3A_666 = arith.constant 0 : i32
        %dma_wait3A_667 = tpu.memref_slice %arg11[%dma_wait3A_665, %dma_wait3A_666] : memref<2048x8xf32, #tpu.memory_space<vmem>> -> memref<128x8xf32, #tpu.memory_space<vmem>>
        %dma_wait3A_668 = arith.constant 0 : i32
        %dma_wait3A_669 = tpu.memref_slice %arg7[%dma_wait3A_663, %dma_wait3A_664, %dma_wait3A_668] : memref<16x2x128xi32, #tpu.memory_space<vmem>> -> memref<1x1x128xi32, #tpu.memory_space<vmem>>
        %dma_wait3A_670 = tpu.memref_squeeze %dma_wait3A_669 : memref<1x1x128xi32, #tpu.memory_space<vmem>> -> memref<128xi32, #tpu.memory_space<vmem>>
        %dma_wait3A_671 = arith.constant 0 : i32
        %dma_wait3A_672 = arith.constant 0 : i32
        %dma_wait3A_673 = tpu.memref_slice %arg2[%dma_wait3A_671, %dma_wait3A_672] : memref<100000x8xf32, #tpu.memory_space<hbm>> -> memref<100000x8xf32, #tpu.memory_space<hbm>>
        tpu.wait_indirect_dma semaphore(%arg17 : memref<!tpu.dma_semaphore, #tpu.memory_space<semaphore_mem>>) src(%dma_wait3A_673 : memref<100000x8xf32, #tpu.memory_space<hbm>>) dst(%dma_wait3A_667 : memref<128x8xf32, #tpu.memory_space<vmem>>)
        %dma_wait3A_674 = arith.constant 12 : i32
        %dma_wait3A_675 = arith.constant 0 : i32
        %dma_wait3A_676 = arith.constant 1536 : i32
        %dma_wait3A_677 = arith.constant 0 : i32
        %dma_wait3A_678 = tpu.memref_slice %arg10[%dma_wait3A_676, %dma_wait3A_677] : memref<2048x8xf32, #tpu.memory_space<vmem>> -> memref<128x8xf32, #tpu.memory_space<vmem>>
        %dma_wait3A_679 = arith.constant 0 : i32
        %dma_wait3A_680 = tpu.memref_slice %arg7[%dma_wait3A_674, %dma_wait3A_675, %dma_wait3A_679] : memref<16x2x128xi32, #tpu.memory_space<vmem>> -> memref<1x1x128xi32, #tpu.memory_space<vmem>>
        %dma_wait3A_681 = tpu.memref_squeeze %dma_wait3A_680 : memref<1x1x128xi32, #tpu.memory_space<vmem>> -> memref<128xi32, #tpu.memory_space<vmem>>
        %dma_wait3A_682 = arith.constant 0 : i32
        %dma_wait3A_683 = arith.constant 0 : i32
        %dma_wait3A_684 = tpu.memref_slice %arg2[%dma_wait3A_682, %dma_wait3A_683] : memref<100000x8xf32, #tpu.memory_space<hbm>> -> memref<100000x8xf32, #tpu.memory_space<hbm>>
        tpu.wait_indirect_dma semaphore(%arg17 : memref<!tpu.dma_semaphore, #tpu.memory_space<semaphore_mem>>) src(%dma_wait3A_684 : memref<100000x8xf32, #tpu.memory_space<hbm>>) dst(%dma_wait3A_678 : memref<128x8xf32, #tpu.memory_space<vmem>>)
        %dma_wait3A_685 = arith.constant 12 : i32
        %dma_wait3A_686 = arith.constant 1 : i32
        %dma_wait3A_687 = arith.constant 1536 : i32
        %dma_wait3A_688 = arith.constant 0 : i32
        %dma_wait3A_689 = tpu.memref_slice %arg11[%dma_wait3A_687, %dma_wait3A_688] : memref<2048x8xf32, #tpu.memory_space<vmem>> -> memref<128x8xf32, #tpu.memory_space<vmem>>
        %dma_wait3A_690 = arith.constant 0 : i32
        %dma_wait3A_691 = tpu.memref_slice %arg7[%dma_wait3A_685, %dma_wait3A_686, %dma_wait3A_690] : memref<16x2x128xi32, #tpu.memory_space<vmem>> -> memref<1x1x128xi32, #tpu.memory_space<vmem>>
        %dma_wait3A_692 = tpu.memref_squeeze %dma_wait3A_691 : memref<1x1x128xi32, #tpu.memory_space<vmem>> -> memref<128xi32, #tpu.memory_space<vmem>>
        %dma_wait3A_693 = arith.constant 0 : i32
        %dma_wait3A_694 = arith.constant 0 : i32
        %dma_wait3A_695 = tpu.memref_slice %arg2[%dma_wait3A_693, %dma_wait3A_694] : memref<100000x8xf32, #tpu.memory_space<hbm>> -> memref<100000x8xf32, #tpu.memory_space<hbm>>
        tpu.wait_indirect_dma semaphore(%arg17 : memref<!tpu.dma_semaphore, #tpu.memory_space<semaphore_mem>>) src(%dma_wait3A_695 : memref<100000x8xf32, #tpu.memory_space<hbm>>) dst(%dma_wait3A_689 : memref<128x8xf32, #tpu.memory_space<vmem>>)
        %dma_wait3A_696 = arith.constant 13 : i32
        %dma_wait3A_697 = arith.constant 0 : i32
        %dma_wait3A_698 = arith.constant 1664 : i32
        %dma_wait3A_699 = arith.constant 0 : i32
        %dma_wait3A_700 = tpu.memref_slice %arg10[%dma_wait3A_698, %dma_wait3A_699] : memref<2048x8xf32, #tpu.memory_space<vmem>> -> memref<128x8xf32, #tpu.memory_space<vmem>>
        %dma_wait3A_701 = arith.constant 0 : i32
        %dma_wait3A_702 = tpu.memref_slice %arg7[%dma_wait3A_696, %dma_wait3A_697, %dma_wait3A_701] : memref<16x2x128xi32, #tpu.memory_space<vmem>> -> memref<1x1x128xi32, #tpu.memory_space<vmem>>
        %dma_wait3A_703 = tpu.memref_squeeze %dma_wait3A_702 : memref<1x1x128xi32, #tpu.memory_space<vmem>> -> memref<128xi32, #tpu.memory_space<vmem>>
        %dma_wait3A_704 = arith.constant 0 : i32
        %dma_wait3A_705 = arith.constant 0 : i32
        %dma_wait3A_706 = tpu.memref_slice %arg2[%dma_wait3A_704, %dma_wait3A_705] : memref<100000x8xf32, #tpu.memory_space<hbm>> -> memref<100000x8xf32, #tpu.memory_space<hbm>>
        tpu.wait_indirect_dma semaphore(%arg17 : memref<!tpu.dma_semaphore, #tpu.memory_space<semaphore_mem>>) src(%dma_wait3A_706 : memref<100000x8xf32, #tpu.memory_space<hbm>>) dst(%dma_wait3A_700 : memref<128x8xf32, #tpu.memory_space<vmem>>)
        %dma_wait3A_707 = arith.constant 13 : i32
        %dma_wait3A_708 = arith.constant 1 : i32
        %dma_wait3A_709 = arith.constant 1664 : i32
        %dma_wait3A_710 = arith.constant 0 : i32
        %dma_wait3A_711 = tpu.memref_slice %arg11[%dma_wait3A_709, %dma_wait3A_710] : memref<2048x8xf32, #tpu.memory_space<vmem>> -> memref<128x8xf32, #tpu.memory_space<vmem>>
        %dma_wait3A_712 = arith.constant 0 : i32
        %dma_wait3A_713 = tpu.memref_slice %arg7[%dma_wait3A_707, %dma_wait3A_708, %dma_wait3A_712] : memref<16x2x128xi32, #tpu.memory_space<vmem>> -> memref<1x1x128xi32, #tpu.memory_space<vmem>>
        %dma_wait3A_714 = tpu.memref_squeeze %dma_wait3A_713 : memref<1x1x128xi32, #tpu.memory_space<vmem>> -> memref<128xi32, #tpu.memory_space<vmem>>
        %dma_wait3A_715 = arith.constant 0 : i32
        %dma_wait3A_716 = arith.constant 0 : i32
        %dma_wait3A_717 = tpu.memref_slice %arg2[%dma_wait3A_715, %dma_wait3A_716] : memref<100000x8xf32, #tpu.memory_space<hbm>> -> memref<100000x8xf32, #tpu.memory_space<hbm>>
        tpu.wait_indirect_dma semaphore(%arg17 : memref<!tpu.dma_semaphore, #tpu.memory_space<semaphore_mem>>) src(%dma_wait3A_717 : memref<100000x8xf32, #tpu.memory_space<hbm>>) dst(%dma_wait3A_711 : memref<128x8xf32, #tpu.memory_space<vmem>>)
        %dma_wait3A_718 = arith.constant 14 : i32
        %dma_wait3A_719 = arith.constant 0 : i32
        %dma_wait3A_720 = arith.constant 1792 : i32
        %dma_wait3A_721 = arith.constant 0 : i32
        %dma_wait3A_722 = tpu.memref_slice %arg10[%dma_wait3A_720, %dma_wait3A_721] : memref<2048x8xf32, #tpu.memory_space<vmem>> -> memref<128x8xf32, #tpu.memory_space<vmem>>
        %dma_wait3A_723 = arith.constant 0 : i32
        %dma_wait3A_724 = tpu.memref_slice %arg7[%dma_wait3A_718, %dma_wait3A_719, %dma_wait3A_723] : memref<16x2x128xi32, #tpu.memory_space<vmem>> -> memref<1x1x128xi32, #tpu.memory_space<vmem>>
        %dma_wait3A_725 = tpu.memref_squeeze %dma_wait3A_724 : memref<1x1x128xi32, #tpu.memory_space<vmem>> -> memref<128xi32, #tpu.memory_space<vmem>>
        %dma_wait3A_726 = arith.constant 0 : i32
        %dma_wait3A_727 = arith.constant 0 : i32
        %dma_wait3A_728 = tpu.memref_slice %arg2[%dma_wait3A_726, %dma_wait3A_727] : memref<100000x8xf32, #tpu.memory_space<hbm>> -> memref<100000x8xf32, #tpu.memory_space<hbm>>
        tpu.wait_indirect_dma semaphore(%arg17 : memref<!tpu.dma_semaphore, #tpu.memory_space<semaphore_mem>>) src(%dma_wait3A_728 : memref<100000x8xf32, #tpu.memory_space<hbm>>) dst(%dma_wait3A_722 : memref<128x8xf32, #tpu.memory_space<vmem>>)
        %dma_wait3A_729 = arith.constant 14 : i32
        %dma_wait3A_730 = arith.constant 1 : i32
        %dma_wait3A_731 = arith.constant 1792 : i32
        %dma_wait3A_732 = arith.constant 0 : i32
        %dma_wait3A_733 = tpu.memref_slice %arg11[%dma_wait3A_731, %dma_wait3A_732] : memref<2048x8xf32, #tpu.memory_space<vmem>> -> memref<128x8xf32, #tpu.memory_space<vmem>>
        %dma_wait3A_734 = arith.constant 0 : i32
        %dma_wait3A_735 = tpu.memref_slice %arg7[%dma_wait3A_729, %dma_wait3A_730, %dma_wait3A_734] : memref<16x2x128xi32, #tpu.memory_space<vmem>> -> memref<1x1x128xi32, #tpu.memory_space<vmem>>
        %dma_wait3A_736 = tpu.memref_squeeze %dma_wait3A_735 : memref<1x1x128xi32, #tpu.memory_space<vmem>> -> memref<128xi32, #tpu.memory_space<vmem>>
        %dma_wait3A_737 = arith.constant 0 : i32
        %dma_wait3A_738 = arith.constant 0 : i32
        %dma_wait3A_739 = tpu.memref_slice %arg2[%dma_wait3A_737, %dma_wait3A_738] : memref<100000x8xf32, #tpu.memory_space<hbm>> -> memref<100000x8xf32, #tpu.memory_space<hbm>>
        tpu.wait_indirect_dma semaphore(%arg17 : memref<!tpu.dma_semaphore, #tpu.memory_space<semaphore_mem>>) src(%dma_wait3A_739 : memref<100000x8xf32, #tpu.memory_space<hbm>>) dst(%dma_wait3A_733 : memref<128x8xf32, #tpu.memory_space<vmem>>)
        %dma_wait3A_740 = arith.constant 15 : i32
        %dma_wait3A_741 = arith.constant 0 : i32
        %dma_wait3A_742 = arith.constant 1920 : i32
        %dma_wait3A_743 = arith.constant 0 : i32
        %dma_wait3A_744 = tpu.memref_slice %arg10[%dma_wait3A_742, %dma_wait3A_743] : memref<2048x8xf32, #tpu.memory_space<vmem>> -> memref<128x8xf32, #tpu.memory_space<vmem>>
        %dma_wait3A_745 = arith.constant 0 : i32
        %dma_wait3A_746 = tpu.memref_slice %arg7[%dma_wait3A_740, %dma_wait3A_741, %dma_wait3A_745] : memref<16x2x128xi32, #tpu.memory_space<vmem>> -> memref<1x1x128xi32, #tpu.memory_space<vmem>>
        %dma_wait3A_747 = tpu.memref_squeeze %dma_wait3A_746 : memref<1x1x128xi32, #tpu.memory_space<vmem>> -> memref<128xi32, #tpu.memory_space<vmem>>
        %dma_wait3A_748 = arith.constant 0 : i32
        %dma_wait3A_749 = arith.constant 0 : i32
        %dma_wait3A_750 = tpu.memref_slice %arg2[%dma_wait3A_748, %dma_wait3A_749] : memref<100000x8xf32, #tpu.memory_space<hbm>> -> memref<100000x8xf32, #tpu.memory_space<hbm>>
        tpu.wait_indirect_dma semaphore(%arg17 : memref<!tpu.dma_semaphore, #tpu.memory_space<semaphore_mem>>) src(%dma_wait3A_750 : memref<100000x8xf32, #tpu.memory_space<hbm>>) dst(%dma_wait3A_744 : memref<128x8xf32, #tpu.memory_space<vmem>>)
        %dma_wait3A_751 = arith.constant 15 : i32
        %dma_wait3A_752 = arith.constant 1 : i32
        %dma_wait3A_753 = arith.constant 1920 : i32
        %dma_wait3A_754 = arith.constant 0 : i32
        %dma_wait3A_755 = tpu.memref_slice %arg11[%dma_wait3A_753, %dma_wait3A_754] : memref<2048x8xf32, #tpu.memory_space<vmem>> -> memref<128x8xf32, #tpu.memory_space<vmem>>
        %dma_wait3A_756 = arith.constant 0 : i32
        %dma_wait3A_757 = tpu.memref_slice %arg7[%dma_wait3A_751, %dma_wait3A_752, %dma_wait3A_756] : memref<16x2x128xi32, #tpu.memory_space<vmem>> -> memref<1x1x128xi32, #tpu.memory_space<vmem>>
        %dma_wait3A_758 = tpu.memref_squeeze %dma_wait3A_757 : memref<1x1x128xi32, #tpu.memory_space<vmem>> -> memref<128xi32, #tpu.memory_space<vmem>>
        %dma_wait3A_759 = arith.constant 0 : i32
        %dma_wait3A_760 = arith.constant 0 : i32
        %dma_wait3A_761 = tpu.memref_slice %arg2[%dma_wait3A_759, %dma_wait3A_760] : memref<100000x8xf32, #tpu.memory_space<hbm>> -> memref<100000x8xf32, #tpu.memory_space<hbm>>
        tpu.wait_indirect_dma semaphore(%arg17 : memref<!tpu.dma_semaphore, #tpu.memory_space<semaphore_mem>>) src(%dma_wait3A_761 : memref<100000x8xf32, #tpu.memory_space<hbm>>) dst(%dma_wait3A_755 : memref<128x8xf32, #tpu.memory_space<vmem>>)
        %ge3A = arith.constant 2 : i32
        %ge3A_762 = arith.cmpi sge, %add3A_399, %ge3A : i32
        %convert_element_type3A_763 = arith.extui %ge3A_762 : i1 to i32
        %cond3A_764 = arith.constant 0 : i32
        %cond3A_765 = arith.cmpi ne, %convert_element_type3A_763, %cond3A_764 : i32
        scf.if %cond3A_765 {
          %dma_wait3A_786 = arith.constant 0 : i32
          %dma_wait3A_787 = tpu.memref_slice %arg4[%dma_wait3A_786] : memref<6400000xf32, #tpu.memory_space<hbm>> -> memref<2048xf32, #tpu.memory_space<hbm>>
          %dma_wait3A_788 = arith.constant 0 : i32
          %dma_wait3A_789 = tpu.memref_slice %arg4[%dma_wait3A_788] : memref<6400000xf32, #tpu.memory_space<hbm>> -> memref<2048xf32, #tpu.memory_space<hbm>>
          tpu.wait_dma2 semaphore(%arg19 : memref<!tpu.dma_semaphore, #tpu.memory_space<semaphore_mem>>) src(%arg15 : memref<2048xf32, #tpu.memory_space<vmem>>) dst(%dma_wait3A_789 : memref<2048xf32, #tpu.memory_space<hbm>>)
          %dma_wait3A_790 = arith.constant 0 : i32
          %dma_wait3A_791 = arith.constant 0 : i32
          %dma_wait3A_792 = arith.constant 0 : i32
          %dma_wait3A_793 = tpu.memref_slice %arg5[%dma_wait3A_790, %dma_wait3A_791, %dma_wait3A_792] : memref<50000x4x128xf32, #tpu.memory_space<hbm>> -> memref<16x4x128xf32, #tpu.memory_space<hbm>>
          %dma_wait3A_794 = arith.constant 0 : i32
          %dma_wait3A_795 = arith.constant 0 : i32
          %dma_wait3A_796 = arith.constant 0 : i32
          %dma_wait3A_797 = tpu.memref_slice %arg5[%dma_wait3A_794, %dma_wait3A_795, %dma_wait3A_796] : memref<50000x4x128xf32, #tpu.memory_space<hbm>> -> memref<16x4x128xf32, #tpu.memory_space<hbm>>
          tpu.wait_dma2 semaphore(%arg19 : memref<!tpu.dma_semaphore, #tpu.memory_space<semaphore_mem>>) src(%arg13 : memref<16x4x128xf32, #tpu.memory_space<vmem>>) dst(%dma_wait3A_797 : memref<16x4x128xf32, #tpu.memory_space<hbm>>)
        } else {
        }
        %scan3A_766 = arith.constant 0 : i32
        %scan3A_767 = arith.constant 128 : i32
        %scan3A_768 = arith.addi %scan3A_766, %scan3A_767 : i32
        %scan3A_769 = arith.constant 1 : i32
        scf.for %scan3A_786 = %scan3A_766 to %scan3A_768 step %scan3A_769  : i32 {
          %mul3A_787 = arith.constant 1 : i32
          %mul3A_788 = arith.muli %scan3A_786, %mul3A_787 : i32
          %add3A_789 = arith.constant 0 : i32
          %add3A_790 = arith.addi %add3A_789, %mul3A_788 : i32
          %mul3A_791 = arith.constant 16 : i32
          %mul3A_792 = arith.muli %add3A_790, %mul3A_791 : i32
          %iota3A = tpu.iota {dimensions = array<i32: 0>} : vector<16xi32>
          %add3A_793 = vector.broadcast %mul3A_792 : i32 to vector<16xi32>
          %add3A_794 = arith.addi %add3A_793, %iota3A : vector<16xi32>
          %broadcast_in_dim3A = arith.constant 0 : i32
          %broadcast_in_dim3A_795 = vector.broadcast %broadcast_in_dim3A : i32 to vector<16xi32>
          %broadcast_in_dim3A_796 = arith.constant 1 : i32
          %broadcast_in_dim3A_797 = vector.broadcast %broadcast_in_dim3A_796 : i32 to vector<16xi32>
          %broadcast_in_dim3A_798 = arith.constant 2 : i32
          %broadcast_in_dim3A_799 = vector.broadcast %broadcast_in_dim3A_798 : i32 to vector<16xi32>
          %gather3A = tpu.vector_load_idx %arg10[%add3A_794, %broadcast_in_dim3A_795] : memref<2048x8xf32, #tpu.memory_space<vmem>>[vector<16xi32>, vector<16xi32>], vector<16xf32>,
          %gather3A_800 = tpu.vector_load_idx %arg11[%add3A_794, %broadcast_in_dim3A_795] : memref<2048x8xf32, #tpu.memory_space<vmem>>[vector<16xi32>, vector<16xi32>], vector<16xf32>,
          %sub3A = arith.subf %gather3A, %gather3A_800 : vector<16xf32>
          %gather3A_801 = tpu.vector_load_idx %arg10[%add3A_794, %broadcast_in_dim3A_797] : memref<2048x8xf32, #tpu.memory_space<vmem>>[vector<16xi32>, vector<16xi32>], vector<16xf32>,
          %gather3A_802 = tpu.vector_load_idx %arg11[%add3A_794, %broadcast_in_dim3A_797] : memref<2048x8xf32, #tpu.memory_space<vmem>>[vector<16xi32>, vector<16xi32>], vector<16xf32>,
          %sub3A_803 = arith.subf %gather3A_801, %gather3A_802 : vector<16xf32>
          %gather3A_804 = tpu.vector_load_idx %arg10[%add3A_794, %broadcast_in_dim3A_799] : memref<2048x8xf32, #tpu.memory_space<vmem>>[vector<16xi32>, vector<16xi32>], vector<16xf32>,
          %gather3A_805 = tpu.vector_load_idx %arg11[%add3A_794, %broadcast_in_dim3A_799] : memref<2048x8xf32, #tpu.memory_space<vmem>>[vector<16xi32>, vector<16xi32>], vector<16xf32>,
          %sub3A_806 = arith.subf %gather3A_804, %gather3A_805 : vector<16xf32>
          %jit3A_807 = arith.constant 8 : i32
          %div3A = arith.divsi %add3A_790, %jit3A_807 : i32
          %sign3A = arith.constant 0 : i32
          %sign3A_808 = arith.cmpi sgt, %add3A_790, %sign3A : i32
          %sign3A_809 = arith.extui %sign3A_808 : i1 to i32
          %sign3A_810 = arith.constant 0 : i32
          %sign3A_811 = arith.cmpi slt, %add3A_790, %sign3A_810 : i32
          %sign3A_812 = arith.extui %sign3A_811 : i1 to i32
          %sign3A_813 = arith.subi %sign3A_809, %sign3A_812 : i32
          %sign3A_814 = arith.constant 0 : i32
          %sign3A_815 = arith.cmpi sgt, %jit3A_807, %sign3A_814 : i32
          %sign3A_816 = arith.extui %sign3A_815 : i1 to i32
          %sign3A_817 = arith.constant 0 : i32
          %sign3A_818 = arith.cmpi slt, %jit3A_807, %sign3A_817 : i32
          %sign3A_819 = arith.extui %sign3A_818 : i1 to i32
          %sign3A_820 = arith.subi %sign3A_816, %sign3A_819 : i32
          %ne3A = arith.cmpi ne, %sign3A_813, %sign3A_820 : i32
          %rem3A = arith.remsi %add3A_790, %jit3A_807 : i32
          %ne3A_821 = arith.constant 0 : i32
          %ne3A_822 = arith.cmpi ne, %rem3A, %ne3A_821 : i32
          %and3A = arith.andi %ne3A, %ne3A_822 : i1
          %sub3A_823 = arith.constant 1 : i32
          %sub3A_824 = arith.subi %div3A, %sub3A_823 : i32
          %select_n3A_825 = arith.select %and3A, %sub3A_824, %div3A : i32
          %jit3A_826 = arith.constant 8 : i32
          %eq3A = arith.constant 0 : i32
          %eq3A_827 = arith.cmpi eq, %jit3A_826, %eq3A : i32
          %jit3A_828 = arith.constant 1 : i32
          %select_n3A_829 = arith.select %eq3A_827, %jit3A_828, %jit3A_826 : i32
          %rem3A_830 = arith.remsi %add3A_790, %select_n3A_829 : i32
          %ne3A_831 = arith.constant 0 : i32
          %ne3A_832 = arith.cmpi ne, %rem3A_830, %ne3A_831 : i32
          %lt3A_833 = arith.constant 0 : i32
          %lt3A_834 = arith.cmpi slt, %rem3A_830, %lt3A_833 : i32
          %lt3A_835 = arith.constant 0 : i32
          %lt3A_836 = arith.cmpi slt, %select_n3A_829, %lt3A_835 : i32
          %ne3A_837 = arith.xori %lt3A_834, %lt3A_836 : i1
          %and3A_838 = arith.andi %ne3A_837, %ne3A_832 : i1
          %add3A_839 = arith.addi %rem3A_830, %select_n3A_829 : i32
          %select_n3A_840 = arith.select %and3A_838, %add3A_839, %rem3A_830 : i32
          %mul3A_841 = arith.constant 16 : i32
          %mul3A_842 = arith.muli %select_n3A_840, %mul3A_841 : i32
          %swap3A = arith.constant 0 : i32
          %swap3A_843 = arith.index_cast %select_n3A_825 : i32 to index
          %swap3A_844 = arith.index_cast %swap3A : i32 to index
          %swap3A_845 = arith.index_cast %mul3A_842 : i32 to index
          %swap3A_846 = tpu.vector_load %arg13[%swap3A_843, %swap3A_844, %swap3A_845] {strides = array<i32>} : memref<16x4x128xf32, #tpu.memory_space<vmem>>, vector<16xf32>,
          tpu.vector_store %arg13[%swap3A_843, %swap3A_844, %swap3A_845], %sub3A {strides = array<i32>} : memref<16x4x128xf32, #tpu.memory_space<vmem>>, vector<16xf32>,
          %swap3A_847 = arith.constant 1 : i32
          %swap3A_848 = arith.index_cast %select_n3A_825 : i32 to index
          %swap3A_849 = arith.index_cast %swap3A_847 : i32 to index
          %swap3A_850 = arith.index_cast %mul3A_842 : i32 to index
          %swap3A_851 = tpu.vector_load %arg13[%swap3A_848, %swap3A_849, %swap3A_850] {strides = array<i32>} : memref<16x4x128xf32, #tpu.memory_space<vmem>>, vector<16xf32>,
          tpu.vector_store %arg13[%swap3A_848, %swap3A_849, %swap3A_850], %sub3A_803 {strides = array<i32>} : memref<16x4x128xf32, #tpu.memory_space<vmem>>, vector<16xf32>,
          %swap3A_852 = arith.constant 2 : i32
          %swap3A_853 = arith.index_cast %select_n3A_825 : i32 to index
          %swap3A_854 = arith.index_cast %swap3A_852 : i32 to index
          %swap3A_855 = arith.index_cast %mul3A_842 : i32 to index
          %swap3A_856 = tpu.vector_load %arg13[%swap3A_853, %swap3A_854, %swap3A_855] {strides = array<i32>} : memref<16x4x128xf32, #tpu.memory_space<vmem>>, vector<16xf32>,
          tpu.vector_store %arg13[%swap3A_853, %swap3A_854, %swap3A_855], %sub3A_806 {strides = array<i32>} : memref<16x4x128xf32, #tpu.memory_space<vmem>>, vector<16xf32>,
          %mul3A_857 = arith.mulf %sub3A, %sub3A : vector<16xf32>
          %mul3A_858 = arith.mulf %sub3A_803, %sub3A_803 : vector<16xf32>
          %add3A_859 = arith.addf %mul3A_857, %mul3A_858 : vector<16xf32>
          %mul3A_860 = arith.mulf %sub3A_806, %sub3A_806 : vector<16xf32>
          %add3A_861 = arith.addf %add3A_859, %mul3A_860 : vector<16xf32>
          %bitcast_convert_type3A = tpu.bitcast %add3A_861 : vector<16xf32> -> vector<16xi32>
          %shift_right_arithmetic3A = arith.constant 1 : i32
          %shift_right_arithmetic3A_862 = vector.broadcast %shift_right_arithmetic3A : i32 to vector<16xi32>
          %shift_right_arithmetic3A_863 = arith.shrsi %bitcast_convert_type3A, %shift_right_arithmetic3A_862 : vector<16xi32>
          %sub3A_864 = arith.constant 1597463007 : i32
          %sub3A_865 = vector.broadcast %sub3A_864 : i32 to vector<16xi32>
          %sub3A_866 = arith.subi %sub3A_865, %shift_right_arithmetic3A_863 : vector<16xi32>
          %bitcast_convert_type3A_867 = tpu.bitcast %sub3A_866 : vector<16xi32> -> vector<16xf32>
          %mul3A_868 = arith.constant 5.000000e-01 : f32
          %mul3A_869 = vector.broadcast %mul3A_868 : f32 to vector<16xf32>
          %mul3A_870 = arith.mulf %mul3A_869, %add3A_861 : vector<16xf32>
          %mul3A_871 = arith.mulf %mul3A_870, %bitcast_convert_type3A_867 : vector<16xf32>
          %mul3A_872 = arith.mulf %mul3A_871, %bitcast_convert_type3A_867 : vector<16xf32>
          %sub3A_873 = arith.constant 1.500000e+00 : f32
          %sub3A_874 = vector.broadcast %sub3A_873 : f32 to vector<16xf32>
          %sub3A_875 = arith.subf %sub3A_874, %mul3A_872 : vector<16xf32>
          %mul3A_876 = arith.mulf %bitcast_convert_type3A_867, %sub3A_875 : vector<16xf32>
          %mul3A_877 = arith.constant 5.000000e-01 : f32
          %mul3A_878 = vector.broadcast %mul3A_877 : f32 to vector<16xf32>
          %mul3A_879 = arith.mulf %mul3A_878, %add3A_861 : vector<16xf32>
          %mul3A_880 = arith.mulf %mul3A_879, %mul3A_876 : vector<16xf32>
          %mul3A_881 = arith.mulf %mul3A_880, %mul3A_876 : vector<16xf32>
          %sub3A_882 = arith.constant 1.500000e+00 : f32
          %sub3A_883 = vector.broadcast %sub3A_882 : f32 to vector<16xf32>
          %sub3A_884 = arith.subf %sub3A_883, %mul3A_881 : vector<16xf32>
          %mul3A_885 = arith.mulf %mul3A_876, %sub3A_884 : vector<16xf32>
          %mul3A_886 = arith.constant 5.000000e-01 : f32
          %mul3A_887 = vector.broadcast %mul3A_886 : f32 to vector<16xf32>
          %mul3A_888 = arith.mulf %mul3A_887, %add3A_861 : vector<16xf32>
          %mul3A_889 = arith.mulf %mul3A_888, %mul3A_885 : vector<16xf32>
          %mul3A_890 = arith.mulf %mul3A_889, %mul3A_885 : vector<16xf32>
          %sub3A_891 = arith.constant 1.500000e+00 : f32
          %sub3A_892 = vector.broadcast %sub3A_891 : f32 to vector<16xf32>
          %sub3A_893 = arith.subf %sub3A_892, %mul3A_890 : vector<16xf32>
          %mul3A_894 = arith.mulf %mul3A_885, %sub3A_893 : vector<16xf32>
          %gt3A = arith.constant 0.000000e+00 : f32
          %gt3A_895 = vector.broadcast %gt3A : f32 to vector<16xf32>
          %gt3A_896 = arith.cmpf ogt, %add3A_861, %gt3A_895 : vector<16xf32>
          %mul3A_897 = arith.mulf %add3A_861, %mul3A_894 : vector<16xf32>
          %jit3A_898 = arith.constant 0.000000e+00 : f32
          %broadcast_in_dim3A_899 = vector.broadcast %jit3A_898 : f32 to vector<16xf32>
          %select_n3A_900 = arith.select %gt3A_896, %mul3A_897, %broadcast_in_dim3A_899 : vector<16xi1>, vector<16xf32>
          %mul3A_901 = arith.constant 16 : i32
          %mul3A_902 = arith.muli %add3A_790, %mul3A_901 : i32
          %swap3A_903 = arith.index_cast %mul3A_902 : i32 to index
          %swap3A_904 = tpu.vector_load %arg15[%swap3A_903] {strides = array<i32>} : memref<2048xf32, #tpu.memory_space<vmem>>, vector<16xf32>,
          tpu.vector_store %arg15[%swap3A_903], %select_n3A_900 {strides = array<i32>} : memref<2048xf32, #tpu.memory_space<vmem>>, vector<16xf32>,
        }
        %scan3A_770 = arith.constant 128 : i32
        %mul3A_771 = arith.constant 32 : i32
        %mul3A_772 = arith.muli %mul3A_771, %add3A_399 : i32
        %add3A_773 = arith.addi %add3A, %mul3A_772 : i32
        %mul3A_774 = arith.constant 2048 : i32
        %mul3A_775 = arith.muli %add3A_773, %mul3A_774 : i32
        %dma_start3A_776 = tpu.memref_slice %arg4[%mul3A_775] : memref<6400000xf32, #tpu.memory_space<hbm>> -> memref<2048xf32, #tpu.memory_space<hbm>>
        %dma_start3A_777 = tpu.memref_slice %arg4[%mul3A_775] : memref<6400000xf32, #tpu.memory_space<hbm>> -> memref<2048xf32, #tpu.memory_space<hbm>>
        tpu.enqueue_dma source(%arg15 : memref<2048xf32, #tpu.memory_space<vmem>>) target(%dma_start3A_777 : memref<2048xf32, #tpu.memory_space<hbm>>) target_semaphore(%arg19 : memref<!tpu.dma_semaphore, #tpu.memory_space<semaphore_mem>>)
        %mul3A_778 = arith.constant 16 : i32
        %mul3A_779 = arith.muli %add3A_773, %mul3A_778 : i32
        %dma_start3A_780 = arith.constant 0 : i32
        %dma_start3A_781 = arith.constant 0 : i32
        %dma_start3A_782 = tpu.memref_slice %arg5[%mul3A_779, %dma_start3A_780, %dma_start3A_781] : memref<50000x4x128xf32, #tpu.memory_space<hbm>> -> memref<16x4x128xf32, #tpu.memory_space<hbm>>
        %dma_start3A_783 = arith.constant 0 : i32
        %dma_start3A_784 = arith.constant 0 : i32
        %dma_start3A_785 = tpu.memref_slice %arg5[%mul3A_779, %dma_start3A_783, %dma_start3A_784] : memref<50000x4x128xf32, #tpu.memory_space<hbm>> -> memref<16x4x128xf32, #tpu.memory_space<hbm>>
        tpu.enqueue_dma source(%arg13 : memref<16x4x128xf32, #tpu.memory_space<vmem>>) target(%dma_start3A_785 : memref<16x4x128xf32, #tpu.memory_space<hbm>>) target_semaphore(%arg19 : memref<!tpu.dma_semaphore, #tpu.memory_space<semaphore_mem>>)
      } else {
      }
    }
    %scan3A_361 = arith.constant 49 : i32
    %dma_wait3A = arith.constant 0 : i32
    %dma_wait3A_362 = tpu.memref_slice %arg4[%dma_wait3A] : memref<6400000xf32, #tpu.memory_space<hbm>> -> memref<2048xf32, #tpu.memory_space<hbm>>
    %dma_wait3A_363 = arith.constant 0 : i32
    %dma_wait3A_364 = tpu.memref_slice %arg4[%dma_wait3A_363] : memref<6400000xf32, #tpu.memory_space<hbm>> -> memref<2048xf32, #tpu.memory_space<hbm>>
    tpu.wait_dma2 semaphore(%arg18 : memref<!tpu.dma_semaphore, #tpu.memory_space<semaphore_mem>>) src(%arg14 : memref<2048xf32, #tpu.memory_space<vmem>>) dst(%dma_wait3A_364 : memref<2048xf32, #tpu.memory_space<hbm>>)
    %dma_wait3A_365 = arith.constant 0 : i32
    %dma_wait3A_366 = arith.constant 0 : i32
    %dma_wait3A_367 = arith.constant 0 : i32
    %dma_wait3A_368 = tpu.memref_slice %arg5[%dma_wait3A_365, %dma_wait3A_366, %dma_wait3A_367] : memref<50000x4x128xf32, #tpu.memory_space<hbm>> -> memref<16x4x128xf32, #tpu.memory_space<hbm>>
    %dma_wait3A_369 = arith.constant 0 : i32
    %dma_wait3A_370 = arith.constant 0 : i32
    %dma_wait3A_371 = arith.constant 0 : i32
    %dma_wait3A_372 = tpu.memref_slice %arg5[%dma_wait3A_369, %dma_wait3A_370, %dma_wait3A_371] : memref<50000x4x128xf32, #tpu.memory_space<hbm>> -> memref<16x4x128xf32, #tpu.memory_space<hbm>>
    tpu.wait_dma2 semaphore(%arg18 : memref<!tpu.dma_semaphore, #tpu.memory_space<semaphore_mem>>) src(%arg12 : memref<16x4x128xf32, #tpu.memory_space<vmem>>) dst(%dma_wait3A_372 : memref<16x4x128xf32, #tpu.memory_space<hbm>>)
    %dma_wait3A_373 = arith.constant 0 : i32
    %dma_wait3A_374 = tpu.memref_slice %arg4[%dma_wait3A_373] : memref<6400000xf32, #tpu.memory_space<hbm>> -> memref<2048xf32, #tpu.memory_space<hbm>>
    %dma_wait3A_375 = arith.constant 0 : i32
    %dma_wait3A_376 = tpu.memref_slice %arg4[%dma_wait3A_375] : memref<6400000xf32, #tpu.memory_space<hbm>> -> memref<2048xf32, #tpu.memory_space<hbm>>
    tpu.wait_dma2 semaphore(%arg19 : memref<!tpu.dma_semaphore, #tpu.memory_space<semaphore_mem>>) src(%arg15 : memref<2048xf32, #tpu.memory_space<vmem>>) dst(%dma_wait3A_376 : memref<2048xf32, #tpu.memory_space<hbm>>)
    %dma_wait3A_377 = arith.constant 0 : i32
    %dma_wait3A_378 = arith.constant 0 : i32
    %dma_wait3A_379 = arith.constant 0 : i32
    %dma_wait3A_380 = tpu.memref_slice %arg5[%dma_wait3A_377, %dma_wait3A_378, %dma_wait3A_379] : memref<50000x4x128xf32, #tpu.memory_space<hbm>> -> memref<16x4x128xf32, #tpu.memory_space<hbm>>
    %dma_wait3A_381 = arith.constant 0 : i32
    %dma_wait3A_382 = arith.constant 0 : i32
    %dma_wait3A_383 = arith.constant 0 : i32
    %dma_wait3A_384 = tpu.memref_slice %arg5[%dma_wait3A_381, %dma_wait3A_382, %dma_wait3A_383] : memref<50000x4x128xf32, #tpu.memory_space<hbm>> -> memref<16x4x128xf32, #tpu.memory_space<hbm>>
    tpu.wait_dma2 semaphore(%arg19 : memref<!tpu.dma_semaphore, #tpu.memory_space<semaphore_mem>>) src(%arg13 : memref<16x4x128xf32, #tpu.memory_space<vmem>>) dst(%dma_wait3A_384 : memref<16x4x128xf32, #tpu.memory_space<hbm>>)
    return
  }
}

</mosaic_0001>

<sc_bundles>
// kernel: kernel.3.cloned.1.call-start
scs
__scs_entry_jumppad:
0x0: {  	(pc) =	sbr.rel $0x88, $3  }
0x1: {  	(tag) =	ssettag $0x0;
	lr =	simm.s32 $0x1  }
0x2: {  	[smem:$0x3F9F] =	sst lr;
	_ =	strace $0xD0000000  }
0x3: {  	_ = 	snop  }
0x4: {  	_ = 	snop  }
0x5: {  	_ = 	snop  }
0x6: {  	_ = 	snop  }
0x7: {  	_ = 	snop  }
__scs_overlays_trampoline_lowered:
0x8: {  	[smem:$0x3FAE] =	sst s0  }
0x9: {  	[smem:$0x3FAF] =	sst s1  }
0xa: {  	[smem:$0x3FB0] =	sst s2  }
0xb: {  	[smem:$0x3FB1] =	sst s3  }
0xc: {  	[smem:$0x3FB2] =	sst s4  }
0xd: {  	[smem:$0x3FB3] =	sst s5  }
0xe: {  	[smem:$0x3FB4] =	sst s6  }
0xf: {  	[smem:$0x3FB5] =	sst s7  }
0x10: {  	[smem:$0x3FB6] =	sst s8  }
0x11: {  	[smem:$0x3FB7] =	sst s9;
	s0 =	simm.s32 @!p0 $0x0  }
0x12: {  	s1 =	sld [smem:$0x3F9D];
	s0 =	simm.s32 @p0 $0x1  }
0x13: {  	[smem:$0x3FB8] =	sst s0;
	s0 =	simm.s32 @!p1 $0x0  }
0x14: {  	s2 =	sld [smem:$0x3F9C];
	s0 =	simm.s32 @p1 $0x1  }
0x15: {  	[smem:$0x3FB9] =	sst s0;
	s0 =	simm.s32 @!p2 $0x0  }
0x16: {  	s3 =	sld [smem:$0x3FDB];
	s0 =	simm.s32 @p2 $0x1  }
0x17: {  	s4 =	simm.s32 $0x1BF5;
	[smem:$0x3FBB] =	sst s0  }
0x18: {  	s0 =	sld [smem:$0x3F9E];
	_ =	swait.ge [sflag:s4], $0x0  }
0x19: {  	s7 =	sld [smem:$0x3F9F]  }
0x1a: {  	s8 =	sadd.s32 $0xFFFFE003, lr  }
0x1b: {  	s9 =	sadd.s32 $0xFFFFFEF7, lr;
	s5 =	simm.s32 $0xFFFFFFFF;
	p2 =	slt.u32 s8, $0xFFFFF086  }
0x1c: {  	p1 =	slt.u32 s9, $0xF7A;
	s5 =	simm.s32 @!p2 $0x0  }
0x1d: {  	s5 =	simm.s32 @p1 $0x1;
	p0 =	seq.s32 s7, s2  }
0x1e: {  	s7 =	smul.u32 @!p0 $0xF7A, s2;
	p2 =	seq.s32 @!p0 s5, $0x0  }
0x1f: {  	s9 =	smul.u32 $0xF7A, s1;
	s8 =	simm.s32 @!p0 $0x1BF5;
	p2 =	por !p2, p0  }
0x20: {  	[sflag:s8] =	ssyncset.s32 @!p0 $0xFFFFF086;
	s6 =	sadd.s32 @!p0 s3, s7;
	s7 =	simm.s32 @!p0 $0x108  }
0x21: {  	s3 =	sadd.s32 s3, s9;
	s6 =	sadd.s32 @!p0 $0x88, s6;
	s7 =	simm.s32 @p2 $0x1082  }
0x22: {  	[simem:s7], [sflag:s8] =	dma.local @!p0 [hbm:s6], $0xF7A  }
0x23: {  	s9 =	sor.u32 $0xD0000000, s2;
	s6 =	simm.s32 $0x108;
	_ =	swait.ge @!p0 [sflag:s8], $0x0  }
0x24: {  	s3 =	sadd.s32 $0x88, s3;
	s6 =	simm.s32 @!p1 $0x1082;
	[sflag:s4] =	ssyncset.s32 $0xFFFFF086  }
0x25: {  	[simem:s6], [sflag:s4] =	dma.local [hbm:s3], $0xF7A  }
0x26: {  	[smem:$0x3F9F] =	sst s1;
	(tag) =	ssettag s2;
	_ =	strace s9  }
0x27: {  	s1 =	sld [smem:$0x3FAF]  }
0x28: {  	s2 =	sld [smem:$0x3FB0]  }
0x29: {  	s4 =	sld [smem:$0x3FB2]  }
0x2a: {  	p0 =	seq.s32 s5, $0x0;
	s5 =	sld [smem:$0x3FB3]  }
0x2b: {  	s6 =	sld [smem:$0x3FB4]  }
0x2c: {  	s7 =	sld [smem:$0x3FB5]  }
0x2d: {  	s3 =	simm.s32 $0x108;
	s8 =	sld [smem:$0x3FB6]  }
0x2e: {  	s3 =	simm.s32 @!p0 $0x1082;
	s9 =	sld [smem:$0x3FB7]  }
0x2f: {  	lr =	sadd.s32 s0, s3;
	s0 =	sld [smem:$0x3FAE]  }
0x30: {  	s3 =	sld [smem:$0x3FB1]  }
0x31: {  	[smem:$0x3FBA] =	sst s10  }
0x32: {  	s10 =	sld [smem:$0x3FB8];
	_ =	sdelay $0x3  }
0x33: {  	p0 =	seq.s32 s10, $0x1;
	s10 =	sld [smem:$0x3FBA];
	_ =	sdelay $0x3  }
0x34: {  	[smem:$0x3FBA] =	sst s10  }
0x35: {  	s10 =	sld [smem:$0x3FB9];
	_ =	sdelay $0x3  }
0x36: {  	p1 =	seq.s32 s10, $0x1;
	s10 =	sld [smem:$0x3FBA];
	_ =	sdelay $0x3  }
0x37: {  	[smem:$0x3FBA] =	sst s10  }
0x38: {  	s10 =	sld [smem:$0x3FBB]  }
0x39: {  	_ = 	snop;
	(pc) =	sbr.ind lr, $3  }
0x3a: {  	_ = 	snop  }
0x3b: {  	_ = 	snop  }
0x3c: {  	p2 =	seq.s32 s10, $0x1;
	s10 =	sld [smem:$0x3FBA]  }
0x3d: {  	_ =	shalt  }
0x3e: {  	_ =	shalt  }
0x3f: {  	_ =	shalt  }
0x40: {  	_ =	shalt  }
0x41: {  	_ =	shalt  }
0x42: {  	_ =	shalt  }
0x43: {  	_ =	shalt  }
0x44: {  	_ =	shalt  }
0x45: {  	_ =	shalt  }
0x46: {  	_ =	shalt  }
0x47: {  	_ =	shalt  }
0x48: {  	_ =	shalt  }
0x49: {  	_ =	shalt  }
0x4a: {  	_ =	shalt  }
0x4b: {  	_ =	shalt  }
0x4c: {  	_ =	shalt  }
0x4d: {  	_ =	shalt  }
0x4e: {  	_ =	shalt  }
0x4f: {  	_ =	shalt  }
0x50: {  	_ =	shalt  }
0x51: {  	_ =	shalt  }
0x52: {  	_ =	shalt  }
0x53: {  	_ =	shalt  }
0x54: {  	_ =	shalt  }
0x55: {  	_ =	shalt  }
0x56: {  	_ =	shalt  }
0x57: {  	_ =	shalt  }
0x58: {  	_ =	shalt  }
0x59: {  	_ =	shalt  }
0x5a: {  	_ =	shalt  }
0x5b: {  	_ =	shalt  }
0x5c: {  	_ =	shalt  }
0x5d: {  	_ =	shalt  }
0x5e: {  	_ =	shalt  }
0x5f: {  	_ =	shalt  }
0x60: {  	_ =	shalt  }
0x61: {  	_ =	shalt  }
0x62: {  	_ =	shalt  }
0x63: {  	_ =	shalt  }
0x64: {  	_ =	shalt  }
0x65: {  	_ =	shalt  }
0x66: {  	_ =	shalt  }
0x67: {  	_ =	shalt  }
0x68: {  	_ =	shalt  }
0x69: {  	_ =	shalt  }
0x6a: {  	_ =	shalt  }
0x6b: {  	_ =	shalt  }
0x6c: {  	_ =	shalt  }
0x6d: {  	_ =	shalt  }
0x6e: {  	_ =	shalt  }
0x6f: {  	_ =	shalt  }
0x70: {  	_ =	shalt  }
0x71: {  	_ =	shalt  }
0x72: {  	_ =	shalt  }
0x73: {  	_ =	shalt  }
0x74: {  	_ =	shalt  }
0x75: {  	_ =	shalt  }
0x76: {  	_ =	shalt  }
0x77: {  	_ =	shalt  }
0x78: {  	_ =	shalt  }
0x79: {  	_ =	shalt  }
0x7a: {  	_ =	shalt  }
0x7b: {  	_ =	shalt  }
0x7c: {  	_ =	shalt  }
0x7d: {  	_ =	shalt  }
0x7e: {  	_ =	shalt  }
0x7f: {  	_ =	shalt  }
0x80: {  	_ =	shalt  }
0x81: {  	_ =	shalt  }
0x82: {  	_ =	shalt  }
0x83: {  	_ =	shalt  }
0x84: {  	_ =	shalt  }
0x85: {  	_ =	shalt  }
0x86: {  	_ =	shalt  }
0x87: {  	_ =	shalt  }
.Lfunc_end0:
.L_simem_size_0:
called_computation_lowered:
.L_overlay_start_0:
0x88: {  	s2 =	sld [smem:$0x3FD9]  }
0x89: {  	s3 =	sld [smem:$0x3FFE];
	_ =	sdelay $0x1  }
0x8a: {  	s1 =	srdreg.scid  }
0x8b: {  	s0 =	sand.u32 $0x1, s1  }
0x8c: {  	s14 =	sshll.u32 s0, $0xA;
	s2 =	sadd.s32 s3, s2  }
0x8d: {  	s2 =	sadd.s32 s2, s14  }
0x8e: {  	[smem:$0x3FC6] =	sst s2  }
0x8f: {  	_ = 	snop  }
0x90: {  	s2 =	sld [smem:$0x3FD0];
	_ =	sdelay $0x2  }
0x91: {  	s4 =	simm.s32 $0xA;
	s5 =	simm.s32 $0x10;
	s15 =	sld [smem:$0x3FC8]  }
0x92: {  	[smem:s5], [sflag:s4] =	dma.local [hbm:s2], $0x1  }
0x93: {  	_ =	swait.eq [sflag:s4], $0x1  }
0x94: {  	[sflag:s4] =	ssyncset.done $0x0  }
0x95: {  	s16 =	sld [smem:$0x10];
	[sflag:s4] =	ssyncadd.s32 $0xFFFFFFFF  }
0x96: {  	s17 =	sld [smem:$0x11];
	(tm) =	ssettm $0x1  }
0x97: {  	s18 =	sld [smem:$0x3FFB];
	_ =	sdelay $0x3  }
0x98: {  	_ =	strace s18  }
0x99: {  	s5 =	sld [smem:$0x3FFC];
	_ =	sdelay $0x3  }
0x9a: {  	_ =	strace s5  }
0x9b: {  	s5 =	sld [smem:$0x3FFD];
	_ =	sdelay $0x3  }
0x9c: {  	_ =	strace s5  }
0x9d: {  	_ =	strace $0x8FFFFFFF  }
0x9e: {  	s19 =	sld [smem:$0x3FDB];
	_ =	sdelay $0x1  }
0x9f: {  	s6 =	simm.s32 $_scs_section_size  }
0xa0: {  	s7 =	simm.s32 $_size__tile_overlayer_lowered;
	s8 =	simm.s32 $_tile_overlayer_lowered  }
0xa1: {  	s22 =	simm.s32 $0x1BFF;
	s21 =	sshll.u32 s8, $0x1;
	s5 =	sadd.s32 s6, s19  }
0xa2: {  	s9 =	simm.s32 $0x0;
	s20 =	sshll.u32 s7, $0x1;
	s7 =	sadd.s32 s21, s5  }
0xa3: {  	[timem:s9], [sflag:s22] =	dma.local [hbm:s7], s20  }
0xa4: {  	_ =	swait.ge [sflag:s22], s20  }
0xa5: {  	s6 =	ssub.s32 $0x0, s20;
	[sflag:s22] =	ssyncset.done $0x0  }
0xa6: {  	[sflag:s22] =	ssyncadd.s32 s6;
	_ =	sdelay $0x1  }
0xa7: {  	s23 =	simm.s32 $0x1B8B  }
0xa8: {  	_ =	swait.ge [sflag:s23], $0x1  }
0xa9: {  	[sflag:s23] =	ssyncset.done $0x0  }
0xaa: {  	s25 =	simm.s32 $0x1B8E;
	s24 =	sld [smem:$0x3FFE];
	[sflag:s23] =	ssyncadd.s32 $0xFFFFFFFF  }
0xab: {  	s26 =	simm.s32 $execute0_lowered;
	[smem:$0x3FD2] =	sst s25  }
0xac: {  	s7 =	sshll.u32 s26, $0x1;
	_ =	strace $0x80000046;
	[dreg:$0x1] =	wrdreg $0xFFFFFFFF  }
0xad: {  	s28 =	simm.s32 $_size_execute0_lowered;
	s5 =	sadd.s32 s5, s7;
	[dreg:$0x0] =	wrdreg $0x0  }
0xae: {  	s7 =	sshll.u32 s28, $0x1;
	[dreg:$0x2] =	wrdreg s5  }
0xaf: {  	[dreg:$0x3] =	wrdreg s7  }
0xb0: {  	[dreg:$0x4] =	wrdreg $0xC0  }
0xb1: {  	_ =	task [dreg:s9], $0x5FFFF  }
0xb2: {  	[dreg:$0x1] =	wrdreg $0xFFFFFFFF  }
0xb3: {  	[dreg:$0x0] =	wrdreg $0x60  }
0xb4: {  	[dreg:$0x2] =	wrdreg s17  }
0xb5: {  	[dreg:$0x3] =	wrdreg s15  }
0xb6: {  	[dreg:$0x4] =	wrdreg s16  }
0xb7: {  	[dreg:$0x5] =	wrdreg s24  }
0xb8: {  	[dreg:$0x6] =	wrdreg $0x9  }
0xb9: {  	_ =	task.clear_ibuf [dreg:s9], $0x7FFFF;
	_ =	strace $0x90000046  }
0xba: {  	s29 =	simm.s32 $0x9;
	_ =	strace $0x80000048  }
0xbb: {  	_ =	swait.ge [sflag:s29], $0x1  }
0xbc: {  	[sflag:s29] =	ssyncadd.s32 $0xFFFFFFFF  }
0xbd: {  	_ =	strace $0x90000048  }
0xbe: {  	_ =	sfence  }
0xbf: {  	s30 =	sld [smem:$0x0];
	_ =	sdelay $0x2  }
0xc0: {  	s31 =	sshll.u32 s1, $0xD;
	s1 =	sshrl.u32 s1, $0x2  }
0xc1: {  	s3 =	sand.u32 $0x4000, s31;
	s1 =	sadd.s32 s1, s30  }
0xc2: {  	s0 =	sor.u32 s3, s0;
	s1 =	sshll.u32 s1, $0x11  }
0xc3: {  	s0 =	sor.u32 s1, s0  }
0xc4: {  	s0 =	sadd.s32 $0x8F2B, s0  }
0xc5: {  	[sflag:s0] =	ssyncadd.remote.s32 $0x1  }
0xc6: {  	_ =	sfence.sel $0xFFFF  }
0xc7: {  	[dreg:$0x0] =	wrdreg $0xFFFFFFFF;
	(pc) =	sbr.abs _section_cstart, $3  }
0xc8: {  	[dreg:$0x1] =	wrdreg $0xFFFFFFFF  }
0xc9: {  	_ =	task.clear_ibuf [dreg:s9], $0x2FFFF;
	_ =	strace $0x9FFFFFFF  }
0xca: {  	(tm) =	ssettm $0x7FFFFFFF  }
0xcb: {  	_ =	shalt  }
tec
execute0_lowered:
.L_overlay_start_1:
0x0: {  	(tag) =	ssettag $0x1  }
0x1: {  	s1 =	rddreg [dreg:$0x0]  }
0x2: {  	s0 =	rddreg [dreg:$0x1]  }
0x3: {  	s2 =	rddreg [dreg:$0x2]  }
0x4: {  	s3 =	rddreg [dreg:$0x3];
	s4 =	simm.s32 $0x0  }
0x5: {  	s5 =	srdreg.scid;
	s7 =	stileid.u32;
	s10 =	simm.s32 $0x5  }
0x6: {  	s11 =	simm.s32 $0x80;
	s12 =	simm.s32 $0x2000;
	s13 =	simm.s32 $0x6000  }
0x7: {  	s14 =	simm.s32 $0x1000;
	s15 =	simm.s32 $0xA000;
	s16 =	simm.s32 $0xE000  }
0x8: {  	s17 =	simm.s32 $0x1;
	s18 =	simm.s32 $0x16000;
	s19 =	simm.s32 $0x12000  }
0x9: {  	s20 =	simm.s32 $0x2;
	s21 =	simm.s32 $0x16800;
	s22 =	simm.s32 $0x14000  }
0xa: {  	s23 =	simm.s32 $0x0;
	[smem:$0x7FF] =	sst s4;
	s6 =	sand.u32 $0x1, s5  }
.Ltmp0:
0xb: {  	s7 =	sshll.u32 s7, $0x1;
	s8 =	ssub.s32 $0x2, s6;
	(pc) =	sbr.rel .LBB2_1-.Ltmp0, $4  }
0xc: {  	s5 =	sadd.s32 $0x800, s3;
	_ =	strace $0x80000047;
	s30 =	sshrl.u32 s8, $0x1  }
0xd: {  	s6 =	sor.u32 s6, s7;
	s7 =	simm.s32 $0x62;
	s3 =	ssub.s32 s8, s30  }
0xe: {  	v0 =	vlaneseq.u32;
	p0 =	slt.u32 s6, $0x15;
	s9 =	sshll.u32 s6, $0x9;
	s31 =	smax.u32 s3, $0x1  }
0xf: {  	v0 =	vmul.u32 $0x8, v0;
	s7 =	simm.s32 @!p0 $0x61;
	s8 =	sadd.s32 s0, s9;
	[dreg:$0x5] =	wrdreg s31  }
.LBB2_15:
0x10: {  	s0 =	simm.s32 $0x3  }
0x11: {  	_ =	swait.ge [sflag:s0], $0x800  }
0x12: {  	[sflag:s0] =	ssyncset.done $0x0  }
0x13: {  	[sflag:s0] =	ssyncadd.s32 $0xFFFFF800  }
0x14: {  	_ =	swait.ge [sflag:s0], $0x2000  }
0x15: {  	[sflag:s0] =	ssyncset.done $0x0  }
0x16: {  	s3 =	simm.s32 $0x4;
	[sflag:s0] =	ssyncadd.s32 $0xFFFFE000  }
0x17: {  	_ =	swait.ge [sflag:s3], $0x800  }
0x18: {  	[sflag:s3] =	ssyncset.done $0x0  }
0x19: {  	[sflag:s3] =	ssyncadd.s32 $0xFFFFF800  }
0x1a: {  	_ =	swait.ge [sflag:s3], $0x2000  }
0x1b: {  	s23 =	sadd.s32 $0x1, s23;
	s31 =	rddreg [dreg:$0x5]  }
0x1c: {  	p0 =	sne.s32 s23, s31  }
.Ltmp1:
0x1d: {  	_ = 	snop;
	(pc) =	sbr.rel @!p0 .LBB2_16-.Ltmp1, $3  }
0x1e: {  	_ =	sdelay $0x1  }
0x1f: {  	[sflag:s3] =	ssyncset.done $0x0  }
0x20: {  	[sflag:s3] =	ssyncadd.s32 $0xFFFFE000  }
.LBB2_1:
0x21: {  	[tilespmem:s4], [sflag:$0x5] =	stream.linear.gather [hbm4b:s8+s4], $0x1000, $0x38;
	[tilespmem:$0x17000] =	vst v63  }
0x22: {  	_ =	swait.ge [sflag:s10], $0x1000  }
0x23: {  	[sflag:s10] =	ssyncset.done $0x0  }
0x24: {  	[sflag:s10] =	ssyncadd.s32 $0xFFFFF000  }
0x25: {  	[tilespmem:s12], [sflag:$0x1] =	stream.indirect.gather [hbm4b:s1+s11], $0x8, s4, s11, $0xb8;
	[tilespmem:$0x17000] =	vst v63  }
0x26: {  	_ = 	snop  }
0x27: {  	[tilespmem:s13], [sflag:$0x1] =	stream.indirect.gather [hbm4b:s1+s11], $0x8, s11, s11, $0xb8;
	[tilespmem:$0x17000] =	vst v63  }
0x28: {  	s0 =	simm.s32 $0x100;
	s3 =	simm.s32 $0x2400  }
0x29: {  	[tilespmem:s3], [sflag:$0x1] =	stream.indirect.gather [hbm4b:s1+s11], $0x8, s0, s11, $0xb8;
	[tilespmem:$0x17000] =	vst v63  }
0x2a: {  	s30 =	simm.s32 $0x180;
	s31 =	simm.s32 $0x6400  }
0x2b: {  	[tilespmem:s31], [sflag:$0x1] =	stream.indirect.gather [hbm4b:s1+s11], $0x8, s30, s11, $0xb8;
	[tilespmem:$0x17000] =	vst v63  }
0x2c: {  	s9 =	simm.s32 $0x200;
	s24 =	simm.s32 $0x2800  }
0x2d: {  	[tilespmem:s24], [sflag:$0x1] =	stream.indirect.gather [hbm4b:s1+s11], $0x8, s9, s11, $0xb8;
	[tilespmem:$0x17000] =	vst v63  }
0x2e: {  	s25 =	simm.s32 $0x280;
	s26 =	simm.s32 $0x6800  }
0x2f: {  	[tilespmem:s26], [sflag:$0x1] =	stream.indirect.gather [hbm4b:s1+s11], $0x8, s25, s11, $0xb8;
	[tilespmem:$0x17000] =	vst v63  }
0x30: {  	s28 =	simm.s32 $0x300;
	s29 =	simm.s32 $0x2C00  }
0x31: {  	[tilespmem:s29], [sflag:$0x1] =	stream.indirect.gather [hbm4b:s1+s11], $0x8, s28, s11, $0xb8;
	[tilespmem:$0x17000] =	vst v63  }
0x32: {  	s30 =	simm.s32 $0x380;
	s31 =	simm.s32 $0x6C00  }
0x33: {  	[tilespmem:s31], [sflag:$0x1] =	stream.indirect.gather [hbm4b:s1+s11], $0x8, s30, s11, $0xb8;
	[tilespmem:$0x17000] =	vst v63  }
0x34: {  	s9 =	simm.s32 $0x400;
	s24 =	simm.s32 $0x3000  }
0x35: {  	[tilespmem:s24], [sflag:$0x1] =	stream.indirect.gather [hbm4b:s1+s11], $0x8, s9, s11, $0xb8;
	[tilespmem:$0x17000] =	vst v63  }
0x36: {  	s25 =	simm.s32 $0x480;
	s26 =	simm.s32 $0x7000  }
0x37: {  	[tilespmem:s26], [sflag:$0x1] =	stream.indirect.gather [hbm4b:s1+s11], $0x8, s25, s11, $0xb8;
	[tilespmem:$0x17000] =	vst v63  }
0x38: {  	s28 =	simm.s32 $0x500;
	s29 =	simm.s32 $0x3400  }
0x39: {  	[tilespmem:s29], [sflag:$0x1] =	stream.indirect.gather [hbm4b:s1+s11], $0x8, s28, s11, $0xb8;
	[tilespmem:$0x17000] =	vst v63  }
0x3a: {  	s30 =	simm.s32 $0x580;
	s31 =	simm.s32 $0x7400  }
0x3b: {  	[tilespmem:s31], [sflag:$0x1] =	stream.indirect.gather [hbm4b:s1+s11], $0x8, s30, s11, $0xb8;
	[tilespmem:$0x17000] =	vst v63  }
0x3c: {  	s9 =	simm.s32 $0x600;
	s24 =	simm.s32 $0x3800  }
0x3d: {  	[tilespmem:s24], [sflag:$0x1] =	stream.indirect.gather [hbm4b:s1+s11], $0x8, s9, s11, $0xb8;
	[tilespmem:$0x17000] =	vst v63  }
0x3e: {  	s25 =	simm.s32 $0x680;
	s26 =	simm.s32 $0x7800  }
0x3f: {  	[tilespmem:s26], [sflag:$0x1] =	stream.indirect.gather [hbm4b:s1+s11], $0x8, s25, s11, $0xb8;
	[tilespmem:$0x17000] =	vst v63  }
0x40: {  	s28 =	simm.s32 $0x700;
	s29 =	simm.s32 $0x3C00  }
0x41: {  	[tilespmem:s29], [sflag:$0x1] =	stream.indirect.gather [hbm4b:s1+s11], $0x8, s28, s11, $0xb8;
	[tilespmem:$0x17000] =	vst v63  }
0x42: {  	s30 =	simm.s32 $0x780;
	s31 =	simm.s32 $0x7C00  }
0x43: {  	[tilespmem:s31], [sflag:$0x1] =	stream.indirect.gather [hbm4b:s1+s11], $0x8, s30, s11, $0xb8;
	[tilespmem:$0x17000] =	vst v63  }
0x44: {  	s9 =	simm.s32 $0x800;
	s24 =	simm.s32 $0x4000  }
0x45: {  	[tilespmem:s24], [sflag:$0x1] =	stream.indirect.gather [hbm4b:s1+s11], $0x8, s9, s11, $0xb8;
	[tilespmem:$0x17000] =	vst v63  }
0x46: {  	s25 =	simm.s32 $0x880;
	s26 =	simm.s32 $0x8000  }
0x47: {  	[tilespmem:s26], [sflag:$0x1] =	stream.indirect.gather [hbm4b:s1+s11], $0x8, s25, s11, $0xb8;
	[tilespmem:$0x17000] =	vst v63  }
0x48: {  	s28 =	simm.s32 $0x900;
	s29 =	simm.s32 $0x4400  }
0x49: {  	[tilespmem:s29], [sflag:$0x1] =	stream.indirect.gather [hbm4b:s1+s11], $0x8, s28, s11, $0xb8;
	[tilespmem:$0x17000] =	vst v63  }
0x4a: {  	s30 =	simm.s32 $0x980;
	s31 =	simm.s32 $0x8400  }
0x4b: {  	[tilespmem:s31], [sflag:$0x1] =	stream.indirect.gather [hbm4b:s1+s11], $0x8, s30, s11, $0xb8;
	[tilespmem:$0x17000] =	vst v63  }
0x4c: {  	s9 =	simm.s32 $0xA00;
	s24 =	simm.s32 $0x4800  }
0x4d: {  	[tilespmem:s24], [sflag:$0x1] =	stream.indirect.gather [hbm4b:s1+s11], $0x8, s9, s11, $0xb8;
	[tilespmem:$0x17000] =	vst v63  }
0x4e: {  	s25 =	simm.s32 $0xA80;
	s26 =	simm.s32 $0x8800  }
0x4f: {  	[tilespmem:s26], [sflag:$0x1] =	stream.indirect.gather [hbm4b:s1+s11], $0x8, s25, s11, $0xb8;
	[tilespmem:$0x17000] =	vst v63  }
0x50: {  	s28 =	simm.s32 $0xB00;
	s29 =	simm.s32 $0x4C00  }
0x51: {  	[tilespmem:s29], [sflag:$0x1] =	stream.indirect.gather [hbm4b:s1+s11], $0x8, s28, s11, $0xb8;
	[tilespmem:$0x17000] =	vst v63  }
0x52: {  	s30 =	simm.s32 $0xB80;
	s31 =	simm.s32 $0x8C00  }
0x53: {  	[tilespmem:s31], [sflag:$0x1] =	stream.indirect.gather [hbm4b:s1+s11], $0x8, s30, s11, $0xb8;
	[tilespmem:$0x17000] =	vst v63  }
0x54: {  	s9 =	simm.s32 $0xC00;
	s24 =	simm.s32 $0x5000  }
0x55: {  	[tilespmem:s24], [sflag:$0x1] =	stream.indirect.gather [hbm4b:s1+s11], $0x8, s9, s11, $0xb8;
	[tilespmem:$0x17000] =	vst v63  }
0x56: {  	s25 =	simm.s32 $0xC80;
	s26 =	simm.s32 $0x9000  }
0x57: {  	[tilespmem:s26], [sflag:$0x1] =	stream.indirect.gather [hbm4b:s1+s11], $0x8, s25, s11, $0xb8;
	[tilespmem:$0x17000] =	vst v63  }
0x58: {  	s28 =	simm.s32 $0xD00;
	s29 =	simm.s32 $0x5400  }
0x59: {  	[tilespmem:s29], [sflag:$0x1] =	stream.indirect.gather [hbm4b:s1+s11], $0x8, s28, s11, $0xb8;
	[tilespmem:$0x17000] =	vst v63  }
0x5a: {  	s30 =	simm.s32 $0xD80;
	s31 =	simm.s32 $0x9400  }
0x5b: {  	[tilespmem:s31], [sflag:$0x1] =	stream.indirect.gather [hbm4b:s1+s11], $0x8, s30, s11, $0xb8;
	[tilespmem:$0x17000] =	vst v63  }
0x5c: {  	s9 =	simm.s32 $0xE00;
	s24 =	simm.s32 $0x5800  }
0x5d: {  	[tilespmem:s24], [sflag:$0x1] =	stream.indirect.gather [hbm4b:s1+s11], $0x8, s9, s11, $0xb8;
	[tilespmem:$0x17000] =	vst v63  }
0x5e: {  	s25 =	simm.s32 $0xE80;
	s26 =	simm.s32 $0x9800  }
0x5f: {  	[tilespmem:s26], [sflag:$0x1] =	stream.indirect.gather [hbm4b:s1+s11], $0x8, s25, s11, $0xb8;
	[tilespmem:$0x17000] =	vst v63  }
.Ltmp2:
0x60: {  	_ = 	snop;
	(pc) =	sbr.rel .LBB2_2-.Ltmp2, $4  }
0x61: {  	s28 =	simm.s32 $0xF00;
	s29 =	simm.s32 $0x5C00  }
0x62: {  	[tilespmem:s29], [sflag:$0x1] =	stream.indirect.gather [hbm4b:s1+s11], $0x8, s28, s11, $0xb8;
	[tilespmem:$0x17000] =	vst v63  }
0x63: {  	s30 =	simm.s32 $0xF80;
	s31 =	simm.s32 $0x9C00;
	s24 =	simm.s32 $0x0  }
0x64: {  	[tilespmem:s31], [sflag:$0x1] =	stream.indirect.gather [hbm4b:s1+s11], $0x8, s30, s11, $0xb8;
	[tilespmem:$0x17000] =	vst v63  }
.LBB2_14:
0x65: {  	s24 =	sadd.s32 $0x1, s24  }
0x66: {  	p0 =	sne.s32 s24, $0x31  }
.Ltmp3:
0x67: {  	_ = 	snop;
	(pc) =	sbr.rel @!p0 .LBB2_15-.Ltmp3, $1  }
0x68: {  	_ =	sdelay $0x3  }
.LBB2_2:
0x69: {  	s26 =	sshll.u32 s24, $0x1  }
0x6a: {  	p1 =	sge.u32 s26, s7  }
.Ltmp4:
0x6b: {  	_ = 	snop;
	(pc) =	sbr.rel @p1 .LBB2_8-.Ltmp4, $3  }
0x6c: {  	_ =	sdelay $0x1  }
0x6d: {  	s25 =	sshllo.u32 s24, $0x1  }
0x6e: {  	p0 =	sge.u32 s25, s7  }
.Ltmp5:
0x6f: {  	(pc) =	sbr.rel @p0 .LBB2_5-.Ltmp5, $1  }
0x70: {  	_ =	sdelay $0x3  }
0x71: {  	s0 =	sshll.u32 s25, $0xE  }
0x72: {  	s0 =	sadd.s32 s0, s8  }
0x73: {  	[tilespmem:s14], [sflag:$0x5] =	stream.linear.gather [hbm4b:s0+s4], $0x1000, $0x38;
	[tilespmem:$0x17000] =	vst v63  }
0x74: {  	_ =	swait.ge [sflag:s10], $0x1000  }
0x75: {  	[sflag:s10] =	ssyncset.done $0x0  }
0x76: {  	[sflag:s10] =	ssyncadd.s32 $0xFFFFF000  }
0x77: {  	[tilespmem:s15], [sflag:$0x2] =	stream.indirect.gather [hbm4b:s1+s11], $0x8, s14, s11, $0xb8;
	[tilespmem:$0x17000] =	vst v63  }
0x78: {  	s3 =	simm.s32 $0x1080  }
0x79: {  	[tilespmem:s16], [sflag:$0x2] =	stream.indirect.gather [hbm4b:s1+s11], $0x8, s3, s11, $0xb8;
	[tilespmem:$0x17000] =	vst v63  }
0x7a: {  	s9 =	simm.s32 $0x1100;
	s3 =	simm.s32 $0xA400  }
0x7b: {  	[tilespmem:s3], [sflag:$0x2] =	stream.indirect.gather [hbm4b:s1+s11], $0x8, s9, s11, $0xb8;
	[tilespmem:$0x17000] =	vst v63  }
0x7c: {  	s28 =	simm.s32 $0x1180;
	s29 =	simm.s32 $0xE400  }
0x7d: {  	[tilespmem:s29], [sflag:$0x2] =	stream.indirect.gather [hbm4b:s1+s11], $0x8, s28, s11, $0xb8;
	[tilespmem:$0x17000] =	vst v63  }
0x7e: {  	s30 =	simm.s32 $0x1200;
	s31 =	simm.s32 $0xA800  }
0x7f: {  	[tilespmem:s31], [sflag:$0x2] =	stream.indirect.gather [hbm4b:s1+s11], $0x8, s30, s11, $0xb8;
	[tilespmem:$0x17000] =	vst v63  }
0x80: {  	s3 =	simm.s32 $0x1280;
	s9 =	simm.s32 $0xE800  }
0x81: {  	[tilespmem:s9], [sflag:$0x2] =	stream.indirect.gather [hbm4b:s1+s11], $0x8, s3, s11, $0xb8;
	[tilespmem:$0x17000] =	vst v63  }
0x82: {  	s28 =	simm.s32 $0x1300;
	s29 =	simm.s32 $0xAC00  }
0x83: {  	[tilespmem:s29], [sflag:$0x2] =	stream.indirect.gather [hbm4b:s1+s11], $0x8, s28, s11, $0xb8;
	[tilespmem:$0x17000] =	vst v63  }
0x84: {  	s30 =	simm.s32 $0x1380;
	s31 =	simm.s32 $0xEC00  }
0x85: {  	[tilespmem:s31], [sflag:$0x2] =	stream.indirect.gather [hbm4b:s1+s11], $0x8, s30, s11, $0xb8;
	[tilespmem:$0x17000] =	vst v63  }
0x86: {  	s3 =	simm.s32 $0x1400;
	s9 =	simm.s32 $0xB000  }
0x87: {  	[tilespmem:s9], [sflag:$0x2] =	stream.indirect.gather [hbm4b:s1+s11], $0x8, s3, s11, $0xb8;
	[tilespmem:$0x17000] =	vst v63  }
0x88: {  	s28 =	simm.s32 $0x1480;
	s29 =	simm.s32 $0xF000  }
0x89: {  	[tilespmem:s29], [sflag:$0x2] =	stream.indirect.gather [hbm4b:s1+s11], $0x8, s28, s11, $0xb8;
	[tilespmem:$0x17000] =	vst v63  }
0x8a: {  	s30 =	simm.s32 $0x1500;
	s31 =	simm.s32 $0xB400  }
0x8b: {  	[tilespmem:s31], [sflag:$0x2] =	stream.indirect.gather [hbm4b:s1+s11], $0x8, s30, s11, $0xb8;
	[tilespmem:$0x17000] =	vst v63  }
0x8c: {  	s3 =	simm.s32 $0x1580;
	s9 =	simm.s32 $0xF400  }
0x8d: {  	[tilespmem:s9], [sflag:$0x2] =	stream.indirect.gather [hbm4b:s1+s11], $0x8, s3, s11, $0xb8;
	[tilespmem:$0x17000] =	vst v63  }
0x8e: {  	s28 =	simm.s32 $0x1600;
	s29 =	simm.s32 $0xB800  }
0x8f: {  	[tilespmem:s29], [sflag:$0x2] =	stream.indirect.gather [hbm4b:s1+s11], $0x8, s28, s11, $0xb8;
	[tilespmem:$0x17000] =	vst v63  }
0x90: {  	s30 =	simm.s32 $0x1680;
	s31 =	simm.s32 $0xF800  }
0x91: {  	[tilespmem:s31], [sflag:$0x2] =	stream.indirect.gather [hbm4b:s1+s11], $0x8, s30, s11, $0xb8;
	[tilespmem:$0x17000] =	vst v63  }
0x92: {  	s3 =	simm.s32 $0x1700;
	s9 =	simm.s32 $0xBC00  }
0x93: {  	[tilespmem:s9], [sflag:$0x2] =	stream.indirect.gather [hbm4b:s1+s11], $0x8, s3, s11, $0xb8;
	[tilespmem:$0x17000] =	vst v63  }
0x94: {  	s28 =	simm.s32 $0x1780;
	s29 =	simm.s32 $0xFC00  }
0x95: {  	[tilespmem:s29], [sflag:$0x2] =	stream.indirect.gather [hbm4b:s1+s11], $0x8, s28, s11, $0xb8;
	[tilespmem:$0x17000] =	vst v63  }
0x96: {  	s30 =	simm.s32 $0x1800;
	s31 =	simm.s32 $0xC000  }
0x97: {  	[tilespmem:s31], [sflag:$0x2] =	stream.indirect.gather [hbm4b:s1+s11], $0x8, s30, s11, $0xb8;
	[tilespmem:$0x17000] =	vst v63  }
0x98: {  	s3 =	simm.s32 $0x1880;
	s9 =	simm.s32 $0x10000  }
0x99: {  	[tilespmem:s9], [sflag:$0x2] =	stream.indirect.gather [hbm4b:s1+s11], $0x8, s3, s11, $0xb8;
	[tilespmem:$0x17000] =	vst v63  }
0x9a: {  	s28 =	simm.s32 $0x1900;
	s29 =	simm.s32 $0xC400  }
0x9b: {  	[tilespmem:s29], [sflag:$0x2] =	stream.indirect.gather [hbm4b:s1+s11], $0x8, s28, s11, $0xb8;
	[tilespmem:$0x17000] =	vst v63  }
0x9c: {  	s30 =	simm.s32 $0x1980;
	s31 =	simm.s32 $0x10400  }
0x9d: {  	[tilespmem:s31], [sflag:$0x2] =	stream.indirect.gather [hbm4b:s1+s11], $0x8, s30, s11, $0xb8;
	[tilespmem:$0x17000] =	vst v63  }
0x9e: {  	s3 =	simm.s32 $0x1A00;
	s9 =	simm.s32 $0xC800  }
0x9f: {  	[tilespmem:s9], [sflag:$0x2] =	stream.indirect.gather [hbm4b:s1+s11], $0x8, s3, s11, $0xb8;
	[tilespmem:$0x17000] =	vst v63  }
0xa0: {  	s28 =	simm.s32 $0x1A80;
	s29 =	simm.s32 $0x10800  }
0xa1: {  	[tilespmem:s29], [sflag:$0x2] =	stream.indirect.gather [hbm4b:s1+s11], $0x8, s28, s11, $0xb8;
	[tilespmem:$0x17000] =	vst v63  }
0xa2: {  	s30 =	simm.s32 $0x1B00;
	s31 =	simm.s32 $0xCC00  }
0xa3: {  	[tilespmem:s31], [sflag:$0x2] =	stream.indirect.gather [hbm4b:s1+s11], $0x8, s30, s11, $0xb8;
	[tilespmem:$0x17000] =	vst v63  }
0xa4: {  	s3 =	simm.s32 $0x1B80;
	s9 =	simm.s32 $0x10C00  }
0xa5: {  	[tilespmem:s9], [sflag:$0x2] =	stream.indirect.gather [hbm4b:s1+s11], $0x8, s3, s11, $0xb8;
	[tilespmem:$0x17000] =	vst v63  }
0xa6: {  	s28 =	simm.s32 $0x1C00;
	s29 =	simm.s32 $0xD000  }
0xa7: {  	[tilespmem:s29], [sflag:$0x2] =	stream.indirect.gather [hbm4b:s1+s11], $0x8, s28, s11, $0xb8;
	[tilespmem:$0x17000] =	vst v63  }
0xa8: {  	s30 =	simm.s32 $0x1C80;
	s31 =	simm.s32 $0x11000  }
0xa9: {  	[tilespmem:s31], [sflag:$0x2] =	stream.indirect.gather [hbm4b:s1+s11], $0x8, s30, s11, $0xb8;
	[tilespmem:$0x17000] =	vst v63  }
0xaa: {  	s3 =	simm.s32 $0x1D00;
	s9 =	simm.s32 $0xD400  }
0xab: {  	[tilespmem:s9], [sflag:$0x2] =	stream.indirect.gather [hbm4b:s1+s11], $0x8, s3, s11, $0xb8;
	[tilespmem:$0x17000] =	vst v63  }
0xac: {  	s28 =	simm.s32 $0x1D80;
	s29 =	simm.s32 $0x11400  }
0xad: {  	[tilespmem:s29], [sflag:$0x2] =	stream.indirect.gather [hbm4b:s1+s11], $0x8, s28, s11, $0xb8;
	[tilespmem:$0x17000] =	vst v63  }
0xae: {  	s30 =	simm.s32 $0x1E00;
	s31 =	simm.s32 $0xD800  }
0xaf: {  	[tilespmem:s31], [sflag:$0x2] =	stream.indirect.gather [hbm4b:s1+s11], $0x8, s30, s11, $0xb8;
	[tilespmem:$0x17000] =	vst v63  }
0xb0: {  	s3 =	simm.s32 $0x1E80;
	s9 =	simm.s32 $0x11800  }
0xb1: {  	[tilespmem:s9], [sflag:$0x2] =	stream.indirect.gather [hbm4b:s1+s11], $0x8, s3, s11, $0xb8;
	[tilespmem:$0x17000] =	vst v63  }
0xb2: {  	s28 =	simm.s32 $0x1F00;
	s29 =	simm.s32 $0xDC00  }
0xb3: {  	[tilespmem:s29], [sflag:$0x2] =	stream.indirect.gather [hbm4b:s1+s11], $0x8, s28, s11, $0xb8;
	[tilespmem:$0x17000] =	vst v63  }
0xb4: {  	s30 =	simm.s32 $0x1F80;
	s31 =	simm.s32 $0x11C00  }
0xb5: {  	[tilespmem:s31], [sflag:$0x2] =	stream.indirect.gather [hbm4b:s1+s11], $0x8, s30, s11, $0xb8;
	[tilespmem:$0x17000] =	vst v63  }
.LBB2_5:
0xb6: {  	_ =	swait.ge [sflag:s17], $0x400  }
0xb7: {  	[sflag:s17] =	ssyncset.done $0x0  }
0xb8: {  	[sflag:s17] =	ssyncadd.s32 $0xFFFFFC00  }
0xb9: {  	_ =	swait.ge [sflag:s17], $0x400  }
0xba: {  	[sflag:s17] =	ssyncset.done $0x0  }
0xbb: {  	[sflag:s17] =	ssyncadd.s32 $0xFFFFFC00  }
0xbc: {  	_ =	swait.ge [sflag:s17], $0x400  }
0xbd: {  	[sflag:s17] =	ssyncset.done $0x0  }
0xbe: {  	[sflag:s17] =	ssyncadd.s32 $0xFFFFFC00  }
0xbf: {  	_ =	swait.ge [sflag:s17], $0x400  }
0xc0: {  	[sflag:s17] =	ssyncset.done $0x0  }
0xc1: {  	[sflag:s17] =	ssyncadd.s32 $0xFFFFFC00  }
0xc2: {  	_ =	swait.ge [sflag:s17], $0x400  }
0xc3: {  	[sflag:s17] =	ssyncset.done $0x0  }
0xc4: {  	[sflag:s17] =	ssyncadd.s32 $0xFFFFFC00  }
0xc5: {  	_ =	swait.ge [sflag:s17], $0x400  }
0xc6: {  	[sflag:s17] =	ssyncset.done $0x0  }
0xc7: {  	[sflag:s17] =	ssyncadd.s32 $0xFFFFFC00  }
0xc8: {  	_ =	swait.ge [sflag:s17], $0x400  }
0xc9: {  	[sflag:s17] =	ssyncset.done $0x0  }
0xca: {  	[sflag:s17] =	ssyncadd.s32 $0xFFFFFC00  }
0xcb: {  	_ =	swait.ge [sflag:s17], $0x400  }
0xcc: {  	[sflag:s17] =	ssyncset.done $0x0  }
0xcd: {  	[sflag:s17] =	ssyncadd.s32 $0xFFFFFC00  }
0xce: {  	_ =	swait.ge [sflag:s17], $0x400  }
0xcf: {  	[sflag:s17] =	ssyncset.done $0x0  }
0xd0: {  	[sflag:s17] =	ssyncadd.s32 $0xFFFFFC00  }
0xd1: {  	_ =	swait.ge [sflag:s17], $0x400  }
0xd2: {  	[sflag:s17] =	ssyncset.done $0x0  }
0xd3: {  	[sflag:s17] =	ssyncadd.s32 $0xFFFFFC00  }
0xd4: {  	_ =	swait.ge [sflag:s17], $0x400  }
0xd5: {  	[sflag:s17] =	ssyncset.done $0x0  }
0xd6: {  	[sflag:s17] =	ssyncadd.s32 $0xFFFFFC00  }
0xd7: {  	_ =	swait.ge [sflag:s17], $0x400  }
0xd8: {  	[sflag:s17] =	ssyncset.done $0x0  }
0xd9: {  	[sflag:s17] =	ssyncadd.s32 $0xFFFFFC00  }
0xda: {  	_ =	swait.ge [sflag:s17], $0x400  }
0xdb: {  	[sflag:s17] =	ssyncset.done $0x0  }
0xdc: {  	[sflag:s17] =	ssyncadd.s32 $0xFFFFFC00  }
0xdd: {  	_ =	swait.ge [sflag:s17], $0x400  }
0xde: {  	[sflag:s17] =	ssyncset.done $0x0  }
0xdf: {  	[sflag:s17] =	ssyncadd.s32 $0xFFFFFC00  }
0xe0: {  	_ =	swait.ge [sflag:s17], $0x400  }
0xe1: {  	[sflag:s17] =	ssyncset.done $0x0  }
0xe2: {  	[sflag:s17] =	ssyncadd.s32 $0xFFFFFC00  }
0xe3: {  	_ =	swait.ge [sflag:s17], $0x400  }
0xe4: {  	[sflag:s17] =	ssyncset.done $0x0  }
0xe5: {  	[sflag:s17] =	ssyncadd.s32 $0xFFFFFC00  }
0xe6: {  	_ =	swait.ge [sflag:s17], $0x400  }
0xe7: {  	[sflag:s17] =	ssyncset.done $0x0  }
0xe8: {  	[sflag:s17] =	ssyncadd.s32 $0xFFFFFC00  }
0xe9: {  	_ =	swait.ge [sflag:s17], $0x400  }
0xea: {  	[sflag:s17] =	ssyncset.done $0x0  }
0xeb: {  	[sflag:s17] =	ssyncadd.s32 $0xFFFFFC00  }
0xec: {  	_ =	swait.ge [sflag:s17], $0x400  }
0xed: {  	[sflag:s17] =	ssyncset.done $0x0  }
0xee: {  	[sflag:s17] =	ssyncadd.s32 $0xFFFFFC00  }
0xef: {  	_ =	swait.ge [sflag:s17], $0x400  }
0xf0: {  	[sflag:s17] =	ssyncset.done $0x0  }
0xf1: {  	[sflag:s17] =	ssyncadd.s32 $0xFFFFFC00  }
0xf2: {  	_ =	swait.ge [sflag:s17], $0x400  }
0xf3: {  	[sflag:s17] =	ssyncset.done $0x0  }
0xf4: {  	[sflag:s17] =	ssyncadd.s32 $0xFFFFFC00  }
0xf5: {  	_ =	swait.ge [sflag:s17], $0x400  }
0xf6: {  	[sflag:s17] =	ssyncset.done $0x0  }
0xf7: {  	[sflag:s17] =	ssyncadd.s32 $0xFFFFFC00  }
0xf8: {  	_ =	swait.ge [sflag:s17], $0x400  }
0xf9: {  	[sflag:s17] =	ssyncset.done $0x0  }
0xfa: {  	[sflag:s17] =	ssyncadd.s32 $0xFFFFFC00  }
0xfb: {  	_ =	swait.ge [sflag:s17], $0x400  }
0xfc: {  	[sflag:s17] =	ssyncset.done $0x0  }
0xfd: {  	[sflag:s17] =	ssyncadd.s32 $0xFFFFFC00  }
0xfe: {  	_ =	swait.ge [sflag:s17], $0x400  }
0xff: {  	[sflag:s17] =	ssyncset.done $0x0  }
0x100: {  	[sflag:s17] =	ssyncadd.s32 $0xFFFFFC00  }
0x101: {  	_ =	swait.ge [sflag:s17], $0x400  }
0x102: {  	[sflag:s17] =	ssyncset.done $0x0  }
0x103: {  	[sflag:s17] =	ssyncadd.s32 $0xFFFFFC00  }
0x104: {  	_ =	swait.ge [sflag:s17], $0x400  }
0x105: {  	[sflag:s17] =	ssyncset.done $0x0  }
0x106: {  	[sflag:s17] =	ssyncadd.s32 $0xFFFFFC00  }
0x107: {  	_ =	swait.ge [sflag:s17], $0x400  }
0x108: {  	[sflag:s17] =	ssyncset.done $0x0  }
0x109: {  	[sflag:s17] =	ssyncadd.s32 $0xFFFFFC00  }
0x10a: {  	_ =	swait.ge [sflag:s17], $0x400  }
0x10b: {  	[sflag:s17] =	ssyncset.done $0x0  }
0x10c: {  	[sflag:s17] =	ssyncadd.s32 $0xFFFFFC00  }
0x10d: {  	_ =	swait.ge [sflag:s17], $0x400  }
0x10e: {  	[sflag:s17] =	ssyncset.done $0x0  }
0x10f: {  	[sflag:s17] =	ssyncadd.s32 $0xFFFFFC00  }
0x110: {  	_ =	swait.ge [sflag:s17], $0x400  }
0x111: {  	[sflag:s17] =	ssyncset.done $0x0  }
0x112: {  	[sflag:s17] =	ssyncadd.s32 $0xFFFFFC00  }
0x113: {  	s28 =	simm.s32 $0x0;
	_ =	swait.ge [sflag:s17], $0x400  }
0x114: {  	p1 =	seq.s32 s24, $0x0;
	v1 =	vmov s28;
	[sflag:s17] =	ssyncset.done $0x0  }
0x115: {  	s0 =	simm.s32 @!p1 $0x3;
	v1 =	vshll.u32 v1, $0x3;
	[sflag:s17] =	ssyncadd.s32 $0xFFFFFC00  }
0x116: {  	v1 =	vor.u32 v0, v1;
	_ =	swait.ge @!p1 [sflag:s0], $0x800  }
0x117: {  	v2 =	vor.u32 $0x1, v1;
	[sflag:s0] =	ssyncset.done @!p1 $0x0  }
0x118: {  	[sflag:s0] =	ssyncadd.s32 @!p1 $0xFFFFF800  }
0x119: {  	_ =	swait.ge @!p1 [sflag:s0], $0x2000  }
0x11a: {  	[sflag:s0] =	ssyncset.done @!p1 $0x0  }
0x11b: {  	v3 =	vor.u32 $0x2, v1;
	[sflag:s0] =	ssyncadd.s32 @!p1 $0xFFFFE000  }
0x11c: {  	v4 =	vld.idx.msk [tilespmem:v2+s13+$0x0], $0xffff  }
0x11d: {  	v2 =	vld.idx.msk [tilespmem:v2+s12+$0x0], $0xffff  }
0x11e: {  	v5 =	vld.idx.msk [tilespmem:v1+s13+$0x0], $0xffff  }
0x11f: {  	v1 =	vld.idx.msk [tilespmem:v1+s12+$0x0], $0xffff  }
0x120: {  	v6 =	vld.idx.msk [tilespmem:v3+s13+$0x0], $0xffff  }
0x121: {  	v7 =	vld.idx.msk [tilespmem:v3+s12+$0x0], $0xffff;
	_ =	sdelay $0x2  }
0x122: {  	v3 =	vsub.f32 v1, v5;
	v2 =	vsub.f32 v2, v4;
	_ =	sdelay $0x1  }
0x123: {  	v1 =	vsub.f32 v7, v6;
	v4 =	vmul.f32 v3, v3;
	v5 =	vmul.f32 v2, v2;
	_ =	sdelay $0x1  }
0x124: {  	v4 =	vadd.f32 v5, v4;
	v5 =	vmul.f32 v1, v1;
	_ =	sdelay $0x1  }
0x125: {  	v4 =	vadd.f32 v5, v4;
	_ =	sdelay $0x1  }
0x126: {  	v5 =	vshra.s32 v4, $0x1;
	v6 =	vmul.f32 $5.000000000e-01, v4  }
0x127: {  	v5 =	vsub.s32 $0x5F3759DF, v5  }
0x128: {  	v7 =	vmul.f32 v5, v6;
	_ =	sdelay $0x1  }
0x129: {  	v7 =	vmul.f32 v5, v7;
	_ =	sdelay $0x1  }
0x12a: {  	v7 =	vsub.f32 $1.500000000e+00, v7;
	_ =	sdelay $0x1  }
0x12b: {  	v5 =	vmul.f32 v5, v7;
	_ =	sdelay $0x1  }
0x12c: {  	v7 =	vmul.f32 v5, v6;
	_ =	sdelay $0x1  }
0x12d: {  	v7 =	vmul.f32 v7, v5;
	_ =	sdelay $0x1  }
0x12e: {  	v7 =	vsub.f32 $1.500000000e+00, v7;
	_ =	sdelay $0x1  }
0x12f: {  	v7 =	vmul.f32 v7, v5;
	_ =	sdelay $0x1  }
0x130: {  	v5 =	vmul.f32 v7, v6;
	_ =	sdelay $0x1  }
0x131: {  	v5 =	vmul.f32 v5, v7  }
0x132: {  	s31 =	simm.s32 $0x10  }
0x133: {  	v6 =	vmov s31;
	v8 =	vsub.f32 $1.500000000e+00, v5  }
0x134: {  	v5 =	vshll.u32 v6, $0x3  }
0x135: {  	s29 =	simm.s32 $0x40;
	s3 =	sand.u32 $0x70, s28;
	s30 =	sand.u32 $0x1E00, s28;
	v5 =	vor.u32 v0, v5;
	v7 =	vmul.f32 v8, v7  }
0x136: {  	s3 =	sor.u32 s3, s30;
	s30 =	simm.s32 $0x10;
	s0 =	simm.s32 $0x80;
	v6 =	vor.u32 $0x1, v5  }
.LBB2_6:
0x137: {  	p1 =	sne.s32 s0, $0x1FC0;
	[tilespmem:s3+$0x12000] =	vst v3;
	v3 =	vmul.f32 v7, v4  }
0x138: {  	vm0 =	vgt.f32 v4, $0.0e+00;
	[tilespmem:s3+$0x12080] =	vst v2  }
0x139: {  	[tilespmem:s3+$0x12100] =	vst v1;
	v1 =	vnsel vm0, $0x0, v3;
	s3 =	sshra.s32 s28, $0x2;
	s28 =	smov.u32 s29;
	s29 =	smov.u32 s0  }
0x13a: {  	v2 =	vor.u32 $0x2, v5;
	[tilespmem:s3+$0x16000] =	vst v1  }
0x13b: {  	v1 =	vld.idx.msk [tilespmem:v6+s13+$0x0], $0xffff  }
0x13c: {  	v4 =	vld.idx.msk [tilespmem:v6+s12+$0x0], $0xffff  }
0x13d: {  	v3 =	vld.idx.msk [tilespmem:v5+s13+$0x0], $0xffff  }
0x13e: {  	v5 =	vld.idx.msk [tilespmem:v5+s12+$0x0], $0xffff  }
0x13f: {  	v6 =	vld.idx.msk [tilespmem:v2+s13+$0x0], $0xffff  }
0x140: {  	v7 =	vld.idx.msk [tilespmem:v2+s12+$0x0], $0xffff;
	_ =	sdelay $0x3  }
0x141: {  	v2 =	vsub.f32 v4, v1;
	v3 =	vsub.f32 v5, v3;
	_ =	sdelay $0x1  }
0x142: {  	v5 =	vmul.f32 v2, v2;
	v1 =	vsub.f32 v7, v6;
	v4 =	vmul.f32 v3, v3;
	_ =	sdelay $0x1  }
0x143: {  	v4 =	vadd.f32 v5, v4;
	v5 =	vmul.f32 v1, v1;
	_ =	sdelay $0x1  }
0x144: {  	v4 =	vadd.f32 v5, v4;
	_ =	sdelay $0x1  }
0x145: {  	v5 =	vshra.s32 v4, $0x1;
	v6 =	vmul.f32 $5.000000000e-01, v4  }
0x146: {  	v5 =	vsub.s32 $0x5F3759DF, v5  }
0x147: {  	v7 =	vmul.f32 v5, v6;
	_ =	sdelay $0x1  }
0x148: {  	v7 =	vmul.f32 v5, v7;
	_ =	sdelay $0x1  }
0x149: {  	v7 =	vsub.f32 $1.500000000e+00, v7;
	_ =	sdelay $0x1  }
0x14a: {  	v5 =	vmul.f32 v5, v7;
	_ =	sdelay $0x1  }
0x14b: {  	v7 =	vmul.f32 v5, v6;
	_ =	sdelay $0x1  }
0x14c: {  	v7 =	vmul.f32 v7, v5;
	_ =	sdelay $0x1  }
0x14d: {  	v7 =	vsub.f32 $1.500000000e+00, v7;
	_ =	sdelay $0x1  }
0x14e: {  	v7 =	vmul.f32 v7, v5;
	_ =	sdelay $0x1  }
0x14f: {  	v5 =	vmul.f32 v7, v6;
	_ =	sdelay $0x1  }
0x150: {  	v5 =	vmul.f32 v5, v7  }
.Ltmp6:
0x151: {  	s31 =	sadd.s32 $0x10, s31;
	(pc) =	sbr.rel @p1 .LBB2_6-.Ltmp6, $4  }
0x152: {  	v6 =	vmov s31;
	v8 =	vsub.f32 $1.500000000e+00, v5  }
0x153: {  	v5 =	vshll.u32 v6, $0x3  }
0x154: {  	s3 =	sand.u32 $0x70, s30;
	s9 =	sand.u32 $0x1E00, s28;
	s30 =	smov.u32 s31;
	v5 =	vor.u32 v0, v5;
	v7 =	vmul.f32 v8, v7  }
0x155: {  	s0 =	sadd.s32 $0x40, s0;
	s3 =	sor.u32 s3, s9;
	v6 =	vor.u32 $0x1, v5  }
0x156: {  	[tilespmem:s3+$0x12000] =	vst v3;
	v3 =	vmul.f32 v7, v4  }
0x157: {  	[tilespmem:s3+$0x12080] =	vst v2;
	vm0 =	vgt.f32 v4, $0.0e+00  }
0x158: {  	[tilespmem:s3+$0x12100] =	vst v1;
	s0 =	sshra.s32 s28, $0x2;
	v1 =	vnsel vm0, $0x0, v3  }
0x159: {  	v2 =	vor.u32 $0x2, v5;
	[tilespmem:s0+$0x16000] =	vst v1  }
0x15a: {  	v1 =	vld.idx.msk [tilespmem:v6+s13+$0x0], $0xffff  }
0x15b: {  	v3 =	vld.idx.msk [tilespmem:v6+s12+$0x0], $0xffff  }
0x15c: {  	v56 =	vld.idx.msk [tilespmem:v5+s13+$0x0], $0xffff  }
0x15d: {  	v57 =	vld.idx.msk [tilespmem:v5+s12+$0x0], $0xffff  }
0x15e: {  	v58 =	vld.idx.msk [tilespmem:v2+s13+$0x0], $0xffff  }
0x15f: {  	v2 =	vld.idx.msk [tilespmem:v2+s12+$0x0], $0xffff;
	_ =	sdelay $0x2  }
0x160: {  	v4 =	vsub.f32 v57, v56;
	v1 =	vsub.f32 v3, v1;
	_ =	sdelay $0x1  }
0x161: {  	v2 =	vsub.f32 v2, v58;
	v3 =	vmul.f32 v4, v4;
	v59 =	vmul.f32 v1, v1;
	_ =	sdelay $0x1  }
0x162: {  	v60 =	vmul.f32 v2, v2;
	v3 =	vadd.f32 v59, v3;
	_ =	sdelay $0x1  }
0x163: {  	v3 =	vadd.f32 v60, v3;
	_ =	sdelay $0x1  }
0x164: {  	v5 =	vshra.s32 v3, $0x1;
	v61 =	vmul.f32 $5.000000000e-01, v3  }
0x165: {  	v5 =	vsub.s32 $0x5F3759DF, v5  }
0x166: {  	v62 =	vmul.f32 v5, v61;
	_ =	sdelay $0x1  }
0x167: {  	v7 =	vmul.f32 v5, v62;
	_ =	sdelay $0x1  }
0x168: {  	v7 =	vsub.f32 $1.500000000e+00, v7;
	_ =	sdelay $0x1  }
0x169: {  	v5 =	vmul.f32 v5, v7;
	_ =	sdelay $0x1  }
0x16a: {  	v7 =	vmul.f32 v5, v61;
	_ =	sdelay $0x1  }
0x16b: {  	v7 =	vmul.f32 v7, v5;
	_ =	sdelay $0x1  }
0x16c: {  	v7 =	vsub.f32 $1.500000000e+00, v7;
	_ =	sdelay $0x1  }
0x16d: {  	v5 =	vmul.f32 v7, v5;
	_ =	sdelay $0x1  }
0x16e: {  	v6 =	vmul.f32 v5, v61;
	_ =	sdelay $0x1  }
0x16f: {  	v6 =	vmul.f32 v6, v5;
	_ =	sdelay $0x1  }
0x170: {  	v6 =	vsub.f32 $1.500000000e+00, v6;
	_ =	sdelay $0x1  }
0x171: {  	s3 =	sand.u32 $0x70, s30;
	s9 =	sand.u32 $0x1E00, s29;
	v5 =	vmul.f32 v6, v5  }
0x172: {  	s0 =	sor.u32 s3, s9  }
0x173: {  	s28 =	sshll.u32 s24, $0x6;
	[tilespmem:s0+$0x12000] =	vst v4;
	v63 =	vmul.f32 v5, v3  }
0x174: {  	s3 =	sor.u32 s6, s28;
	[tilespmem:s0+$0x12080] =	vst v1;
	vm15 =	vgt.f32 v3, $0.0e+00  }
0x175: {  	s29 =	sshra.s32 s29, $0x2;
	s9 =	sshll.u32 s3, $0x8;
	[tilespmem:s0+$0x12100] =	vst v2;
	v1 =	vnsel vm15, $0x0, v63  }
0x176: {  	s31 =	sshll.u32 s3, $0xA;
	s30 =	sadd.s32 s2, s9;
	[tilespmem:s29+$0x16000] =	vst v1  }
0x177: {  	[hbm4b:s30+s4] =	stream.linear.scatter [tilespmem:s18], [sflag:$0x3], $0x800, $0x38;
	[tilespmem:$0x17000] =	vst v63  }
0x178: {  	s0 =	sadd.s32 s5, s31  }
0x179: {  	[hbm4b:s0+s4] =	stream.linear.scatter [tilespmem:s19], [sflag:$0x3], $0x2000, $0x38;
	[tilespmem:$0x17000] =	vst v63  }
.LBB2_8:
.Ltmp7:
0x17a: {  	(pc) =	sbr.rel @p0 .LBB2_14-.Ltmp7, $1  }
0x17b: {  	_ =	sdelay $0x3  }
0x17c: {  	s0 =	sadd.s32 $0x2, s26  }
0x17d: {  	p0 =	sge.u32 s0, s7  }
.Ltmp8:
0x17e: {  	_ = 	snop;
	(pc) =	sbr.rel @p0 .LBB2_11-.Ltmp8, $1  }
0x17f: {  	_ =	sdelay $0x3  }
0x180: {  	s0 =	sshll.u32 s0, $0xE  }
0x181: {  	s0 =	sadd.s32 s0, s8  }
0x182: {  	[tilespmem:s4], [sflag:$0x5] =	stream.linear.gather [hbm4b:s0+s4], $0x1000, $0x38;
	[tilespmem:$0x17000] =	vst v63  }
0x183: {  	_ =	swait.ge [sflag:s10], $0x1000  }
0x184: {  	[sflag:s10] =	ssyncset.done $0x0  }
0x185: {  	[sflag:s10] =	ssyncadd.s32 $0xFFFFF000  }
0x186: {  	[tilespmem:s12], [sflag:$0x1] =	stream.indirect.gather [hbm4b:s1+s11], $0x8, s4, s11, $0xb8;
	[tilespmem:$0x17000] =	vst v63  }
0x187: {  	_ = 	snop  }
0x188: {  	[tilespmem:s13], [sflag:$0x1] =	stream.indirect.gather [hbm4b:s1+s11], $0x8, s11, s11, $0xb8;
	[tilespmem:$0x17000] =	vst v63  }
0x189: {  	s26 =	simm.s32 $0x100;
	s3 =	simm.s32 $0x2400  }
0x18a: {  	[tilespmem:s3], [sflag:$0x1] =	stream.indirect.gather [hbm4b:s1+s11], $0x8, s26, s11, $0xb8;
	[tilespmem:$0x17000] =	vst v63  }
0x18b: {  	s28 =	simm.s32 $0x180;
	s29 =	simm.s32 $0x6400  }
0x18c: {  	[tilespmem:s29], [sflag:$0x1] =	stream.indirect.gather [hbm4b:s1+s11], $0x8, s28, s11, $0xb8;
	[tilespmem:$0x17000] =	vst v63  }
0x18d: {  	s30 =	simm.s32 $0x200;
	s31 =	simm.s32 $0x2800  }
0x18e: {  	[tilespmem:s31], [sflag:$0x1] =	stream.indirect.gather [hbm4b:s1+s11], $0x8, s30, s11, $0xb8;
	[tilespmem:$0x17000] =	vst v63  }
0x18f: {  	s9 =	simm.s32 $0x280;
	s26 =	simm.s32 $0x6800  }
0x190: {  	[tilespmem:s26], [sflag:$0x1] =	stream.indirect.gather [hbm4b:s1+s11], $0x8, s9, s11, $0xb8;
	[tilespmem:$0x17000] =	vst v63  }
0x191: {  	s28 =	simm.s32 $0x300;
	s29 =	simm.s32 $0x2C00  }
0x192: {  	[tilespmem:s29], [sflag:$0x1] =	stream.indirect.gather [hbm4b:s1+s11], $0x8, s28, s11, $0xb8;
	[tilespmem:$0x17000] =	vst v63  }
0x193: {  	s30 =	simm.s32 $0x380;
	s31 =	simm.s32 $0x6C00  }
0x194: {  	[tilespmem:s31], [sflag:$0x1] =	stream.indirect.gather [hbm4b:s1+s11], $0x8, s30, s11, $0xb8;
	[tilespmem:$0x17000] =	vst v63  }
0x195: {  	s9 =	simm.s32 $0x400;
	s26 =	simm.s32 $0x3000  }
0x196: {  	[tilespmem:s26], [sflag:$0x1] =	stream.indirect.gather [hbm4b:s1+s11], $0x8, s9, s11, $0xb8;
	[tilespmem:$0x17000] =	vst v63  }
0x197: {  	s28 =	simm.s32 $0x480;
	s29 =	simm.s32 $0x7000  }
0x198: {  	[tilespmem:s29], [sflag:$0x1] =	stream.indirect.gather [hbm4b:s1+s11], $0x8, s28, s11, $0xb8;
	[tilespmem:$0x17000] =	vst v63  }
0x199: {  	s30 =	simm.s32 $0x500;
	s31 =	simm.s32 $0x3400  }
0x19a: {  	[tilespmem:s31], [sflag:$0x1] =	stream.indirect.gather [hbm4b:s1+s11], $0x8, s30, s11, $0xb8;
	[tilespmem:$0x17000] =	vst v63  }
0x19b: {  	s9 =	simm.s32 $0x580;
	s26 =	simm.s32 $0x7400  }
0x19c: {  	[tilespmem:s26], [sflag:$0x1] =	stream.indirect.gather [hbm4b:s1+s11], $0x8, s9, s11, $0xb8;
	[tilespmem:$0x17000] =	vst v63  }
0x19d: {  	s28 =	simm.s32 $0x600;
	s29 =	simm.s32 $0x3800  }
0x19e: {  	[tilespmem:s29], [sflag:$0x1] =	stream.indirect.gather [hbm4b:s1+s11], $0x8, s28, s11, $0xb8;
	[tilespmem:$0x17000] =	vst v63  }
0x19f: {  	s30 =	simm.s32 $0x680;
	s31 =	simm.s32 $0x7800  }
0x1a0: {  	[tilespmem:s31], [sflag:$0x1] =	stream.indirect.gather [hbm4b:s1+s11], $0x8, s30, s11, $0xb8;
	[tilespmem:$0x17000] =	vst v63  }
0x1a1: {  	s9 =	simm.s32 $0x700;
	s26 =	simm.s32 $0x3C00  }
0x1a2: {  	[tilespmem:s26], [sflag:$0x1] =	stream.indirect.gather [hbm4b:s1+s11], $0x8, s9, s11, $0xb8;
	[tilespmem:$0x17000] =	vst v63  }
0x1a3: {  	s28 =	simm.s32 $0x780;
	s29 =	simm.s32 $0x7C00  }
0x1a4: {  	[tilespmem:s29], [sflag:$0x1] =	stream.indirect.gather [hbm4b:s1+s11], $0x8, s28, s11, $0xb8;
	[tilespmem:$0x17000] =	vst v63  }
0x1a5: {  	s30 =	simm.s32 $0x800;
	s31 =	simm.s32 $0x4000  }
0x1a6: {  	[tilespmem:s31], [sflag:$0x1] =	stream.indirect.gather [hbm4b:s1+s11], $0x8, s30, s11, $0xb8;
	[tilespmem:$0x17000] =	vst v63  }
0x1a7: {  	s9 =	simm.s32 $0x880;
	s26 =	simm.s32 $0x8000  }
0x1a8: {  	[tilespmem:s26], [sflag:$0x1] =	stream.indirect.gather [hbm4b:s1+s11], $0x8, s9, s11, $0xb8;
	[tilespmem:$0x17000] =	vst v63  }
0x1a9: {  	s28 =	simm.s32 $0x900;
	s29 =	simm.s32 $0x4400  }
0x1aa: {  	[tilespmem:s29], [sflag:$0x1] =	stream.indirect.gather [hbm4b:s1+s11], $0x8, s28, s11, $0xb8;
	[tilespmem:$0x17000] =	vst v63  }
0x1ab: {  	s30 =	simm.s32 $0x980;
	s31 =	simm.s32 $0x8400  }
0x1ac: {  	[tilespmem:s31], [sflag:$0x1] =	stream.indirect.gather [hbm4b:s1+s11], $0x8, s30, s11, $0xb8;
	[tilespmem:$0x17000] =	vst v63  }
0x1ad: {  	s9 =	simm.s32 $0xA00;
	s26 =	simm.s32 $0x4800  }
0x1ae: {  	[tilespmem:s26], [sflag:$0x1] =	stream.indirect.gather [hbm4b:s1+s11], $0x8, s9, s11, $0xb8;
	[tilespmem:$0x17000] =	vst v63  }
0x1af: {  	s28 =	simm.s32 $0xA80;
	s29 =	simm.s32 $0x8800  }
0x1b0: {  	[tilespmem:s29], [sflag:$0x1] =	stream.indirect.gather [hbm4b:s1+s11], $0x8, s28, s11, $0xb8;
	[tilespmem:$0x17000] =	vst v63  }
0x1b1: {  	s30 =	simm.s32 $0xB00;
	s31 =	simm.s32 $0x4C00  }
0x1b2: {  	[tilespmem:s31], [sflag:$0x1] =	stream.indirect.gather [hbm4b:s1+s11], $0x8, s30, s11, $0xb8;
	[tilespmem:$0x17000] =	vst v63  }
0x1b3: {  	s9 =	simm.s32 $0xB80;
	s26 =	simm.s32 $0x8C00  }
0x1b4: {  	[tilespmem:s26], [sflag:$0x1] =	stream.indirect.gather [hbm4b:s1+s11], $0x8, s9, s11, $0xb8;
	[tilespmem:$0x17000] =	vst v63  }
0x1b5: {  	s28 =	simm.s32 $0xC00;
	s29 =	simm.s32 $0x5000  }
0x1b6: {  	[tilespmem:s29], [sflag:$0x1] =	stream.indirect.gather [hbm4b:s1+s11], $0x8, s28, s11, $0xb8;
	[tilespmem:$0x17000] =	vst v63  }
0x1b7: {  	s30 =	simm.s32 $0xC80;
	s31 =	simm.s32 $0x9000  }
0x1b8: {  	[tilespmem:s31], [sflag:$0x1] =	stream.indirect.gather [hbm4b:s1+s11], $0x8, s30, s11, $0xb8;
	[tilespmem:$0x17000] =	vst v63  }
0x1b9: {  	s9 =	simm.s32 $0xD00;
	s26 =	simm.s32 $0x5400  }
0x1ba: {  	[tilespmem:s26], [sflag:$0x1] =	stream.indirect.gather [hbm4b:s1+s11], $0x8, s9, s11, $0xb8;
	[tilespmem:$0x17000] =	vst v63  }
0x1bb: {  	s28 =	simm.s32 $0xD80;
	s29 =	simm.s32 $0x9400  }
0x1bc: {  	[tilespmem:s29], [sflag:$0x1] =	stream.indirect.gather [hbm4b:s1+s11], $0x8, s28, s11, $0xb8;
	[tilespmem:$0x17000] =	vst v63  }
0x1bd: {  	s30 =	simm.s32 $0xE00;
	s31 =	simm.s32 $0x5800  }
0x1be: {  	[tilespmem:s31], [sflag:$0x1] =	stream.indirect.gather [hbm4b:s1+s11], $0x8, s30, s11, $0xb8;
	[tilespmem:$0x17000] =	vst v63  }
0x1bf: {  	s9 =	simm.s32 $0xE80;
	s26 =	simm.s32 $0x9800  }
0x1c0: {  	[tilespmem:s26], [sflag:$0x1] =	stream.indirect.gather [hbm4b:s1+s11], $0x8, s9, s11, $0xb8;
	[tilespmem:$0x17000] =	vst v63  }
0x1c1: {  	s28 =	simm.s32 $0xF00;
	s29 =	simm.s32 $0x5C00  }
0x1c2: {  	[tilespmem:s29], [sflag:$0x1] =	stream.indirect.gather [hbm4b:s1+s11], $0x8, s28, s11, $0xb8;
	[tilespmem:$0x17000] =	vst v63  }
0x1c3: {  	s30 =	simm.s32 $0xF80;
	s31 =	simm.s32 $0x9C00  }
0x1c4: {  	[tilespmem:s31], [sflag:$0x1] =	stream.indirect.gather [hbm4b:s1+s11], $0x8, s30, s11, $0xb8;
	[tilespmem:$0x17000] =	vst v63  }
.LBB2_11:
0x1c5: {  	_ =	swait.ge [sflag:s20], $0x400  }
0x1c6: {  	[sflag:s20] =	ssyncset.done $0x0  }
0x1c7: {  	[sflag:s20] =	ssyncadd.s32 $0xFFFFFC00  }
0x1c8: {  	_ =	swait.ge [sflag:s20], $0x400  }
0x1c9: {  	[sflag:s20] =	ssyncset.done $0x0  }
0x1ca: {  	[sflag:s20] =	ssyncadd.s32 $0xFFFFFC00  }
0x1cb: {  	_ =	swait.ge [sflag:s20], $0x400  }
0x1cc: {  	[sflag:s20] =	ssyncset.done $0x0  }
0x1cd: {  	[sflag:s20] =	ssyncadd.s32 $0xFFFFFC00  }
0x1ce: {  	_ =	swait.ge [sflag:s20], $0x400  }
0x1cf: {  	[sflag:s20] =	ssyncset.done $0x0  }
0x1d0: {  	[sflag:s20] =	ssyncadd.s32 $0xFFFFFC00  }
0x1d1: {  	_ =	swait.ge [sflag:s20], $0x400  }
0x1d2: {  	[sflag:s20] =	ssyncset.done $0x0  }
0x1d3: {  	[sflag:s20] =	ssyncadd.s32 $0xFFFFFC00  }
0x1d4: {  	_ =	swait.ge [sflag:s20], $0x400  }
0x1d5: {  	[sflag:s20] =	ssyncset.done $0x0  }
0x1d6: {  	[sflag:s20] =	ssyncadd.s32 $0xFFFFFC00  }
0x1d7: {  	_ =	swait.ge [sflag:s20], $0x400  }
0x1d8: {  	[sflag:s20] =	ssyncset.done $0x0  }
0x1d9: {  	[sflag:s20] =	ssyncadd.s32 $0xFFFFFC00  }
0x1da: {  	_ =	swait.ge [sflag:s20], $0x400  }
0x1db: {  	[sflag:s20] =	ssyncset.done $0x0  }
0x1dc: {  	[sflag:s20] =	ssyncadd.s32 $0xFFFFFC00  }
0x1dd: {  	_ =	swait.ge [sflag:s20], $0x400  }
0x1de: {  	[sflag:s20] =	ssyncset.done $0x0  }
0x1df: {  	[sflag:s20] =	ssyncadd.s32 $0xFFFFFC00  }
0x1e0: {  	_ =	swait.ge [sflag:s20], $0x400  }
0x1e1: {  	[sflag:s20] =	ssyncset.done $0x0  }
0x1e2: {  	[sflag:s20] =	ssyncadd.s32 $0xFFFFFC00  }
0x1e3: {  	_ =	swait.ge [sflag:s20], $0x400  }
0x1e4: {  	[sflag:s20] =	ssyncset.done $0x0  }
0x1e5: {  	[sflag:s20] =	ssyncadd.s32 $0xFFFFFC00  }
0x1e6: {  	_ =	swait.ge [sflag:s20], $0x400  }
0x1e7: {  	[sflag:s20] =	ssyncset.done $0x0  }
0x1e8: {  	[sflag:s20] =	ssyncadd.s32 $0xFFFFFC00  }
0x1e9: {  	_ =	swait.ge [sflag:s20], $0x400  }
0x1ea: {  	[sflag:s20] =	ssyncset.done $0x0  }
0x1eb: {  	[sflag:s20] =	ssyncadd.s32 $0xFFFFFC00  }
0x1ec: {  	_ =	swait.ge [sflag:s20], $0x400  }
0x1ed: {  	[sflag:s20] =	ssyncset.done $0x0  }
0x1ee: {  	[sflag:s20] =	ssyncadd.s32 $0xFFFFFC00  }
0x1ef: {  	_ =	swait.ge [sflag:s20], $0x400  }
0x1f0: {  	[sflag:s20] =	ssyncset.done $0x0  }
0x1f1: {  	[sflag:s20] =	ssyncadd.s32 $0xFFFFFC00  }
0x1f2: {  	_ =	swait.ge [sflag:s20], $0x400  }
0x1f3: {  	[sflag:s20] =	ssyncset.done $0x0  }
0x1f4: {  	[sflag:s20] =	ssyncadd.s32 $0xFFFFFC00  }
0x1f5: {  	_ =	swait.ge [sflag:s20], $0x400  }
0x1f6: {  	[sflag:s20] =	ssyncset.done $0x0  }
0x1f7: {  	[sflag:s20] =	ssyncadd.s32 $0xFFFFFC00  }
0x1f8: {  	_ =	swait.ge [sflag:s20], $0x400  }
0x1f9: {  	[sflag:s20] =	ssyncset.done $0x0  }
0x1fa: {  	[sflag:s20] =	ssyncadd.s32 $0xFFFFFC00  }
0x1fb: {  	_ =	swait.ge [sflag:s20], $0x400  }
0x1fc: {  	[sflag:s20] =	ssyncset.done $0x0  }
0x1fd: {  	[sflag:s20] =	ssyncadd.s32 $0xFFFFFC00  }
0x1fe: {  	_ =	swait.ge [sflag:s20], $0x400  }
0x1ff: {  	[sflag:s20] =	ssyncset.done $0x0  }
0x200: {  	[sflag:s20] =	ssyncadd.s32 $0xFFFFFC00  }
0x201: {  	_ =	swait.ge [sflag:s20], $0x400  }
0x202: {  	[sflag:s20] =	ssyncset.done $0x0  }
0x203: {  	[sflag:s20] =	ssyncadd.s32 $0xFFFFFC00  }
0x204: {  	_ =	swait.ge [sflag:s20], $0x400  }
0x205: {  	[sflag:s20] =	ssyncset.done $0x0  }
0x206: {  	[sflag:s20] =	ssyncadd.s32 $0xFFFFFC00  }
0x207: {  	_ =	swait.ge [sflag:s20], $0x400  }
0x208: {  	[sflag:s20] =	ssyncset.done $0x0  }
0x209: {  	[sflag:s20] =	ssyncadd.s32 $0xFFFFFC00  }
0x20a: {  	_ =	swait.ge [sflag:s20], $0x400  }
0x20b: {  	[sflag:s20] =	ssyncset.done $0x0  }
0x20c: {  	[sflag:s20] =	ssyncadd.s32 $0xFFFFFC00  }
0x20d: {  	_ =	swait.ge [sflag:s20], $0x400  }
0x20e: {  	[sflag:s20] =	ssyncset.done $0x0  }
0x20f: {  	[sflag:s20] =	ssyncadd.s32 $0xFFFFFC00  }
0x210: {  	_ =	swait.ge [sflag:s20], $0x400  }
0x211: {  	[sflag:s20] =	ssyncset.done $0x0  }
0x212: {  	[sflag:s20] =	ssyncadd.s32 $0xFFFFFC00  }
0x213: {  	_ =	swait.ge [sflag:s20], $0x400  }
0x214: {  	[sflag:s20] =	ssyncset.done $0x0  }
0x215: {  	[sflag:s20] =	ssyncadd.s32 $0xFFFFFC00  }
0x216: {  	_ =	swait.ge [sflag:s20], $0x400  }
0x217: {  	[sflag:s20] =	ssyncset.done $0x0  }
0x218: {  	[sflag:s20] =	ssyncadd.s32 $0xFFFFFC00  }
0x219: {  	_ =	swait.ge [sflag:s20], $0x400  }
0x21a: {  	[sflag:s20] =	ssyncset.done $0x0  }
0x21b: {  	[sflag:s20] =	ssyncadd.s32 $0xFFFFFC00  }
0x21c: {  	_ =	swait.ge [sflag:s20], $0x400  }
0x21d: {  	[sflag:s20] =	ssyncset.done $0x0  }
0x21e: {  	[sflag:s20] =	ssyncadd.s32 $0xFFFFFC00  }
0x21f: {  	_ =	swait.ge [sflag:s20], $0x400  }
0x220: {  	[sflag:s20] =	ssyncset.done $0x0  }
0x221: {  	[sflag:s20] =	ssyncadd.s32 $0xFFFFFC00  }
0x222: {  	s26 =	simm.s32 $0x0;
	_ =	swait.ge [sflag:s20], $0x400  }
0x223: {  	p0 =	seq.s32 s24, $0x0;
	v1 =	vmov s26;
	[sflag:s20] =	ssyncset.done $0x0  }
0x224: {  	s0 =	simm.s32 @!p0 $0x4;
	v1 =	vshll.u32 v1, $0x3;
	[sflag:s20] =	ssyncadd.s32 $0xFFFFFC00  }
0x225: {  	v1 =	vor.u32 v0, v1;
	_ =	swait.ge @!p0 [sflag:s0], $0x800  }
0x226: {  	v2 =	vor.u32 $0x1, v1;
	[sflag:s0] =	ssyncset.done @!p0 $0x0  }
0x227: {  	[sflag:s0] =	ssyncadd.s32 @!p0 $0xFFFFF800  }
0x228: {  	_ =	swait.ge @!p0 [sflag:s0], $0x2000  }
0x229: {  	[sflag:s0] =	ssyncset.done @!p0 $0x0  }
0x22a: {  	v3 =	vor.u32 $0x2, v1;
	[sflag:s0] =	ssyncadd.s32 @!p0 $0xFFFFE000  }
0x22b: {  	v4 =	vld.idx.msk [tilespmem:v2+s16+$0x0], $0xffff  }
0x22c: {  	v2 =	vld.idx.msk [tilespmem:v2+s15+$0x0], $0xffff  }
0x22d: {  	v5 =	vld.idx.msk [tilespmem:v1+s16+$0x0], $0xffff  }
0x22e: {  	v1 =	vld.idx.msk [tilespmem:v1+s15+$0x0], $0xffff  }
0x22f: {  	v6 =	vld.idx.msk [tilespmem:v3+s16+$0x0], $0xffff  }
0x230: {  	v7 =	vld.idx.msk [tilespmem:v3+s15+$0x0], $0xffff;
	_ =	sdelay $0x2  }
0x231: {  	v3 =	vsub.f32 v1, v5;
	v2 =	vsub.f32 v2, v4;
	_ =	sdelay $0x1  }
0x232: {  	v1 =	vsub.f32 v7, v6;
	v4 =	vmul.f32 v3, v3;
	v5 =	vmul.f32 v2, v2;
	_ =	sdelay $0x1  }
0x233: {  	v4 =	vadd.f32 v5, v4;
	v5 =	vmul.f32 v1, v1;
	_ =	sdelay $0x1  }
0x234: {  	v4 =	vadd.f32 v5, v4;
	_ =	sdelay $0x1  }
0x235: {  	v5 =	vshra.s32 v4, $0x1;
	v6 =	vmul.f32 $5.000000000e-01, v4  }
0x236: {  	v5 =	vsub.s32 $0x5F3759DF, v5  }
0x237: {  	v7 =	vmul.f32 v5, v6;
	_ =	sdelay $0x1  }
0x238: {  	v7 =	vmul.f32 v5, v7;
	_ =	sdelay $0x1  }
0x239: {  	v7 =	vsub.f32 $1.500000000e+00, v7;
	_ =	sdelay $0x1  }
0x23a: {  	v5 =	vmul.f32 v5, v7;
	_ =	sdelay $0x1  }
0x23b: {  	v7 =	vmul.f32 v5, v6;
	_ =	sdelay $0x1  }
0x23c: {  	v7 =	vmul.f32 v7, v5;
	_ =	sdelay $0x1  }
0x23d: {  	v7 =	vsub.f32 $1.500000000e+00, v7;
	_ =	sdelay $0x1  }
0x23e: {  	v7 =	vmul.f32 v7, v5;
	_ =	sdelay $0x1  }
0x23f: {  	v5 =	vmul.f32 v7, v6;
	_ =	sdelay $0x1  }
0x240: {  	v5 =	vmul.f32 v5, v7  }
0x241: {  	s30 =	simm.s32 $0x10  }
0x242: {  	v6 =	vmov s30;
	v8 =	vsub.f32 $1.500000000e+00, v5  }
0x243: {  	v5 =	vshll.u32 v6, $0x3  }
0x244: {  	s28 =	simm.s32 $0x40;
	s3 =	sand.u32 $0x70, s26;
	s9 =	sand.u32 $0x1E00, s26;
	v5 =	vor.u32 v0, v5;
	v7 =	vmul.f32 v8, v7  }
0x245: {  	s29 =	simm.s32 $0x10;
	s3 =	sor.u32 s3, s9;
	s0 =	simm.s32 $0x80;
	v6 =	vor.u32 $0x1, v5  }
.LBB2_12:
0x246: {  	p0 =	sne.s32 s0, $0x1FC0;
	[tilespmem:s3+$0x14000] =	vst v3;
	v3 =	vmul.f32 v7, v4  }
0x247: {  	vm0 =	vgt.f32 v4, $0.0e+00;
	[tilespmem:s3+$0x14080] =	vst v2  }
0x248: {  	[tilespmem:s3+$0x14100] =	vst v1;
	v1 =	vnsel vm0, $0x0, v3;
	s3 =	sshra.s32 s26, $0x2;
	s26 =	smov.u32 s28;
	s28 =	smov.u32 s0  }
0x249: {  	v2 =	vor.u32 $0x2, v5;
	[tilespmem:s3+$0x16800] =	vst v1  }
0x24a: {  	v1 =	vld.idx.msk [tilespmem:v6+s16+$0x0], $0xffff  }
0x24b: {  	v4 =	vld.idx.msk [tilespmem:v6+s15+$0x0], $0xffff  }
0x24c: {  	v3 =	vld.idx.msk [tilespmem:v5+s16+$0x0], $0xffff  }
0x24d: {  	v5 =	vld.idx.msk [tilespmem:v5+s15+$0x0], $0xffff  }
0x24e: {  	v6 =	vld.idx.msk [tilespmem:v2+s16+$0x0], $0xffff  }
0x24f: {  	v7 =	vld.idx.msk [tilespmem:v2+s15+$0x0], $0xffff;
	_ =	sdelay $0x3  }
0x250: {  	v2 =	vsub.f32 v4, v1;
	v3 =	vsub.f32 v5, v3;
	_ =	sdelay $0x1  }
0x251: {  	v5 =	vmul.f32 v2, v2;
	v1 =	vsub.f32 v7, v6;
	v4 =	vmul.f32 v3, v3;
	_ =	sdelay $0x1  }
0x252: {  	v4 =	vadd.f32 v5, v4;
	v5 =	vmul.f32 v1, v1;
	_ =	sdelay $0x1  }
0x253: {  	v4 =	vadd.f32 v5, v4;
	_ =	sdelay $0x1  }
0x254: {  	v5 =	vshra.s32 v4, $0x1;
	v6 =	vmul.f32 $5.000000000e-01, v4  }
0x255: {  	v5 =	vsub.s32 $0x5F3759DF, v5  }
0x256: {  	v7 =	vmul.f32 v5, v6;
	_ =	sdelay $0x1  }
0x257: {  	v7 =	vmul.f32 v5, v7;
	_ =	sdelay $0x1  }
0x258: {  	v7 =	vsub.f32 $1.500000000e+00, v7;
	_ =	sdelay $0x1  }
0x259: {  	v5 =	vmul.f32 v5, v7;
	_ =	sdelay $0x1  }
0x25a: {  	v7 =	vmul.f32 v5, v6;
	_ =	sdelay $0x1  }
0x25b: {  	v7 =	vmul.f32 v7, v5;
	_ =	sdelay $0x1  }
0x25c: {  	v7 =	vsub.f32 $1.500000000e+00, v7;
	_ =	sdelay $0x1  }
0x25d: {  	v7 =	vmul.f32 v7, v5;
	_ =	sdelay $0x1  }
0x25e: {  	v5 =	vmul.f32 v7, v6;
	_ =	sdelay $0x1  }
0x25f: {  	v5 =	vmul.f32 v5, v7  }
.Ltmp9:
0x260: {  	s30 =	sadd.s32 $0x10, s30;
	(pc) =	sbr.rel @p0 .LBB2_12-.Ltmp9, $4  }
0x261: {  	v6 =	vmov s30;
	v8 =	vsub.f32 $1.500000000e+00, v5  }
0x262: {  	v5 =	vshll.u32 v6, $0x3  }
0x263: {  	s3 =	sand.u32 $0x70, s29;
	s9 =	sand.u32 $0x1E00, s26;
	s29 =	smov.u32 s30;
	v5 =	vor.u32 v0, v5;
	v7 =	vmul.f32 v8, v7  }
0x264: {  	s0 =	sadd.s32 $0x40, s0;
	s3 =	sor.u32 s3, s9;
	v6 =	vor.u32 $0x1, v5  }
0x265: {  	[tilespmem:s3+$0x14000] =	vst v3;
	v3 =	vmul.f32 v7, v4  }
0x266: {  	[tilespmem:s3+$0x14080] =	vst v2;
	vm0 =	vgt.f32 v4, $0.0e+00  }
0x267: {  	[tilespmem:s3+$0x14100] =	vst v1;
	s0 =	sshra.s32 s26, $0x2;
	v1 =	vnsel vm0, $0x0, v3  }
0x268: {  	v2 =	vor.u32 $0x2, v5;
	[tilespmem:s0+$0x16800] =	vst v1  }
0x269: {  	v1 =	vld.idx.msk [tilespmem:v6+s16+$0x0], $0xffff  }
0x26a: {  	v3 =	vld.idx.msk [tilespmem:v6+s15+$0x0], $0xffff  }
0x26b: {  	v56 =	vld.idx.msk [tilespmem:v5+s16+$0x0], $0xffff  }
0x26c: {  	v57 =	vld.idx.msk [tilespmem:v5+s15+$0x0], $0xffff  }
0x26d: {  	v58 =	vld.idx.msk [tilespmem:v2+s16+$0x0], $0xffff  }
0x26e: {  	v2 =	vld.idx.msk [tilespmem:v2+s15+$0x0], $0xffff;
	_ =	sdelay $0x2  }
0x26f: {  	v4 =	vsub.f32 v57, v56;
	v1 =	vsub.f32 v3, v1;
	_ =	sdelay $0x1  }
0x270: {  	v2 =	vsub.f32 v2, v58;
	v3 =	vmul.f32 v4, v4;
	v59 =	vmul.f32 v1, v1;
	_ =	sdelay $0x1  }
0x271: {  	v60 =	vmul.f32 v2, v2;
	v3 =	vadd.f32 v59, v3;
	_ =	sdelay $0x1  }
0x272: {  	v3 =	vadd.f32 v60, v3;
	_ =	sdelay $0x1  }
0x273: {  	v5 =	vshra.s32 v3, $0x1;
	v61 =	vmul.f32 $5.000000000e-01, v3  }
0x274: {  	v5 =	vsub.s32 $0x5F3759DF, v5  }
0x275: {  	v62 =	vmul.f32 v5, v61;
	_ =	sdelay $0x1  }
0x276: {  	v7 =	vmul.f32 v5, v62;
	_ =	sdelay $0x1  }
0x277: {  	v7 =	vsub.f32 $1.500000000e+00, v7;
	_ =	sdelay $0x1  }
0x278: {  	v5 =	vmul.f32 v5, v7;
	_ =	sdelay $0x1  }
0x279: {  	v7 =	vmul.f32 v5, v61;
	_ =	sdelay $0x1  }
0x27a: {  	v7 =	vmul.f32 v7, v5;
	_ =	sdelay $0x1  }
0x27b: {  	v7 =	vsub.f32 $1.500000000e+00, v7;
	_ =	sdelay $0x1  }
0x27c: {  	v5 =	vmul.f32 v7, v5;
	_ =	sdelay $0x1  }
0x27d: {  	v6 =	vmul.f32 v5, v61;
	_ =	sdelay $0x1  }
0x27e: {  	v6 =	vmul.f32 v6, v5;
	_ =	sdelay $0x1  }
0x27f: {  	v6 =	vsub.f32 $1.500000000e+00, v6;
	_ =	sdelay $0x1  }
0x280: {  	s3 =	sand.u32 $0x70, s29;
	s9 =	sand.u32 $0x1E00, s28;
	v5 =	vmul.f32 v6, v5  }
0x281: {  	s26 =	sshll.u32 s25, $0x5;
	s0 =	sor.u32 s3, s9  }
0x282: {  	s3 =	sor.u32 s6, s26;
	[tilespmem:s0+$0x14000] =	vst v4;
	v63 =	vmul.f32 v5, v3  }
0x283: {  	s29 =	sshra.s32 s28, $0x2;
	s9 =	sshll.u32 s3, $0x8;
	[tilespmem:s0+$0x14080] =	vst v1;
	vm15 =	vgt.f32 v3, $0.0e+00  }
.Ltmp10:
0x284: {  	s31 =	sshll.u32 s3, $0xA;
	s9 =	sand.u32 $0x1FFFFF00, s9;
	[tilespmem:s0+$0x14100] =	vst v2;
	v1 =	vnsel vm15, $0x0, v63;
	(pc) =	sbr.rel .LBB2_14-.Ltmp10, $4  }
0x285: {  	s30 =	sadd.s32 s2, s9;
	s0 =	sand.u32 $0x1FFFFC00, s31;
	[tilespmem:s29+$0x16800] =	vst v1  }
0x286: {  	[hbm4b:s30+s4] =	stream.linear.scatter [tilespmem:s21], [sflag:$0x4], $0x800, $0x38;
	[tilespmem:$0x17000] =	vst v63  }
0x287: {  	s0 =	sadd.s32 s5, s0  }
0x288: {  	[hbm4b:s0+s4] =	stream.linear.scatter [tilespmem:s22], [sflag:$0x4], $0x2000, $0x38;
	[tilespmem:$0x17000] =	vst v63  }
.LBB2_16:
0x289: {  	_ =	sfence.sel $0x180000  }
0x28a: {  	[bflag:$0x0] =	sbarrier.arrive $0xFFFF  }
0x28b: {  	_ =	strace $0x90000047  }
0x28c: {  	s0 =	stileid.u32;
	[bflag:$0x2] =	sbarrier.arrive $0xFFFF  }
0x28d: {  	p0 =	sne.s32 s0, $0x0;
	s0 =	rddreg [dreg:$0x4]  }
0x28e: {  	s0 =	sadd.s32 @!p0 $0x100000, s0  }
0x28f: {  	[sflag:s0] =	ssyncadd.tile.s32 @!p0 $0x1;
	_ =	shalt  }
.Lfunc_end2:
_tile_overlayer_lowered:
.L_overlay_start_2:
0x290: {  	(tag) =	ssettag $0x2  }
0x291: {  	s0 =	rddreg [dreg:$0x0];
	s2 =	stileid.u32  }
0x292: {  	s1 =	rddreg [dreg:$0x1];
	p0 =	sne.s32 s2, $0x0  }
0x293: {  	s3 =	rddreg [dreg:$0x2];
	[bflag:$0x3] =	sbarrier.arrive $0xFFFF;
	s2 =	simm.s32 @!p0 $0x1C05  }
0x294: {  	[timem:s3], [sflag:s2] =	dma.local @!p0 [hbm:s0], s1  }
0x295: {  	s0 =	simm.s32 @!p0 $0x5  }
0x296: {  	_ =	swait.ge @!p0 [sflag:s0], s1  }
0x297: {  	s1 =	ssub.s32 @!p0 $0x0, s1;
	[sflag:s0] =	ssyncset.done @!p0 $0x0  }
0x298: {  	[sflag:s0] =	ssyncadd.s32 @!p0 s1  }
0x299: {  	[bflag:$0x3] =	sbarrier.arrive $0xFFFF  }
0x29a: {  	_ =	shalt  }

</sc_bundles>
